<compile_context>
chip_gen: v7x
topology: tpu7x:2x2x1
jax: 0.10.2.dev20260603
libtpu: 0.0.44.dev20260713+nightly
codegen_flags: <defaults>
</compile_context>

<pallas_src>
import functools

import jax
import jax.numpy as jnp
from jax import lax
from jax.experimental import pallas as pl
from jax.experimental.pallas import tpu as pltpu
from jax.experimental.pallas import tpu_sc as plsc

_N = 10000
_E = 160000
_D = 256
_H = 128
_ALPHA = 0.5

_NPAD = 10240
_TS = _NPAD // 16
_K = 80
_EPT = 10240
_E2 = 16 * _EPT
_ITERS = _EPT // _K

_mesh = plsc.VectorSubcoreMesh(core_axis_name="c", subcore_axis_name="s")


@functools.partial(
    pl.kernel,
    out_type=[
        jax.ShapeDtypeStruct((_NPAD,), jnp.float32),
        jax.ShapeDtypeStruct((_NPAD,), jnp.float32),
    ],
    mesh=_mesh,
    scratch_types=[
        pltpu.VMEM((_ITERS, _K), jnp.int32),
        pltpu.VMEM((_K,), jnp.float32),
        pltpu.VMEM_SHARED((_NPAD,), jnp.float32),
    ],
)
def _deg_kernel(row3_hbm, col3_hbm, zeros1_hbm, odeg_hbm, ideg_hbm,
                idx_v, ones_v, deg_sh):
    c = lax.axis_index("c")
    s = lax.axis_index("s")

    for j in range(_K // 16):
        ones_v[pl.ds(j * 16, 16)] = jnp.ones((16,), jnp.float32)

    pltpu.sync_copy(zeros1_hbm, deg_sh.at[pl.ds(s * _TS, _TS)])

    @pl.when(c == 0)
    def _():
        pltpu.sync_copy(row3_hbm.at[s], idx_v)

    @pl.when(c == 1)
    def _():
        pltpu.sync_copy(col3_hbm.at[s], idx_v)

    plsc.subcore_barrier()

    def body(i, carry):
        pltpu.sync_copy(ones_v, deg_sh.at[idx_v.at[i]], add=True)
        return carry
    lax.fori_loop(0, _ITERS, body, 0)
    plsc.subcore_barrier()

    @pl.when(c == 0)
    def _():
        pltpu.sync_copy(deg_sh.at[pl.ds(s * _TS, _TS)],
                        odeg_hbm.at[pl.ds(s * _TS, _TS)])

    @pl.when(c == 1)
    def _():
        pltpu.sync_copy(deg_sh.at[pl.ds(s * _TS, _TS)],
                        ideg_hbm.at[pl.ds(s * _TS, _TS)])


_NBUF = 4
_IBUF = 2 * _NBUF

@functools.partial(
    pl.kernel,
    out_type=[jax.ShapeDtypeStruct((_NPAD, _H), jnp.float32)] * 4,
    mesh=_mesh,
    scratch_types=(
        [pltpu.VMEM((_K,), jnp.int32)] * _IBUF
        + [pltpu.VMEM((_K,), jnp.int32)] * _IBUF
        + [pltpu.VMEM((_K, _H), jnp.float32)] * _NBUF
        + [pltpu.VMEM_SHARED((_NPAD, _H), jnp.float32)]
        + [pltpu.SemaphoreType.DMA] * _IBUF
        + [pltpu.SemaphoreType.DMA] * _NBUF
    ),
)
def _edge_kernel(row_hbm, col_hbm, zsl_hbm, zsh_hbm, zdl_hbm, zdh_hbm,
                 zeros2_hbm, asl_hbm, ash_hbm, adl_hbm, adh_hbm,
                 *scratch):
    gi = scratch[:_IBUF]
    si = scratch[_IBUF:2 * _IBUF]
    rows = scratch[2 * _IBUF:2 * _IBUF + _NBUF]
    acc_sh = scratch[2 * _IBUF + _NBUF]
    isems = scratch[2 * _IBUF + _NBUF + 1:2 * _IBUF + _NBUF + 1 + _IBUF]
    gsems = scratch[2 * _IBUF + _NBUF + 1 + _IBUF:]
    c = lax.axis_index("c")
    s = lax.axis_index("s")

    def do_pass(gather_hbm, scatter_hbm, ztab_hbm, out_hbm):
        pltpu.sync_copy(zeros2_hbm, acc_sh.at[pl.ds(s * _TS, _TS)])
        plsc.subcore_barrier()

        def issue_idx(chunk, j):
            base = pl.multiple_of(s * _EPT + chunk * _K, 8)
            pltpu.async_copy(gather_hbm.at[pl.ds(base, _K)], gi[j], isems[j])
            pltpu.async_copy(scatter_hbm.at[pl.ds(base, _K)], si[j], isems[j])

        def wait_idx(j):
            pltpu.make_async_copy(
                gather_hbm.at[pl.ds(0, _K)], gi[j], isems[j]).wait()
            pltpu.make_async_copy(
                scatter_hbm.at[pl.ds(0, _K)], si[j], isems[j]).wait()

        for j in range(_IBUF):
            issue_idx(j, j)
        for b in range(_NBUF):
            wait_idx(b)
            pltpu.async_copy(ztab_hbm.at[gi[b]], rows[b], gsems[b])

        def outer(t, carry):
            for bb in range(_IBUF):
                i = t * _IBUF + bb
                b = bb % _NBUF
                pltpu.make_async_copy(
                    ztab_hbm.at[gi[bb]], rows[b], gsems[b]).wait()
                pltpu.sync_copy(rows[b], acc_sh.at[si[bb]], add=True)
                inext2 = i + _IBUF

                @pl.when(inext2 < _ITERS)
                def _():
                    issue_idx(inext2, bb)

                inextg = i + _NBUF
                jg = (bb + _NBUF) % _IBUF

                @pl.when(inextg < _ITERS)
                def _():
                    wait_idx(jg)
                    pltpu.async_copy(ztab_hbm.at[gi[jg]], rows[b], gsems[b])
            return carry
        lax.fori_loop(0, _ITERS // _IBUF, outer, 0)
        plsc.subcore_barrier()
        pltpu.sync_copy(acc_sh.at[pl.ds(s * _TS, _TS)],
                        out_hbm.at[pl.ds(s * _TS, _TS)])
        plsc.subcore_barrier()

    @pl.when(c == 0)
    def _():
        do_pass(col_hbm, row_hbm, zsl_hbm, asl_hbm)
        do_pass(row_hbm, col_hbm, zdl_hbm, adl_hbm)

    @pl.when(c == 1)
    def _():
        do_pass(col_hbm, row_hbm, zsh_hbm, ash_hbm)
        do_pass(row_hbm, col_hbm, zdh_hbm, adh_hbm)


_RB = 1000


def _mm_body(x_ref, ws_ref, wd_ref, od_ref, id_ref,
             zsl_ref, zsh_ref, zdl_ref, zdh_ref):
    xb = x_ref[...]
    od = od_ref[...]
    idg = id_ref[...]
    oinv = jnp.where(od > 0, lax.rsqrt(od), 0.0)
    iinv = jnp.where(idg > 0, lax.rsqrt(idg), 0.0)
    dn = (((1,), (1,)), ((), ()))
    zs = (_ALPHA * iinv) * lax.dot_general(
        xb, ws_ref[...], dn, preferred_element_type=jnp.float32)
    zd = ((1.0 - _ALPHA) * oinv) * lax.dot_general(
        xb, wd_ref[...], dn, preferred_element_type=jnp.float32)
    zsl_ref[...] = zs[:, :_H]
    zsh_ref[...] = zs[:, _H:]
    zdl_ref[...] = zd[:, :_H]
    zdh_ref[...] = zd[:, _H:]


_mm_call = pl.pallas_call(
    _mm_body,
    grid=(_N // _RB,),
    in_specs=[
        pl.BlockSpec((_RB, _D), lambda i: (i, 0)),
        pl.BlockSpec((_D, _D), lambda i: (0, 0)),
        pl.BlockSpec((_D, _D), lambda i: (0, 0)),
        pl.BlockSpec((_RB, 1), lambda i: (i, 0)),
        pl.BlockSpec((_RB, 1), lambda i: (i, 0)),
    ],
    out_specs=[pl.BlockSpec((_RB, _H), lambda i: (i, 0))] * 4,
    out_shape=[jax.ShapeDtypeStruct((_NPAD, _H), jnp.float32)] * 4,
)


def _out_body(asl_ref, ash_ref, adl_ref, adh_ref, od_ref, id_ref,
              bs_ref, bd_ref, out_ref):
    od = od_ref[...]
    idg = id_ref[...]
    oinv = jnp.where(od > 0, lax.rsqrt(od), 0.0)
    iinv = jnp.where(idg > 0, lax.rsqrt(idg), 0.0)
    bias = _ALPHA * bs_ref[...] + (1.0 - _ALPHA) * bd_ref[...]
    out_ref[:, :_H] = oinv * asl_ref[...] + iinv * adl_ref[...] + bias[:, :_H]
    out_ref[:, _H:] = oinv * ash_ref[...] + iinv * adh_ref[...] + bias[:, _H:]


_out_call = pl.pallas_call(
    _out_body,
    grid=(_N // _RB,),
    in_specs=[
        pl.BlockSpec((_RB, _H), lambda i: (i, 0)),
        pl.BlockSpec((_RB, _H), lambda i: (i, 0)),
        pl.BlockSpec((_RB, _H), lambda i: (i, 0)),
        pl.BlockSpec((_RB, _H), lambda i: (i, 0)),
        pl.BlockSpec((_RB, 1), lambda i: (i, 0)),
        pl.BlockSpec((_RB, 1), lambda i: (i, 0)),
        pl.BlockSpec((1, _D), lambda i: (0, 0)),
        pl.BlockSpec((1, _D), lambda i: (0, 0)),
    ],
    out_specs=pl.BlockSpec((_RB, _D), lambda i: (i, 0)),
    out_shape=jax.ShapeDtypeStruct((_N, _D), jnp.float32),
)


def kernel(x, edge_index, W_src, b_src, W_dst, b_dst):
    pad = _N + (jnp.arange(_E2 - _E, dtype=jnp.int32) % (_NPAD - _N))
    row_p = jnp.concatenate([edge_index[0], pad])
    col_p = jnp.concatenate([edge_index[1], pad])
    row3 = row_p.reshape(16, _ITERS, _K)
    col3 = col_p.reshape(16, _ITERS, _K)
    zeros1 = jnp.zeros((_TS,), jnp.float32)
    zeros2 = jnp.zeros((_TS, _H), jnp.float32)

    odeg, ideg = _deg_kernel(row3, col3, zeros1)
    od2 = odeg[:, None]
    id2 = ideg[:, None]

    zsl, zsh, zdl, zdh = _mm_call(x, W_src, W_dst, od2, id2)

    asl, ash, adl, adh = _edge_kernel(row_p, col_p, zsl, zsh, zdl, zdh, zeros2)

    return _out_call(asl, ash, adl, adh, od2, id2,
                     b_src[None, :], b_dst[None, :])

# --- scband reference (transcript-rebuilt; emitter-appended) ---
"""Pipeline reference for scband-dir-gcnconv-33285996544496 (READ-ONLY COPY).

The authoritative reference and input builder live on the scoring server;
editing this copy changes nothing except your own understanding.
"""

import jax, jax.numpy as jnp
import numpy as np

N = 10000
E = 160000
D_IN = 256
D_OUT = 256
ALPHA = 0.5


def setup_inputs(seed: int = 0) -> dict:
    key = jax.random.key(seed)
    k1, k2, k3, k4, k5, k6 = jax.random.split(key, 6)
    x = jax.random.normal(k1, (N, D_IN), dtype=jnp.float32)
    edge_index = jax.random.randint(k2, (2, E), 0, N, dtype=jnp.int32)
    s = 1.0 / np.sqrt(D_IN)
    W_src = jax.random.uniform(k3, (D_OUT, D_IN), minval=-s, maxval=s, dtype=jnp.float32)
    b_src = jax.random.uniform(k4, (D_OUT,), minval=-s, maxval=s, dtype=jnp.float32)
    W_dst = jax.random.uniform(k5, (D_OUT, D_IN), minval=-s, maxval=s, dtype=jnp.float32)
    b_dst = jax.random.uniform(k6, (D_OUT,), minval=-s, maxval=s, dtype=jnp.float32)
    return {"x": x, "edge_index": edge_index, "W_src": W_src, "b_src": b_src, "W_dst": W_dst, "b_dst": b_dst}


def reference(x, edge_index, W_src, b_src, W_dst, b_dst):
    # DirGCNConv forward:
    #   adj      = SparseTensor(row=row, col=col)  (binary adjacency)
    #   adj_norm = D_out^{-1/2} A D_in^{-1/2}   (directed 'dir' norm)
    #   adj_t_norm is the same norm applied to A^T, which shares the same
    #   per-edge weights with source/target swapped.
    row = edge_index[0]
    col = edge_index[1]
    num_nodes = x.shape[0]
    ones = jnp.ones((row.shape[0],), dtype=x.dtype)
    out_deg = jax.ops.segment_sum(ones, row, num_segments=num_nodes)  # row sums of A
    in_deg = jax.ops.segment_sum(ones, col, num_segments=num_nodes)   # col sums of A
    out_inv_sqrt = jnp.where(out_deg > 0, out_deg ** -0.5, 0.0)
    in_inv_sqrt = jnp.where(in_deg > 0, in_deg ** -0.5, 0.0)
    w = out_inv_sqrt[row] * in_inv_sqrt[col]  # per-edge normalized weight
    # adj_norm @ x : out[i] = sum_{e: row_e=i} w_e * x[col_e]
    adj_norm_x = jax.ops.segment_sum(w[:, None] * x[col], row, num_segments=num_nodes)
    # adj_t_norm @ x : out[j] = sum_{e: col_e=j} w_e * x[row_e]
    adj_t_norm_x = jax.ops.segment_sum(w[:, None] * x[row], col, num_segments=num_nodes)
    out = ALPHA * (adj_norm_x @ W_src.T + b_src) + (1.0 - ALPHA) * (adj_t_norm_x @ W_dst.T + b_dst)
    return out

if __name__ == "__main__":
    import jax
    _d = setup_inputs()
    print(jax.jit(kernel)(*tuple(_d.values())))

</pallas_src>

<mosaic_0001>
#map = affine_map<(d0, d1) -> (0)>
#map1 = affine_map<(d0, d1) -> (0, 0)>
module attributes {stable_mosaic.version = 14 : i64} {
  func.func @_edge_kernel(%arg0: i32, %arg1: i32, %arg2: memref<163840xi32, #tpu.memory_space<hbm>>, %arg3: memref<163840xi32, #tpu.memory_space<hbm>>, %arg4: memref<10240x128xf32, #tpu.memory_space<hbm>>, %arg5: memref<10240x128xf32, #tpu.memory_space<hbm>>, %arg6: memref<10240x128xf32, #tpu.memory_space<hbm>>, %arg7: memref<10240x128xf32, #tpu.memory_space<hbm>>, %arg8: memref<640x128xf32, #tpu.memory_space<hbm>>, %arg9: memref<10240x128xf32, #tpu.memory_space<hbm>>, %arg10: memref<10240x128xf32, #tpu.memory_space<hbm>>, %arg11: memref<10240x128xf32, #tpu.memory_space<hbm>>, %arg12: memref<10240x128xf32, #tpu.memory_space<hbm>>, %arg13: memref<80xi32, #tpu.memory_space<vmem>>, %arg14: memref<80xi32, #tpu.memory_space<vmem>>, %arg15: memref<80xi32, #tpu.memory_space<vmem>>, %arg16: memref<80xi32, #tpu.memory_space<vmem>>, %arg17: memref<80xi32, #tpu.memory_space<vmem>>, %arg18: memref<80xi32, #tpu.memory_space<vmem>>, %arg19: memref<80xi32, #tpu.memory_space<vmem>>, %arg20: memref<80xi32, #tpu.memory_space<vmem>>, %arg21: memref<80xi32, #tpu.memory_space<vmem>>, %arg22: memref<80xi32, #tpu.memory_space<vmem>>, %arg23: memref<80xi32, #tpu.memory_space<vmem>>, %arg24: memref<80xi32, #tpu.memory_space<vmem>>, %arg25: memref<80xi32, #tpu.memory_space<vmem>>, %arg26: memref<80xi32, #tpu.memory_space<vmem>>, %arg27: memref<80xi32, #tpu.memory_space<vmem>>, %arg28: memref<80xi32, #tpu.memory_space<vmem>>, %arg29: memref<80x128xf32, #tpu.memory_space<vmem>>, %arg30: memref<80x128xf32, #tpu.memory_space<vmem>>, %arg31: memref<80x128xf32, #tpu.memory_space<vmem>>, %arg32: memref<80x128xf32, #tpu.memory_space<vmem>>, %arg33: memref<10240x128xf32, #tpu.memory_space<vmem_shared>>, %arg34: memref<!tpu.dma_semaphore, #tpu.memory_space<semaphore_mem>>, %arg35: memref<!tpu.dma_semaphore, #tpu.memory_space<semaphore_mem>>, %arg36: memref<!tpu.dma_semaphore, #tpu.memory_space<semaphore_mem>>, %arg37: memref<!tpu.dma_semaphore, #tpu.memory_space<semaphore_mem>>, %arg38: memref<!tpu.dma_semaphore, #tpu.memory_space<semaphore_mem>>, %arg39: memref<!tpu.dma_semaphore, #tpu.memory_space<semaphore_mem>>, %arg40: memref<!tpu.dma_semaphore, #tpu.memory_space<semaphore_mem>>, %arg41: memref<!tpu.dma_semaphore, #tpu.memory_space<semaphore_mem>>, %arg42: memref<!tpu.dma_semaphore, #tpu.memory_space<semaphore_mem>>, %arg43: memref<!tpu.dma_semaphore, #tpu.memory_space<semaphore_mem>>, %arg44: memref<!tpu.dma_semaphore, #tpu.memory_space<semaphore_mem>>, %arg45: memref<!tpu.dma_semaphore, #tpu.memory_space<semaphore_mem>>) attributes {dimension_semantics = [#tpu.dimension_semantics<core_parallel>, #tpu.dimension_semantics<subcore_parallel>], iteration_bounds = array<i64: 2, 16>, scalar_prefetch = 0 : i64, scratch_operands = 33 : i64, tpu.core_type = #tpu.core_type<sc_vector_subcore>, window_params = [{transform_indices = #map}, {transform_indices = #map}, {transform_indices = #map1}, {transform_indices = #map1}, {transform_indices = #map1}, {transform_indices = #map1}, {transform_indices = #map1}, {transform_indices = #map1}, {transform_indices = #map1}, {transform_indices = #map1}, {transform_indices = #map1}]} {
    %eq3A = arith.constant 0 : i32
    %eq3A_0 = arith.cmpi eq, %arg0, %eq3A : i32
    %convert_element_type3A = arith.extui %eq3A_0 : i1 to i32
    %cond3A = arith.constant 0 : i32
    %cond3A_1 = arith.cmpi ne, %convert_element_type3A, %cond3A : i32
    scf.if %cond3A_1 {
      %mul3A = arith.constant 640 : i32
      %mul3A_7 = arith.muli %arg1, %mul3A : i32
      "tpu.region"() ({
        %run_scoped3A = tpu.sem_alloc : memref<!tpu.dma_semaphore, #tpu.memory_space<semaphore_mem>>
        %dma_start3A_262 = arith.constant 0 : i32
        %dma_start3A_263 = tpu.memref_slice %arg33[%mul3A_7, %dma_start3A_262] : memref<10240x128xf32, #tpu.memory_space<vmem_shared>> -> memref<640x128xf32, #tpu.memory_space<vmem_shared>>
        tpu.enqueue_dma source(%arg8 : memref<640x128xf32, #tpu.memory_space<hbm>>) target(%dma_start3A_263 : memref<640x128xf32, #tpu.memory_space<vmem_shared>>) target_semaphore(%run_scoped3A : memref<!tpu.dma_semaphore, #tpu.memory_space<semaphore_mem>>)
        %dma_wait3A_264 = arith.constant 0 : i32
        %dma_wait3A_265 = tpu.memref_slice %arg33[%mul3A_7, %dma_wait3A_264] : memref<10240x128xf32, #tpu.memory_space<vmem_shared>> -> memref<640x128xf32, #tpu.memory_space<vmem_shared>>
        tpu.wait_dma2 semaphore(%run_scoped3A : memref<!tpu.dma_semaphore, #tpu.memory_space<semaphore_mem>>) src(%arg8 : memref<640x128xf32, #tpu.memory_space<hbm>>) dst(%dma_wait3A_265 : memref<640x128xf32, #tpu.memory_space<vmem_shared>>)
        tpu.yield
      }) : () -> ()
      %barrier3A = arith.constant 0 : index
      tpu.barrier barrier_id(%barrier3A)
      %mul3A_8 = arith.constant 10240 : i32
      %mul3A_9 = arith.muli %arg1, %mul3A_8 : i32
      %add3A = arith.constant 0 : i32
      %add3A_10 = arith.addi %mul3A_9, %add3A : i32
      %multiple_of3A = tpu.assume_multiple %add3A_10, 8 : i32
      %dma_start3A = tpu.memref_slice %arg3[%multiple_of3A] : memref<163840xi32, #tpu.memory_space<hbm>> -> memref<80xi32, #tpu.memory_space<hbm>>
      %dma_start3A_11 = tpu.memref_slice %arg3[%multiple_of3A] : memref<163840xi32, #tpu.memory_space<hbm>> -> memref<80xi32, #tpu.memory_space<hbm>>
      tpu.enqueue_dma source(%dma_start3A_11 : memref<80xi32, #tpu.memory_space<hbm>>) target(%arg13 : memref<80xi32, #tpu.memory_space<vmem>>) target_semaphore(%arg34 : memref<!tpu.dma_semaphore, #tpu.memory_space<semaphore_mem>>)
      %dma_start3A_12 = tpu.memref_slice %arg2[%multiple_of3A] : memref<163840xi32, #tpu.memory_space<hbm>> -> memref<80xi32, #tpu.memory_space<hbm>>
      %dma_start3A_13 = tpu.memref_slice %arg2[%multiple_of3A] : memref<163840xi32, #tpu.memory_space<hbm>> -> memref<80xi32, #tpu.memory_space<hbm>>
      tpu.enqueue_dma source(%dma_start3A_13 : memref<80xi32, #tpu.memory_space<hbm>>) target(%arg21 : memref<80xi32, #tpu.memory_space<vmem>>) target_semaphore(%arg34 : memref<!tpu.dma_semaphore, #tpu.memory_space<semaphore_mem>>)
      %mul3A_14 = arith.constant 10240 : i32
      %mul3A_15 = arith.muli %arg1, %mul3A_14 : i32
      %add3A_16 = arith.constant 80 : i32
      %add3A_17 = arith.addi %mul3A_15, %add3A_16 : i32
      %multiple_of3A_18 = tpu.assume_multiple %add3A_17, 8 : i32
      %dma_start3A_19 = tpu.memref_slice %arg3[%multiple_of3A_18] : memref<163840xi32, #tpu.memory_space<hbm>> -> memref<80xi32, #tpu.memory_space<hbm>>
      %dma_start3A_20 = tpu.memref_slice %arg3[%multiple_of3A_18] : memref<163840xi32, #tpu.memory_space<hbm>> -> memref<80xi32, #tpu.memory_space<hbm>>
      tpu.enqueue_dma source(%dma_start3A_20 : memref<80xi32, #tpu.memory_space<hbm>>) target(%arg14 : memref<80xi32, #tpu.memory_space<vmem>>) target_semaphore(%arg35 : memref<!tpu.dma_semaphore, #tpu.memory_space<semaphore_mem>>)
      %dma_start3A_21 = tpu.memref_slice %arg2[%multiple_of3A_18] : memref<163840xi32, #tpu.memory_space<hbm>> -> memref<80xi32, #tpu.memory_space<hbm>>
      %dma_start3A_22 = tpu.memref_slice %arg2[%multiple_of3A_18] : memref<163840xi32, #tpu.memory_space<hbm>> -> memref<80xi32, #tpu.memory_space<hbm>>
      tpu.enqueue_dma source(%dma_start3A_22 : memref<80xi32, #tpu.memory_space<hbm>>) target(%arg22 : memref<80xi32, #tpu.memory_space<vmem>>) target_semaphore(%arg35 : memref<!tpu.dma_semaphore, #tpu.memory_space<semaphore_mem>>)
      %mul3A_23 = arith.constant 10240 : i32
      %mul3A_24 = arith.muli %arg1, %mul3A_23 : i32
      %add3A_25 = arith.constant 160 : i32
      %add3A_26 = arith.addi %mul3A_24, %add3A_25 : i32
      %multiple_of3A_27 = tpu.assume_multiple %add3A_26, 8 : i32
      %dma_start3A_28 = tpu.memref_slice %arg3[%multiple_of3A_27] : memref<163840xi32, #tpu.memory_space<hbm>> -> memref<80xi32, #tpu.memory_space<hbm>>
      %dma_start3A_29 = tpu.memref_slice %arg3[%multiple_of3A_27] : memref<163840xi32, #tpu.memory_space<hbm>> -> memref<80xi32, #tpu.memory_space<hbm>>
      tpu.enqueue_dma source(%dma_start3A_29 : memref<80xi32, #tpu.memory_space<hbm>>) target(%arg15 : memref<80xi32, #tpu.memory_space<vmem>>) target_semaphore(%arg36 : memref<!tpu.dma_semaphore, #tpu.memory_space<semaphore_mem>>)
      %dma_start3A_30 = tpu.memref_slice %arg2[%multiple_of3A_27] : memref<163840xi32, #tpu.memory_space<hbm>> -> memref<80xi32, #tpu.memory_space<hbm>>
      %dma_start3A_31 = tpu.memref_slice %arg2[%multiple_of3A_27] : memref<163840xi32, #tpu.memory_space<hbm>> -> memref<80xi32, #tpu.memory_space<hbm>>
      tpu.enqueue_dma source(%dma_start3A_31 : memref<80xi32, #tpu.memory_space<hbm>>) target(%arg23 : memref<80xi32, #tpu.memory_space<vmem>>) target_semaphore(%arg36 : memref<!tpu.dma_semaphore, #tpu.memory_space<semaphore_mem>>)
      %mul3A_32 = arith.constant 10240 : i32
      %mul3A_33 = arith.muli %arg1, %mul3A_32 : i32
      %add3A_34 = arith.constant 240 : i32
      %add3A_35 = arith.addi %mul3A_33, %add3A_34 : i32
      %multiple_of3A_36 = tpu.assume_multiple %add3A_35, 8 : i32
      %dma_start3A_37 = tpu.memref_slice %arg3[%multiple_of3A_36] : memref<163840xi32, #tpu.memory_space<hbm>> -> memref<80xi32, #tpu.memory_space<hbm>>
      %dma_start3A_38 = tpu.memref_slice %arg3[%multiple_of3A_36] : memref<163840xi32, #tpu.memory_space<hbm>> -> memref<80xi32, #tpu.memory_space<hbm>>
      tpu.enqueue_dma source(%dma_start3A_38 : memref<80xi32, #tpu.memory_space<hbm>>) target(%arg16 : memref<80xi32, #tpu.memory_space<vmem>>) target_semaphore(%arg37 : memref<!tpu.dma_semaphore, #tpu.memory_space<semaphore_mem>>)
      %dma_start3A_39 = tpu.memref_slice %arg2[%multiple_of3A_36] : memref<163840xi32, #tpu.memory_space<hbm>> -> memref<80xi32, #tpu.memory_space<hbm>>
      %dma_start3A_40 = tpu.memref_slice %arg2[%multiple_of3A_36] : memref<163840xi32, #tpu.memory_space<hbm>> -> memref<80xi32, #tpu.memory_space<hbm>>
      tpu.enqueue_dma source(%dma_start3A_40 : memref<80xi32, #tpu.memory_space<hbm>>) target(%arg24 : memref<80xi32, #tpu.memory_space<vmem>>) target_semaphore(%arg37 : memref<!tpu.dma_semaphore, #tpu.memory_space<semaphore_mem>>)
      %mul3A_41 = arith.constant 10240 : i32
      %mul3A_42 = arith.muli %arg1, %mul3A_41 : i32
      %add3A_43 = arith.constant 320 : i32
      %add3A_44 = arith.addi %mul3A_42, %add3A_43 : i32
      %multiple_of3A_45 = tpu.assume_multiple %add3A_44, 8 : i32
      %dma_start3A_46 = tpu.memref_slice %arg3[%multiple_of3A_45] : memref<163840xi32, #tpu.memory_space<hbm>> -> memref<80xi32, #tpu.memory_space<hbm>>
      %dma_start3A_47 = tpu.memref_slice %arg3[%multiple_of3A_45] : memref<163840xi32, #tpu.memory_space<hbm>> -> memref<80xi32, #tpu.memory_space<hbm>>
      tpu.enqueue_dma source(%dma_start3A_47 : memref<80xi32, #tpu.memory_space<hbm>>) target(%arg17 : memref<80xi32, #tpu.memory_space<vmem>>) target_semaphore(%arg38 : memref<!tpu.dma_semaphore, #tpu.memory_space<semaphore_mem>>)
      %dma_start3A_48 = tpu.memref_slice %arg2[%multiple_of3A_45] : memref<163840xi32, #tpu.memory_space<hbm>> -> memref<80xi32, #tpu.memory_space<hbm>>
      %dma_start3A_49 = tpu.memref_slice %arg2[%multiple_of3A_45] : memref<163840xi32, #tpu.memory_space<hbm>> -> memref<80xi32, #tpu.memory_space<hbm>>
      tpu.enqueue_dma source(%dma_start3A_49 : memref<80xi32, #tpu.memory_space<hbm>>) target(%arg25 : memref<80xi32, #tpu.memory_space<vmem>>) target_semaphore(%arg38 : memref<!tpu.dma_semaphore, #tpu.memory_space<semaphore_mem>>)
      %mul3A_50 = arith.constant 10240 : i32
      %mul3A_51 = arith.muli %arg1, %mul3A_50 : i32
      %add3A_52 = arith.constant 400 : i32
      %add3A_53 = arith.addi %mul3A_51, %add3A_52 : i32
      %multiple_of3A_54 = tpu.assume_multiple %add3A_53, 8 : i32
      %dma_start3A_55 = tpu.memref_slice %arg3[%multiple_of3A_54] : memref<163840xi32, #tpu.memory_space<hbm>> -> memref<80xi32, #tpu.memory_space<hbm>>
      %dma_start3A_56 = tpu.memref_slice %arg3[%multiple_of3A_54] : memref<163840xi32, #tpu.memory_space<hbm>> -> memref<80xi32, #tpu.memory_space<hbm>>
      tpu.enqueue_dma source(%dma_start3A_56 : memref<80xi32, #tpu.memory_space<hbm>>) target(%arg18 : memref<80xi32, #tpu.memory_space<vmem>>) target_semaphore(%arg39 : memref<!tpu.dma_semaphore, #tpu.memory_space<semaphore_mem>>)
      %dma_start3A_57 = tpu.memref_slice %arg2[%multiple_of3A_54] : memref<163840xi32, #tpu.memory_space<hbm>> -> memref<80xi32, #tpu.memory_space<hbm>>
      %dma_start3A_58 = tpu.memref_slice %arg2[%multiple_of3A_54] : memref<163840xi32, #tpu.memory_space<hbm>> -> memref<80xi32, #tpu.memory_space<hbm>>
      tpu.enqueue_dma source(%dma_start3A_58 : memref<80xi32, #tpu.memory_space<hbm>>) target(%arg26 : memref<80xi32, #tpu.memory_space<vmem>>) target_semaphore(%arg39 : memref<!tpu.dma_semaphore, #tpu.memory_space<semaphore_mem>>)
      %mul3A_59 = arith.constant 10240 : i32
      %mul3A_60 = arith.muli %arg1, %mul3A_59 : i32
      %add3A_61 = arith.constant 480 : i32
      %add3A_62 = arith.addi %mul3A_60, %add3A_61 : i32
      %multiple_of3A_63 = tpu.assume_multiple %add3A_62, 8 : i32
      %dma_start3A_64 = tpu.memref_slice %arg3[%multiple_of3A_63] : memref<163840xi32, #tpu.memory_space<hbm>> -> memref<80xi32, #tpu.memory_space<hbm>>
      %dma_start3A_65 = tpu.memref_slice %arg3[%multiple_of3A_63] : memref<163840xi32, #tpu.memory_space<hbm>> -> memref<80xi32, #tpu.memory_space<hbm>>
      tpu.enqueue_dma source(%dma_start3A_65 : memref<80xi32, #tpu.memory_space<hbm>>) target(%arg19 : memref<80xi32, #tpu.memory_space<vmem>>) target_semaphore(%arg40 : memref<!tpu.dma_semaphore, #tpu.memory_space<semaphore_mem>>)
      %dma_start3A_66 = tpu.memref_slice %arg2[%multiple_of3A_63] : memref<163840xi32, #tpu.memory_space<hbm>> -> memref<80xi32, #tpu.memory_space<hbm>>
      %dma_start3A_67 = tpu.memref_slice %arg2[%multiple_of3A_63] : memref<163840xi32, #tpu.memory_space<hbm>> -> memref<80xi32, #tpu.memory_space<hbm>>
      tpu.enqueue_dma source(%dma_start3A_67 : memref<80xi32, #tpu.memory_space<hbm>>) target(%arg27 : memref<80xi32, #tpu.memory_space<vmem>>) target_semaphore(%arg40 : memref<!tpu.dma_semaphore, #tpu.memory_space<semaphore_mem>>)
      %mul3A_68 = arith.constant 10240 : i32
      %mul3A_69 = arith.muli %arg1, %mul3A_68 : i32
      %add3A_70 = arith.constant 560 : i32
      %add3A_71 = arith.addi %mul3A_69, %add3A_70 : i32
      %multiple_of3A_72 = tpu.assume_multiple %add3A_71, 8 : i32
      %dma_start3A_73 = tpu.memref_slice %arg3[%multiple_of3A_72] : memref<163840xi32, #tpu.memory_space<hbm>> -> memref<80xi32, #tpu.memory_space<hbm>>
      %dma_start3A_74 = tpu.memref_slice %arg3[%multiple_of3A_72] : memref<163840xi32, #tpu.memory_space<hbm>> -> memref<80xi32, #tpu.memory_space<hbm>>
      tpu.enqueue_dma source(%dma_start3A_74 : memref<80xi32, #tpu.memory_space<hbm>>) target(%arg20 : memref<80xi32, #tpu.memory_space<vmem>>) target_semaphore(%arg41 : memref<!tpu.dma_semaphore, #tpu.memory_space<semaphore_mem>>)
      %dma_start3A_75 = tpu.memref_slice %arg2[%multiple_of3A_72] : memref<163840xi32, #tpu.memory_space<hbm>> -> memref<80xi32, #tpu.memory_space<hbm>>
      %dma_start3A_76 = tpu.memref_slice %arg2[%multiple_of3A_72] : memref<163840xi32, #tpu.memory_space<hbm>> -> memref<80xi32, #tpu.memory_space<hbm>>
      tpu.enqueue_dma source(%dma_start3A_76 : memref<80xi32, #tpu.memory_space<hbm>>) target(%arg28 : memref<80xi32, #tpu.memory_space<vmem>>) target_semaphore(%arg41 : memref<!tpu.dma_semaphore, #tpu.memory_space<semaphore_mem>>)
      %dma_wait3A = arith.constant 0 : i32
      %dma_wait3A_77 = tpu.memref_slice %arg3[%dma_wait3A] : memref<163840xi32, #tpu.memory_space<hbm>> -> memref<80xi32, #tpu.memory_space<hbm>>
      %dma_wait3A_78 = arith.constant 0 : i32
      %dma_wait3A_79 = tpu.memref_slice %arg3[%dma_wait3A_78] : memref<163840xi32, #tpu.memory_space<hbm>> -> memref<80xi32, #tpu.memory_space<hbm>>
      tpu.wait_dma2 semaphore(%arg34 : memref<!tpu.dma_semaphore, #tpu.memory_space<semaphore_mem>>) src(%dma_wait3A_79 : memref<80xi32, #tpu.memory_space<hbm>>) dst(%arg13 : memref<80xi32, #tpu.memory_space<vmem>>)
      %dma_wait3A_80 = arith.constant 0 : i32
      %dma_wait3A_81 = tpu.memref_slice %arg2[%dma_wait3A_80] : memref<163840xi32, #tpu.memory_space<hbm>> -> memref<80xi32, #tpu.memory_space<hbm>>
      %dma_wait3A_82 = arith.constant 0 : i32
      %dma_wait3A_83 = tpu.memref_slice %arg2[%dma_wait3A_82] : memref<163840xi32, #tpu.memory_space<hbm>> -> memref<80xi32, #tpu.memory_space<hbm>>
      tpu.wait_dma2 semaphore(%arg34 : memref<!tpu.dma_semaphore, #tpu.memory_space<semaphore_mem>>) src(%dma_wait3A_83 : memref<80xi32, #tpu.memory_space<hbm>>) dst(%arg21 : memref<80xi32, #tpu.memory_space<vmem>>)
      %dma_start3A_84 = arith.constant 0 : i32
      %dma_start3A_85 = arith.constant 0 : i32
      %dma_start3A_86 = tpu.memref_slice %arg4[%dma_start3A_84, %dma_start3A_85] : memref<10240x128xf32, #tpu.memory_space<hbm>> -> memref<10240x128xf32, #tpu.memory_space<hbm>>
      tpu.enqueue_indirect_dma source(%dma_start3A_86 : memref<10240x128xf32, #tpu.memory_space<hbm>>) target(%arg29 : memref<80x128xf32, #tpu.memory_space<vmem>>) offsets(%arg13 : memref<80xi32, #tpu.memory_space<vmem>>) semaphore(%arg42 : memref<!tpu.dma_semaphore, #tpu.memory_space<semaphore_mem>>)
      %dma_wait3A_87 = arith.constant 0 : i32
      %dma_wait3A_88 = tpu.memref_slice %arg3[%dma_wait3A_87] : memref<163840xi32, #tpu.memory_space<hbm>> -> memref<80xi32, #tpu.memory_space<hbm>>
      %dma_wait3A_89 = arith.constant 0 : i32
      %dma_wait3A_90 = tpu.memref_slice %arg3[%dma_wait3A_89] : memref<163840xi32, #tpu.memory_space<hbm>> -> memref<80xi32, #tpu.memory_space<hbm>>
      tpu.wait_dma2 semaphore(%arg35 : memref<!tpu.dma_semaphore, #tpu.memory_space<semaphore_mem>>) src(%dma_wait3A_90 : memref<80xi32, #tpu.memory_space<hbm>>) dst(%arg14 : memref<80xi32, #tpu.memory_space<vmem>>)
      %dma_wait3A_91 = arith.constant 0 : i32
      %dma_wait3A_92 = tpu.memref_slice %arg2[%dma_wait3A_91] : memref<163840xi32, #tpu.memory_space<hbm>> -> memref<80xi32, #tpu.memory_space<hbm>>
      %dma_wait3A_93 = arith.constant 0 : i32
      %dma_wait3A_94 = tpu.memref_slice %arg2[%dma_wait3A_93] : memref<163840xi32, #tpu.memory_space<hbm>> -> memref<80xi32, #tpu.memory_space<hbm>>
      tpu.wait_dma2 semaphore(%arg35 : memref<!tpu.dma_semaphore, #tpu.memory_space<semaphore_mem>>) src(%dma_wait3A_94 : memref<80xi32, #tpu.memory_space<hbm>>) dst(%arg22 : memref<80xi32, #tpu.memory_space<vmem>>)
      %dma_start3A_95 = arith.constant 0 : i32
      %dma_start3A_96 = arith.constant 0 : i32
      %dma_start3A_97 = tpu.memref_slice %arg4[%dma_start3A_95, %dma_start3A_96] : memref<10240x128xf32, #tpu.memory_space<hbm>> -> memref<10240x128xf32, #tpu.memory_space<hbm>>
      tpu.enqueue_indirect_dma source(%dma_start3A_97 : memref<10240x128xf32, #tpu.memory_space<hbm>>) target(%arg30 : memref<80x128xf32, #tpu.memory_space<vmem>>) offsets(%arg14 : memref<80xi32, #tpu.memory_space<vmem>>) semaphore(%arg43 : memref<!tpu.dma_semaphore, #tpu.memory_space<semaphore_mem>>)
      %dma_wait3A_98 = arith.constant 0 : i32
      %dma_wait3A_99 = tpu.memref_slice %arg3[%dma_wait3A_98] : memref<163840xi32, #tpu.memory_space<hbm>> -> memref<80xi32, #tpu.memory_space<hbm>>
      %dma_wait3A_100 = arith.constant 0 : i32
      %dma_wait3A_101 = tpu.memref_slice %arg3[%dma_wait3A_100] : memref<163840xi32, #tpu.memory_space<hbm>> -> memref<80xi32, #tpu.memory_space<hbm>>
      tpu.wait_dma2 semaphore(%arg36 : memref<!tpu.dma_semaphore, #tpu.memory_space<semaphore_mem>>) src(%dma_wait3A_101 : memref<80xi32, #tpu.memory_space<hbm>>) dst(%arg15 : memref<80xi32, #tpu.memory_space<vmem>>)
      %dma_wait3A_102 = arith.constant 0 : i32
      %dma_wait3A_103 = tpu.memref_slice %arg2[%dma_wait3A_102] : memref<163840xi32, #tpu.memory_space<hbm>> -> memref<80xi32, #tpu.memory_space<hbm>>
      %dma_wait3A_104 = arith.constant 0 : i32
      %dma_wait3A_105 = tpu.memref_slice %arg2[%dma_wait3A_104] : memref<163840xi32, #tpu.memory_space<hbm>> -> memref<80xi32, #tpu.memory_space<hbm>>
      tpu.wait_dma2 semaphore(%arg36 : memref<!tpu.dma_semaphore, #tpu.memory_space<semaphore_mem>>) src(%dma_wait3A_105 : memref<80xi32, #tpu.memory_space<hbm>>) dst(%arg23 : memref<80xi32, #tpu.memory_space<vmem>>)
      %dma_start3A_106 = arith.constant 0 : i32
      %dma_start3A_107 = arith.constant 0 : i32
      %dma_start3A_108 = tpu.memref_slice %arg4[%dma_start3A_106, %dma_start3A_107] : memref<10240x128xf32, #tpu.memory_space<hbm>> -> memref<10240x128xf32, #tpu.memory_space<hbm>>
      tpu.enqueue_indirect_dma source(%dma_start3A_108 : memref<10240x128xf32, #tpu.memory_space<hbm>>) target(%arg31 : memref<80x128xf32, #tpu.memory_space<vmem>>) offsets(%arg15 : memref<80xi32, #tpu.memory_space<vmem>>) semaphore(%arg44 : memref<!tpu.dma_semaphore, #tpu.memory_space<semaphore_mem>>)
      %dma_wait3A_109 = arith.constant 0 : i32
      %dma_wait3A_110 = tpu.memref_slice %arg3[%dma_wait3A_109] : memref<163840xi32, #tpu.memory_space<hbm>> -> memref<80xi32, #tpu.memory_space<hbm>>
      %dma_wait3A_111 = arith.constant 0 : i32
      %dma_wait3A_112 = tpu.memref_slice %arg3[%dma_wait3A_111] : memref<163840xi32, #tpu.memory_space<hbm>> -> memref<80xi32, #tpu.memory_space<hbm>>
      tpu.wait_dma2 semaphore(%arg37 : memref<!tpu.dma_semaphore, #tpu.memory_space<semaphore_mem>>) src(%dma_wait3A_112 : memref<80xi32, #tpu.memory_space<hbm>>) dst(%arg16 : memref<80xi32, #tpu.memory_space<vmem>>)
      %dma_wait3A_113 = arith.constant 0 : i32
      %dma_wait3A_114 = tpu.memref_slice %arg2[%dma_wait3A_113] : memref<163840xi32, #tpu.memory_space<hbm>> -> memref<80xi32, #tpu.memory_space<hbm>>
      %dma_wait3A_115 = arith.constant 0 : i32
      %dma_wait3A_116 = tpu.memref_slice %arg2[%dma_wait3A_115] : memref<163840xi32, #tpu.memory_space<hbm>> -> memref<80xi32, #tpu.memory_space<hbm>>
      tpu.wait_dma2 semaphore(%arg37 : memref<!tpu.dma_semaphore, #tpu.memory_space<semaphore_mem>>) src(%dma_wait3A_116 : memref<80xi32, #tpu.memory_space<hbm>>) dst(%arg24 : memref<80xi32, #tpu.memory_space<vmem>>)
      %dma_start3A_117 = arith.constant 0 : i32
      %dma_start3A_118 = arith.constant 0 : i32
      %dma_start3A_119 = tpu.memref_slice %arg4[%dma_start3A_117, %dma_start3A_118] : memref<10240x128xf32, #tpu.memory_space<hbm>> -> memref<10240x128xf32, #tpu.memory_space<hbm>>
      tpu.enqueue_indirect_dma source(%dma_start3A_119 : memref<10240x128xf32, #tpu.memory_space<hbm>>) target(%arg32 : memref<80x128xf32, #tpu.memory_space<vmem>>) offsets(%arg16 : memref<80xi32, #tpu.memory_space<vmem>>) semaphore(%arg45 : memref<!tpu.dma_semaphore, #tpu.memory_space<semaphore_mem>>)
      %scan3A = arith.constant 0 : i32
      %scan3A_120 = arith.constant 0 : i32
      %scan3A_121 = arith.constant 16 : i32
      %scan3A_122 = arith.addi %scan3A_120, %scan3A_121 : i32
      %scan3A_123 = arith.constant 1 : i32
      scf.for %scan3A_262 = %scan3A_120 to %scan3A_122 step %scan3A_123  : i32 {
        %mul3A_263 = arith.constant 8 : i32
        %mul3A_264 = arith.muli %scan3A_262, %mul3A_263 : i32
        %add3A_265 = arith.constant 0 : i32
        %add3A_266 = arith.addi %mul3A_264, %add3A_265 : i32
        %dma_wait3A_267 = arith.constant 0 : i32
        %dma_wait3A_268 = arith.constant 0 : i32
        %dma_wait3A_269 = tpu.memref_slice %arg4[%dma_wait3A_267, %dma_wait3A_268] : memref<10240x128xf32, #tpu.memory_space<hbm>> -> memref<10240x128xf32, #tpu.memory_space<hbm>>
        tpu.wait_indirect_dma semaphore(%arg42 : memref<!tpu.dma_semaphore, #tpu.memory_space<semaphore_mem>>) src(%dma_wait3A_269 : memref<10240x128xf32, #tpu.memory_space<hbm>>) dst(%arg29 : memref<80x128xf32, #tpu.memory_space<vmem>>)
        "tpu.region"() ({
          %run_scoped3A = tpu.sem_alloc : memref<!tpu.dma_semaphore, #tpu.memory_space<semaphore_mem>>
          %dma_start3A_430 = arith.constant 0 : i32
          %dma_start3A_431 = arith.constant 0 : i32
          %dma_start3A_432 = tpu.memref_slice %arg33[%dma_start3A_430, %dma_start3A_431] : memref<10240x128xf32, #tpu.memory_space<vmem_shared>> -> memref<10240x128xf32, #tpu.memory_space<vmem_shared>>
          tpu.enqueue_indirect_dma source(%arg29 : memref<80x128xf32, #tpu.memory_space<vmem>>) target(%dma_start3A_432 : memref<10240x128xf32, #tpu.memory_space<vmem_shared>>) offsets(%arg21 : memref<80xi32, #tpu.memory_space<vmem>>) semaphore(%run_scoped3A : memref<!tpu.dma_semaphore, #tpu.memory_space<semaphore_mem>>) {add = true}
          %dma_wait3A_433 = arith.constant 0 : i32
          %dma_wait3A_434 = arith.constant 0 : i32
          %dma_wait3A_435 = tpu.memref_slice %arg33[%dma_wait3A_433, %dma_wait3A_434] : memref<10240x128xf32, #tpu.memory_space<vmem_shared>> -> memref<10240x128xf32, #tpu.memory_space<vmem_shared>>
          tpu.wait_indirect_dma semaphore(%run_scoped3A : memref<!tpu.dma_semaphore, #tpu.memory_space<semaphore_mem>>) src(%arg29 : memref<80x128xf32, #tpu.memory_space<vmem>>) dst(%dma_wait3A_435 : memref<10240x128xf32, #tpu.memory_space<vmem_shared>>)
          tpu.yield
        }) : () -> ()
        %add3A_270 = arith.constant 8 : i32
        %add3A_271 = arith.addi %add3A_266, %add3A_270 : i32
        %lt3A = arith.constant 128 : i32
        %lt3A_272 = arith.cmpi slt, %add3A_271, %lt3A : i32
        %convert_element_type3A_273 = arith.extui %lt3A_272 : i1 to i32
        %cond3A_274 = arith.constant 0 : i32
        %cond3A_275 = arith.cmpi ne, %convert_element_type3A_273, %cond3A_274 : i32
        scf.if %cond3A_275 {
          %mul3A_430 = arith.constant 10240 : i32
          %mul3A_431 = arith.muli %arg1, %mul3A_430 : i32
          %mul3A_432 = arith.constant 80 : i32
          %mul3A_433 = arith.muli %add3A_271, %mul3A_432 : i32
          %add3A_434 = arith.addi %mul3A_431, %mul3A_433 : i32
          %multiple_of3A_435 = tpu.assume_multiple %add3A_434, 8 : i32
          %dma_start3A_436 = tpu.memref_slice %arg3[%multiple_of3A_435] : memref<163840xi32, #tpu.memory_space<hbm>> -> memref<80xi32, #tpu.memory_space<hbm>>
          %dma_start3A_437 = tpu.memref_slice %arg3[%multiple_of3A_435] : memref<163840xi32, #tpu.memory_space<hbm>> -> memref<80xi32, #tpu.memory_space<hbm>>
          tpu.enqueue_dma source(%dma_start3A_437 : memref<80xi32, #tpu.memory_space<hbm>>) target(%arg13 : memref<80xi32, #tpu.memory_space<vmem>>) target_semaphore(%arg34 : memref<!tpu.dma_semaphore, #tpu.memory_space<semaphore_mem>>)
          %dma_start3A_438 = tpu.memref_slice %arg2[%multiple_of3A_435] : memref<163840xi32, #tpu.memory_space<hbm>> -> memref<80xi32, #tpu.memory_space<hbm>>
          %dma_start3A_439 = tpu.memref_slice %arg2[%multiple_of3A_435] : memref<163840xi32, #tpu.memory_space<hbm>> -> memref<80xi32, #tpu.memory_space<hbm>>
          tpu.enqueue_dma source(%dma_start3A_439 : memref<80xi32, #tpu.memory_space<hbm>>) target(%arg21 : memref<80xi32, #tpu.memory_space<vmem>>) target_semaphore(%arg34 : memref<!tpu.dma_semaphore, #tpu.memory_space<semaphore_mem>>)
        } else {
        }
        %add3A_276 = arith.constant 4 : i32
        %add3A_277 = arith.addi %add3A_266, %add3A_276 : i32
        %lt3A_278 = arith.constant 128 : i32
        %lt3A_279 = arith.cmpi slt, %add3A_277, %lt3A_278 : i32
        %convert_element_type3A_280 = arith.extui %lt3A_279 : i1 to i32
        %cond3A_281 = arith.constant 0 : i32
        %cond3A_282 = arith.cmpi ne, %convert_element_type3A_280, %cond3A_281 : i32
        scf.if %cond3A_282 {
          %dma_wait3A_430 = arith.constant 0 : i32
          %dma_wait3A_431 = tpu.memref_slice %arg3[%dma_wait3A_430] : memref<163840xi32, #tpu.memory_space<hbm>> -> memref<80xi32, #tpu.memory_space<hbm>>
          %dma_wait3A_432 = arith.constant 0 : i32
          %dma_wait3A_433 = tpu.memref_slice %arg3[%dma_wait3A_432] : memref<163840xi32, #tpu.memory_space<hbm>> -> memref<80xi32, #tpu.memory_space<hbm>>
          tpu.wait_dma2 semaphore(%arg38 : memref<!tpu.dma_semaphore, #tpu.memory_space<semaphore_mem>>) src(%dma_wait3A_433 : memref<80xi32, #tpu.memory_space<hbm>>) dst(%arg17 : memref<80xi32, #tpu.memory_space<vmem>>)
          %dma_wait3A_434 = arith.constant 0 : i32
          %dma_wait3A_435 = tpu.memref_slice %arg2[%dma_wait3A_434] : memref<163840xi32, #tpu.memory_space<hbm>> -> memref<80xi32, #tpu.memory_space<hbm>>
          %dma_wait3A_436 = arith.constant 0 : i32
          %dma_wait3A_437 = tpu.memref_slice %arg2[%dma_wait3A_436] : memref<163840xi32, #tpu.memory_space<hbm>> -> memref<80xi32, #tpu.memory_space<hbm>>
          tpu.wait_dma2 semaphore(%arg38 : memref<!tpu.dma_semaphore, #tpu.memory_space<semaphore_mem>>) src(%dma_wait3A_437 : memref<80xi32, #tpu.memory_space<hbm>>) dst(%arg25 : memref<80xi32, #tpu.memory_space<vmem>>)
          %dma_start3A_438 = arith.constant 0 : i32
          %dma_start3A_439 = arith.constant 0 : i32
          %dma_start3A_440 = tpu.memref_slice %arg4[%dma_start3A_438, %dma_start3A_439] : memref<10240x128xf32, #tpu.memory_space<hbm>> -> memref<10240x128xf32, #tpu.memory_space<hbm>>
          tpu.enqueue_indirect_dma source(%dma_start3A_440 : memref<10240x128xf32, #tpu.memory_space<hbm>>) target(%arg29 : memref<80x128xf32, #tpu.memory_space<vmem>>) offsets(%arg17 : memref<80xi32, #tpu.memory_space<vmem>>) semaphore(%arg42 : memref<!tpu.dma_semaphore, #tpu.memory_space<semaphore_mem>>)
        } else {
        }
        %mul3A_283 = arith.constant 8 : i32
        %mul3A_284 = arith.muli %scan3A_262, %mul3A_283 : i32
        %add3A_285 = arith.constant 1 : i32
        %add3A_286 = arith.addi %mul3A_284, %add3A_285 : i32
        %dma_wait3A_287 = arith.constant 0 : i32
        %dma_wait3A_288 = arith.constant 0 : i32
        %dma_wait3A_289 = tpu.memref_slice %arg4[%dma_wait3A_287, %dma_wait3A_288] : memref<10240x128xf32, #tpu.memory_space<hbm>> -> memref<10240x128xf32, #tpu.memory_space<hbm>>
        tpu.wait_indirect_dma semaphore(%arg43 : memref<!tpu.dma_semaphore, #tpu.memory_space<semaphore_mem>>) src(%dma_wait3A_289 : memref<10240x128xf32, #tpu.memory_space<hbm>>) dst(%arg30 : memref<80x128xf32, #tpu.memory_space<vmem>>)
        "tpu.region"() ({
          %run_scoped3A = tpu.sem_alloc : memref<!tpu.dma_semaphore, #tpu.memory_space<semaphore_mem>>
          %dma_start3A_430 = arith.constant 0 : i32
          %dma_start3A_431 = arith.constant 0 : i32
          %dma_start3A_432 = tpu.memref_slice %arg33[%dma_start3A_430, %dma_start3A_431] : memref<10240x128xf32, #tpu.memory_space<vmem_shared>> -> memref<10240x128xf32, #tpu.memory_space<vmem_shared>>
          tpu.enqueue_indirect_dma source(%arg30 : memref<80x128xf32, #tpu.memory_space<vmem>>) target(%dma_start3A_432 : memref<10240x128xf32, #tpu.memory_space<vmem_shared>>) offsets(%arg22 : memref<80xi32, #tpu.memory_space<vmem>>) semaphore(%run_scoped3A : memref<!tpu.dma_semaphore, #tpu.memory_space<semaphore_mem>>) {add = true}
          %dma_wait3A_433 = arith.constant 0 : i32
          %dma_wait3A_434 = arith.constant 0 : i32
          %dma_wait3A_435 = tpu.memref_slice %arg33[%dma_wait3A_433, %dma_wait3A_434] : memref<10240x128xf32, #tpu.memory_space<vmem_shared>> -> memref<10240x128xf32, #tpu.memory_space<vmem_shared>>
          tpu.wait_indirect_dma semaphore(%run_scoped3A : memref<!tpu.dma_semaphore, #tpu.memory_space<semaphore_mem>>) src(%arg30 : memref<80x128xf32, #tpu.memory_space<vmem>>) dst(%dma_wait3A_435 : memref<10240x128xf32, #tpu.memory_space<vmem_shared>>)
          tpu.yield
        }) : () -> ()
        %add3A_290 = arith.constant 8 : i32
        %add3A_291 = arith.addi %add3A_286, %add3A_290 : i32
        %lt3A_292 = arith.constant 128 : i32
        %lt3A_293 = arith.cmpi slt, %add3A_291, %lt3A_292 : i32
        %convert_element_type3A_294 = arith.extui %lt3A_293 : i1 to i32
        %cond3A_295 = arith.constant 0 : i32
        %cond3A_296 = arith.cmpi ne, %convert_element_type3A_294, %cond3A_295 : i32
        scf.if %cond3A_296 {
          %mul3A_430 = arith.constant 10240 : i32
          %mul3A_431 = arith.muli %arg1, %mul3A_430 : i32
          %mul3A_432 = arith.constant 80 : i32
          %mul3A_433 = arith.muli %add3A_291, %mul3A_432 : i32
          %add3A_434 = arith.addi %mul3A_431, %mul3A_433 : i32
          %multiple_of3A_435 = tpu.assume_multiple %add3A_434, 8 : i32
          %dma_start3A_436 = tpu.memref_slice %arg3[%multiple_of3A_435] : memref<163840xi32, #tpu.memory_space<hbm>> -> memref<80xi32, #tpu.memory_space<hbm>>
          %dma_start3A_437 = tpu.memref_slice %arg3[%multiple_of3A_435] : memref<163840xi32, #tpu.memory_space<hbm>> -> memref<80xi32, #tpu.memory_space<hbm>>
          tpu.enqueue_dma source(%dma_start3A_437 : memref<80xi32, #tpu.memory_space<hbm>>) target(%arg14 : memref<80xi32, #tpu.memory_space<vmem>>) target_semaphore(%arg35 : memref<!tpu.dma_semaphore, #tpu.memory_space<semaphore_mem>>)
          %dma_start3A_438 = tpu.memref_slice %arg2[%multiple_of3A_435] : memref<163840xi32, #tpu.memory_space<hbm>> -> memref<80xi32, #tpu.memory_space<hbm>>
          %dma_start3A_439 = tpu.memref_slice %arg2[%multiple_of3A_435] : memref<163840xi32, #tpu.memory_space<hbm>> -> memref<80xi32, #tpu.memory_space<hbm>>
          tpu.enqueue_dma source(%dma_start3A_439 : memref<80xi32, #tpu.memory_space<hbm>>) target(%arg22 : memref<80xi32, #tpu.memory_space<vmem>>) target_semaphore(%arg35 : memref<!tpu.dma_semaphore, #tpu.memory_space<semaphore_mem>>)
        } else {
        }
        %add3A_297 = arith.constant 4 : i32
        %add3A_298 = arith.addi %add3A_286, %add3A_297 : i32
        %lt3A_299 = arith.constant 128 : i32
        %lt3A_300 = arith.cmpi slt, %add3A_298, %lt3A_299 : i32
        %convert_element_type3A_301 = arith.extui %lt3A_300 : i1 to i32
        %cond3A_302 = arith.constant 0 : i32
        %cond3A_303 = arith.cmpi ne, %convert_element_type3A_301, %cond3A_302 : i32
        scf.if %cond3A_303 {
          %dma_wait3A_430 = arith.constant 0 : i32
          %dma_wait3A_431 = tpu.memref_slice %arg3[%dma_wait3A_430] : memref<163840xi32, #tpu.memory_space<hbm>> -> memref<80xi32, #tpu.memory_space<hbm>>
          %dma_wait3A_432 = arith.constant 0 : i32
          %dma_wait3A_433 = tpu.memref_slice %arg3[%dma_wait3A_432] : memref<163840xi32, #tpu.memory_space<hbm>> -> memref<80xi32, #tpu.memory_space<hbm>>
          tpu.wait_dma2 semaphore(%arg39 : memref<!tpu.dma_semaphore, #tpu.memory_space<semaphore_mem>>) src(%dma_wait3A_433 : memref<80xi32, #tpu.memory_space<hbm>>) dst(%arg18 : memref<80xi32, #tpu.memory_space<vmem>>)
          %dma_wait3A_434 = arith.constant 0 : i32
          %dma_wait3A_435 = tpu.memref_slice %arg2[%dma_wait3A_434] : memref<163840xi32, #tpu.memory_space<hbm>> -> memref<80xi32, #tpu.memory_space<hbm>>
          %dma_wait3A_436 = arith.constant 0 : i32
          %dma_wait3A_437 = tpu.memref_slice %arg2[%dma_wait3A_436] : memref<163840xi32, #tpu.memory_space<hbm>> -> memref<80xi32, #tpu.memory_space<hbm>>
          tpu.wait_dma2 semaphore(%arg39 : memref<!tpu.dma_semaphore, #tpu.memory_space<semaphore_mem>>) src(%dma_wait3A_437 : memref<80xi32, #tpu.memory_space<hbm>>) dst(%arg26 : memref<80xi32, #tpu.memory_space<vmem>>)
          %dma_start3A_438 = arith.constant 0 : i32
          %dma_start3A_439 = arith.constant 0 : i32
          %dma_start3A_440 = tpu.memref_slice %arg4[%dma_start3A_438, %dma_start3A_439] : memref<10240x128xf32, #tpu.memory_space<hbm>> -> memref<10240x128xf32, #tpu.memory_space<hbm>>
          tpu.enqueue_indirect_dma source(%dma_start3A_440 : memref<10240x128xf32, #tpu.memory_space<hbm>>) target(%arg30 : memref<80x128xf32, #tpu.memory_space<vmem>>) offsets(%arg18 : memref<80xi32, #tpu.memory_space<vmem>>) semaphore(%arg43 : memref<!tpu.dma_semaphore, #tpu.memory_space<semaphore_mem>>)
        } else {
        }
        %mul3A_304 = arith.constant 8 : i32
        %mul3A_305 = arith.muli %scan3A_262, %mul3A_304 : i32
        %add3A_306 = arith.constant 2 : i32
        %add3A_307 = arith.addi %mul3A_305, %add3A_306 : i32
        %dma_wait3A_308 = arith.constant 0 : i32
        %dma_wait3A_309 = arith.constant 0 : i32
        %dma_wait3A_310 = tpu.memref_slice %arg4[%dma_wait3A_308, %dma_wait3A_309] : memref<10240x128xf32, #tpu.memory_space<hbm>> -> memref<10240x128xf32, #tpu.memory_space<hbm>>
        tpu.wait_indirect_dma semaphore(%arg44 : memref<!tpu.dma_semaphore, #tpu.memory_space<semaphore_mem>>) src(%dma_wait3A_310 : memref<10240x128xf32, #tpu.memory_space<hbm>>) dst(%arg31 : memref<80x128xf32, #tpu.memory_space<vmem>>)
        "tpu.region"() ({
          %run_scoped3A = tpu.sem_alloc : memref<!tpu.dma_semaphore, #tpu.memory_space<semaphore_mem>>
          %dma_start3A_430 = arith.constant 0 : i32
          %dma_start3A_431 = arith.constant 0 : i32
          %dma_start3A_432 = tpu.memref_slice %arg33[%dma_start3A_430, %dma_start3A_431] : memref<10240x128xf32, #tpu.memory_space<vmem_shared>> -> memref<10240x128xf32, #tpu.memory_space<vmem_shared>>
          tpu.enqueue_indirect_dma source(%arg31 : memref<80x128xf32, #tpu.memory_space<vmem>>) target(%dma_start3A_432 : memref<10240x128xf32, #tpu.memory_space<vmem_shared>>) offsets(%arg23 : memref<80xi32, #tpu.memory_space<vmem>>) semaphore(%run_scoped3A : memref<!tpu.dma_semaphore, #tpu.memory_space<semaphore_mem>>) {add = true}
          %dma_wait3A_433 = arith.constant 0 : i32
          %dma_wait3A_434 = arith.constant 0 : i32
          %dma_wait3A_435 = tpu.memref_slice %arg33[%dma_wait3A_433, %dma_wait3A_434] : memref<10240x128xf32, #tpu.memory_space<vmem_shared>> -> memref<10240x128xf32, #tpu.memory_space<vmem_shared>>
          tpu.wait_indirect_dma semaphore(%run_scoped3A : memref<!tpu.dma_semaphore, #tpu.memory_space<semaphore_mem>>) src(%arg31 : memref<80x128xf32, #tpu.memory_space<vmem>>) dst(%dma_wait3A_435 : memref<10240x128xf32, #tpu.memory_space<vmem_shared>>)
          tpu.yield
        }) : () -> ()
        %add3A_311 = arith.constant 8 : i32
        %add3A_312 = arith.addi %add3A_307, %add3A_311 : i32
        %lt3A_313 = arith.constant 128 : i32
        %lt3A_314 = arith.cmpi slt, %add3A_312, %lt3A_313 : i32
        %convert_element_type3A_315 = arith.extui %lt3A_314 : i1 to i32
        %cond3A_316 = arith.constant 0 : i32
        %cond3A_317 = arith.cmpi ne, %convert_element_type3A_315, %cond3A_316 : i32
        scf.if %cond3A_317 {
          %mul3A_430 = arith.constant 10240 : i32
          %mul3A_431 = arith.muli %arg1, %mul3A_430 : i32
          %mul3A_432 = arith.constant 80 : i32
          %mul3A_433 = arith.muli %add3A_312, %mul3A_432 : i32
          %add3A_434 = arith.addi %mul3A_431, %mul3A_433 : i32
          %multiple_of3A_435 = tpu.assume_multiple %add3A_434, 8 : i32
          %dma_start3A_436 = tpu.memref_slice %arg3[%multiple_of3A_435] : memref<163840xi32, #tpu.memory_space<hbm>> -> memref<80xi32, #tpu.memory_space<hbm>>
          %dma_start3A_437 = tpu.memref_slice %arg3[%multiple_of3A_435] : memref<163840xi32, #tpu.memory_space<hbm>> -> memref<80xi32, #tpu.memory_space<hbm>>
          tpu.enqueue_dma source(%dma_start3A_437 : memref<80xi32, #tpu.memory_space<hbm>>) target(%arg15 : memref<80xi32, #tpu.memory_space<vmem>>) target_semaphore(%arg36 : memref<!tpu.dma_semaphore, #tpu.memory_space<semaphore_mem>>)
          %dma_start3A_438 = tpu.memref_slice %arg2[%multiple_of3A_435] : memref<163840xi32, #tpu.memory_space<hbm>> -> memref<80xi32, #tpu.memory_space<hbm>>
          %dma_start3A_439 = tpu.memref_slice %arg2[%multiple_of3A_435] : memref<163840xi32, #tpu.memory_space<hbm>> -> memref<80xi32, #tpu.memory_space<hbm>>
          tpu.enqueue_dma source(%dma_start3A_439 : memref<80xi32, #tpu.memory_space<hbm>>) target(%arg23 : memref<80xi32, #tpu.memory_space<vmem>>) target_semaphore(%arg36 : memref<!tpu.dma_semaphore, #tpu.memory_space<semaphore_mem>>)
        } else {
        }
        %add3A_318 = arith.constant 4 : i32
        %add3A_319 = arith.addi %add3A_307, %add3A_318 : i32
        %lt3A_320 = arith.constant 128 : i32
        %lt3A_321 = arith.cmpi slt, %add3A_319, %lt3A_320 : i32
        %convert_element_type3A_322 = arith.extui %lt3A_321 : i1 to i32
        %cond3A_323 = arith.constant 0 : i32
        %cond3A_324 = arith.cmpi ne, %convert_element_type3A_322, %cond3A_323 : i32
        scf.if %cond3A_324 {
          %dma_wait3A_430 = arith.constant 0 : i32
          %dma_wait3A_431 = tpu.memref_slice %arg3[%dma_wait3A_430] : memref<163840xi32, #tpu.memory_space<hbm>> -> memref<80xi32, #tpu.memory_space<hbm>>
          %dma_wait3A_432 = arith.constant 0 : i32
          %dma_wait3A_433 = tpu.memref_slice %arg3[%dma_wait3A_432] : memref<163840xi32, #tpu.memory_space<hbm>> -> memref<80xi32, #tpu.memory_space<hbm>>
          tpu.wait_dma2 semaphore(%arg40 : memref<!tpu.dma_semaphore, #tpu.memory_space<semaphore_mem>>) src(%dma_wait3A_433 : memref<80xi32, #tpu.memory_space<hbm>>) dst(%arg19 : memref<80xi32, #tpu.memory_space<vmem>>)
          %dma_wait3A_434 = arith.constant 0 : i32
          %dma_wait3A_435 = tpu.memref_slice %arg2[%dma_wait3A_434] : memref<163840xi32, #tpu.memory_space<hbm>> -> memref<80xi32, #tpu.memory_space<hbm>>
          %dma_wait3A_436 = arith.constant 0 : i32
          %dma_wait3A_437 = tpu.memref_slice %arg2[%dma_wait3A_436] : memref<163840xi32, #tpu.memory_space<hbm>> -> memref<80xi32, #tpu.memory_space<hbm>>
          tpu.wait_dma2 semaphore(%arg40 : memref<!tpu.dma_semaphore, #tpu.memory_space<semaphore_mem>>) src(%dma_wait3A_437 : memref<80xi32, #tpu.memory_space<hbm>>) dst(%arg27 : memref<80xi32, #tpu.memory_space<vmem>>)
          %dma_start3A_438 = arith.constant 0 : i32
          %dma_start3A_439 = arith.constant 0 : i32
          %dma_start3A_440 = tpu.memref_slice %arg4[%dma_start3A_438, %dma_start3A_439] : memref<10240x128xf32, #tpu.memory_space<hbm>> -> memref<10240x128xf32, #tpu.memory_space<hbm>>
          tpu.enqueue_indirect_dma source(%dma_start3A_440 : memref<10240x128xf32, #tpu.memory_space<hbm>>) target(%arg31 : memref<80x128xf32, #tpu.memory_space<vmem>>) offsets(%arg19 : memref<80xi32, #tpu.memory_space<vmem>>) semaphore(%arg44 : memref<!tpu.dma_semaphore, #tpu.memory_space<semaphore_mem>>)
        } else {
        }
        %mul3A_325 = arith.constant 8 : i32
        %mul3A_326 = arith.muli %scan3A_262, %mul3A_325 : i32
        %add3A_327 = arith.constant 3 : i32
        %add3A_328 = arith.addi %mul3A_326, %add3A_327 : i32
        %dma_wait3A_329 = arith.constant 0 : i32
        %dma_wait3A_330 = arith.constant 0 : i32
        %dma_wait3A_331 = tpu.memref_slice %arg4[%dma_wait3A_329, %dma_wait3A_330] : memref<10240x128xf32, #tpu.memory_space<hbm>> -> memref<10240x128xf32, #tpu.memory_space<hbm>>
        tpu.wait_indirect_dma semaphore(%arg45 : memref<!tpu.dma_semaphore, #tpu.memory_space<semaphore_mem>>) src(%dma_wait3A_331 : memref<10240x128xf32, #tpu.memory_space<hbm>>) dst(%arg32 : memref<80x128xf32, #tpu.memory_space<vmem>>)
        "tpu.region"() ({
          %run_scoped3A = tpu.sem_alloc : memref<!tpu.dma_semaphore, #tpu.memory_space<semaphore_mem>>
          %dma_start3A_430 = arith.constant 0 : i32
          %dma_start3A_431 = arith.constant 0 : i32
          %dma_start3A_432 = tpu.memref_slice %arg33[%dma_start3A_430, %dma_start3A_431] : memref<10240x128xf32, #tpu.memory_space<vmem_shared>> -> memref<10240x128xf32, #tpu.memory_space<vmem_shared>>
          tpu.enqueue_indirect_dma source(%arg32 : memref<80x128xf32, #tpu.memory_space<vmem>>) target(%dma_start3A_432 : memref<10240x128xf32, #tpu.memory_space<vmem_shared>>) offsets(%arg24 : memref<80xi32, #tpu.memory_space<vmem>>) semaphore(%run_scoped3A : memref<!tpu.dma_semaphore, #tpu.memory_space<semaphore_mem>>) {add = true}
          %dma_wait3A_433 = arith.constant 0 : i32
          %dma_wait3A_434 = arith.constant 0 : i32
          %dma_wait3A_435 = tpu.memref_slice %arg33[%dma_wait3A_433, %dma_wait3A_434] : memref<10240x128xf32, #tpu.memory_space<vmem_shared>> -> memref<10240x128xf32, #tpu.memory_space<vmem_shared>>
          tpu.wait_indirect_dma semaphore(%run_scoped3A : memref<!tpu.dma_semaphore, #tpu.memory_space<semaphore_mem>>) src(%arg32 : memref<80x128xf32, #tpu.memory_space<vmem>>) dst(%dma_wait3A_435 : memref<10240x128xf32, #tpu.memory_space<vmem_shared>>)
          tpu.yield
        }) : () -> ()
        %add3A_332 = arith.constant 8 : i32
        %add3A_333 = arith.addi %add3A_328, %add3A_332 : i32
        %lt3A_334 = arith.constant 128 : i32
        %lt3A_335 = arith.cmpi slt, %add3A_333, %lt3A_334 : i32
        %convert_element_type3A_336 = arith.extui %lt3A_335 : i1 to i32
        %cond3A_337 = arith.constant 0 : i32
        %cond3A_338 = arith.cmpi ne, %convert_element_type3A_336, %cond3A_337 : i32
        scf.if %cond3A_338 {
          %mul3A_430 = arith.constant 10240 : i32
          %mul3A_431 = arith.muli %arg1, %mul3A_430 : i32
          %mul3A_432 = arith.constant 80 : i32
          %mul3A_433 = arith.muli %add3A_333, %mul3A_432 : i32
          %add3A_434 = arith.addi %mul3A_431, %mul3A_433 : i32
          %multiple_of3A_435 = tpu.assume_multiple %add3A_434, 8 : i32
          %dma_start3A_436 = tpu.memref_slice %arg3[%multiple_of3A_435] : memref<163840xi32, #tpu.memory_space<hbm>> -> memref<80xi32, #tpu.memory_space<hbm>>
          %dma_start3A_437 = tpu.memref_slice %arg3[%multiple_of3A_435] : memref<163840xi32, #tpu.memory_space<hbm>> -> memref<80xi32, #tpu.memory_space<hbm>>
          tpu.enqueue_dma source(%dma_start3A_437 : memref<80xi32, #tpu.memory_space<hbm>>) target(%arg16 : memref<80xi32, #tpu.memory_space<vmem>>) target_semaphore(%arg37 : memref<!tpu.dma_semaphore, #tpu.memory_space<semaphore_mem>>)
          %dma_start3A_438 = tpu.memref_slice %arg2[%multiple_of3A_435] : memref<163840xi32, #tpu.memory_space<hbm>> -> memref<80xi32, #tpu.memory_space<hbm>>
          %dma_start3A_439 = tpu.memref_slice %arg2[%multiple_of3A_435] : memref<163840xi32, #tpu.memory_space<hbm>> -> memref<80xi32, #tpu.memory_space<hbm>>
          tpu.enqueue_dma source(%dma_start3A_439 : memref<80xi32, #tpu.memory_space<hbm>>) target(%arg24 : memref<80xi32, #tpu.memory_space<vmem>>) target_semaphore(%arg37 : memref<!tpu.dma_semaphore, #tpu.memory_space<semaphore_mem>>)
        } else {
        }
        %add3A_339 = arith.constant 4 : i32
        %add3A_340 = arith.addi %add3A_328, %add3A_339 : i32
        %lt3A_341 = arith.constant 128 : i32
        %lt3A_342 = arith.cmpi slt, %add3A_340, %lt3A_341 : i32
        %convert_element_type3A_343 = arith.extui %lt3A_342 : i1 to i32
        %cond3A_344 = arith.constant 0 : i32
        %cond3A_345 = arith.cmpi ne, %convert_element_type3A_343, %cond3A_344 : i32
        scf.if %cond3A_345 {
          %dma_wait3A_430 = arith.constant 0 : i32
          %dma_wait3A_431 = tpu.memref_slice %arg3[%dma_wait3A_430] : memref<163840xi32, #tpu.memory_space<hbm>> -> memref<80xi32, #tpu.memory_space<hbm>>
          %dma_wait3A_432 = arith.constant 0 : i32
          %dma_wait3A_433 = tpu.memref_slice %arg3[%dma_wait3A_432] : memref<163840xi32, #tpu.memory_space<hbm>> -> memref<80xi32, #tpu.memory_space<hbm>>
          tpu.wait_dma2 semaphore(%arg41 : memref<!tpu.dma_semaphore, #tpu.memory_space<semaphore_mem>>) src(%dma_wait3A_433 : memref<80xi32, #tpu.memory_space<hbm>>) dst(%arg20 : memref<80xi32, #tpu.memory_space<vmem>>)
          %dma_wait3A_434 = arith.constant 0 : i32
          %dma_wait3A_435 = tpu.memref_slice %arg2[%dma_wait3A_434] : memref<163840xi32, #tpu.memory_space<hbm>> -> memref<80xi32, #tpu.memory_space<hbm>>
          %dma_wait3A_436 = arith.constant 0 : i32
          %dma_wait3A_437 = tpu.memref_slice %arg2[%dma_wait3A_436] : memref<163840xi32, #tpu.memory_space<hbm>> -> memref<80xi32, #tpu.memory_space<hbm>>
          tpu.wait_dma2 semaphore(%arg41 : memref<!tpu.dma_semaphore, #tpu.memory_space<semaphore_mem>>) src(%dma_wait3A_437 : memref<80xi32, #tpu.memory_space<hbm>>) dst(%arg28 : memref<80xi32, #tpu.memory_space<vmem>>)
          %dma_start3A_438 = arith.constant 0 : i32
          %dma_start3A_439 = arith.constant 0 : i32
          %dma_start3A_440 = tpu.memref_slice %arg4[%dma_start3A_438, %dma_start3A_439] : memref<10240x128xf32, #tpu.memory_space<hbm>> -> memref<10240x128xf32, #tpu.memory_space<hbm>>
          tpu.enqueue_indirect_dma source(%dma_start3A_440 : memref<10240x128xf32, #tpu.memory_space<hbm>>) target(%arg32 : memref<80x128xf32, #tpu.memory_space<vmem>>) offsets(%arg20 : memref<80xi32, #tpu.memory_space<vmem>>) semaphore(%arg45 : memref<!tpu.dma_semaphore, #tpu.memory_space<semaphore_mem>>)
        } else {
        }
        %mul3A_346 = arith.constant 8 : i32
        %mul3A_347 = arith.muli %scan3A_262, %mul3A_346 : i32
        %add3A_348 = arith.constant 4 : i32
        %add3A_349 = arith.addi %mul3A_347, %add3A_348 : i32
        %dma_wait3A_350 = arith.constant 0 : i32
        %dma_wait3A_351 = arith.constant 0 : i32
        %dma_wait3A_352 = tpu.memref_slice %arg4[%dma_wait3A_350, %dma_wait3A_351] : memref<10240x128xf32, #tpu.memory_space<hbm>> -> memref<10240x128xf32, #tpu.memory_space<hbm>>
        tpu.wait_indirect_dma semaphore(%arg42 : memref<!tpu.dma_semaphore, #tpu.memory_space<semaphore_mem>>) src(%dma_wait3A_352 : memref<10240x128xf32, #tpu.memory_space<hbm>>) dst(%arg29 : memref<80x128xf32, #tpu.memory_space<vmem>>)
        "tpu.region"() ({
          %run_scoped3A = tpu.sem_alloc : memref<!tpu.dma_semaphore, #tpu.memory_space<semaphore_mem>>
          %dma_start3A_430 = arith.constant 0 : i32
          %dma_start3A_431 = arith.constant 0 : i32
          %dma_start3A_432 = tpu.memref_slice %arg33[%dma_start3A_430, %dma_start3A_431] : memref<10240x128xf32, #tpu.memory_space<vmem_shared>> -> memref<10240x128xf32, #tpu.memory_space<vmem_shared>>
          tpu.enqueue_indirect_dma source(%arg29 : memref<80x128xf32, #tpu.memory_space<vmem>>) target(%dma_start3A_432 : memref<10240x128xf32, #tpu.memory_space<vmem_shared>>) offsets(%arg25 : memref<80xi32, #tpu.memory_space<vmem>>) semaphore(%run_scoped3A : memref<!tpu.dma_semaphore, #tpu.memory_space<semaphore_mem>>) {add = true}
          %dma_wait3A_433 = arith.constant 0 : i32
          %dma_wait3A_434 = arith.constant 0 : i32
          %dma_wait3A_435 = tpu.memref_slice %arg33[%dma_wait3A_433, %dma_wait3A_434] : memref<10240x128xf32, #tpu.memory_space<vmem_shared>> -> memref<10240x128xf32, #tpu.memory_space<vmem_shared>>
          tpu.wait_indirect_dma semaphore(%run_scoped3A : memref<!tpu.dma_semaphore, #tpu.memory_space<semaphore_mem>>) src(%arg29 : memref<80x128xf32, #tpu.memory_space<vmem>>) dst(%dma_wait3A_435 : memref<10240x128xf32, #tpu.memory_space<vmem_shared>>)
          tpu.yield
        }) : () -> ()
        %add3A_353 = arith.constant 8 : i32
        %add3A_354 = arith.addi %add3A_349, %add3A_353 : i32
        %lt3A_355 = arith.constant 128 : i32
        %lt3A_356 = arith.cmpi slt, %add3A_354, %lt3A_355 : i32
        %convert_element_type3A_357 = arith.extui %lt3A_356 : i1 to i32
        %cond3A_358 = arith.constant 0 : i32
        %cond3A_359 = arith.cmpi ne, %convert_element_type3A_357, %cond3A_358 : i32
        scf.if %cond3A_359 {
          %mul3A_430 = arith.constant 10240 : i32
          %mul3A_431 = arith.muli %arg1, %mul3A_430 : i32
          %mul3A_432 = arith.constant 80 : i32
          %mul3A_433 = arith.muli %add3A_354, %mul3A_432 : i32
          %add3A_434 = arith.addi %mul3A_431, %mul3A_433 : i32
          %multiple_of3A_435 = tpu.assume_multiple %add3A_434, 8 : i32
          %dma_start3A_436 = tpu.memref_slice %arg3[%multiple_of3A_435] : memref<163840xi32, #tpu.memory_space<hbm>> -> memref<80xi32, #tpu.memory_space<hbm>>
          %dma_start3A_437 = tpu.memref_slice %arg3[%multiple_of3A_435] : memref<163840xi32, #tpu.memory_space<hbm>> -> memref<80xi32, #tpu.memory_space<hbm>>
          tpu.enqueue_dma source(%dma_start3A_437 : memref<80xi32, #tpu.memory_space<hbm>>) target(%arg17 : memref<80xi32, #tpu.memory_space<vmem>>) target_semaphore(%arg38 : memref<!tpu.dma_semaphore, #tpu.memory_space<semaphore_mem>>)
          %dma_start3A_438 = tpu.memref_slice %arg2[%multiple_of3A_435] : memref<163840xi32, #tpu.memory_space<hbm>> -> memref<80xi32, #tpu.memory_space<hbm>>
          %dma_start3A_439 = tpu.memref_slice %arg2[%multiple_of3A_435] : memref<163840xi32, #tpu.memory_space<hbm>> -> memref<80xi32, #tpu.memory_space<hbm>>
          tpu.enqueue_dma source(%dma_start3A_439 : memref<80xi32, #tpu.memory_space<hbm>>) target(%arg25 : memref<80xi32, #tpu.memory_space<vmem>>) target_semaphore(%arg38 : memref<!tpu.dma_semaphore, #tpu.memory_space<semaphore_mem>>)
        } else {
        }
        %add3A_360 = arith.constant 4 : i32
        %add3A_361 = arith.addi %add3A_349, %add3A_360 : i32
        %lt3A_362 = arith.constant 128 : i32
        %lt3A_363 = arith.cmpi slt, %add3A_361, %lt3A_362 : i32
        %convert_element_type3A_364 = arith.extui %lt3A_363 : i1 to i32
        %cond3A_365 = arith.constant 0 : i32
        %cond3A_366 = arith.cmpi ne, %convert_element_type3A_364, %cond3A_365 : i32
        scf.if %cond3A_366 {
          %dma_wait3A_430 = arith.constant 0 : i32
          %dma_wait3A_431 = tpu.memref_slice %arg3[%dma_wait3A_430] : memref<163840xi32, #tpu.memory_space<hbm>> -> memref<80xi32, #tpu.memory_space<hbm>>
          %dma_wait3A_432 = arith.constant 0 : i32
          %dma_wait3A_433 = tpu.memref_slice %arg3[%dma_wait3A_432] : memref<163840xi32, #tpu.memory_space<hbm>> -> memref<80xi32, #tpu.memory_space<hbm>>
          tpu.wait_dma2 semaphore(%arg34 : memref<!tpu.dma_semaphore, #tpu.memory_space<semaphore_mem>>) src(%dma_wait3A_433 : memref<80xi32, #tpu.memory_space<hbm>>) dst(%arg13 : memref<80xi32, #tpu.memory_space<vmem>>)
          %dma_wait3A_434 = arith.constant 0 : i32
          %dma_wait3A_435 = tpu.memref_slice %arg2[%dma_wait3A_434] : memref<163840xi32, #tpu.memory_space<hbm>> -> memref<80xi32, #tpu.memory_space<hbm>>
          %dma_wait3A_436 = arith.constant 0 : i32
          %dma_wait3A_437 = tpu.memref_slice %arg2[%dma_wait3A_436] : memref<163840xi32, #tpu.memory_space<hbm>> -> memref<80xi32, #tpu.memory_space<hbm>>
          tpu.wait_dma2 semaphore(%arg34 : memref<!tpu.dma_semaphore, #tpu.memory_space<semaphore_mem>>) src(%dma_wait3A_437 : memref<80xi32, #tpu.memory_space<hbm>>) dst(%arg21 : memref<80xi32, #tpu.memory_space<vmem>>)
          %dma_start3A_438 = arith.constant 0 : i32
          %dma_start3A_439 = arith.constant 0 : i32
          %dma_start3A_440 = tpu.memref_slice %arg4[%dma_start3A_438, %dma_start3A_439] : memref<10240x128xf32, #tpu.memory_space<hbm>> -> memref<10240x128xf32, #tpu.memory_space<hbm>>
          tpu.enqueue_indirect_dma source(%dma_start3A_440 : memref<10240x128xf32, #tpu.memory_space<hbm>>) target(%arg29 : memref<80x128xf32, #tpu.memory_space<vmem>>) offsets(%arg13 : memref<80xi32, #tpu.memory_space<vmem>>) semaphore(%arg42 : memref<!tpu.dma_semaphore, #tpu.memory_space<semaphore_mem>>)
        } else {
        }
        %mul3A_367 = arith.constant 8 : i32
        %mul3A_368 = arith.muli %scan3A_262, %mul3A_367 : i32
        %add3A_369 = arith.constant 5 : i32
        %add3A_370 = arith.addi %mul3A_368, %add3A_369 : i32
        %dma_wait3A_371 = arith.constant 0 : i32
        %dma_wait3A_372 = arith.constant 0 : i32
        %dma_wait3A_373 = tpu.memref_slice %arg4[%dma_wait3A_371, %dma_wait3A_372] : memref<10240x128xf32, #tpu.memory_space<hbm>> -> memref<10240x128xf32, #tpu.memory_space<hbm>>
        tpu.wait_indirect_dma semaphore(%arg43 : memref<!tpu.dma_semaphore, #tpu.memory_space<semaphore_mem>>) src(%dma_wait3A_373 : memref<10240x128xf32, #tpu.memory_space<hbm>>) dst(%arg30 : memref<80x128xf32, #tpu.memory_space<vmem>>)
        "tpu.region"() ({
          %run_scoped3A = tpu.sem_alloc : memref<!tpu.dma_semaphore, #tpu.memory_space<semaphore_mem>>
          %dma_start3A_430 = arith.constant 0 : i32
          %dma_start3A_431 = arith.constant 0 : i32
          %dma_start3A_432 = tpu.memref_slice %arg33[%dma_start3A_430, %dma_start3A_431] : memref<10240x128xf32, #tpu.memory_space<vmem_shared>> -> memref<10240x128xf32, #tpu.memory_space<vmem_shared>>
          tpu.enqueue_indirect_dma source(%arg30 : memref<80x128xf32, #tpu.memory_space<vmem>>) target(%dma_start3A_432 : memref<10240x128xf32, #tpu.memory_space<vmem_shared>>) offsets(%arg26 : memref<80xi32, #tpu.memory_space<vmem>>) semaphore(%run_scoped3A : memref<!tpu.dma_semaphore, #tpu.memory_space<semaphore_mem>>) {add = true}
          %dma_wait3A_433 = arith.constant 0 : i32
          %dma_wait3A_434 = arith.constant 0 : i32
          %dma_wait3A_435 = tpu.memref_slice %arg33[%dma_wait3A_433, %dma_wait3A_434] : memref<10240x128xf32, #tpu.memory_space<vmem_shared>> -> memref<10240x128xf32, #tpu.memory_space<vmem_shared>>
          tpu.wait_indirect_dma semaphore(%run_scoped3A : memref<!tpu.dma_semaphore, #tpu.memory_space<semaphore_mem>>) src(%arg30 : memref<80x128xf32, #tpu.memory_space<vmem>>) dst(%dma_wait3A_435 : memref<10240x128xf32, #tpu.memory_space<vmem_shared>>)
          tpu.yield
        }) : () -> ()
        %add3A_374 = arith.constant 8 : i32
        %add3A_375 = arith.addi %add3A_370, %add3A_374 : i32
        %lt3A_376 = arith.constant 128 : i32
        %lt3A_377 = arith.cmpi slt, %add3A_375, %lt3A_376 : i32
        %convert_element_type3A_378 = arith.extui %lt3A_377 : i1 to i32
        %cond3A_379 = arith.constant 0 : i32
        %cond3A_380 = arith.cmpi ne, %convert_element_type3A_378, %cond3A_379 : i32
        scf.if %cond3A_380 {
          %mul3A_430 = arith.constant 10240 : i32
          %mul3A_431 = arith.muli %arg1, %mul3A_430 : i32
          %mul3A_432 = arith.constant 80 : i32
          %mul3A_433 = arith.muli %add3A_375, %mul3A_432 : i32
          %add3A_434 = arith.addi %mul3A_431, %mul3A_433 : i32
          %multiple_of3A_435 = tpu.assume_multiple %add3A_434, 8 : i32
          %dma_start3A_436 = tpu.memref_slice %arg3[%multiple_of3A_435] : memref<163840xi32, #tpu.memory_space<hbm>> -> memref<80xi32, #tpu.memory_space<hbm>>
          %dma_start3A_437 = tpu.memref_slice %arg3[%multiple_of3A_435] : memref<163840xi32, #tpu.memory_space<hbm>> -> memref<80xi32, #tpu.memory_space<hbm>>
          tpu.enqueue_dma source(%dma_start3A_437 : memref<80xi32, #tpu.memory_space<hbm>>) target(%arg18 : memref<80xi32, #tpu.memory_space<vmem>>) target_semaphore(%arg39 : memref<!tpu.dma_semaphore, #tpu.memory_space<semaphore_mem>>)
          %dma_start3A_438 = tpu.memref_slice %arg2[%multiple_of3A_435] : memref<163840xi32, #tpu.memory_space<hbm>> -> memref<80xi32, #tpu.memory_space<hbm>>
          %dma_start3A_439 = tpu.memref_slice %arg2[%multiple_of3A_435] : memref<163840xi32, #tpu.memory_space<hbm>> -> memref<80xi32, #tpu.memory_space<hbm>>
          tpu.enqueue_dma source(%dma_start3A_439 : memref<80xi32, #tpu.memory_space<hbm>>) target(%arg26 : memref<80xi32, #tpu.memory_space<vmem>>) target_semaphore(%arg39 : memref<!tpu.dma_semaphore, #tpu.memory_space<semaphore_mem>>)
        } else {
        }
        %add3A_381 = arith.constant 4 : i32
        %add3A_382 = arith.addi %add3A_370, %add3A_381 : i32
        %lt3A_383 = arith.constant 128 : i32
        %lt3A_384 = arith.cmpi slt, %add3A_382, %lt3A_383 : i32
        %convert_element_type3A_385 = arith.extui %lt3A_384 : i1 to i32
        %cond3A_386 = arith.constant 0 : i32
        %cond3A_387 = arith.cmpi ne, %convert_element_type3A_385, %cond3A_386 : i32
        scf.if %cond3A_387 {
          %dma_wait3A_430 = arith.constant 0 : i32
          %dma_wait3A_431 = tpu.memref_slice %arg3[%dma_wait3A_430] : memref<163840xi32, #tpu.memory_space<hbm>> -> memref<80xi32, #tpu.memory_space<hbm>>
          %dma_wait3A_432 = arith.constant 0 : i32
          %dma_wait3A_433 = tpu.memref_slice %arg3[%dma_wait3A_432] : memref<163840xi32, #tpu.memory_space<hbm>> -> memref<80xi32, #tpu.memory_space<hbm>>
          tpu.wait_dma2 semaphore(%arg35 : memref<!tpu.dma_semaphore, #tpu.memory_space<semaphore_mem>>) src(%dma_wait3A_433 : memref<80xi32, #tpu.memory_space<hbm>>) dst(%arg14 : memref<80xi32, #tpu.memory_space<vmem>>)
          %dma_wait3A_434 = arith.constant 0 : i32
          %dma_wait3A_435 = tpu.memref_slice %arg2[%dma_wait3A_434] : memref<163840xi32, #tpu.memory_space<hbm>> -> memref<80xi32, #tpu.memory_space<hbm>>
          %dma_wait3A_436 = arith.constant 0 : i32
          %dma_wait3A_437 = tpu.memref_slice %arg2[%dma_wait3A_436] : memref<163840xi32, #tpu.memory_space<hbm>> -> memref<80xi32, #tpu.memory_space<hbm>>
          tpu.wait_dma2 semaphore(%arg35 : memref<!tpu.dma_semaphore, #tpu.memory_space<semaphore_mem>>) src(%dma_wait3A_437 : memref<80xi32, #tpu.memory_space<hbm>>) dst(%arg22 : memref<80xi32, #tpu.memory_space<vmem>>)
          %dma_start3A_438 = arith.constant 0 : i32
          %dma_start3A_439 = arith.constant 0 : i32
          %dma_start3A_440 = tpu.memref_slice %arg4[%dma_start3A_438, %dma_start3A_439] : memref<10240x128xf32, #tpu.memory_space<hbm>> -> memref<10240x128xf32, #tpu.memory_space<hbm>>
          tpu.enqueue_indirect_dma source(%dma_start3A_440 : memref<10240x128xf32, #tpu.memory_space<hbm>>) target(%arg30 : memref<80x128xf32, #tpu.memory_space<vmem>>) offsets(%arg14 : memref<80xi32, #tpu.memory_space<vmem>>) semaphore(%arg43 : memref<!tpu.dma_semaphore, #tpu.memory_space<semaphore_mem>>)
        } else {
        }
        %mul3A_388 = arith.constant 8 : i32
        %mul3A_389 = arith.muli %scan3A_262, %mul3A_388 : i32
        %add3A_390 = arith.constant 6 : i32
        %add3A_391 = arith.addi %mul3A_389, %add3A_390 : i32
        %dma_wait3A_392 = arith.constant 0 : i32
        %dma_wait3A_393 = arith.constant 0 : i32
        %dma_wait3A_394 = tpu.memref_slice %arg4[%dma_wait3A_392, %dma_wait3A_393] : memref<10240x128xf32, #tpu.memory_space<hbm>> -> memref<10240x128xf32, #tpu.memory_space<hbm>>
        tpu.wait_indirect_dma semaphore(%arg44 : memref<!tpu.dma_semaphore, #tpu.memory_space<semaphore_mem>>) src(%dma_wait3A_394 : memref<10240x128xf32, #tpu.memory_space<hbm>>) dst(%arg31 : memref<80x128xf32, #tpu.memory_space<vmem>>)
        "tpu.region"() ({
          %run_scoped3A = tpu.sem_alloc : memref<!tpu.dma_semaphore, #tpu.memory_space<semaphore_mem>>
          %dma_start3A_430 = arith.constant 0 : i32
          %dma_start3A_431 = arith.constant 0 : i32
          %dma_start3A_432 = tpu.memref_slice %arg33[%dma_start3A_430, %dma_start3A_431] : memref<10240x128xf32, #tpu.memory_space<vmem_shared>> -> memref<10240x128xf32, #tpu.memory_space<vmem_shared>>
          tpu.enqueue_indirect_dma source(%arg31 : memref<80x128xf32, #tpu.memory_space<vmem>>) target(%dma_start3A_432 : memref<10240x128xf32, #tpu.memory_space<vmem_shared>>) offsets(%arg27 : memref<80xi32, #tpu.memory_space<vmem>>) semaphore(%run_scoped3A : memref<!tpu.dma_semaphore, #tpu.memory_space<semaphore_mem>>) {add = true}
          %dma_wait3A_433 = arith.constant 0 : i32
          %dma_wait3A_434 = arith.constant 0 : i32
          %dma_wait3A_435 = tpu.memref_slice %arg33[%dma_wait3A_433, %dma_wait3A_434] : memref<10240x128xf32, #tpu.memory_space<vmem_shared>> -> memref<10240x128xf32, #tpu.memory_space<vmem_shared>>
          tpu.wait_indirect_dma semaphore(%run_scoped3A : memref<!tpu.dma_semaphore, #tpu.memory_space<semaphore_mem>>) src(%arg31 : memref<80x128xf32, #tpu.memory_space<vmem>>) dst(%dma_wait3A_435 : memref<10240x128xf32, #tpu.memory_space<vmem_shared>>)
          tpu.yield
        }) : () -> ()
        %add3A_395 = arith.constant 8 : i32
        %add3A_396 = arith.addi %add3A_391, %add3A_395 : i32
        %lt3A_397 = arith.constant 128 : i32
        %lt3A_398 = arith.cmpi slt, %add3A_396, %lt3A_397 : i32
        %convert_element_type3A_399 = arith.extui %lt3A_398 : i1 to i32
        %cond3A_400 = arith.constant 0 : i32
        %cond3A_401 = arith.cmpi ne, %convert_element_type3A_399, %cond3A_400 : i32
        scf.if %cond3A_401 {
          %mul3A_430 = arith.constant 10240 : i32
          %mul3A_431 = arith.muli %arg1, %mul3A_430 : i32
          %mul3A_432 = arith.constant 80 : i32
          %mul3A_433 = arith.muli %add3A_396, %mul3A_432 : i32
          %add3A_434 = arith.addi %mul3A_431, %mul3A_433 : i32
          %multiple_of3A_435 = tpu.assume_multiple %add3A_434, 8 : i32
          %dma_start3A_436 = tpu.memref_slice %arg3[%multiple_of3A_435] : memref<163840xi32, #tpu.memory_space<hbm>> -> memref<80xi32, #tpu.memory_space<hbm>>
          %dma_start3A_437 = tpu.memref_slice %arg3[%multiple_of3A_435] : memref<163840xi32, #tpu.memory_space<hbm>> -> memref<80xi32, #tpu.memory_space<hbm>>
          tpu.enqueue_dma source(%dma_start3A_437 : memref<80xi32, #tpu.memory_space<hbm>>) target(%arg19 : memref<80xi32, #tpu.memory_space<vmem>>) target_semaphore(%arg40 : memref<!tpu.dma_semaphore, #tpu.memory_space<semaphore_mem>>)
          %dma_start3A_438 = tpu.memref_slice %arg2[%multiple_of3A_435] : memref<163840xi32, #tpu.memory_space<hbm>> -> memref<80xi32, #tpu.memory_space<hbm>>
          %dma_start3A_439 = tpu.memref_slice %arg2[%multiple_of3A_435] : memref<163840xi32, #tpu.memory_space<hbm>> -> memref<80xi32, #tpu.memory_space<hbm>>
          tpu.enqueue_dma source(%dma_start3A_439 : memref<80xi32, #tpu.memory_space<hbm>>) target(%arg27 : memref<80xi32, #tpu.memory_space<vmem>>) target_semaphore(%arg40 : memref<!tpu.dma_semaphore, #tpu.memory_space<semaphore_mem>>)
        } else {
        }
        %add3A_402 = arith.constant 4 : i32
        %add3A_403 = arith.addi %add3A_391, %add3A_402 : i32
        %lt3A_404 = arith.constant 128 : i32
        %lt3A_405 = arith.cmpi slt, %add3A_403, %lt3A_404 : i32
        %convert_element_type3A_406 = arith.extui %lt3A_405 : i1 to i32
        %cond3A_407 = arith.constant 0 : i32
        %cond3A_408 = arith.cmpi ne, %convert_element_type3A_406, %cond3A_407 : i32
        scf.if %cond3A_408 {
          %dma_wait3A_430 = arith.constant 0 : i32
          %dma_wait3A_431 = tpu.memref_slice %arg3[%dma_wait3A_430] : memref<163840xi32, #tpu.memory_space<hbm>> -> memref<80xi32, #tpu.memory_space<hbm>>
          %dma_wait3A_432 = arith.constant 0 : i32
          %dma_wait3A_433 = tpu.memref_slice %arg3[%dma_wait3A_432] : memref<163840xi32, #tpu.memory_space<hbm>> -> memref<80xi32, #tpu.memory_space<hbm>>
          tpu.wait_dma2 semaphore(%arg36 : memref<!tpu.dma_semaphore, #tpu.memory_space<semaphore_mem>>) src(%dma_wait3A_433 : memref<80xi32, #tpu.memory_space<hbm>>) dst(%arg15 : memref<80xi32, #tpu.memory_space<vmem>>)
          %dma_wait3A_434 = arith.constant 0 : i32
          %dma_wait3A_435 = tpu.memref_slice %arg2[%dma_wait3A_434] : memref<163840xi32, #tpu.memory_space<hbm>> -> memref<80xi32, #tpu.memory_space<hbm>>
          %dma_wait3A_436 = arith.constant 0 : i32
          %dma_wait3A_437 = tpu.memref_slice %arg2[%dma_wait3A_436] : memref<163840xi32, #tpu.memory_space<hbm>> -> memref<80xi32, #tpu.memory_space<hbm>>
          tpu.wait_dma2 semaphore(%arg36 : memref<!tpu.dma_semaphore, #tpu.memory_space<semaphore_mem>>) src(%dma_wait3A_437 : memref<80xi32, #tpu.memory_space<hbm>>) dst(%arg23 : memref<80xi32, #tpu.memory_space<vmem>>)
          %dma_start3A_438 = arith.constant 0 : i32
          %dma_start3A_439 = arith.constant 0 : i32
          %dma_start3A_440 = tpu.memref_slice %arg4[%dma_start3A_438, %dma_start3A_439] : memref<10240x128xf32, #tpu.memory_space<hbm>> -> memref<10240x128xf32, #tpu.memory_space<hbm>>
          tpu.enqueue_indirect_dma source(%dma_start3A_440 : memref<10240x128xf32, #tpu.memory_space<hbm>>) target(%arg31 : memref<80x128xf32, #tpu.memory_space<vmem>>) offsets(%arg15 : memref<80xi32, #tpu.memory_space<vmem>>) semaphore(%arg44 : memref<!tpu.dma_semaphore, #tpu.memory_space<semaphore_mem>>)
        } else {
        }
        %mul3A_409 = arith.constant 8 : i32
        %mul3A_410 = arith.muli %scan3A_262, %mul3A_409 : i32
        %add3A_411 = arith.constant 7 : i32
        %add3A_412 = arith.addi %mul3A_410, %add3A_411 : i32
        %dma_wait3A_413 = arith.constant 0 : i32
        %dma_wait3A_414 = arith.constant 0 : i32
        %dma_wait3A_415 = tpu.memref_slice %arg4[%dma_wait3A_413, %dma_wait3A_414] : memref<10240x128xf32, #tpu.memory_space<hbm>> -> memref<10240x128xf32, #tpu.memory_space<hbm>>
        tpu.wait_indirect_dma semaphore(%arg45 : memref<!tpu.dma_semaphore, #tpu.memory_space<semaphore_mem>>) src(%dma_wait3A_415 : memref<10240x128xf32, #tpu.memory_space<hbm>>) dst(%arg32 : memref<80x128xf32, #tpu.memory_space<vmem>>)
        "tpu.region"() ({
          %run_scoped3A = tpu.sem_alloc : memref<!tpu.dma_semaphore, #tpu.memory_space<semaphore_mem>>
          %dma_start3A_430 = arith.constant 0 : i32
          %dma_start3A_431 = arith.constant 0 : i32
          %dma_start3A_432 = tpu.memref_slice %arg33[%dma_start3A_430, %dma_start3A_431] : memref<10240x128xf32, #tpu.memory_space<vmem_shared>> -> memref<10240x128xf32, #tpu.memory_space<vmem_shared>>
          tpu.enqueue_indirect_dma source(%arg32 : memref<80x128xf32, #tpu.memory_space<vmem>>) target(%dma_start3A_432 : memref<10240x128xf32, #tpu.memory_space<vmem_shared>>) offsets(%arg28 : memref<80xi32, #tpu.memory_space<vmem>>) semaphore(%run_scoped3A : memref<!tpu.dma_semaphore, #tpu.memory_space<semaphore_mem>>) {add = true}
          %dma_wait3A_433 = arith.constant 0 : i32
          %dma_wait3A_434 = arith.constant 0 : i32
          %dma_wait3A_435 = tpu.memref_slice %arg33[%dma_wait3A_433, %dma_wait3A_434] : memref<10240x128xf32, #tpu.memory_space<vmem_shared>> -> memref<10240x128xf32, #tpu.memory_space<vmem_shared>>
          tpu.wait_indirect_dma semaphore(%run_scoped3A : memref<!tpu.dma_semaphore, #tpu.memory_space<semaphore_mem>>) src(%arg32 : memref<80x128xf32, #tpu.memory_space<vmem>>) dst(%dma_wait3A_435 : memref<10240x128xf32, #tpu.memory_space<vmem_shared>>)
          tpu.yield
        }) : () -> ()
        %add3A_416 = arith.constant 8 : i32
        %add3A_417 = arith.addi %add3A_412, %add3A_416 : i32
        %lt3A_418 = arith.constant 128 : i32
        %lt3A_419 = arith.cmpi slt, %add3A_417, %lt3A_418 : i32
        %convert_element_type3A_420 = arith.extui %lt3A_419 : i1 to i32
        %cond3A_421 = arith.constant 0 : i32
        %cond3A_422 = arith.cmpi ne, %convert_element_type3A_420, %cond3A_421 : i32
        scf.if %cond3A_422 {
          %mul3A_430 = arith.constant 10240 : i32
          %mul3A_431 = arith.muli %arg1, %mul3A_430 : i32
          %mul3A_432 = arith.constant 80 : i32
          %mul3A_433 = arith.muli %add3A_417, %mul3A_432 : i32
          %add3A_434 = arith.addi %mul3A_431, %mul3A_433 : i32
          %multiple_of3A_435 = tpu.assume_multiple %add3A_434, 8 : i32
          %dma_start3A_436 = tpu.memref_slice %arg3[%multiple_of3A_435] : memref<163840xi32, #tpu.memory_space<hbm>> -> memref<80xi32, #tpu.memory_space<hbm>>
          %dma_start3A_437 = tpu.memref_slice %arg3[%multiple_of3A_435] : memref<163840xi32, #tpu.memory_space<hbm>> -> memref<80xi32, #tpu.memory_space<hbm>>
          tpu.enqueue_dma source(%dma_start3A_437 : memref<80xi32, #tpu.memory_space<hbm>>) target(%arg20 : memref<80xi32, #tpu.memory_space<vmem>>) target_semaphore(%arg41 : memref<!tpu.dma_semaphore, #tpu.memory_space<semaphore_mem>>)
          %dma_start3A_438 = tpu.memref_slice %arg2[%multiple_of3A_435] : memref<163840xi32, #tpu.memory_space<hbm>> -> memref<80xi32, #tpu.memory_space<hbm>>
          %dma_start3A_439 = tpu.memref_slice %arg2[%multiple_of3A_435] : memref<163840xi32, #tpu.memory_space<hbm>> -> memref<80xi32, #tpu.memory_space<hbm>>
          tpu.enqueue_dma source(%dma_start3A_439 : memref<80xi32, #tpu.memory_space<hbm>>) target(%arg28 : memref<80xi32, #tpu.memory_space<vmem>>) target_semaphore(%arg41 : memref<!tpu.dma_semaphore, #tpu.memory_space<semaphore_mem>>)
        } else {
        }
        %add3A_423 = arith.constant 4 : i32
        %add3A_424 = arith.addi %add3A_412, %add3A_423 : i32
        %lt3A_425 = arith.constant 128 : i32
        %lt3A_426 = arith.cmpi slt, %add3A_424, %lt3A_425 : i32
        %convert_element_type3A_427 = arith.extui %lt3A_426 : i1 to i32
        %cond3A_428 = arith.constant 0 : i32
        %cond3A_429 = arith.cmpi ne, %convert_element_type3A_427, %cond3A_428 : i32
        scf.if %cond3A_429 {
          %dma_wait3A_430 = arith.constant 0 : i32
          %dma_wait3A_431 = tpu.memref_slice %arg3[%dma_wait3A_430] : memref<163840xi32, #tpu.memory_space<hbm>> -> memref<80xi32, #tpu.memory_space<hbm>>
          %dma_wait3A_432 = arith.constant 0 : i32
          %dma_wait3A_433 = tpu.memref_slice %arg3[%dma_wait3A_432] : memref<163840xi32, #tpu.memory_space<hbm>> -> memref<80xi32, #tpu.memory_space<hbm>>
          tpu.wait_dma2 semaphore(%arg37 : memref<!tpu.dma_semaphore, #tpu.memory_space<semaphore_mem>>) src(%dma_wait3A_433 : memref<80xi32, #tpu.memory_space<hbm>>) dst(%arg16 : memref<80xi32, #tpu.memory_space<vmem>>)
          %dma_wait3A_434 = arith.constant 0 : i32
          %dma_wait3A_435 = tpu.memref_slice %arg2[%dma_wait3A_434] : memref<163840xi32, #tpu.memory_space<hbm>> -> memref<80xi32, #tpu.memory_space<hbm>>
          %dma_wait3A_436 = arith.constant 0 : i32
          %dma_wait3A_437 = tpu.memref_slice %arg2[%dma_wait3A_436] : memref<163840xi32, #tpu.memory_space<hbm>> -> memref<80xi32, #tpu.memory_space<hbm>>
          tpu.wait_dma2 semaphore(%arg37 : memref<!tpu.dma_semaphore, #tpu.memory_space<semaphore_mem>>) src(%dma_wait3A_437 : memref<80xi32, #tpu.memory_space<hbm>>) dst(%arg24 : memref<80xi32, #tpu.memory_space<vmem>>)
          %dma_start3A_438 = arith.constant 0 : i32
          %dma_start3A_439 = arith.constant 0 : i32
          %dma_start3A_440 = tpu.memref_slice %arg4[%dma_start3A_438, %dma_start3A_439] : memref<10240x128xf32, #tpu.memory_space<hbm>> -> memref<10240x128xf32, #tpu.memory_space<hbm>>
          tpu.enqueue_indirect_dma source(%dma_start3A_440 : memref<10240x128xf32, #tpu.memory_space<hbm>>) target(%arg32 : memref<80x128xf32, #tpu.memory_space<vmem>>) offsets(%arg16 : memref<80xi32, #tpu.memory_space<vmem>>) semaphore(%arg45 : memref<!tpu.dma_semaphore, #tpu.memory_space<semaphore_mem>>)
        } else {
        }
      }
      %scan3A_124 = arith.constant 16 : i32
      %barrier3A_125 = arith.constant 0 : index
      tpu.barrier barrier_id(%barrier3A_125)
      %mul3A_126 = arith.constant 640 : i32
      %mul3A_127 = arith.muli %arg1, %mul3A_126 : i32
      %mul3A_128 = arith.constant 640 : i32
      %mul3A_129 = arith.muli %arg1, %mul3A_128 : i32
      "tpu.region"() ({
        %run_scoped3A = tpu.sem_alloc : memref<!tpu.dma_semaphore, #tpu.memory_space<semaphore_mem>>
        %dma_start3A_262 = arith.constant 0 : i32
        %dma_start3A_263 = tpu.memref_slice %arg9[%mul3A_129, %dma_start3A_262] : memref<10240x128xf32, #tpu.memory_space<hbm>> -> memref<640x128xf32, #tpu.memory_space<hbm>>
        %dma_start3A_264 = arith.constant 0 : i32
        %dma_start3A_265 = tpu.memref_slice %arg33[%mul3A_127, %dma_start3A_264] : memref<10240x128xf32, #tpu.memory_space<vmem_shared>> -> memref<640x128xf32, #tpu.memory_space<vmem_shared>>
        tpu.enqueue_dma source(%dma_start3A_265 : memref<640x128xf32, #tpu.memory_space<vmem_shared>>) target(%dma_start3A_263 : memref<640x128xf32, #tpu.memory_space<hbm>>) target_semaphore(%run_scoped3A : memref<!tpu.dma_semaphore, #tpu.memory_space<semaphore_mem>>)
        %dma_wait3A_266 = arith.constant 0 : i32
        %dma_wait3A_267 = tpu.memref_slice %arg9[%mul3A_129, %dma_wait3A_266] : memref<10240x128xf32, #tpu.memory_space<hbm>> -> memref<640x128xf32, #tpu.memory_space<hbm>>
        %dma_wait3A_268 = arith.constant 0 : i32
        %dma_wait3A_269 = tpu.memref_slice %arg33[%mul3A_127, %dma_wait3A_268] : memref<10240x128xf32, #tpu.memory_space<vmem_shared>> -> memref<640x128xf32, #tpu.memory_space<vmem_shared>>
        tpu.wait_dma2 semaphore(%run_scoped3A : memref<!tpu.dma_semaphore, #tpu.memory_space<semaphore_mem>>) src(%dma_wait3A_269 : memref<640x128xf32, #tpu.memory_space<vmem_shared>>) dst(%dma_wait3A_267 : memref<640x128xf32, #tpu.memory_space<hbm>>)
        tpu.yield
      }) : () -> ()
      %barrier3A_130 = arith.constant 0 : index
      tpu.barrier barrier_id(%barrier3A_130)
      %mul3A_131 = arith.constant 640 : i32
      %mul3A_132 = arith.muli %arg1, %mul3A_131 : i32
      "tpu.region"() ({
        %run_scoped3A = tpu.sem_alloc : memref<!tpu.dma_semaphore, #tpu.memory_space<semaphore_mem>>
        %dma_start3A_262 = arith.constant 0 : i32
        %dma_start3A_263 = tpu.memref_slice %arg33[%mul3A_132, %dma_start3A_262] : memref<10240x128xf32, #tpu.memory_space<vmem_shared>> -> memref<640x128xf32, #tpu.memory_space<vmem_shared>>
        tpu.enqueue_dma source(%arg8 : memref<640x128xf32, #tpu.memory_space<hbm>>) target(%dma_start3A_263 : memref<640x128xf32, #tpu.memory_space<vmem_shared>>) target_semaphore(%run_scoped3A : memref<!tpu.dma_semaphore, #tpu.memory_space<semaphore_mem>>)
        %dma_wait3A_264 = arith.constant 0 : i32
        %dma_wait3A_265 = tpu.memref_slice %arg33[%mul3A_132, %dma_wait3A_264] : memref<10240x128xf32, #tpu.memory_space<vmem_shared>> -> memref<640x128xf32, #tpu.memory_space<vmem_shared>>
        tpu.wait_dma2 semaphore(%run_scoped3A : memref<!tpu.dma_semaphore, #tpu.memory_space<semaphore_mem>>) src(%arg8 : memref<640x128xf32, #tpu.memory_space<hbm>>) dst(%dma_wait3A_265 : memref<640x128xf32, #tpu.memory_space<vmem_shared>>)
        tpu.yield
      }) : () -> ()
      %barrier3A_133 = arith.constant 0 : index
      tpu.barrier barrier_id(%barrier3A_133)
      %mul3A_134 = arith.constant 10240 : i32
      %mul3A_135 = arith.muli %arg1, %mul3A_134 : i32
      %add3A_136 = arith.constant 0 : i32
      %add3A_137 = arith.addi %mul3A_135, %add3A_136 : i32
      %multiple_of3A_138 = tpu.assume_multiple %add3A_137, 8 : i32
      %dma_start3A_139 = tpu.memref_slice %arg2[%multiple_of3A_138] : memref<163840xi32, #tpu.memory_space<hbm>> -> memref<80xi32, #tpu.memory_space<hbm>>
      %dma_start3A_140 = tpu.memref_slice %arg2[%multiple_of3A_138] : memref<163840xi32, #tpu.memory_space<hbm>> -> memref<80xi32, #tpu.memory_space<hbm>>
      tpu.enqueue_dma source(%dma_start3A_140 : memref<80xi32, #tpu.memory_space<hbm>>) target(%arg13 : memref<80xi32, #tpu.memory_space<vmem>>) target_semaphore(%arg34 : memref<!tpu.dma_semaphore, #tpu.memory_space<semaphore_mem>>)
      %dma_start3A_141 = tpu.memref_slice %arg3[%multiple_of3A_138] : memref<163840xi32, #tpu.memory_space<hbm>> -> memref<80xi32, #tpu.memory_space<hbm>>
      %dma_start3A_142 = tpu.memref_slice %arg3[%multiple_of3A_138] : memref<163840xi32, #tpu.memory_space<hbm>> -> memref<80xi32, #tpu.memory_space<hbm>>
      tpu.enqueue_dma source(%dma_start3A_142 : memref<80xi32, #tpu.memory_space<hbm>>) target(%arg21 : memref<80xi32, #tpu.memory_space<vmem>>) target_semaphore(%arg34 : memref<!tpu.dma_semaphore, #tpu.memory_space<semaphore_mem>>)
      %mul3A_143 = arith.constant 10240 : i32
      %mul3A_144 = arith.muli %arg1, %mul3A_143 : i32
      %add3A_145 = arith.constant 80 : i32
      %add3A_146 = arith.addi %mul3A_144, %add3A_145 : i32
      %multiple_of3A_147 = tpu.assume_multiple %add3A_146, 8 : i32
      %dma_start3A_148 = tpu.memref_slice %arg2[%multiple_of3A_147] : memref<163840xi32, #tpu.memory_space<hbm>> -> memref<80xi32, #tpu.memory_space<hbm>>
      %dma_start3A_149 = tpu.memref_slice %arg2[%multiple_of3A_147] : memref<163840xi32, #tpu.memory_space<hbm>> -> memref<80xi32, #tpu.memory_space<hbm>>
      tpu.enqueue_dma source(%dma_start3A_149 : memref<80xi32, #tpu.memory_space<hbm>>) target(%arg14 : memref<80xi32, #tpu.memory_space<vmem>>) target_semaphore(%arg35 : memref<!tpu.dma_semaphore, #tpu.memory_space<semaphore_mem>>)
      %dma_start3A_150 = tpu.memref_slice %arg3[%multiple_of3A_147] : memref<163840xi32, #tpu.memory_space<hbm>> -> memref<80xi32, #tpu.memory_space<hbm>>
      %dma_start3A_151 = tpu.memref_slice %arg3[%multiple_of3A_147] : memref<163840xi32, #tpu.memory_space<hbm>> -> memref<80xi32, #tpu.memory_space<hbm>>
      tpu.enqueue_dma source(%dma_start3A_151 : memref<80xi32, #tpu.memory_space<hbm>>) target(%arg22 : memref<80xi32, #tpu.memory_space<vmem>>) target_semaphore(%arg35 : memref<!tpu.dma_semaphore, #tpu.memory_space<semaphore_mem>>)
      %mul3A_152 = arith.constant 10240 : i32
      %mul3A_153 = arith.muli %arg1, %mul3A_152 : i32
      %add3A_154 = arith.constant 160 : i32
      %add3A_155 = arith.addi %mul3A_153, %add3A_154 : i32
      %multiple_of3A_156 = tpu.assume_multiple %add3A_155, 8 : i32
      %dma_start3A_157 = tpu.memref_slice %arg2[%multiple_of3A_156] : memref<163840xi32, #tpu.memory_space<hbm>> -> memref<80xi32, #tpu.memory_space<hbm>>
      %dma_start3A_158 = tpu.memref_slice %arg2[%multiple_of3A_156] : memref<163840xi32, #tpu.memory_space<hbm>> -> memref<80xi32, #tpu.memory_space<hbm>>
      tpu.enqueue_dma source(%dma_start3A_158 : memref<80xi32, #tpu.memory_space<hbm>>) target(%arg15 : memref<80xi32, #tpu.memory_space<vmem>>) target_semaphore(%arg36 : memref<!tpu.dma_semaphore, #tpu.memory_space<semaphore_mem>>)
      %dma_start3A_159 = tpu.memref_slice %arg3[%multiple_of3A_156] : memref<163840xi32, #tpu.memory_space<hbm>> -> memref<80xi32, #tpu.memory_space<hbm>>
      %dma_start3A_160 = tpu.memref_slice %arg3[%multiple_of3A_156] : memref<163840xi32, #tpu.memory_space<hbm>> -> memref<80xi32, #tpu.memory_space<hbm>>
      tpu.enqueue_dma source(%dma_start3A_160 : memref<80xi32, #tpu.memory_space<hbm>>) target(%arg23 : memref<80xi32, #tpu.memory_space<vmem>>) target_semaphore(%arg36 : memref<!tpu.dma_semaphore, #tpu.memory_space<semaphore_mem>>)
      %mul3A_161 = arith.constant 10240 : i32
      %mul3A_162 = arith.muli %arg1, %mul3A_161 : i32
      %add3A_163 = arith.constant 240 : i32
      %add3A_164 = arith.addi %mul3A_162, %add3A_163 : i32
      %multiple_of3A_165 = tpu.assume_multiple %add3A_164, 8 : i32
      %dma_start3A_166 = tpu.memref_slice %arg2[%multiple_of3A_165] : memref<163840xi32, #tpu.memory_space<hbm>> -> memref<80xi32, #tpu.memory_space<hbm>>
      %dma_start3A_167 = tpu.memref_slice %arg2[%multiple_of3A_165] : memref<163840xi32, #tpu.memory_space<hbm>> -> memref<80xi32, #tpu.memory_space<hbm>>
      tpu.enqueue_dma source(%dma_start3A_167 : memref<80xi32, #tpu.memory_space<hbm>>) target(%arg16 : memref<80xi32, #tpu.memory_space<vmem>>) target_semaphore(%arg37 : memref<!tpu.dma_semaphore, #tpu.memory_space<semaphore_mem>>)
      %dma_start3A_168 = tpu.memref_slice %arg3[%multiple_of3A_165] : memref<163840xi32, #tpu.memory_space<hbm>> -> memref<80xi32, #tpu.memory_space<hbm>>
      %dma_start3A_169 = tpu.memref_slice %arg3[%multiple_of3A_165] : memref<163840xi32, #tpu.memory_space<hbm>> -> memref<80xi32, #tpu.memory_space<hbm>>
      tpu.enqueue_dma source(%dma_start3A_169 : memref<80xi32, #tpu.memory_space<hbm>>) target(%arg24 : memref<80xi32, #tpu.memory_space<vmem>>) target_semaphore(%arg37 : memref<!tpu.dma_semaphore, #tpu.memory_space<semaphore_mem>>)
      %mul3A_170 = arith.constant 10240 : i32
      %mul3A_171 = arith.muli %arg1, %mul3A_170 : i32
      %add3A_172 = arith.constant 320 : i32
      %add3A_173 = arith.addi %mul3A_171, %add3A_172 : i32
      %multiple_of3A_174 = tpu.assume_multiple %add3A_173, 8 : i32
      %dma_start3A_175 = tpu.memref_slice %arg2[%multiple_of3A_174] : memref<163840xi32, #tpu.memory_space<hbm>> -> memref<80xi32, #tpu.memory_space<hbm>>
      %dma_start3A_176 = tpu.memref_slice %arg2[%multiple_of3A_174] : memref<163840xi32, #tpu.memory_space<hbm>> -> memref<80xi32, #tpu.memory_space<hbm>>
      tpu.enqueue_dma source(%dma_start3A_176 : memref<80xi32, #tpu.memory_space<hbm>>) target(%arg17 : memref<80xi32, #tpu.memory_space<vmem>>) target_semaphore(%arg38 : memref<!tpu.dma_semaphore, #tpu.memory_space<semaphore_mem>>)
      %dma_start3A_177 = tpu.memref_slice %arg3[%multiple_of3A_174] : memref<163840xi32, #tpu.memory_space<hbm>> -> memref<80xi32, #tpu.memory_space<hbm>>
      %dma_start3A_178 = tpu.memref_slice %arg3[%multiple_of3A_174] : memref<163840xi32, #tpu.memory_space<hbm>> -> memref<80xi32, #tpu.memory_space<hbm>>
      tpu.enqueue_dma source(%dma_start3A_178 : memref<80xi32, #tpu.memory_space<hbm>>) target(%arg25 : memref<80xi32, #tpu.memory_space<vmem>>) target_semaphore(%arg38 : memref<!tpu.dma_semaphore, #tpu.memory_space<semaphore_mem>>)
      %mul3A_179 = arith.constant 10240 : i32
      %mul3A_180 = arith.muli %arg1, %mul3A_179 : i32
      %add3A_181 = arith.constant 400 : i32
      %add3A_182 = arith.addi %mul3A_180, %add3A_181 : i32
      %multiple_of3A_183 = tpu.assume_multiple %add3A_182, 8 : i32
      %dma_start3A_184 = tpu.memref_slice %arg2[%multiple_of3A_183] : memref<163840xi32, #tpu.memory_space<hbm>> -> memref<80xi32, #tpu.memory_space<hbm>>
      %dma_start3A_185 = tpu.memref_slice %arg2[%multiple_of3A_183] : memref<163840xi32, #tpu.memory_space<hbm>> -> memref<80xi32, #tpu.memory_space<hbm>>
      tpu.enqueue_dma source(%dma_start3A_185 : memref<80xi32, #tpu.memory_space<hbm>>) target(%arg18 : memref<80xi32, #tpu.memory_space<vmem>>) target_semaphore(%arg39 : memref<!tpu.dma_semaphore, #tpu.memory_space<semaphore_mem>>)
      %dma_start3A_186 = tpu.memref_slice %arg3[%multiple_of3A_183] : memref<163840xi32, #tpu.memory_space<hbm>> -> memref<80xi32, #tpu.memory_space<hbm>>
      %dma_start3A_187 = tpu.memref_slice %arg3[%multiple_of3A_183] : memref<163840xi32, #tpu.memory_space<hbm>> -> memref<80xi32, #tpu.memory_space<hbm>>
      tpu.enqueue_dma source(%dma_start3A_187 : memref<80xi32, #tpu.memory_space<hbm>>) target(%arg26 : memref<80xi32, #tpu.memory_space<vmem>>) target_semaphore(%arg39 : memref<!tpu.dma_semaphore, #tpu.memory_space<semaphore_mem>>)
      %mul3A_188 = arith.constant 10240 : i32
      %mul3A_189 = arith.muli %arg1, %mul3A_188 : i32
      %add3A_190 = arith.constant 480 : i32
      %add3A_191 = arith.addi %mul3A_189, %add3A_190 : i32
      %multiple_of3A_192 = tpu.assume_multiple %add3A_191, 8 : i32
      %dma_start3A_193 = tpu.memref_slice %arg2[%multiple_of3A_192] : memref<163840xi32, #tpu.memory_space<hbm>> -> memref<80xi32, #tpu.memory_space<hbm>>
      %dma_start3A_194 = tpu.memref_slice %arg2[%multiple_of3A_192] : memref<163840xi32, #tpu.memory_space<hbm>> -> memref<80xi32, #tpu.memory_space<hbm>>
      tpu.enqueue_dma source(%dma_start3A_194 : memref<80xi32, #tpu.memory_space<hbm>>) target(%arg19 : memref<80xi32, #tpu.memory_space<vmem>>) target_semaphore(%arg40 : memref<!tpu.dma_semaphore, #tpu.memory_space<semaphore_mem>>)
      %dma_start3A_195 = tpu.memref_slice %arg3[%multiple_of3A_192] : memref<163840xi32, #tpu.memory_space<hbm>> -> memref<80xi32, #tpu.memory_space<hbm>>
      %dma_start3A_196 = tpu.memref_slice %arg3[%multiple_of3A_192] : memref<163840xi32, #tpu.memory_space<hbm>> -> memref<80xi32, #tpu.memory_space<hbm>>
      tpu.enqueue_dma source(%dma_start3A_196 : memref<80xi32, #tpu.memory_space<hbm>>) target(%arg27 : memref<80xi32, #tpu.memory_space<vmem>>) target_semaphore(%arg40 : memref<!tpu.dma_semaphore, #tpu.memory_space<semaphore_mem>>)
      %mul3A_197 = arith.constant 10240 : i32
      %mul3A_198 = arith.muli %arg1, %mul3A_197 : i32
      %add3A_199 = arith.constant 560 : i32
      %add3A_200 = arith.addi %mul3A_198, %add3A_199 : i32
      %multiple_of3A_201 = tpu.assume_multiple %add3A_200, 8 : i32
      %dma_start3A_202 = tpu.memref_slice %arg2[%multiple_of3A_201] : memref<163840xi32, #tpu.memory_space<hbm>> -> memref<80xi32, #tpu.memory_space<hbm>>
      %dma_start3A_203 = tpu.memref_slice %arg2[%multiple_of3A_201] : memref<163840xi32, #tpu.memory_space<hbm>> -> memref<80xi32, #tpu.memory_space<hbm>>
      tpu.enqueue_dma source(%dma_start3A_203 : memref<80xi32, #tpu.memory_space<hbm>>) target(%arg20 : memref<80xi32, #tpu.memory_space<vmem>>) target_semaphore(%arg41 : memref<!tpu.dma_semaphore, #tpu.memory_space<semaphore_mem>>)
      %dma_start3A_204 = tpu.memref_slice %arg3[%multiple_of3A_201] : memref<163840xi32, #tpu.memory_space<hbm>> -> memref<80xi32, #tpu.memory_space<hbm>>
      %dma_start3A_205 = tpu.memref_slice %arg3[%multiple_of3A_201] : memref<163840xi32, #tpu.memory_space<hbm>> -> memref<80xi32, #tpu.memory_space<hbm>>
      tpu.enqueue_dma source(%dma_start3A_205 : memref<80xi32, #tpu.memory_space<hbm>>) target(%arg28 : memref<80xi32, #tpu.memory_space<vmem>>) target_semaphore(%arg41 : memref<!tpu.dma_semaphore, #tpu.memory_space<semaphore_mem>>)
      %dma_wait3A_206 = arith.constant 0 : i32
      %dma_wait3A_207 = tpu.memref_slice %arg2[%dma_wait3A_206] : memref<163840xi32, #tpu.memory_space<hbm>> -> memref<80xi32, #tpu.memory_space<hbm>>
      %dma_wait3A_208 = arith.constant 0 : i32
      %dma_wait3A_209 = tpu.memref_slice %arg2[%dma_wait3A_208] : memref<163840xi32, #tpu.memory_space<hbm>> -> memref<80xi32, #tpu.memory_space<hbm>>
      tpu.wait_dma2 semaphore(%arg34 : memref<!tpu.dma_semaphore, #tpu.memory_space<semaphore_mem>>) src(%dma_wait3A_209 : memref<80xi32, #tpu.memory_space<hbm>>) dst(%arg13 : memref<80xi32, #tpu.memory_space<vmem>>)
      %dma_wait3A_210 = arith.constant 0 : i32
      %dma_wait3A_211 = tpu.memref_slice %arg3[%dma_wait3A_210] : memref<163840xi32, #tpu.memory_space<hbm>> -> memref<80xi32, #tpu.memory_space<hbm>>
      %dma_wait3A_212 = arith.constant 0 : i32
      %dma_wait3A_213 = tpu.memref_slice %arg3[%dma_wait3A_212] : memref<163840xi32, #tpu.memory_space<hbm>> -> memref<80xi32, #tpu.memory_space<hbm>>
      tpu.wait_dma2 semaphore(%arg34 : memref<!tpu.dma_semaphore, #tpu.memory_space<semaphore_mem>>) src(%dma_wait3A_213 : memref<80xi32, #tpu.memory_space<hbm>>) dst(%arg21 : memref<80xi32, #tpu.memory_space<vmem>>)
      %dma_start3A_214 = arith.constant 0 : i32
      %dma_start3A_215 = arith.constant 0 : i32
      %dma_start3A_216 = tpu.memref_slice %arg6[%dma_start3A_214, %dma_start3A_215] : memref<10240x128xf32, #tpu.memory_space<hbm>> -> memref<10240x128xf32, #tpu.memory_space<hbm>>
      tpu.enqueue_indirect_dma source(%dma_start3A_216 : memref<10240x128xf32, #tpu.memory_space<hbm>>) target(%arg29 : memref<80x128xf32, #tpu.memory_space<vmem>>) offsets(%arg13 : memref<80xi32, #tpu.memory_space<vmem>>) semaphore(%arg42 : memref<!tpu.dma_semaphore, #tpu.memory_space<semaphore_mem>>)
      %dma_wait3A_217 = arith.constant 0 : i32
      %dma_wait3A_218 = tpu.memref_slice %arg2[%dma_wait3A_217] : memref<163840xi32, #tpu.memory_space<hbm>> -> memref<80xi32, #tpu.memory_space<hbm>>
      %dma_wait3A_219 = arith.constant 0 : i32
      %dma_wait3A_220 = tpu.memref_slice %arg2[%dma_wait3A_219] : memref<163840xi32, #tpu.memory_space<hbm>> -> memref<80xi32, #tpu.memory_space<hbm>>
      tpu.wait_dma2 semaphore(%arg35 : memref<!tpu.dma_semaphore, #tpu.memory_space<semaphore_mem>>) src(%dma_wait3A_220 : memref<80xi32, #tpu.memory_space<hbm>>) dst(%arg14 : memref<80xi32, #tpu.memory_space<vmem>>)
      %dma_wait3A_221 = arith.constant 0 : i32
      %dma_wait3A_222 = tpu.memref_slice %arg3[%dma_wait3A_221] : memref<163840xi32, #tpu.memory_space<hbm>> -> memref<80xi32, #tpu.memory_space<hbm>>
      %dma_wait3A_223 = arith.constant 0 : i32
      %dma_wait3A_224 = tpu.memref_slice %arg3[%dma_wait3A_223] : memref<163840xi32, #tpu.memory_space<hbm>> -> memref<80xi32, #tpu.memory_space<hbm>>
      tpu.wait_dma2 semaphore(%arg35 : memref<!tpu.dma_semaphore, #tpu.memory_space<semaphore_mem>>) src(%dma_wait3A_224 : memref<80xi32, #tpu.memory_space<hbm>>) dst(%arg22 : memref<80xi32, #tpu.memory_space<vmem>>)
      %dma_start3A_225 = arith.constant 0 : i32
      %dma_start3A_226 = arith.constant 0 : i32
      %dma_start3A_227 = tpu.memref_slice %arg6[%dma_start3A_225, %dma_start3A_226] : memref<10240x128xf32, #tpu.memory_space<hbm>> -> memref<10240x128xf32, #tpu.memory_space<hbm>>
      tpu.enqueue_indirect_dma source(%dma_start3A_227 : memref<10240x128xf32, #tpu.memory_space<hbm>>) target(%arg30 : memref<80x128xf32, #tpu.memory_space<vmem>>) offsets(%arg14 : memref<80xi32, #tpu.memory_space<vmem>>) semaphore(%arg43 : memref<!tpu.dma_semaphore, #tpu.memory_space<semaphore_mem>>)
      %dma_wait3A_228 = arith.constant 0 : i32
      %dma_wait3A_229 = tpu.memref_slice %arg2[%dma_wait3A_228] : memref<163840xi32, #tpu.memory_space<hbm>> -> memref<80xi32, #tpu.memory_space<hbm>>
      %dma_wait3A_230 = arith.constant 0 : i32
      %dma_wait3A_231 = tpu.memref_slice %arg2[%dma_wait3A_230] : memref<163840xi32, #tpu.memory_space<hbm>> -> memref<80xi32, #tpu.memory_space<hbm>>
      tpu.wait_dma2 semaphore(%arg36 : memref<!tpu.dma_semaphore, #tpu.memory_space<semaphore_mem>>) src(%dma_wait3A_231 : memref<80xi32, #tpu.memory_space<hbm>>) dst(%arg15 : memref<80xi32, #tpu.memory_space<vmem>>)
      %dma_wait3A_232 = arith.constant 0 : i32
      %dma_wait3A_233 = tpu.memref_slice %arg3[%dma_wait3A_232] : memref<163840xi32, #tpu.memory_space<hbm>> -> memref<80xi32, #tpu.memory_space<hbm>>
      %dma_wait3A_234 = arith.constant 0 : i32
      %dma_wait3A_235 = tpu.memref_slice %arg3[%dma_wait3A_234] : memref<163840xi32, #tpu.memory_space<hbm>> -> memref<80xi32, #tpu.memory_space<hbm>>
      tpu.wait_dma2 semaphore(%arg36 : memref<!tpu.dma_semaphore, #tpu.memory_space<semaphore_mem>>) src(%dma_wait3A_235 : memref<80xi32, #tpu.memory_space<hbm>>) dst(%arg23 : memref<80xi32, #tpu.memory_space<vmem>>)
      %dma_start3A_236 = arith.constant 0 : i32
      %dma_start3A_237 = arith.constant 0 : i32
      %dma_start3A_238 = tpu.memref_slice %arg6[%dma_start3A_236, %dma_start3A_237] : memref<10240x128xf32, #tpu.memory_space<hbm>> -> memref<10240x128xf32, #tpu.memory_space<hbm>>
      tpu.enqueue_indirect_dma source(%dma_start3A_238 : memref<10240x128xf32, #tpu.memory_space<hbm>>) target(%arg31 : memref<80x128xf32, #tpu.memory_space<vmem>>) offsets(%arg15 : memref<80xi32, #tpu.memory_space<vmem>>) semaphore(%arg44 : memref<!tpu.dma_semaphore, #tpu.memory_space<semaphore_mem>>)
      %dma_wait3A_239 = arith.constant 0 : i32
      %dma_wait3A_240 = tpu.memref_slice %arg2[%dma_wait3A_239] : memref<163840xi32, #tpu.memory_space<hbm>> -> memref<80xi32, #tpu.memory_space<hbm>>
      %dma_wait3A_241 = arith.constant 0 : i32
      %dma_wait3A_242 = tpu.memref_slice %arg2[%dma_wait3A_241] : memref<163840xi32, #tpu.memory_space<hbm>> -> memref<80xi32, #tpu.memory_space<hbm>>
      tpu.wait_dma2 semaphore(%arg37 : memref<!tpu.dma_semaphore, #tpu.memory_space<semaphore_mem>>) src(%dma_wait3A_242 : memref<80xi32, #tpu.memory_space<hbm>>) dst(%arg16 : memref<80xi32, #tpu.memory_space<vmem>>)
      %dma_wait3A_243 = arith.constant 0 : i32
      %dma_wait3A_244 = tpu.memref_slice %arg3[%dma_wait3A_243] : memref<163840xi32, #tpu.memory_space<hbm>> -> memref<80xi32, #tpu.memory_space<hbm>>
      %dma_wait3A_245 = arith.constant 0 : i32
      %dma_wait3A_246 = tpu.memref_slice %arg3[%dma_wait3A_245] : memref<163840xi32, #tpu.memory_space<hbm>> -> memref<80xi32, #tpu.memory_space<hbm>>
      tpu.wait_dma2 semaphore(%arg37 : memref<!tpu.dma_semaphore, #tpu.memory_space<semaphore_mem>>) src(%dma_wait3A_246 : memref<80xi32, #tpu.memory_space<hbm>>) dst(%arg24 : memref<80xi32, #tpu.memory_space<vmem>>)
      %dma_start3A_247 = arith.constant 0 : i32
      %dma_start3A_248 = arith.constant 0 : i32
      %dma_start3A_249 = tpu.memref_slice %arg6[%dma_start3A_247, %dma_start3A_248] : memref<10240x128xf32, #tpu.memory_space<hbm>> -> memref<10240x128xf32, #tpu.memory_space<hbm>>
      tpu.enqueue_indirect_dma source(%dma_start3A_249 : memref<10240x128xf32, #tpu.memory_space<hbm>>) target(%arg32 : memref<80x128xf32, #tpu.memory_space<vmem>>) offsets(%arg16 : memref<80xi32, #tpu.memory_space<vmem>>) semaphore(%arg45 : memref<!tpu.dma_semaphore, #tpu.memory_space<semaphore_mem>>)
      %scan3A_250 = arith.constant 0 : i32
      %scan3A_251 = arith.constant 0 : i32
      %scan3A_252 = arith.constant 16 : i32
      %scan3A_253 = arith.addi %scan3A_251, %scan3A_252 : i32
      %scan3A_254 = arith.constant 1 : i32
      scf.for %scan3A_262 = %scan3A_251 to %scan3A_253 step %scan3A_254  : i32 {
        %mul3A_263 = arith.constant 8 : i32
        %mul3A_264 = arith.muli %scan3A_262, %mul3A_263 : i32
        %add3A_265 = arith.constant 0 : i32
        %add3A_266 = arith.addi %mul3A_264, %add3A_265 : i32
        %dma_wait3A_267 = arith.constant 0 : i32
        %dma_wait3A_268 = arith.constant 0 : i32
        %dma_wait3A_269 = tpu.memref_slice %arg6[%dma_wait3A_267, %dma_wait3A_268] : memref<10240x128xf32, #tpu.memory_space<hbm>> -> memref<10240x128xf32, #tpu.memory_space<hbm>>
        tpu.wait_indirect_dma semaphore(%arg42 : memref<!tpu.dma_semaphore, #tpu.memory_space<semaphore_mem>>) src(%dma_wait3A_269 : memref<10240x128xf32, #tpu.memory_space<hbm>>) dst(%arg29 : memref<80x128xf32, #tpu.memory_space<vmem>>)
        "tpu.region"() ({
          %run_scoped3A = tpu.sem_alloc : memref<!tpu.dma_semaphore, #tpu.memory_space<semaphore_mem>>
          %dma_start3A_430 = arith.constant 0 : i32
          %dma_start3A_431 = arith.constant 0 : i32
          %dma_start3A_432 = tpu.memref_slice %arg33[%dma_start3A_430, %dma_start3A_431] : memref<10240x128xf32, #tpu.memory_space<vmem_shared>> -> memref<10240x128xf32, #tpu.memory_space<vmem_shared>>
          tpu.enqueue_indirect_dma source(%arg29 : memref<80x128xf32, #tpu.memory_space<vmem>>) target(%dma_start3A_432 : memref<10240x128xf32, #tpu.memory_space<vmem_shared>>) offsets(%arg21 : memref<80xi32, #tpu.memory_space<vmem>>) semaphore(%run_scoped3A : memref<!tpu.dma_semaphore, #tpu.memory_space<semaphore_mem>>) {add = true}
          %dma_wait3A_433 = arith.constant 0 : i32
          %dma_wait3A_434 = arith.constant 0 : i32
          %dma_wait3A_435 = tpu.memref_slice %arg33[%dma_wait3A_433, %dma_wait3A_434] : memref<10240x128xf32, #tpu.memory_space<vmem_shared>> -> memref<10240x128xf32, #tpu.memory_space<vmem_shared>>
          tpu.wait_indirect_dma semaphore(%run_scoped3A : memref<!tpu.dma_semaphore, #tpu.memory_space<semaphore_mem>>) src(%arg29 : memref<80x128xf32, #tpu.memory_space<vmem>>) dst(%dma_wait3A_435 : memref<10240x128xf32, #tpu.memory_space<vmem_shared>>)
          tpu.yield
        }) : () -> ()
        %add3A_270 = arith.constant 8 : i32
        %add3A_271 = arith.addi %add3A_266, %add3A_270 : i32
        %lt3A = arith.constant 128 : i32
        %lt3A_272 = arith.cmpi slt, %add3A_271, %lt3A : i32
        %convert_element_type3A_273 = arith.extui %lt3A_272 : i1 to i32
        %cond3A_274 = arith.constant 0 : i32
        %cond3A_275 = arith.cmpi ne, %convert_element_type3A_273, %cond3A_274 : i32
        scf.if %cond3A_275 {
          %mul3A_430 = arith.constant 10240 : i32
          %mul3A_431 = arith.muli %arg1, %mul3A_430 : i32
          %mul3A_432 = arith.constant 80 : i32
          %mul3A_433 = arith.muli %add3A_271, %mul3A_432 : i32
          %add3A_434 = arith.addi %mul3A_431, %mul3A_433 : i32
          %multiple_of3A_435 = tpu.assume_multiple %add3A_434, 8 : i32
          %dma_start3A_436 = tpu.memref_slice %arg2[%multiple_of3A_435] : memref<163840xi32, #tpu.memory_space<hbm>> -> memref<80xi32, #tpu.memory_space<hbm>>
          %dma_start3A_437 = tpu.memref_slice %arg2[%multiple_of3A_435] : memref<163840xi32, #tpu.memory_space<hbm>> -> memref<80xi32, #tpu.memory_space<hbm>>
          tpu.enqueue_dma source(%dma_start3A_437 : memref<80xi32, #tpu.memory_space<hbm>>) target(%arg13 : memref<80xi32, #tpu.memory_space<vmem>>) target_semaphore(%arg34 : memref<!tpu.dma_semaphore, #tpu.memory_space<semaphore_mem>>)
          %dma_start3A_438 = tpu.memref_slice %arg3[%multiple_of3A_435] : memref<163840xi32, #tpu.memory_space<hbm>> -> memref<80xi32, #tpu.memory_space<hbm>>
          %dma_start3A_439 = tpu.memref_slice %arg3[%multiple_of3A_435] : memref<163840xi32, #tpu.memory_space<hbm>> -> memref<80xi32, #tpu.memory_space<hbm>>
          tpu.enqueue_dma source(%dma_start3A_439 : memref<80xi32, #tpu.memory_space<hbm>>) target(%arg21 : memref<80xi32, #tpu.memory_space<vmem>>) target_semaphore(%arg34 : memref<!tpu.dma_semaphore, #tpu.memory_space<semaphore_mem>>)
        } else {
        }
        %add3A_276 = arith.constant 4 : i32
        %add3A_277 = arith.addi %add3A_266, %add3A_276 : i32
        %lt3A_278 = arith.constant 128 : i32
        %lt3A_279 = arith.cmpi slt, %add3A_277, %lt3A_278 : i32
        %convert_element_type3A_280 = arith.extui %lt3A_279 : i1 to i32
        %cond3A_281 = arith.constant 0 : i32
        %cond3A_282 = arith.cmpi ne, %convert_element_type3A_280, %cond3A_281 : i32
        scf.if %cond3A_282 {
          %dma_wait3A_430 = arith.constant 0 : i32
          %dma_wait3A_431 = tpu.memref_slice %arg2[%dma_wait3A_430] : memref<163840xi32, #tpu.memory_space<hbm>> -> memref<80xi32, #tpu.memory_space<hbm>>
          %dma_wait3A_432 = arith.constant 0 : i32
          %dma_wait3A_433 = tpu.memref_slice %arg2[%dma_wait3A_432] : memref<163840xi32, #tpu.memory_space<hbm>> -> memref<80xi32, #tpu.memory_space<hbm>>
          tpu.wait_dma2 semaphore(%arg38 : memref<!tpu.dma_semaphore, #tpu.memory_space<semaphore_mem>>) src(%dma_wait3A_433 : memref<80xi32, #tpu.memory_space<hbm>>) dst(%arg17 : memref<80xi32, #tpu.memory_space<vmem>>)
          %dma_wait3A_434 = arith.constant 0 : i32
          %dma_wait3A_435 = tpu.memref_slice %arg3[%dma_wait3A_434] : memref<163840xi32, #tpu.memory_space<hbm>> -> memref<80xi32, #tpu.memory_space<hbm>>
          %dma_wait3A_436 = arith.constant 0 : i32
          %dma_wait3A_437 = tpu.memref_slice %arg3[%dma_wait3A_436] : memref<163840xi32, #tpu.memory_space<hbm>> -> memref<80xi32, #tpu.memory_space<hbm>>
          tpu.wait_dma2 semaphore(%arg38 : memref<!tpu.dma_semaphore, #tpu.memory_space<semaphore_mem>>) src(%dma_wait3A_437 : memref<80xi32, #tpu.memory_space<hbm>>) dst(%arg25 : memref<80xi32, #tpu.memory_space<vmem>>)
          %dma_start3A_438 = arith.constant 0 : i32
          %dma_start3A_439 = arith.constant 0 : i32
          %dma_start3A_440 = tpu.memref_slice %arg6[%dma_start3A_438, %dma_start3A_439] : memref<10240x128xf32, #tpu.memory_space<hbm>> -> memref<10240x128xf32, #tpu.memory_space<hbm>>
          tpu.enqueue_indirect_dma source(%dma_start3A_440 : memref<10240x128xf32, #tpu.memory_space<hbm>>) target(%arg29 : memref<80x128xf32, #tpu.memory_space<vmem>>) offsets(%arg17 : memref<80xi32, #tpu.memory_space<vmem>>) semaphore(%arg42 : memref<!tpu.dma_semaphore, #tpu.memory_space<semaphore_mem>>)
        } else {
        }
        %mul3A_283 = arith.constant 8 : i32
        %mul3A_284 = arith.muli %scan3A_262, %mul3A_283 : i32
        %add3A_285 = arith.constant 1 : i32
        %add3A_286 = arith.addi %mul3A_284, %add3A_285 : i32
        %dma_wait3A_287 = arith.constant 0 : i32
        %dma_wait3A_288 = arith.constant 0 : i32
        %dma_wait3A_289 = tpu.memref_slice %arg6[%dma_wait3A_287, %dma_wait3A_288] : memref<10240x128xf32, #tpu.memory_space<hbm>> -> memref<10240x128xf32, #tpu.memory_space<hbm>>
        tpu.wait_indirect_dma semaphore(%arg43 : memref<!tpu.dma_semaphore, #tpu.memory_space<semaphore_mem>>) src(%dma_wait3A_289 : memref<10240x128xf32, #tpu.memory_space<hbm>>) dst(%arg30 : memref<80x128xf32, #tpu.memory_space<vmem>>)
        "tpu.region"() ({
          %run_scoped3A = tpu.sem_alloc : memref<!tpu.dma_semaphore, #tpu.memory_space<semaphore_mem>>
          %dma_start3A_430 = arith.constant 0 : i32
          %dma_start3A_431 = arith.constant 0 : i32
          %dma_start3A_432 = tpu.memref_slice %arg33[%dma_start3A_430, %dma_start3A_431] : memref<10240x128xf32, #tpu.memory_space<vmem_shared>> -> memref<10240x128xf32, #tpu.memory_space<vmem_shared>>
          tpu.enqueue_indirect_dma source(%arg30 : memref<80x128xf32, #tpu.memory_space<vmem>>) target(%dma_start3A_432 : memref<10240x128xf32, #tpu.memory_space<vmem_shared>>) offsets(%arg22 : memref<80xi32, #tpu.memory_space<vmem>>) semaphore(%run_scoped3A : memref<!tpu.dma_semaphore, #tpu.memory_space<semaphore_mem>>) {add = true}
          %dma_wait3A_433 = arith.constant 0 : i32
          %dma_wait3A_434 = arith.constant 0 : i32
          %dma_wait3A_435 = tpu.memref_slice %arg33[%dma_wait3A_433, %dma_wait3A_434] : memref<10240x128xf32, #tpu.memory_space<vmem_shared>> -> memref<10240x128xf32, #tpu.memory_space<vmem_shared>>
          tpu.wait_indirect_dma semaphore(%run_scoped3A : memref<!tpu.dma_semaphore, #tpu.memory_space<semaphore_mem>>) src(%arg30 : memref<80x128xf32, #tpu.memory_space<vmem>>) dst(%dma_wait3A_435 : memref<10240x128xf32, #tpu.memory_space<vmem_shared>>)
          tpu.yield
        }) : () -> ()
        %add3A_290 = arith.constant 8 : i32
        %add3A_291 = arith.addi %add3A_286, %add3A_290 : i32
        %lt3A_292 = arith.constant 128 : i32
        %lt3A_293 = arith.cmpi slt, %add3A_291, %lt3A_292 : i32
        %convert_element_type3A_294 = arith.extui %lt3A_293 : i1 to i32
        %cond3A_295 = arith.constant 0 : i32
        %cond3A_296 = arith.cmpi ne, %convert_element_type3A_294, %cond3A_295 : i32
        scf.if %cond3A_296 {
          %mul3A_430 = arith.constant 10240 : i32
          %mul3A_431 = arith.muli %arg1, %mul3A_430 : i32
          %mul3A_432 = arith.constant 80 : i32
          %mul3A_433 = arith.muli %add3A_291, %mul3A_432 : i32
          %add3A_434 = arith.addi %mul3A_431, %mul3A_433 : i32
          %multiple_of3A_435 = tpu.assume_multiple %add3A_434, 8 : i32
          %dma_start3A_436 = tpu.memref_slice %arg2[%multiple_of3A_435] : memref<163840xi32, #tpu.memory_space<hbm>> -> memref<80xi32, #tpu.memory_space<hbm>>
          %dma_start3A_437 = tpu.memref_slice %arg2[%multiple_of3A_435] : memref<163840xi32, #tpu.memory_space<hbm>> -> memref<80xi32, #tpu.memory_space<hbm>>
          tpu.enqueue_dma source(%dma_start3A_437 : memref<80xi32, #tpu.memory_space<hbm>>) target(%arg14 : memref<80xi32, #tpu.memory_space<vmem>>) target_semaphore(%arg35 : memref<!tpu.dma_semaphore, #tpu.memory_space<semaphore_mem>>)
          %dma_start3A_438 = tpu.memref_slice %arg3[%multiple_of3A_435] : memref<163840xi32, #tpu.memory_space<hbm>> -> memref<80xi32, #tpu.memory_space<hbm>>
          %dma_start3A_439 = tpu.memref_slice %arg3[%multiple_of3A_435] : memref<163840xi32, #tpu.memory_space<hbm>> -> memref<80xi32, #tpu.memory_space<hbm>>
          tpu.enqueue_dma source(%dma_start3A_439 : memref<80xi32, #tpu.memory_space<hbm>>) target(%arg22 : memref<80xi32, #tpu.memory_space<vmem>>) target_semaphore(%arg35 : memref<!tpu.dma_semaphore, #tpu.memory_space<semaphore_mem>>)
        } else {
        }
        %add3A_297 = arith.constant 4 : i32
        %add3A_298 = arith.addi %add3A_286, %add3A_297 : i32
        %lt3A_299 = arith.constant 128 : i32
        %lt3A_300 = arith.cmpi slt, %add3A_298, %lt3A_299 : i32
        %convert_element_type3A_301 = arith.extui %lt3A_300 : i1 to i32
        %cond3A_302 = arith.constant 0 : i32
        %cond3A_303 = arith.cmpi ne, %convert_element_type3A_301, %cond3A_302 : i32
        scf.if %cond3A_303 {
          %dma_wait3A_430 = arith.constant 0 : i32
          %dma_wait3A_431 = tpu.memref_slice %arg2[%dma_wait3A_430] : memref<163840xi32, #tpu.memory_space<hbm>> -> memref<80xi32, #tpu.memory_space<hbm>>
          %dma_wait3A_432 = arith.constant 0 : i32
          %dma_wait3A_433 = tpu.memref_slice %arg2[%dma_wait3A_432] : memref<163840xi32, #tpu.memory_space<hbm>> -> memref<80xi32, #tpu.memory_space<hbm>>
          tpu.wait_dma2 semaphore(%arg39 : memref<!tpu.dma_semaphore, #tpu.memory_space<semaphore_mem>>) src(%dma_wait3A_433 : memref<80xi32, #tpu.memory_space<hbm>>) dst(%arg18 : memref<80xi32, #tpu.memory_space<vmem>>)
          %dma_wait3A_434 = arith.constant 0 : i32
          %dma_wait3A_435 = tpu.memref_slice %arg3[%dma_wait3A_434] : memref<163840xi32, #tpu.memory_space<hbm>> -> memref<80xi32, #tpu.memory_space<hbm>>
          %dma_wait3A_436 = arith.constant 0 : i32
          %dma_wait3A_437 = tpu.memref_slice %arg3[%dma_wait3A_436] : memref<163840xi32, #tpu.memory_space<hbm>> -> memref<80xi32, #tpu.memory_space<hbm>>
          tpu.wait_dma2 semaphore(%arg39 : memref<!tpu.dma_semaphore, #tpu.memory_space<semaphore_mem>>) src(%dma_wait3A_437 : memref<80xi32, #tpu.memory_space<hbm>>) dst(%arg26 : memref<80xi32, #tpu.memory_space<vmem>>)
          %dma_start3A_438 = arith.constant 0 : i32
          %dma_start3A_439 = arith.constant 0 : i32
          %dma_start3A_440 = tpu.memref_slice %arg6[%dma_start3A_438, %dma_start3A_439] : memref<10240x128xf32, #tpu.memory_space<hbm>> -> memref<10240x128xf32, #tpu.memory_space<hbm>>
          tpu.enqueue_indirect_dma source(%dma_start3A_440 : memref<10240x128xf32, #tpu.memory_space<hbm>>) target(%arg30 : memref<80x128xf32, #tpu.memory_space<vmem>>) offsets(%arg18 : memref<80xi32, #tpu.memory_space<vmem>>) semaphore(%arg43 : memref<!tpu.dma_semaphore, #tpu.memory_space<semaphore_mem>>)
        } else {
        }
        %mul3A_304 = arith.constant 8 : i32
        %mul3A_305 = arith.muli %scan3A_262, %mul3A_304 : i32
        %add3A_306 = arith.constant 2 : i32
        %add3A_307 = arith.addi %mul3A_305, %add3A_306 : i32
        %dma_wait3A_308 = arith.constant 0 : i32
        %dma_wait3A_309 = arith.constant 0 : i32
        %dma_wait3A_310 = tpu.memref_slice %arg6[%dma_wait3A_308, %dma_wait3A_309] : memref<10240x128xf32, #tpu.memory_space<hbm>> -> memref<10240x128xf32, #tpu.memory_space<hbm>>
        tpu.wait_indirect_dma semaphore(%arg44 : memref<!tpu.dma_semaphore, #tpu.memory_space<semaphore_mem>>) src(%dma_wait3A_310 : memref<10240x128xf32, #tpu.memory_space<hbm>>) dst(%arg31 : memref<80x128xf32, #tpu.memory_space<vmem>>)
        "tpu.region"() ({
          %run_scoped3A = tpu.sem_alloc : memref<!tpu.dma_semaphore, #tpu.memory_space<semaphore_mem>>
          %dma_start3A_430 = arith.constant 0 : i32
          %dma_start3A_431 = arith.constant 0 : i32
          %dma_start3A_432 = tpu.memref_slice %arg33[%dma_start3A_430, %dma_start3A_431] : memref<10240x128xf32, #tpu.memory_space<vmem_shared>> -> memref<10240x128xf32, #tpu.memory_space<vmem_shared>>
          tpu.enqueue_indirect_dma source(%arg31 : memref<80x128xf32, #tpu.memory_space<vmem>>) target(%dma_start3A_432 : memref<10240x128xf32, #tpu.memory_space<vmem_shared>>) offsets(%arg23 : memref<80xi32, #tpu.memory_space<vmem>>) semaphore(%run_scoped3A : memref<!tpu.dma_semaphore, #tpu.memory_space<semaphore_mem>>) {add = true}
          %dma_wait3A_433 = arith.constant 0 : i32
          %dma_wait3A_434 = arith.constant 0 : i32
          %dma_wait3A_435 = tpu.memref_slice %arg33[%dma_wait3A_433, %dma_wait3A_434] : memref<10240x128xf32, #tpu.memory_space<vmem_shared>> -> memref<10240x128xf32, #tpu.memory_space<vmem_shared>>
          tpu.wait_indirect_dma semaphore(%run_scoped3A : memref<!tpu.dma_semaphore, #tpu.memory_space<semaphore_mem>>) src(%arg31 : memref<80x128xf32, #tpu.memory_space<vmem>>) dst(%dma_wait3A_435 : memref<10240x128xf32, #tpu.memory_space<vmem_shared>>)
          tpu.yield
        }) : () -> ()
        %add3A_311 = arith.constant 8 : i32
        %add3A_312 = arith.addi %add3A_307, %add3A_311 : i32
        %lt3A_313 = arith.constant 128 : i32
        %lt3A_314 = arith.cmpi slt, %add3A_312, %lt3A_313 : i32
        %convert_element_type3A_315 = arith.extui %lt3A_314 : i1 to i32
        %cond3A_316 = arith.constant 0 : i32
        %cond3A_317 = arith.cmpi ne, %convert_element_type3A_315, %cond3A_316 : i32
        scf.if %cond3A_317 {
          %mul3A_430 = arith.constant 10240 : i32
          %mul3A_431 = arith.muli %arg1, %mul3A_430 : i32
          %mul3A_432 = arith.constant 80 : i32
          %mul3A_433 = arith.muli %add3A_312, %mul3A_432 : i32
          %add3A_434 = arith.addi %mul3A_431, %mul3A_433 : i32
          %multiple_of3A_435 = tpu.assume_multiple %add3A_434, 8 : i32
          %dma_start3A_436 = tpu.memref_slice %arg2[%multiple_of3A_435] : memref<163840xi32, #tpu.memory_space<hbm>> -> memref<80xi32, #tpu.memory_space<hbm>>
          %dma_start3A_437 = tpu.memref_slice %arg2[%multiple_of3A_435] : memref<163840xi32, #tpu.memory_space<hbm>> -> memref<80xi32, #tpu.memory_space<hbm>>
          tpu.enqueue_dma source(%dma_start3A_437 : memref<80xi32, #tpu.memory_space<hbm>>) target(%arg15 : memref<80xi32, #tpu.memory_space<vmem>>) target_semaphore(%arg36 : memref<!tpu.dma_semaphore, #tpu.memory_space<semaphore_mem>>)
          %dma_start3A_438 = tpu.memref_slice %arg3[%multiple_of3A_435] : memref<163840xi32, #tpu.memory_space<hbm>> -> memref<80xi32, #tpu.memory_space<hbm>>
          %dma_start3A_439 = tpu.memref_slice %arg3[%multiple_of3A_435] : memref<163840xi32, #tpu.memory_space<hbm>> -> memref<80xi32, #tpu.memory_space<hbm>>
          tpu.enqueue_dma source(%dma_start3A_439 : memref<80xi32, #tpu.memory_space<hbm>>) target(%arg23 : memref<80xi32, #tpu.memory_space<vmem>>) target_semaphore(%arg36 : memref<!tpu.dma_semaphore, #tpu.memory_space<semaphore_mem>>)
        } else {
        }
        %add3A_318 = arith.constant 4 : i32
        %add3A_319 = arith.addi %add3A_307, %add3A_318 : i32
        %lt3A_320 = arith.constant 128 : i32
        %lt3A_321 = arith.cmpi slt, %add3A_319, %lt3A_320 : i32
        %convert_element_type3A_322 = arith.extui %lt3A_321 : i1 to i32
        %cond3A_323 = arith.constant 0 : i32
        %cond3A_324 = arith.cmpi ne, %convert_element_type3A_322, %cond3A_323 : i32
        scf.if %cond3A_324 {
          %dma_wait3A_430 = arith.constant 0 : i32
          %dma_wait3A_431 = tpu.memref_slice %arg2[%dma_wait3A_430] : memref<163840xi32, #tpu.memory_space<hbm>> -> memref<80xi32, #tpu.memory_space<hbm>>
          %dma_wait3A_432 = arith.constant 0 : i32
          %dma_wait3A_433 = tpu.memref_slice %arg2[%dma_wait3A_432] : memref<163840xi32, #tpu.memory_space<hbm>> -> memref<80xi32, #tpu.memory_space<hbm>>
          tpu.wait_dma2 semaphore(%arg40 : memref<!tpu.dma_semaphore, #tpu.memory_space<semaphore_mem>>) src(%dma_wait3A_433 : memref<80xi32, #tpu.memory_space<hbm>>) dst(%arg19 : memref<80xi32, #tpu.memory_space<vmem>>)
          %dma_wait3A_434 = arith.constant 0 : i32
          %dma_wait3A_435 = tpu.memref_slice %arg3[%dma_wait3A_434] : memref<163840xi32, #tpu.memory_space<hbm>> -> memref<80xi32, #tpu.memory_space<hbm>>
          %dma_wait3A_436 = arith.constant 0 : i32
          %dma_wait3A_437 = tpu.memref_slice %arg3[%dma_wait3A_436] : memref<163840xi32, #tpu.memory_space<hbm>> -> memref<80xi32, #tpu.memory_space<hbm>>
          tpu.wait_dma2 semaphore(%arg40 : memref<!tpu.dma_semaphore, #tpu.memory_space<semaphore_mem>>) src(%dma_wait3A_437 : memref<80xi32, #tpu.memory_space<hbm>>) dst(%arg27 : memref<80xi32, #tpu.memory_space<vmem>>)
          %dma_start3A_438 = arith.constant 0 : i32
          %dma_start3A_439 = arith.constant 0 : i32
          %dma_start3A_440 = tpu.memref_slice %arg6[%dma_start3A_438, %dma_start3A_439] : memref<10240x128xf32, #tpu.memory_space<hbm>> -> memref<10240x128xf32, #tpu.memory_space<hbm>>
          tpu.enqueue_indirect_dma source(%dma_start3A_440 : memref<10240x128xf32, #tpu.memory_space<hbm>>) target(%arg31 : memref<80x128xf32, #tpu.memory_space<vmem>>) offsets(%arg19 : memref<80xi32, #tpu.memory_space<vmem>>) semaphore(%arg44 : memref<!tpu.dma_semaphore, #tpu.memory_space<semaphore_mem>>)
        } else {
        }
        %mul3A_325 = arith.constant 8 : i32
        %mul3A_326 = arith.muli %scan3A_262, %mul3A_325 : i32
        %add3A_327 = arith.constant 3 : i32
        %add3A_328 = arith.addi %mul3A_326, %add3A_327 : i32
        %dma_wait3A_329 = arith.constant 0 : i32
        %dma_wait3A_330 = arith.constant 0 : i32
        %dma_wait3A_331 = tpu.memref_slice %arg6[%dma_wait3A_329, %dma_wait3A_330] : memref<10240x128xf32, #tpu.memory_space<hbm>> -> memref<10240x128xf32, #tpu.memory_space<hbm>>
        tpu.wait_indirect_dma semaphore(%arg45 : memref<!tpu.dma_semaphore, #tpu.memory_space<semaphore_mem>>) src(%dma_wait3A_331 : memref<10240x128xf32, #tpu.memory_space<hbm>>) dst(%arg32 : memref<80x128xf32, #tpu.memory_space<vmem>>)
        "tpu.region"() ({
          %run_scoped3A = tpu.sem_alloc : memref<!tpu.dma_semaphore, #tpu.memory_space<semaphore_mem>>
          %dma_start3A_430 = arith.constant 0 : i32
          %dma_start3A_431 = arith.constant 0 : i32
          %dma_start3A_432 = tpu.memref_slice %arg33[%dma_start3A_430, %dma_start3A_431] : memref<10240x128xf32, #tpu.memory_space<vmem_shared>> -> memref<10240x128xf32, #tpu.memory_space<vmem_shared>>
          tpu.enqueue_indirect_dma source(%arg32 : memref<80x128xf32, #tpu.memory_space<vmem>>) target(%dma_start3A_432 : memref<10240x128xf32, #tpu.memory_space<vmem_shared>>) offsets(%arg24 : memref<80xi32, #tpu.memory_space<vmem>>) semaphore(%run_scoped3A : memref<!tpu.dma_semaphore, #tpu.memory_space<semaphore_mem>>) {add = true}
          %dma_wait3A_433 = arith.constant 0 : i32
          %dma_wait3A_434 = arith.constant 0 : i32
          %dma_wait3A_435 = tpu.memref_slice %arg33[%dma_wait3A_433, %dma_wait3A_434] : memref<10240x128xf32, #tpu.memory_space<vmem_shared>> -> memref<10240x128xf32, #tpu.memory_space<vmem_shared>>
          tpu.wait_indirect_dma semaphore(%run_scoped3A : memref<!tpu.dma_semaphore, #tpu.memory_space<semaphore_mem>>) src(%arg32 : memref<80x128xf32, #tpu.memory_space<vmem>>) dst(%dma_wait3A_435 : memref<10240x128xf32, #tpu.memory_space<vmem_shared>>)
          tpu.yield
        }) : () -> ()
        %add3A_332 = arith.constant 8 : i32
        %add3A_333 = arith.addi %add3A_328, %add3A_332 : i32
        %lt3A_334 = arith.constant 128 : i32
        %lt3A_335 = arith.cmpi slt, %add3A_333, %lt3A_334 : i32
        %convert_element_type3A_336 = arith.extui %lt3A_335 : i1 to i32
        %cond3A_337 = arith.constant 0 : i32
        %cond3A_338 = arith.cmpi ne, %convert_element_type3A_336, %cond3A_337 : i32
        scf.if %cond3A_338 {
          %mul3A_430 = arith.constant 10240 : i32
          %mul3A_431 = arith.muli %arg1, %mul3A_430 : i32
          %mul3A_432 = arith.constant 80 : i32
          %mul3A_433 = arith.muli %add3A_333, %mul3A_432 : i32
          %add3A_434 = arith.addi %mul3A_431, %mul3A_433 : i32
          %multiple_of3A_435 = tpu.assume_multiple %add3A_434, 8 : i32
          %dma_start3A_436 = tpu.memref_slice %arg2[%multiple_of3A_435] : memref<163840xi32, #tpu.memory_space<hbm>> -> memref<80xi32, #tpu.memory_space<hbm>>
          %dma_start3A_437 = tpu.memref_slice %arg2[%multiple_of3A_435] : memref<163840xi32, #tpu.memory_space<hbm>> -> memref<80xi32, #tpu.memory_space<hbm>>
          tpu.enqueue_dma source(%dma_start3A_437 : memref<80xi32, #tpu.memory_space<hbm>>) target(%arg16 : memref<80xi32, #tpu.memory_space<vmem>>) target_semaphore(%arg37 : memref<!tpu.dma_semaphore, #tpu.memory_space<semaphore_mem>>)
          %dma_start3A_438 = tpu.memref_slice %arg3[%multiple_of3A_435] : memref<163840xi32, #tpu.memory_space<hbm>> -> memref<80xi32, #tpu.memory_space<hbm>>
          %dma_start3A_439 = tpu.memref_slice %arg3[%multiple_of3A_435] : memref<163840xi32, #tpu.memory_space<hbm>> -> memref<80xi32, #tpu.memory_space<hbm>>
          tpu.enqueue_dma source(%dma_start3A_439 : memref<80xi32, #tpu.memory_space<hbm>>) target(%arg24 : memref<80xi32, #tpu.memory_space<vmem>>) target_semaphore(%arg37 : memref<!tpu.dma_semaphore, #tpu.memory_space<semaphore_mem>>)
        } else {
        }
        %add3A_339 = arith.constant 4 : i32
        %add3A_340 = arith.addi %add3A_328, %add3A_339 : i32
        %lt3A_341 = arith.constant 128 : i32
        %lt3A_342 = arith.cmpi slt, %add3A_340, %lt3A_341 : i32
        %convert_element_type3A_343 = arith.extui %lt3A_342 : i1 to i32
        %cond3A_344 = arith.constant 0 : i32
        %cond3A_345 = arith.cmpi ne, %convert_element_type3A_343, %cond3A_344 : i32
        scf.if %cond3A_345 {
          %dma_wait3A_430 = arith.constant 0 : i32
          %dma_wait3A_431 = tpu.memref_slice %arg2[%dma_wait3A_430] : memref<163840xi32, #tpu.memory_space<hbm>> -> memref<80xi32, #tpu.memory_space<hbm>>
          %dma_wait3A_432 = arith.constant 0 : i32
          %dma_wait3A_433 = tpu.memref_slice %arg2[%dma_wait3A_432] : memref<163840xi32, #tpu.memory_space<hbm>> -> memref<80xi32, #tpu.memory_space<hbm>>
          tpu.wait_dma2 semaphore(%arg41 : memref<!tpu.dma_semaphore, #tpu.memory_space<semaphore_mem>>) src(%dma_wait3A_433 : memref<80xi32, #tpu.memory_space<hbm>>) dst(%arg20 : memref<80xi32, #tpu.memory_space<vmem>>)
          %dma_wait3A_434 = arith.constant 0 : i32
          %dma_wait3A_435 = tpu.memref_slice %arg3[%dma_wait3A_434] : memref<163840xi32, #tpu.memory_space<hbm>> -> memref<80xi32, #tpu.memory_space<hbm>>
          %dma_wait3A_436 = arith.constant 0 : i32
          %dma_wait3A_437 = tpu.memref_slice %arg3[%dma_wait3A_436] : memref<163840xi32, #tpu.memory_space<hbm>> -> memref<80xi32, #tpu.memory_space<hbm>>
          tpu.wait_dma2 semaphore(%arg41 : memref<!tpu.dma_semaphore, #tpu.memory_space<semaphore_mem>>) src(%dma_wait3A_437 : memref<80xi32, #tpu.memory_space<hbm>>) dst(%arg28 : memref<80xi32, #tpu.memory_space<vmem>>)
          %dma_start3A_438 = arith.constant 0 : i32
          %dma_start3A_439 = arith.constant 0 : i32
          %dma_start3A_440 = tpu.memref_slice %arg6[%dma_start3A_438, %dma_start3A_439] : memref<10240x128xf32, #tpu.memory_space<hbm>> -> memref<10240x128xf32, #tpu.memory_space<hbm>>
          tpu.enqueue_indirect_dma source(%dma_start3A_440 : memref<10240x128xf32, #tpu.memory_space<hbm>>) target(%arg32 : memref<80x128xf32, #tpu.memory_space<vmem>>) offsets(%arg20 : memref<80xi32, #tpu.memory_space<vmem>>) semaphore(%arg45 : memref<!tpu.dma_semaphore, #tpu.memory_space<semaphore_mem>>)
        } else {
        }
        %mul3A_346 = arith.constant 8 : i32
        %mul3A_347 = arith.muli %scan3A_262, %mul3A_346 : i32
        %add3A_348 = arith.constant 4 : i32
        %add3A_349 = arith.addi %mul3A_347, %add3A_348 : i32
        %dma_wait3A_350 = arith.constant 0 : i32
        %dma_wait3A_351 = arith.constant 0 : i32
        %dma_wait3A_352 = tpu.memref_slice %arg6[%dma_wait3A_350, %dma_wait3A_351] : memref<10240x128xf32, #tpu.memory_space<hbm>> -> memref<10240x128xf32, #tpu.memory_space<hbm>>
        tpu.wait_indirect_dma semaphore(%arg42 : memref<!tpu.dma_semaphore, #tpu.memory_space<semaphore_mem>>) src(%dma_wait3A_352 : memref<10240x128xf32, #tpu.memory_space<hbm>>) dst(%arg29 : memref<80x128xf32, #tpu.memory_space<vmem>>)
        "tpu.region"() ({
          %run_scoped3A = tpu.sem_alloc : memref<!tpu.dma_semaphore, #tpu.memory_space<semaphore_mem>>
          %dma_start3A_430 = arith.constant 0 : i32
          %dma_start3A_431 = arith.constant 0 : i32
          %dma_start3A_432 = tpu.memref_slice %arg33[%dma_start3A_430, %dma_start3A_431] : memref<10240x128xf32, #tpu.memory_space<vmem_shared>> -> memref<10240x128xf32, #tpu.memory_space<vmem_shared>>
          tpu.enqueue_indirect_dma source(%arg29 : memref<80x128xf32, #tpu.memory_space<vmem>>) target(%dma_start3A_432 : memref<10240x128xf32, #tpu.memory_space<vmem_shared>>) offsets(%arg25 : memref<80xi32, #tpu.memory_space<vmem>>) semaphore(%run_scoped3A : memref<!tpu.dma_semaphore, #tpu.memory_space<semaphore_mem>>) {add = true}
          %dma_wait3A_433 = arith.constant 0 : i32
          %dma_wait3A_434 = arith.constant 0 : i32
          %dma_wait3A_435 = tpu.memref_slice %arg33[%dma_wait3A_433, %dma_wait3A_434] : memref<10240x128xf32, #tpu.memory_space<vmem_shared>> -> memref<10240x128xf32, #tpu.memory_space<vmem_shared>>
          tpu.wait_indirect_dma semaphore(%run_scoped3A : memref<!tpu.dma_semaphore, #tpu.memory_space<semaphore_mem>>) src(%arg29 : memref<80x128xf32, #tpu.memory_space<vmem>>) dst(%dma_wait3A_435 : memref<10240x128xf32, #tpu.memory_space<vmem_shared>>)
          tpu.yield
        }) : () -> ()
        %add3A_353 = arith.constant 8 : i32
        %add3A_354 = arith.addi %add3A_349, %add3A_353 : i32
        %lt3A_355 = arith.constant 128 : i32
        %lt3A_356 = arith.cmpi slt, %add3A_354, %lt3A_355 : i32
        %convert_element_type3A_357 = arith.extui %lt3A_356 : i1 to i32
        %cond3A_358 = arith.constant 0 : i32
        %cond3A_359 = arith.cmpi ne, %convert_element_type3A_357, %cond3A_358 : i32
        scf.if %cond3A_359 {
          %mul3A_430 = arith.constant 10240 : i32
          %mul3A_431 = arith.muli %arg1, %mul3A_430 : i32
          %mul3A_432 = arith.constant 80 : i32
          %mul3A_433 = arith.muli %add3A_354, %mul3A_432 : i32
          %add3A_434 = arith.addi %mul3A_431, %mul3A_433 : i32
          %multiple_of3A_435 = tpu.assume_multiple %add3A_434, 8 : i32
          %dma_start3A_436 = tpu.memref_slice %arg2[%multiple_of3A_435] : memref<163840xi32, #tpu.memory_space<hbm>> -> memref<80xi32, #tpu.memory_space<hbm>>
          %dma_start3A_437 = tpu.memref_slice %arg2[%multiple_of3A_435] : memref<163840xi32, #tpu.memory_space<hbm>> -> memref<80xi32, #tpu.memory_space<hbm>>
          tpu.enqueue_dma source(%dma_start3A_437 : memref<80xi32, #tpu.memory_space<hbm>>) target(%arg17 : memref<80xi32, #tpu.memory_space<vmem>>) target_semaphore(%arg38 : memref<!tpu.dma_semaphore, #tpu.memory_space<semaphore_mem>>)
          %dma_start3A_438 = tpu.memref_slice %arg3[%multiple_of3A_435] : memref<163840xi32, #tpu.memory_space<hbm>> -> memref<80xi32, #tpu.memory_space<hbm>>
          %dma_start3A_439 = tpu.memref_slice %arg3[%multiple_of3A_435] : memref<163840xi32, #tpu.memory_space<hbm>> -> memref<80xi32, #tpu.memory_space<hbm>>
          tpu.enqueue_dma source(%dma_start3A_439 : memref<80xi32, #tpu.memory_space<hbm>>) target(%arg25 : memref<80xi32, #tpu.memory_space<vmem>>) target_semaphore(%arg38 : memref<!tpu.dma_semaphore, #tpu.memory_space<semaphore_mem>>)
        } else {
        }
        %add3A_360 = arith.constant 4 : i32
        %add3A_361 = arith.addi %add3A_349, %add3A_360 : i32
        %lt3A_362 = arith.constant 128 : i32
        %lt3A_363 = arith.cmpi slt, %add3A_361, %lt3A_362 : i32
        %convert_element_type3A_364 = arith.extui %lt3A_363 : i1 to i32
        %cond3A_365 = arith.constant 0 : i32
        %cond3A_366 = arith.cmpi ne, %convert_element_type3A_364, %cond3A_365 : i32
        scf.if %cond3A_366 {
          %dma_wait3A_430 = arith.constant 0 : i32
          %dma_wait3A_431 = tpu.memref_slice %arg2[%dma_wait3A_430] : memref<163840xi32, #tpu.memory_space<hbm>> -> memref<80xi32, #tpu.memory_space<hbm>>
          %dma_wait3A_432 = arith.constant 0 : i32
          %dma_wait3A_433 = tpu.memref_slice %arg2[%dma_wait3A_432] : memref<163840xi32, #tpu.memory_space<hbm>> -> memref<80xi32, #tpu.memory_space<hbm>>
          tpu.wait_dma2 semaphore(%arg34 : memref<!tpu.dma_semaphore, #tpu.memory_space<semaphore_mem>>) src(%dma_wait3A_433 : memref<80xi32, #tpu.memory_space<hbm>>) dst(%arg13 : memref<80xi32, #tpu.memory_space<vmem>>)
          %dma_wait3A_434 = arith.constant 0 : i32
          %dma_wait3A_435 = tpu.memref_slice %arg3[%dma_wait3A_434] : memref<163840xi32, #tpu.memory_space<hbm>> -> memref<80xi32, #tpu.memory_space<hbm>>
          %dma_wait3A_436 = arith.constant 0 : i32
          %dma_wait3A_437 = tpu.memref_slice %arg3[%dma_wait3A_436] : memref<163840xi32, #tpu.memory_space<hbm>> -> memref<80xi32, #tpu.memory_space<hbm>>
          tpu.wait_dma2 semaphore(%arg34 : memref<!tpu.dma_semaphore, #tpu.memory_space<semaphore_mem>>) src(%dma_wait3A_437 : memref<80xi32, #tpu.memory_space<hbm>>) dst(%arg21 : memref<80xi32, #tpu.memory_space<vmem>>)
          %dma_start3A_438 = arith.constant 0 : i32
          %dma_start3A_439 = arith.constant 0 : i32
          %dma_start3A_440 = tpu.memref_slice %arg6[%dma_start3A_438, %dma_start3A_439] : memref<10240x128xf32, #tpu.memory_space<hbm>> -> memref<10240x128xf32, #tpu.memory_space<hbm>>
          tpu.enqueue_indirect_dma source(%dma_start3A_440 : memref<10240x128xf32, #tpu.memory_space<hbm>>) target(%arg29 : memref<80x128xf32, #tpu.memory_space<vmem>>) offsets(%arg13 : memref<80xi32, #tpu.memory_space<vmem>>) semaphore(%arg42 : memref<!tpu.dma_semaphore, #tpu.memory_space<semaphore_mem>>)
        } else {
        }
        %mul3A_367 = arith.constant 8 : i32
        %mul3A_368 = arith.muli %scan3A_262, %mul3A_367 : i32
        %add3A_369 = arith.constant 5 : i32
        %add3A_370 = arith.addi %mul3A_368, %add3A_369 : i32
        %dma_wait3A_371 = arith.constant 0 : i32
        %dma_wait3A_372 = arith.constant 0 : i32
        %dma_wait3A_373 = tpu.memref_slice %arg6[%dma_wait3A_371, %dma_wait3A_372] : memref<10240x128xf32, #tpu.memory_space<hbm>> -> memref<10240x128xf32, #tpu.memory_space<hbm>>
        tpu.wait_indirect_dma semaphore(%arg43 : memref<!tpu.dma_semaphore, #tpu.memory_space<semaphore_mem>>) src(%dma_wait3A_373 : memref<10240x128xf32, #tpu.memory_space<hbm>>) dst(%arg30 : memref<80x128xf32, #tpu.memory_space<vmem>>)
        "tpu.region"() ({
          %run_scoped3A = tpu.sem_alloc : memref<!tpu.dma_semaphore, #tpu.memory_space<semaphore_mem>>
          %dma_start3A_430 = arith.constant 0 : i32
          %dma_start3A_431 = arith.constant 0 : i32
          %dma_start3A_432 = tpu.memref_slice %arg33[%dma_start3A_430, %dma_start3A_431] : memref<10240x128xf32, #tpu.memory_space<vmem_shared>> -> memref<10240x128xf32, #tpu.memory_space<vmem_shared>>
          tpu.enqueue_indirect_dma source(%arg30 : memref<80x128xf32, #tpu.memory_space<vmem>>) target(%dma_start3A_432 : memref<10240x128xf32, #tpu.memory_space<vmem_shared>>) offsets(%arg26 : memref<80xi32, #tpu.memory_space<vmem>>) semaphore(%run_scoped3A : memref<!tpu.dma_semaphore, #tpu.memory_space<semaphore_mem>>) {add = true}
          %dma_wait3A_433 = arith.constant 0 : i32
          %dma_wait3A_434 = arith.constant 0 : i32
          %dma_wait3A_435 = tpu.memref_slice %arg33[%dma_wait3A_433, %dma_wait3A_434] : memref<10240x128xf32, #tpu.memory_space<vmem_shared>> -> memref<10240x128xf32, #tpu.memory_space<vmem_shared>>
          tpu.wait_indirect_dma semaphore(%run_scoped3A : memref<!tpu.dma_semaphore, #tpu.memory_space<semaphore_mem>>) src(%arg30 : memref<80x128xf32, #tpu.memory_space<vmem>>) dst(%dma_wait3A_435 : memref<10240x128xf32, #tpu.memory_space<vmem_shared>>)
          tpu.yield
        }) : () -> ()
        %add3A_374 = arith.constant 8 : i32
        %add3A_375 = arith.addi %add3A_370, %add3A_374 : i32
        %lt3A_376 = arith.constant 128 : i32
        %lt3A_377 = arith.cmpi slt, %add3A_375, %lt3A_376 : i32
        %convert_element_type3A_378 = arith.extui %lt3A_377 : i1 to i32
        %cond3A_379 = arith.constant 0 : i32
        %cond3A_380 = arith.cmpi ne, %convert_element_type3A_378, %cond3A_379 : i32
        scf.if %cond3A_380 {
          %mul3A_430 = arith.constant 10240 : i32
          %mul3A_431 = arith.muli %arg1, %mul3A_430 : i32
          %mul3A_432 = arith.constant 80 : i32
          %mul3A_433 = arith.muli %add3A_375, %mul3A_432 : i32
          %add3A_434 = arith.addi %mul3A_431, %mul3A_433 : i32
          %multiple_of3A_435 = tpu.assume_multiple %add3A_434, 8 : i32
          %dma_start3A_436 = tpu.memref_slice %arg2[%multiple_of3A_435] : memref<163840xi32, #tpu.memory_space<hbm>> -> memref<80xi32, #tpu.memory_space<hbm>>
          %dma_start3A_437 = tpu.memref_slice %arg2[%multiple_of3A_435] : memref<163840xi32, #tpu.memory_space<hbm>> -> memref<80xi32, #tpu.memory_space<hbm>>
          tpu.enqueue_dma source(%dma_start3A_437 : memref<80xi32, #tpu.memory_space<hbm>>) target(%arg18 : memref<80xi32, #tpu.memory_space<vmem>>) target_semaphore(%arg39 : memref<!tpu.dma_semaphore, #tpu.memory_space<semaphore_mem>>)
          %dma_start3A_438 = tpu.memref_slice %arg3[%multiple_of3A_435] : memref<163840xi32, #tpu.memory_space<hbm>> -> memref<80xi32, #tpu.memory_space<hbm>>
          %dma_start3A_439 = tpu.memref_slice %arg3[%multiple_of3A_435] : memref<163840xi32, #tpu.memory_space<hbm>> -> memref<80xi32, #tpu.memory_space<hbm>>
          tpu.enqueue_dma source(%dma_start3A_439 : memref<80xi32, #tpu.memory_space<hbm>>) target(%arg26 : memref<80xi32, #tpu.memory_space<vmem>>) target_semaphore(%arg39 : memref<!tpu.dma_semaphore, #tpu.memory_space<semaphore_mem>>)
        } else {
        }
        %add3A_381 = arith.constant 4 : i32
        %add3A_382 = arith.addi %add3A_370, %add3A_381 : i32
        %lt3A_383 = arith.constant 128 : i32
        %lt3A_384 = arith.cmpi slt, %add3A_382, %lt3A_383 : i32
        %convert_element_type3A_385 = arith.extui %lt3A_384 : i1 to i32
        %cond3A_386 = arith.constant 0 : i32
        %cond3A_387 = arith.cmpi ne, %convert_element_type3A_385, %cond3A_386 : i32
        scf.if %cond3A_387 {
          %dma_wait3A_430 = arith.constant 0 : i32
          %dma_wait3A_431 = tpu.memref_slice %arg2[%dma_wait3A_430] : memref<163840xi32, #tpu.memory_space<hbm>> -> memref<80xi32, #tpu.memory_space<hbm>>
          %dma_wait3A_432 = arith.constant 0 : i32
          %dma_wait3A_433 = tpu.memref_slice %arg2[%dma_wait3A_432] : memref<163840xi32, #tpu.memory_space<hbm>> -> memref<80xi32, #tpu.memory_space<hbm>>
          tpu.wait_dma2 semaphore(%arg35 : memref<!tpu.dma_semaphore, #tpu.memory_space<semaphore_mem>>) src(%dma_wait3A_433 : memref<80xi32, #tpu.memory_space<hbm>>) dst(%arg14 : memref<80xi32, #tpu.memory_space<vmem>>)
          %dma_wait3A_434 = arith.constant 0 : i32
          %dma_wait3A_435 = tpu.memref_slice %arg3[%dma_wait3A_434] : memref<163840xi32, #tpu.memory_space<hbm>> -> memref<80xi32, #tpu.memory_space<hbm>>
          %dma_wait3A_436 = arith.constant 0 : i32
          %dma_wait3A_437 = tpu.memref_slice %arg3[%dma_wait3A_436] : memref<163840xi32, #tpu.memory_space<hbm>> -> memref<80xi32, #tpu.memory_space<hbm>>
          tpu.wait_dma2 semaphore(%arg35 : memref<!tpu.dma_semaphore, #tpu.memory_space<semaphore_mem>>) src(%dma_wait3A_437 : memref<80xi32, #tpu.memory_space<hbm>>) dst(%arg22 : memref<80xi32, #tpu.memory_space<vmem>>)
          %dma_start3A_438 = arith.constant 0 : i32
          %dma_start3A_439 = arith.constant 0 : i32
          %dma_start3A_440 = tpu.memref_slice %arg6[%dma_start3A_438, %dma_start3A_439] : memref<10240x128xf32, #tpu.memory_space<hbm>> -> memref<10240x128xf32, #tpu.memory_space<hbm>>
          tpu.enqueue_indirect_dma source(%dma_start3A_440 : memref<10240x128xf32, #tpu.memory_space<hbm>>) target(%arg30 : memref<80x128xf32, #tpu.memory_space<vmem>>) offsets(%arg14 : memref<80xi32, #tpu.memory_space<vmem>>) semaphore(%arg43 : memref<!tpu.dma_semaphore, #tpu.memory_space<semaphore_mem>>)
        } else {
        }
        %mul3A_388 = arith.constant 8 : i32
        %mul3A_389 = arith.muli %scan3A_262, %mul3A_388 : i32
        %add3A_390 = arith.constant 6 : i32
        %add3A_391 = arith.addi %mul3A_389, %add3A_390 : i32
        %dma_wait3A_392 = arith.constant 0 : i32
        %dma_wait3A_393 = arith.constant 0 : i32
        %dma_wait3A_394 = tpu.memref_slice %arg6[%dma_wait3A_392, %dma_wait3A_393] : memref<10240x128xf32, #tpu.memory_space<hbm>> -> memref<10240x128xf32, #tpu.memory_space<hbm>>
        tpu.wait_indirect_dma semaphore(%arg44 : memref<!tpu.dma_semaphore, #tpu.memory_space<semaphore_mem>>) src(%dma_wait3A_394 : memref<10240x128xf32, #tpu.memory_space<hbm>>) dst(%arg31 : memref<80x128xf32, #tpu.memory_space<vmem>>)
        "tpu.region"() ({
          %run_scoped3A = tpu.sem_alloc : memref<!tpu.dma_semaphore, #tpu.memory_space<semaphore_mem>>
          %dma_start3A_430 = arith.constant 0 : i32
          %dma_start3A_431 = arith.constant 0 : i32
          %dma_start3A_432 = tpu.memref_slice %arg33[%dma_start3A_430, %dma_start3A_431] : memref<10240x128xf32, #tpu.memory_space<vmem_shared>> -> memref<10240x128xf32, #tpu.memory_space<vmem_shared>>
          tpu.enqueue_indirect_dma source(%arg31 : memref<80x128xf32, #tpu.memory_space<vmem>>) target(%dma_start3A_432 : memref<10240x128xf32, #tpu.memory_space<vmem_shared>>) offsets(%arg27 : memref<80xi32, #tpu.memory_space<vmem>>) semaphore(%run_scoped3A : memref<!tpu.dma_semaphore, #tpu.memory_space<semaphore_mem>>) {add = true}
          %dma_wait3A_433 = arith.constant 0 : i32
          %dma_wait3A_434 = arith.constant 0 : i32
          %dma_wait3A_435 = tpu.memref_slice %arg33[%dma_wait3A_433, %dma_wait3A_434] : memref<10240x128xf32, #tpu.memory_space<vmem_shared>> -> memref<10240x128xf32, #tpu.memory_space<vmem_shared>>
          tpu.wait_indirect_dma semaphore(%run_scoped3A : memref<!tpu.dma_semaphore, #tpu.memory_space<semaphore_mem>>) src(%arg31 : memref<80x128xf32, #tpu.memory_space<vmem>>) dst(%dma_wait3A_435 : memref<10240x128xf32, #tpu.memory_space<vmem_shared>>)
          tpu.yield
        }) : () -> ()
        %add3A_395 = arith.constant 8 : i32
        %add3A_396 = arith.addi %add3A_391, %add3A_395 : i32
        %lt3A_397 = arith.constant 128 : i32
        %lt3A_398 = arith.cmpi slt, %add3A_396, %lt3A_397 : i32
        %convert_element_type3A_399 = arith.extui %lt3A_398 : i1 to i32
        %cond3A_400 = arith.constant 0 : i32
        %cond3A_401 = arith.cmpi ne, %convert_element_type3A_399, %cond3A_400 : i32
        scf.if %cond3A_401 {
          %mul3A_430 = arith.constant 10240 : i32
          %mul3A_431 = arith.muli %arg1, %mul3A_430 : i32
          %mul3A_432 = arith.constant 80 : i32
          %mul3A_433 = arith.muli %add3A_396, %mul3A_432 : i32
          %add3A_434 = arith.addi %mul3A_431, %mul3A_433 : i32
          %multiple_of3A_435 = tpu.assume_multiple %add3A_434, 8 : i32
          %dma_start3A_436 = tpu.memref_slice %arg2[%multiple_of3A_435] : memref<163840xi32, #tpu.memory_space<hbm>> -> memref<80xi32, #tpu.memory_space<hbm>>
          %dma_start3A_437 = tpu.memref_slice %arg2[%multiple_of3A_435] : memref<163840xi32, #tpu.memory_space<hbm>> -> memref<80xi32, #tpu.memory_space<hbm>>
          tpu.enqueue_dma source(%dma_start3A_437 : memref<80xi32, #tpu.memory_space<hbm>>) target(%arg19 : memref<80xi32, #tpu.memory_space<vmem>>) target_semaphore(%arg40 : memref<!tpu.dma_semaphore, #tpu.memory_space<semaphore_mem>>)
          %dma_start3A_438 = tpu.memref_slice %arg3[%multiple_of3A_435] : memref<163840xi32, #tpu.memory_space<hbm>> -> memref<80xi32, #tpu.memory_space<hbm>>
          %dma_start3A_439 = tpu.memref_slice %arg3[%multiple_of3A_435] : memref<163840xi32, #tpu.memory_space<hbm>> -> memref<80xi32, #tpu.memory_space<hbm>>
          tpu.enqueue_dma source(%dma_start3A_439 : memref<80xi32, #tpu.memory_space<hbm>>) target(%arg27 : memref<80xi32, #tpu.memory_space<vmem>>) target_semaphore(%arg40 : memref<!tpu.dma_semaphore, #tpu.memory_space<semaphore_mem>>)
        } else {
        }
        %add3A_402 = arith.constant 4 : i32
        %add3A_403 = arith.addi %add3A_391, %add3A_402 : i32
        %lt3A_404 = arith.constant 128 : i32
        %lt3A_405 = arith.cmpi slt, %add3A_403, %lt3A_404 : i32
        %convert_element_type3A_406 = arith.extui %lt3A_405 : i1 to i32
        %cond3A_407 = arith.constant 0 : i32
        %cond3A_408 = arith.cmpi ne, %convert_element_type3A_406, %cond3A_407 : i32
        scf.if %cond3A_408 {
          %dma_wait3A_430 = arith.constant 0 : i32
          %dma_wait3A_431 = tpu.memref_slice %arg2[%dma_wait3A_430] : memref<163840xi32, #tpu.memory_space<hbm>> -> memref<80xi32, #tpu.memory_space<hbm>>
          %dma_wait3A_432 = arith.constant 0 : i32
          %dma_wait3A_433 = tpu.memref_slice %arg2[%dma_wait3A_432] : memref<163840xi32, #tpu.memory_space<hbm>> -> memref<80xi32, #tpu.memory_space<hbm>>
          tpu.wait_dma2 semaphore(%arg36 : memref<!tpu.dma_semaphore, #tpu.memory_space<semaphore_mem>>) src(%dma_wait3A_433 : memref<80xi32, #tpu.memory_space<hbm>>) dst(%arg15 : memref<80xi32, #tpu.memory_space<vmem>>)
          %dma_wait3A_434 = arith.constant 0 : i32
          %dma_wait3A_435 = tpu.memref_slice %arg3[%dma_wait3A_434] : memref<163840xi32, #tpu.memory_space<hbm>> -> memref<80xi32, #tpu.memory_space<hbm>>
          %dma_wait3A_436 = arith.constant 0 : i32
          %dma_wait3A_437 = tpu.memref_slice %arg3[%dma_wait3A_436] : memref<163840xi32, #tpu.memory_space<hbm>> -> memref<80xi32, #tpu.memory_space<hbm>>
          tpu.wait_dma2 semaphore(%arg36 : memref<!tpu.dma_semaphore, #tpu.memory_space<semaphore_mem>>) src(%dma_wait3A_437 : memref<80xi32, #tpu.memory_space<hbm>>) dst(%arg23 : memref<80xi32, #tpu.memory_space<vmem>>)
          %dma_start3A_438 = arith.constant 0 : i32
          %dma_start3A_439 = arith.constant 0 : i32
          %dma_start3A_440 = tpu.memref_slice %arg6[%dma_start3A_438, %dma_start3A_439] : memref<10240x128xf32, #tpu.memory_space<hbm>> -> memref<10240x128xf32, #tpu.memory_space<hbm>>
          tpu.enqueue_indirect_dma source(%dma_start3A_440 : memref<10240x128xf32, #tpu.memory_space<hbm>>) target(%arg31 : memref<80x128xf32, #tpu.memory_space<vmem>>) offsets(%arg15 : memref<80xi32, #tpu.memory_space<vmem>>) semaphore(%arg44 : memref<!tpu.dma_semaphore, #tpu.memory_space<semaphore_mem>>)
        } else {
        }
        %mul3A_409 = arith.constant 8 : i32
        %mul3A_410 = arith.muli %scan3A_262, %mul3A_409 : i32
        %add3A_411 = arith.constant 7 : i32
        %add3A_412 = arith.addi %mul3A_410, %add3A_411 : i32
        %dma_wait3A_413 = arith.constant 0 : i32
        %dma_wait3A_414 = arith.constant 0 : i32
        %dma_wait3A_415 = tpu.memref_slice %arg6[%dma_wait3A_413, %dma_wait3A_414] : memref<10240x128xf32, #tpu.memory_space<hbm>> -> memref<10240x128xf32, #tpu.memory_space<hbm>>
        tpu.wait_indirect_dma semaphore(%arg45 : memref<!tpu.dma_semaphore, #tpu.memory_space<semaphore_mem>>) src(%dma_wait3A_415 : memref<10240x128xf32, #tpu.memory_space<hbm>>) dst(%arg32 : memref<80x128xf32, #tpu.memory_space<vmem>>)
        "tpu.region"() ({
          %run_scoped3A = tpu.sem_alloc : memref<!tpu.dma_semaphore, #tpu.memory_space<semaphore_mem>>
          %dma_start3A_430 = arith.constant 0 : i32
          %dma_start3A_431 = arith.constant 0 : i32
          %dma_start3A_432 = tpu.memref_slice %arg33[%dma_start3A_430, %dma_start3A_431] : memref<10240x128xf32, #tpu.memory_space<vmem_shared>> -> memref<10240x128xf32, #tpu.memory_space<vmem_shared>>
          tpu.enqueue_indirect_dma source(%arg32 : memref<80x128xf32, #tpu.memory_space<vmem>>) target(%dma_start3A_432 : memref<10240x128xf32, #tpu.memory_space<vmem_shared>>) offsets(%arg28 : memref<80xi32, #tpu.memory_space<vmem>>) semaphore(%run_scoped3A : memref<!tpu.dma_semaphore, #tpu.memory_space<semaphore_mem>>) {add = true}
          %dma_wait3A_433 = arith.constant 0 : i32
          %dma_wait3A_434 = arith.constant 0 : i32
          %dma_wait3A_435 = tpu.memref_slice %arg33[%dma_wait3A_433, %dma_wait3A_434] : memref<10240x128xf32, #tpu.memory_space<vmem_shared>> -> memref<10240x128xf32, #tpu.memory_space<vmem_shared>>
          tpu.wait_indirect_dma semaphore(%run_scoped3A : memref<!tpu.dma_semaphore, #tpu.memory_space<semaphore_mem>>) src(%arg32 : memref<80x128xf32, #tpu.memory_space<vmem>>) dst(%dma_wait3A_435 : memref<10240x128xf32, #tpu.memory_space<vmem_shared>>)
          tpu.yield
        }) : () -> ()
        %add3A_416 = arith.constant 8 : i32
        %add3A_417 = arith.addi %add3A_412, %add3A_416 : i32
        %lt3A_418 = arith.constant 128 : i32
        %lt3A_419 = arith.cmpi slt, %add3A_417, %lt3A_418 : i32
        %convert_element_type3A_420 = arith.extui %lt3A_419 : i1 to i32
        %cond3A_421 = arith.constant 0 : i32
        %cond3A_422 = arith.cmpi ne, %convert_element_type3A_420, %cond3A_421 : i32
        scf.if %cond3A_422 {
          %mul3A_430 = arith.constant 10240 : i32
          %mul3A_431 = arith.muli %arg1, %mul3A_430 : i32
          %mul3A_432 = arith.constant 80 : i32
          %mul3A_433 = arith.muli %add3A_417, %mul3A_432 : i32
          %add3A_434 = arith.addi %mul3A_431, %mul3A_433 : i32
          %multiple_of3A_435 = tpu.assume_multiple %add3A_434, 8 : i32
          %dma_start3A_436 = tpu.memref_slice %arg2[%multiple_of3A_435] : memref<163840xi32, #tpu.memory_space<hbm>> -> memref<80xi32, #tpu.memory_space<hbm>>
          %dma_start3A_437 = tpu.memref_slice %arg2[%multiple_of3A_435] : memref<163840xi32, #tpu.memory_space<hbm>> -> memref<80xi32, #tpu.memory_space<hbm>>
          tpu.enqueue_dma source(%dma_start3A_437 : memref<80xi32, #tpu.memory_space<hbm>>) target(%arg20 : memref<80xi32, #tpu.memory_space<vmem>>) target_semaphore(%arg41 : memref<!tpu.dma_semaphore, #tpu.memory_space<semaphore_mem>>)
          %dma_start3A_438 = tpu.memref_slice %arg3[%multiple_of3A_435] : memref<163840xi32, #tpu.memory_space<hbm>> -> memref<80xi32, #tpu.memory_space<hbm>>
          %dma_start3A_439 = tpu.memref_slice %arg3[%multiple_of3A_435] : memref<163840xi32, #tpu.memory_space<hbm>> -> memref<80xi32, #tpu.memory_space<hbm>>
          tpu.enqueue_dma source(%dma_start3A_439 : memref<80xi32, #tpu.memory_space<hbm>>) target(%arg28 : memref<80xi32, #tpu.memory_space<vmem>>) target_semaphore(%arg41 : memref<!tpu.dma_semaphore, #tpu.memory_space<semaphore_mem>>)
        } else {
        }
        %add3A_423 = arith.constant 4 : i32
        %add3A_424 = arith.addi %add3A_412, %add3A_423 : i32
        %lt3A_425 = arith.constant 128 : i32
        %lt3A_426 = arith.cmpi slt, %add3A_424, %lt3A_425 : i32
        %convert_element_type3A_427 = arith.extui %lt3A_426 : i1 to i32
        %cond3A_428 = arith.constant 0 : i32
        %cond3A_429 = arith.cmpi ne, %convert_element_type3A_427, %cond3A_428 : i32
        scf.if %cond3A_429 {
          %dma_wait3A_430 = arith.constant 0 : i32
          %dma_wait3A_431 = tpu.memref_slice %arg2[%dma_wait3A_430] : memref<163840xi32, #tpu.memory_space<hbm>> -> memref<80xi32, #tpu.memory_space<hbm>>
          %dma_wait3A_432 = arith.constant 0 : i32
          %dma_wait3A_433 = tpu.memref_slice %arg2[%dma_wait3A_432] : memref<163840xi32, #tpu.memory_space<hbm>> -> memref<80xi32, #tpu.memory_space<hbm>>
          tpu.wait_dma2 semaphore(%arg37 : memref<!tpu.dma_semaphore, #tpu.memory_space<semaphore_mem>>) src(%dma_wait3A_433 : memref<80xi32, #tpu.memory_space<hbm>>) dst(%arg16 : memref<80xi32, #tpu.memory_space<vmem>>)
          %dma_wait3A_434 = arith.constant 0 : i32
          %dma_wait3A_435 = tpu.memref_slice %arg3[%dma_wait3A_434] : memref<163840xi32, #tpu.memory_space<hbm>> -> memref<80xi32, #tpu.memory_space<hbm>>
          %dma_wait3A_436 = arith.constant 0 : i32
          %dma_wait3A_437 = tpu.memref_slice %arg3[%dma_wait3A_436] : memref<163840xi32, #tpu.memory_space<hbm>> -> memref<80xi32, #tpu.memory_space<hbm>>
          tpu.wait_dma2 semaphore(%arg37 : memref<!tpu.dma_semaphore, #tpu.memory_space<semaphore_mem>>) src(%dma_wait3A_437 : memref<80xi32, #tpu.memory_space<hbm>>) dst(%arg24 : memref<80xi32, #tpu.memory_space<vmem>>)
          %dma_start3A_438 = arith.constant 0 : i32
          %dma_start3A_439 = arith.constant 0 : i32
          %dma_start3A_440 = tpu.memref_slice %arg6[%dma_start3A_438, %dma_start3A_439] : memref<10240x128xf32, #tpu.memory_space<hbm>> -> memref<10240x128xf32, #tpu.memory_space<hbm>>
          tpu.enqueue_indirect_dma source(%dma_start3A_440 : memref<10240x128xf32, #tpu.memory_space<hbm>>) target(%arg32 : memref<80x128xf32, #tpu.memory_space<vmem>>) offsets(%arg16 : memref<80xi32, #tpu.memory_space<vmem>>) semaphore(%arg45 : memref<!tpu.dma_semaphore, #tpu.memory_space<semaphore_mem>>)
        } else {
        }
      }
      %scan3A_255 = arith.constant 16 : i32
      %barrier3A_256 = arith.constant 0 : index
      tpu.barrier barrier_id(%barrier3A_256)
      %mul3A_257 = arith.constant 640 : i32
      %mul3A_258 = arith.muli %arg1, %mul3A_257 : i32
      %mul3A_259 = arith.constant 640 : i32
      %mul3A_260 = arith.muli %arg1, %mul3A_259 : i32
      "tpu.region"() ({
        %run_scoped3A = tpu.sem_alloc : memref<!tpu.dma_semaphore, #tpu.memory_space<semaphore_mem>>
        %dma_start3A_262 = arith.constant 0 : i32
        %dma_start3A_263 = tpu.memref_slice %arg11[%mul3A_260, %dma_start3A_262] : memref<10240x128xf32, #tpu.memory_space<hbm>> -> memref<640x128xf32, #tpu.memory_space<hbm>>
        %dma_start3A_264 = arith.constant 0 : i32
        %dma_start3A_265 = tpu.memref_slice %arg33[%mul3A_258, %dma_start3A_264] : memref<10240x128xf32, #tpu.memory_space<vmem_shared>> -> memref<640x128xf32, #tpu.memory_space<vmem_shared>>
        tpu.enqueue_dma source(%dma_start3A_265 : memref<640x128xf32, #tpu.memory_space<vmem_shared>>) target(%dma_start3A_263 : memref<640x128xf32, #tpu.memory_space<hbm>>) target_semaphore(%run_scoped3A : memref<!tpu.dma_semaphore, #tpu.memory_space<semaphore_mem>>)
        %dma_wait3A_266 = arith.constant 0 : i32
        %dma_wait3A_267 = tpu.memref_slice %arg11[%mul3A_260, %dma_wait3A_266] : memref<10240x128xf32, #tpu.memory_space<hbm>> -> memref<640x128xf32, #tpu.memory_space<hbm>>
        %dma_wait3A_268 = arith.constant 0 : i32
        %dma_wait3A_269 = tpu.memref_slice %arg33[%mul3A_258, %dma_wait3A_268] : memref<10240x128xf32, #tpu.memory_space<vmem_shared>> -> memref<640x128xf32, #tpu.memory_space<vmem_shared>>
        tpu.wait_dma2 semaphore(%run_scoped3A : memref<!tpu.dma_semaphore, #tpu.memory_space<semaphore_mem>>) src(%dma_wait3A_269 : memref<640x128xf32, #tpu.memory_space<vmem_shared>>) dst(%dma_wait3A_267 : memref<640x128xf32, #tpu.memory_space<hbm>>)
        tpu.yield
      }) : () -> ()
      %barrier3A_261 = arith.constant 0 : index
      tpu.barrier barrier_id(%barrier3A_261)
    } else {
    }
    %eq3A_2 = arith.constant 1 : i32
    %eq3A_3 = arith.cmpi eq, %arg0, %eq3A_2 : i32
    %convert_element_type3A_4 = arith.extui %eq3A_3 : i1 to i32
    %cond3A_5 = arith.constant 0 : i32
    %cond3A_6 = arith.cmpi ne, %convert_element_type3A_4, %cond3A_5 : i32
    scf.if %cond3A_6 {
      %mul3A = arith.constant 640 : i32
      %mul3A_7 = arith.muli %arg1, %mul3A : i32
      "tpu.region"() ({
        %run_scoped3A = tpu.sem_alloc : memref<!tpu.dma_semaphore, #tpu.memory_space<semaphore_mem>>
        %dma_start3A_262 = arith.constant 0 : i32
        %dma_start3A_263 = tpu.memref_slice %arg33[%mul3A_7, %dma_start3A_262] : memref<10240x128xf32, #tpu.memory_space<vmem_shared>> -> memref<640x128xf32, #tpu.memory_space<vmem_shared>>
        tpu.enqueue_dma source(%arg8 : memref<640x128xf32, #tpu.memory_space<hbm>>) target(%dma_start3A_263 : memref<640x128xf32, #tpu.memory_space<vmem_shared>>) target_semaphore(%run_scoped3A : memref<!tpu.dma_semaphore, #tpu.memory_space<semaphore_mem>>)
        %dma_wait3A_264 = arith.constant 0 : i32
        %dma_wait3A_265 = tpu.memref_slice %arg33[%mul3A_7, %dma_wait3A_264] : memref<10240x128xf32, #tpu.memory_space<vmem_shared>> -> memref<640x128xf32, #tpu.memory_space<vmem_shared>>
        tpu.wait_dma2 semaphore(%run_scoped3A : memref<!tpu.dma_semaphore, #tpu.memory_space<semaphore_mem>>) src(%arg8 : memref<640x128xf32, #tpu.memory_space<hbm>>) dst(%dma_wait3A_265 : memref<640x128xf32, #tpu.memory_space<vmem_shared>>)
        tpu.yield
      }) : () -> ()
      %barrier3A = arith.constant 0 : index
      tpu.barrier barrier_id(%barrier3A)
      %mul3A_8 = arith.constant 10240 : i32
      %mul3A_9 = arith.muli %arg1, %mul3A_8 : i32
      %add3A = arith.constant 0 : i32
      %add3A_10 = arith.addi %mul3A_9, %add3A : i32
      %multiple_of3A = tpu.assume_multiple %add3A_10, 8 : i32
      %dma_start3A = tpu.memref_slice %arg3[%multiple_of3A] : memref<163840xi32, #tpu.memory_space<hbm>> -> memref<80xi32, #tpu.memory_space<hbm>>
      %dma_start3A_11 = tpu.memref_slice %arg3[%multiple_of3A] : memref<163840xi32, #tpu.memory_space<hbm>> -> memref<80xi32, #tpu.memory_space<hbm>>
      tpu.enqueue_dma source(%dma_start3A_11 : memref<80xi32, #tpu.memory_space<hbm>>) target(%arg13 : memref<80xi32, #tpu.memory_space<vmem>>) target_semaphore(%arg34 : memref<!tpu.dma_semaphore, #tpu.memory_space<semaphore_mem>>)
      %dma_start3A_12 = tpu.memref_slice %arg2[%multiple_of3A] : memref<163840xi32, #tpu.memory_space<hbm>> -> memref<80xi32, #tpu.memory_space<hbm>>
      %dma_start3A_13 = tpu.memref_slice %arg2[%multiple_of3A] : memref<163840xi32, #tpu.memory_space<hbm>> -> memref<80xi32, #tpu.memory_space<hbm>>
      tpu.enqueue_dma source(%dma_start3A_13 : memref<80xi32, #tpu.memory_space<hbm>>) target(%arg21 : memref<80xi32, #tpu.memory_space<vmem>>) target_semaphore(%arg34 : memref<!tpu.dma_semaphore, #tpu.memory_space<semaphore_mem>>)
      %mul3A_14 = arith.constant 10240 : i32
      %mul3A_15 = arith.muli %arg1, %mul3A_14 : i32
      %add3A_16 = arith.constant 80 : i32
      %add3A_17 = arith.addi %mul3A_15, %add3A_16 : i32
      %multiple_of3A_18 = tpu.assume_multiple %add3A_17, 8 : i32
      %dma_start3A_19 = tpu.memref_slice %arg3[%multiple_of3A_18] : memref<163840xi32, #tpu.memory_space<hbm>> -> memref<80xi32, #tpu.memory_space<hbm>>
      %dma_start3A_20 = tpu.memref_slice %arg3[%multiple_of3A_18] : memref<163840xi32, #tpu.memory_space<hbm>> -> memref<80xi32, #tpu.memory_space<hbm>>
      tpu.enqueue_dma source(%dma_start3A_20 : memref<80xi32, #tpu.memory_space<hbm>>) target(%arg14 : memref<80xi32, #tpu.memory_space<vmem>>) target_semaphore(%arg35 : memref<!tpu.dma_semaphore, #tpu.memory_space<semaphore_mem>>)
      %dma_start3A_21 = tpu.memref_slice %arg2[%multiple_of3A_18] : memref<163840xi32, #tpu.memory_space<hbm>> -> memref<80xi32, #tpu.memory_space<hbm>>
      %dma_start3A_22 = tpu.memref_slice %arg2[%multiple_of3A_18] : memref<163840xi32, #tpu.memory_space<hbm>> -> memref<80xi32, #tpu.memory_space<hbm>>
      tpu.enqueue_dma source(%dma_start3A_22 : memref<80xi32, #tpu.memory_space<hbm>>) target(%arg22 : memref<80xi32, #tpu.memory_space<vmem>>) target_semaphore(%arg35 : memref<!tpu.dma_semaphore, #tpu.memory_space<semaphore_mem>>)
      %mul3A_23 = arith.constant 10240 : i32
      %mul3A_24 = arith.muli %arg1, %mul3A_23 : i32
      %add3A_25 = arith.constant 160 : i32
      %add3A_26 = arith.addi %mul3A_24, %add3A_25 : i32
      %multiple_of3A_27 = tpu.assume_multiple %add3A_26, 8 : i32
      %dma_start3A_28 = tpu.memref_slice %arg3[%multiple_of3A_27] : memref<163840xi32, #tpu.memory_space<hbm>> -> memref<80xi32, #tpu.memory_space<hbm>>
      %dma_start3A_29 = tpu.memref_slice %arg3[%multiple_of3A_27] : memref<163840xi32, #tpu.memory_space<hbm>> -> memref<80xi32, #tpu.memory_space<hbm>>
      tpu.enqueue_dma source(%dma_start3A_29 : memref<80xi32, #tpu.memory_space<hbm>>) target(%arg15 : memref<80xi32, #tpu.memory_space<vmem>>) target_semaphore(%arg36 : memref<!tpu.dma_semaphore, #tpu.memory_space<semaphore_mem>>)
      %dma_start3A_30 = tpu.memref_slice %arg2[%multiple_of3A_27] : memref<163840xi32, #tpu.memory_space<hbm>> -> memref<80xi32, #tpu.memory_space<hbm>>
      %dma_start3A_31 = tpu.memref_slice %arg2[%multiple_of3A_27] : memref<163840xi32, #tpu.memory_space<hbm>> -> memref<80xi32, #tpu.memory_space<hbm>>
      tpu.enqueue_dma source(%dma_start3A_31 : memref<80xi32, #tpu.memory_space<hbm>>) target(%arg23 : memref<80xi32, #tpu.memory_space<vmem>>) target_semaphore(%arg36 : memref<!tpu.dma_semaphore, #tpu.memory_space<semaphore_mem>>)
      %mul3A_32 = arith.constant 10240 : i32
      %mul3A_33 = arith.muli %arg1, %mul3A_32 : i32
      %add3A_34 = arith.constant 240 : i32
      %add3A_35 = arith.addi %mul3A_33, %add3A_34 : i32
      %multiple_of3A_36 = tpu.assume_multiple %add3A_35, 8 : i32
      %dma_start3A_37 = tpu.memref_slice %arg3[%multiple_of3A_36] : memref<163840xi32, #tpu.memory_space<hbm>> -> memref<80xi32, #tpu.memory_space<hbm>>
      %dma_start3A_38 = tpu.memref_slice %arg3[%multiple_of3A_36] : memref<163840xi32, #tpu.memory_space<hbm>> -> memref<80xi32, #tpu.memory_space<hbm>>
      tpu.enqueue_dma source(%dma_start3A_38 : memref<80xi32, #tpu.memory_space<hbm>>) target(%arg16 : memref<80xi32, #tpu.memory_space<vmem>>) target_semaphore(%arg37 : memref<!tpu.dma_semaphore, #tpu.memory_space<semaphore_mem>>)
      %dma_start3A_39 = tpu.memref_slice %arg2[%multiple_of3A_36] : memref<163840xi32, #tpu.memory_space<hbm>> -> memref<80xi32, #tpu.memory_space<hbm>>
      %dma_start3A_40 = tpu.memref_slice %arg2[%multiple_of3A_36] : memref<163840xi32, #tpu.memory_space<hbm>> -> memref<80xi32, #tpu.memory_space<hbm>>
      tpu.enqueue_dma source(%dma_start3A_40 : memref<80xi32, #tpu.memory_space<hbm>>) target(%arg24 : memref<80xi32, #tpu.memory_space<vmem>>) target_semaphore(%arg37 : memref<!tpu.dma_semaphore, #tpu.memory_space<semaphore_mem>>)
      %mul3A_41 = arith.constant 10240 : i32
      %mul3A_42 = arith.muli %arg1, %mul3A_41 : i32
      %add3A_43 = arith.constant 320 : i32
      %add3A_44 = arith.addi %mul3A_42, %add3A_43 : i32
      %multiple_of3A_45 = tpu.assume_multiple %add3A_44, 8 : i32
      %dma_start3A_46 = tpu.memref_slice %arg3[%multiple_of3A_45] : memref<163840xi32, #tpu.memory_space<hbm>> -> memref<80xi32, #tpu.memory_space<hbm>>
      %dma_start3A_47 = tpu.memref_slice %arg3[%multiple_of3A_45] : memref<163840xi32, #tpu.memory_space<hbm>> -> memref<80xi32, #tpu.memory_space<hbm>>
      tpu.enqueue_dma source(%dma_start3A_47 : memref<80xi32, #tpu.memory_space<hbm>>) target(%arg17 : memref<80xi32, #tpu.memory_space<vmem>>) target_semaphore(%arg38 : memref<!tpu.dma_semaphore, #tpu.memory_space<semaphore_mem>>)
      %dma_start3A_48 = tpu.memref_slice %arg2[%multiple_of3A_45] : memref<163840xi32, #tpu.memory_space<hbm>> -> memref<80xi32, #tpu.memory_space<hbm>>
      %dma_start3A_49 = tpu.memref_slice %arg2[%multiple_of3A_45] : memref<163840xi32, #tpu.memory_space<hbm>> -> memref<80xi32, #tpu.memory_space<hbm>>
      tpu.enqueue_dma source(%dma_start3A_49 : memref<80xi32, #tpu.memory_space<hbm>>) target(%arg25 : memref<80xi32, #tpu.memory_space<vmem>>) target_semaphore(%arg38 : memref<!tpu.dma_semaphore, #tpu.memory_space<semaphore_mem>>)
      %mul3A_50 = arith.constant 10240 : i32
      %mul3A_51 = arith.muli %arg1, %mul3A_50 : i32
      %add3A_52 = arith.constant 400 : i32
      %add3A_53 = arith.addi %mul3A_51, %add3A_52 : i32
      %multiple_of3A_54 = tpu.assume_multiple %add3A_53, 8 : i32
      %dma_start3A_55 = tpu.memref_slice %arg3[%multiple_of3A_54] : memref<163840xi32, #tpu.memory_space<hbm>> -> memref<80xi32, #tpu.memory_space<hbm>>
      %dma_start3A_56 = tpu.memref_slice %arg3[%multiple_of3A_54] : memref<163840xi32, #tpu.memory_space<hbm>> -> memref<80xi32, #tpu.memory_space<hbm>>
      tpu.enqueue_dma source(%dma_start3A_56 : memref<80xi32, #tpu.memory_space<hbm>>) target(%arg18 : memref<80xi32, #tpu.memory_space<vmem>>) target_semaphore(%arg39 : memref<!tpu.dma_semaphore, #tpu.memory_space<semaphore_mem>>)
      %dma_start3A_57 = tpu.memref_slice %arg2[%multiple_of3A_54] : memref<163840xi32, #tpu.memory_space<hbm>> -> memref<80xi32, #tpu.memory_space<hbm>>
      %dma_start3A_58 = tpu.memref_slice %arg2[%multiple_of3A_54] : memref<163840xi32, #tpu.memory_space<hbm>> -> memref<80xi32, #tpu.memory_space<hbm>>
      tpu.enqueue_dma source(%dma_start3A_58 : memref<80xi32, #tpu.memory_space<hbm>>) target(%arg26 : memref<80xi32, #tpu.memory_space<vmem>>) target_semaphore(%arg39 : memref<!tpu.dma_semaphore, #tpu.memory_space<semaphore_mem>>)
      %mul3A_59 = arith.constant 10240 : i32
      %mul3A_60 = arith.muli %arg1, %mul3A_59 : i32
      %add3A_61 = arith.constant 480 : i32
      %add3A_62 = arith.addi %mul3A_60, %add3A_61 : i32
      %multiple_of3A_63 = tpu.assume_multiple %add3A_62, 8 : i32
      %dma_start3A_64 = tpu.memref_slice %arg3[%multiple_of3A_63] : memref<163840xi32, #tpu.memory_space<hbm>> -> memref<80xi32, #tpu.memory_space<hbm>>
      %dma_start3A_65 = tpu.memref_slice %arg3[%multiple_of3A_63] : memref<163840xi32, #tpu.memory_space<hbm>> -> memref<80xi32, #tpu.memory_space<hbm>>
      tpu.enqueue_dma source(%dma_start3A_65 : memref<80xi32, #tpu.memory_space<hbm>>) target(%arg19 : memref<80xi32, #tpu.memory_space<vmem>>) target_semaphore(%arg40 : memref<!tpu.dma_semaphore, #tpu.memory_space<semaphore_mem>>)
      %dma_start3A_66 = tpu.memref_slice %arg2[%multiple_of3A_63] : memref<163840xi32, #tpu.memory_space<hbm>> -> memref<80xi32, #tpu.memory_space<hbm>>
      %dma_start3A_67 = tpu.memref_slice %arg2[%multiple_of3A_63] : memref<163840xi32, #tpu.memory_space<hbm>> -> memref<80xi32, #tpu.memory_space<hbm>>
      tpu.enqueue_dma source(%dma_start3A_67 : memref<80xi32, #tpu.memory_space<hbm>>) target(%arg27 : memref<80xi32, #tpu.memory_space<vmem>>) target_semaphore(%arg40 : memref<!tpu.dma_semaphore, #tpu.memory_space<semaphore_mem>>)
      %mul3A_68 = arith.constant 10240 : i32
      %mul3A_69 = arith.muli %arg1, %mul3A_68 : i32
      %add3A_70 = arith.constant 560 : i32
      %add3A_71 = arith.addi %mul3A_69, %add3A_70 : i32
      %multiple_of3A_72 = tpu.assume_multiple %add3A_71, 8 : i32
      %dma_start3A_73 = tpu.memref_slice %arg3[%multiple_of3A_72] : memref<163840xi32, #tpu.memory_space<hbm>> -> memref<80xi32, #tpu.memory_space<hbm>>
      %dma_start3A_74 = tpu.memref_slice %arg3[%multiple_of3A_72] : memref<163840xi32, #tpu.memory_space<hbm>> -> memref<80xi32, #tpu.memory_space<hbm>>
      tpu.enqueue_dma source(%dma_start3A_74 : memref<80xi32, #tpu.memory_space<hbm>>) target(%arg20 : memref<80xi32, #tpu.memory_space<vmem>>) target_semaphore(%arg41 : memref<!tpu.dma_semaphore, #tpu.memory_space<semaphore_mem>>)
      %dma_start3A_75 = tpu.memref_slice %arg2[%multiple_of3A_72] : memref<163840xi32, #tpu.memory_space<hbm>> -> memref<80xi32, #tpu.memory_space<hbm>>
      %dma_start3A_76 = tpu.memref_slice %arg2[%multiple_of3A_72] : memref<163840xi32, #tpu.memory_space<hbm>> -> memref<80xi32, #tpu.memory_space<hbm>>
      tpu.enqueue_dma source(%dma_start3A_76 : memref<80xi32, #tpu.memory_space<hbm>>) target(%arg28 : memref<80xi32, #tpu.memory_space<vmem>>) target_semaphore(%arg41 : memref<!tpu.dma_semaphore, #tpu.memory_space<semaphore_mem>>)
      %dma_wait3A = arith.constant 0 : i32
      %dma_wait3A_77 = tpu.memref_slice %arg3[%dma_wait3A] : memref<163840xi32, #tpu.memory_space<hbm>> -> memref<80xi32, #tpu.memory_space<hbm>>
      %dma_wait3A_78 = arith.constant 0 : i32
      %dma_wait3A_79 = tpu.memref_slice %arg3[%dma_wait3A_78] : memref<163840xi32, #tpu.memory_space<hbm>> -> memref<80xi32, #tpu.memory_space<hbm>>
      tpu.wait_dma2 semaphore(%arg34 : memref<!tpu.dma_semaphore, #tpu.memory_space<semaphore_mem>>) src(%dma_wait3A_79 : memref<80xi32, #tpu.memory_space<hbm>>) dst(%arg13 : memref<80xi32, #tpu.memory_space<vmem>>)
      %dma_wait3A_80 = arith.constant 0 : i32
      %dma_wait3A_81 = tpu.memref_slice %arg2[%dma_wait3A_80] : memref<163840xi32, #tpu.memory_space<hbm>> -> memref<80xi32, #tpu.memory_space<hbm>>
      %dma_wait3A_82 = arith.constant 0 : i32
      %dma_wait3A_83 = tpu.memref_slice %arg2[%dma_wait3A_82] : memref<163840xi32, #tpu.memory_space<hbm>> -> memref<80xi32, #tpu.memory_space<hbm>>
      tpu.wait_dma2 semaphore(%arg34 : memref<!tpu.dma_semaphore, #tpu.memory_space<semaphore_mem>>) src(%dma_wait3A_83 : memref<80xi32, #tpu.memory_space<hbm>>) dst(%arg21 : memref<80xi32, #tpu.memory_space<vmem>>)
      %dma_start3A_84 = arith.constant 0 : i32
      %dma_start3A_85 = arith.constant 0 : i32
      %dma_start3A_86 = tpu.memref_slice %arg5[%dma_start3A_84, %dma_start3A_85] : memref<10240x128xf32, #tpu.memory_space<hbm>> -> memref<10240x128xf32, #tpu.memory_space<hbm>>
      tpu.enqueue_indirect_dma source(%dma_start3A_86 : memref<10240x128xf32, #tpu.memory_space<hbm>>) target(%arg29 : memref<80x128xf32, #tpu.memory_space<vmem>>) offsets(%arg13 : memref<80xi32, #tpu.memory_space<vmem>>) semaphore(%arg42 : memref<!tpu.dma_semaphore, #tpu.memory_space<semaphore_mem>>)
      %dma_wait3A_87 = arith.constant 0 : i32
      %dma_wait3A_88 = tpu.memref_slice %arg3[%dma_wait3A_87] : memref<163840xi32, #tpu.memory_space<hbm>> -> memref<80xi32, #tpu.memory_space<hbm>>
      %dma_wait3A_89 = arith.constant 0 : i32
      %dma_wait3A_90 = tpu.memref_slice %arg3[%dma_wait3A_89] : memref<163840xi32, #tpu.memory_space<hbm>> -> memref<80xi32, #tpu.memory_space<hbm>>
      tpu.wait_dma2 semaphore(%arg35 : memref<!tpu.dma_semaphore, #tpu.memory_space<semaphore_mem>>) src(%dma_wait3A_90 : memref<80xi32, #tpu.memory_space<hbm>>) dst(%arg14 : memref<80xi32, #tpu.memory_space<vmem>>)
      %dma_wait3A_91 = arith.constant 0 : i32
      %dma_wait3A_92 = tpu.memref_slice %arg2[%dma_wait3A_91] : memref<163840xi32, #tpu.memory_space<hbm>> -> memref<80xi32, #tpu.memory_space<hbm>>
      %dma_wait3A_93 = arith.constant 0 : i32
      %dma_wait3A_94 = tpu.memref_slice %arg2[%dma_wait3A_93] : memref<163840xi32, #tpu.memory_space<hbm>> -> memref<80xi32, #tpu.memory_space<hbm>>
      tpu.wait_dma2 semaphore(%arg35 : memref<!tpu.dma_semaphore, #tpu.memory_space<semaphore_mem>>) src(%dma_wait3A_94 : memref<80xi32, #tpu.memory_space<hbm>>) dst(%arg22 : memref<80xi32, #tpu.memory_space<vmem>>)
      %dma_start3A_95 = arith.constant 0 : i32
      %dma_start3A_96 = arith.constant 0 : i32
      %dma_start3A_97 = tpu.memref_slice %arg5[%dma_start3A_95, %dma_start3A_96] : memref<10240x128xf32, #tpu.memory_space<hbm>> -> memref<10240x128xf32, #tpu.memory_space<hbm>>
      tpu.enqueue_indirect_dma source(%dma_start3A_97 : memref<10240x128xf32, #tpu.memory_space<hbm>>) target(%arg30 : memref<80x128xf32, #tpu.memory_space<vmem>>) offsets(%arg14 : memref<80xi32, #tpu.memory_space<vmem>>) semaphore(%arg43 : memref<!tpu.dma_semaphore, #tpu.memory_space<semaphore_mem>>)
      %dma_wait3A_98 = arith.constant 0 : i32
      %dma_wait3A_99 = tpu.memref_slice %arg3[%dma_wait3A_98] : memref<163840xi32, #tpu.memory_space<hbm>> -> memref<80xi32, #tpu.memory_space<hbm>>
      %dma_wait3A_100 = arith.constant 0 : i32
      %dma_wait3A_101 = tpu.memref_slice %arg3[%dma_wait3A_100] : memref<163840xi32, #tpu.memory_space<hbm>> -> memref<80xi32, #tpu.memory_space<hbm>>
      tpu.wait_dma2 semaphore(%arg36 : memref<!tpu.dma_semaphore, #tpu.memory_space<semaphore_mem>>) src(%dma_wait3A_101 : memref<80xi32, #tpu.memory_space<hbm>>) dst(%arg15 : memref<80xi32, #tpu.memory_space<vmem>>)
      %dma_wait3A_102 = arith.constant 0 : i32
      %dma_wait3A_103 = tpu.memref_slice %arg2[%dma_wait3A_102] : memref<163840xi32, #tpu.memory_space<hbm>> -> memref<80xi32, #tpu.memory_space<hbm>>
      %dma_wait3A_104 = arith.constant 0 : i32
      %dma_wait3A_105 = tpu.memref_slice %arg2[%dma_wait3A_104] : memref<163840xi32, #tpu.memory_space<hbm>> -> memref<80xi32, #tpu.memory_space<hbm>>
      tpu.wait_dma2 semaphore(%arg36 : memref<!tpu.dma_semaphore, #tpu.memory_space<semaphore_mem>>) src(%dma_wait3A_105 : memref<80xi32, #tpu.memory_space<hbm>>) dst(%arg23 : memref<80xi32, #tpu.memory_space<vmem>>)
      %dma_start3A_106 = arith.constant 0 : i32
      %dma_start3A_107 = arith.constant 0 : i32
      %dma_start3A_108 = tpu.memref_slice %arg5[%dma_start3A_106, %dma_start3A_107] : memref<10240x128xf32, #tpu.memory_space<hbm>> -> memref<10240x128xf32, #tpu.memory_space<hbm>>
      tpu.enqueue_indirect_dma source(%dma_start3A_108 : memref<10240x128xf32, #tpu.memory_space<hbm>>) target(%arg31 : memref<80x128xf32, #tpu.memory_space<vmem>>) offsets(%arg15 : memref<80xi32, #tpu.memory_space<vmem>>) semaphore(%arg44 : memref<!tpu.dma_semaphore, #tpu.memory_space<semaphore_mem>>)
      %dma_wait3A_109 = arith.constant 0 : i32
      %dma_wait3A_110 = tpu.memref_slice %arg3[%dma_wait3A_109] : memref<163840xi32, #tpu.memory_space<hbm>> -> memref<80xi32, #tpu.memory_space<hbm>>
      %dma_wait3A_111 = arith.constant 0 : i32
      %dma_wait3A_112 = tpu.memref_slice %arg3[%dma_wait3A_111] : memref<163840xi32, #tpu.memory_space<hbm>> -> memref<80xi32, #tpu.memory_space<hbm>>
      tpu.wait_dma2 semaphore(%arg37 : memref<!tpu.dma_semaphore, #tpu.memory_space<semaphore_mem>>) src(%dma_wait3A_112 : memref<80xi32, #tpu.memory_space<hbm>>) dst(%arg16 : memref<80xi32, #tpu.memory_space<vmem>>)
      %dma_wait3A_113 = arith.constant 0 : i32
      %dma_wait3A_114 = tpu.memref_slice %arg2[%dma_wait3A_113] : memref<163840xi32, #tpu.memory_space<hbm>> -> memref<80xi32, #tpu.memory_space<hbm>>
      %dma_wait3A_115 = arith.constant 0 : i32
      %dma_wait3A_116 = tpu.memref_slice %arg2[%dma_wait3A_115] : memref<163840xi32, #tpu.memory_space<hbm>> -> memref<80xi32, #tpu.memory_space<hbm>>
      tpu.wait_dma2 semaphore(%arg37 : memref<!tpu.dma_semaphore, #tpu.memory_space<semaphore_mem>>) src(%dma_wait3A_116 : memref<80xi32, #tpu.memory_space<hbm>>) dst(%arg24 : memref<80xi32, #tpu.memory_space<vmem>>)
      %dma_start3A_117 = arith.constant 0 : i32
      %dma_start3A_118 = arith.constant 0 : i32
      %dma_start3A_119 = tpu.memref_slice %arg5[%dma_start3A_117, %dma_start3A_118] : memref<10240x128xf32, #tpu.memory_space<hbm>> -> memref<10240x128xf32, #tpu.memory_space<hbm>>
      tpu.enqueue_indirect_dma source(%dma_start3A_119 : memref<10240x128xf32, #tpu.memory_space<hbm>>) target(%arg32 : memref<80x128xf32, #tpu.memory_space<vmem>>) offsets(%arg16 : memref<80xi32, #tpu.memory_space<vmem>>) semaphore(%arg45 : memref<!tpu.dma_semaphore, #tpu.memory_space<semaphore_mem>>)
      %scan3A = arith.constant 0 : i32
      %scan3A_120 = arith.constant 0 : i32
      %scan3A_121 = arith.constant 16 : i32
      %scan3A_122 = arith.addi %scan3A_120, %scan3A_121 : i32
      %scan3A_123 = arith.constant 1 : i32
      scf.for %scan3A_262 = %scan3A_120 to %scan3A_122 step %scan3A_123  : i32 {
        %mul3A_263 = arith.constant 8 : i32
        %mul3A_264 = arith.muli %scan3A_262, %mul3A_263 : i32
        %add3A_265 = arith.constant 0 : i32
        %add3A_266 = arith.addi %mul3A_264, %add3A_265 : i32
        %dma_wait3A_267 = arith.constant 0 : i32
        %dma_wait3A_268 = arith.constant 0 : i32
        %dma_wait3A_269 = tpu.memref_slice %arg5[%dma_wait3A_267, %dma_wait3A_268] : memref<10240x128xf32, #tpu.memory_space<hbm>> -> memref<10240x128xf32, #tpu.memory_space<hbm>>
        tpu.wait_indirect_dma semaphore(%arg42 : memref<!tpu.dma_semaphore, #tpu.memory_space<semaphore_mem>>) src(%dma_wait3A_269 : memref<10240x128xf32, #tpu.memory_space<hbm>>) dst(%arg29 : memref<80x128xf32, #tpu.memory_space<vmem>>)
        "tpu.region"() ({
          %run_scoped3A = tpu.sem_alloc : memref<!tpu.dma_semaphore, #tpu.memory_space<semaphore_mem>>
          %dma_start3A_430 = arith.constant 0 : i32
          %dma_start3A_431 = arith.constant 0 : i32
          %dma_start3A_432 = tpu.memref_slice %arg33[%dma_start3A_430, %dma_start3A_431] : memref<10240x128xf32, #tpu.memory_space<vmem_shared>> -> memref<10240x128xf32, #tpu.memory_space<vmem_shared>>
          tpu.enqueue_indirect_dma source(%arg29 : memref<80x128xf32, #tpu.memory_space<vmem>>) target(%dma_start3A_432 : memref<10240x128xf32, #tpu.memory_space<vmem_shared>>) offsets(%arg21 : memref<80xi32, #tpu.memory_space<vmem>>) semaphore(%run_scoped3A : memref<!tpu.dma_semaphore, #tpu.memory_space<semaphore_mem>>) {add = true}
          %dma_wait3A_433 = arith.constant 0 : i32
          %dma_wait3A_434 = arith.constant 0 : i32
          %dma_wait3A_435 = tpu.memref_slice %arg33[%dma_wait3A_433, %dma_wait3A_434] : memref<10240x128xf32, #tpu.memory_space<vmem_shared>> -> memref<10240x128xf32, #tpu.memory_space<vmem_shared>>
          tpu.wait_indirect_dma semaphore(%run_scoped3A : memref<!tpu.dma_semaphore, #tpu.memory_space<semaphore_mem>>) src(%arg29 : memref<80x128xf32, #tpu.memory_space<vmem>>) dst(%dma_wait3A_435 : memref<10240x128xf32, #tpu.memory_space<vmem_shared>>)
          tpu.yield
        }) : () -> ()
        %add3A_270 = arith.constant 8 : i32
        %add3A_271 = arith.addi %add3A_266, %add3A_270 : i32
        %lt3A = arith.constant 128 : i32
        %lt3A_272 = arith.cmpi slt, %add3A_271, %lt3A : i32
        %convert_element_type3A_273 = arith.extui %lt3A_272 : i1 to i32
        %cond3A_274 = arith.constant 0 : i32
        %cond3A_275 = arith.cmpi ne, %convert_element_type3A_273, %cond3A_274 : i32
        scf.if %cond3A_275 {
          %mul3A_430 = arith.constant 10240 : i32
          %mul3A_431 = arith.muli %arg1, %mul3A_430 : i32
          %mul3A_432 = arith.constant 80 : i32
          %mul3A_433 = arith.muli %add3A_271, %mul3A_432 : i32
          %add3A_434 = arith.addi %mul3A_431, %mul3A_433 : i32
          %multiple_of3A_435 = tpu.assume_multiple %add3A_434, 8 : i32
          %dma_start3A_436 = tpu.memref_slice %arg3[%multiple_of3A_435] : memref<163840xi32, #tpu.memory_space<hbm>> -> memref<80xi32, #tpu.memory_space<hbm>>
          %dma_start3A_437 = tpu.memref_slice %arg3[%multiple_of3A_435] : memref<163840xi32, #tpu.memory_space<hbm>> -> memref<80xi32, #tpu.memory_space<hbm>>
          tpu.enqueue_dma source(%dma_start3A_437 : memref<80xi32, #tpu.memory_space<hbm>>) target(%arg13 : memref<80xi32, #tpu.memory_space<vmem>>) target_semaphore(%arg34 : memref<!tpu.dma_semaphore, #tpu.memory_space<semaphore_mem>>)
          %dma_start3A_438 = tpu.memref_slice %arg2[%multiple_of3A_435] : memref<163840xi32, #tpu.memory_space<hbm>> -> memref<80xi32, #tpu.memory_space<hbm>>
          %dma_start3A_439 = tpu.memref_slice %arg2[%multiple_of3A_435] : memref<163840xi32, #tpu.memory_space<hbm>> -> memref<80xi32, #tpu.memory_space<hbm>>
          tpu.enqueue_dma source(%dma_start3A_439 : memref<80xi32, #tpu.memory_space<hbm>>) target(%arg21 : memref<80xi32, #tpu.memory_space<vmem>>) target_semaphore(%arg34 : memref<!tpu.dma_semaphore, #tpu.memory_space<semaphore_mem>>)
        } else {
        }
        %add3A_276 = arith.constant 4 : i32
        %add3A_277 = arith.addi %add3A_266, %add3A_276 : i32
        %lt3A_278 = arith.constant 128 : i32
        %lt3A_279 = arith.cmpi slt, %add3A_277, %lt3A_278 : i32
        %convert_element_type3A_280 = arith.extui %lt3A_279 : i1 to i32
        %cond3A_281 = arith.constant 0 : i32
        %cond3A_282 = arith.cmpi ne, %convert_element_type3A_280, %cond3A_281 : i32
        scf.if %cond3A_282 {
          %dma_wait3A_430 = arith.constant 0 : i32
          %dma_wait3A_431 = tpu.memref_slice %arg3[%dma_wait3A_430] : memref<163840xi32, #tpu.memory_space<hbm>> -> memref<80xi32, #tpu.memory_space<hbm>>
          %dma_wait3A_432 = arith.constant 0 : i32
          %dma_wait3A_433 = tpu.memref_slice %arg3[%dma_wait3A_432] : memref<163840xi32, #tpu.memory_space<hbm>> -> memref<80xi32, #tpu.memory_space<hbm>>
          tpu.wait_dma2 semaphore(%arg38 : memref<!tpu.dma_semaphore, #tpu.memory_space<semaphore_mem>>) src(%dma_wait3A_433 : memref<80xi32, #tpu.memory_space<hbm>>) dst(%arg17 : memref<80xi32, #tpu.memory_space<vmem>>)
          %dma_wait3A_434 = arith.constant 0 : i32
          %dma_wait3A_435 = tpu.memref_slice %arg2[%dma_wait3A_434] : memref<163840xi32, #tpu.memory_space<hbm>> -> memref<80xi32, #tpu.memory_space<hbm>>
          %dma_wait3A_436 = arith.constant 0 : i32
          %dma_wait3A_437 = tpu.memref_slice %arg2[%dma_wait3A_436] : memref<163840xi32, #tpu.memory_space<hbm>> -> memref<80xi32, #tpu.memory_space<hbm>>
          tpu.wait_dma2 semaphore(%arg38 : memref<!tpu.dma_semaphore, #tpu.memory_space<semaphore_mem>>) src(%dma_wait3A_437 : memref<80xi32, #tpu.memory_space<hbm>>) dst(%arg25 : memref<80xi32, #tpu.memory_space<vmem>>)
          %dma_start3A_438 = arith.constant 0 : i32
          %dma_start3A_439 = arith.constant 0 : i32
          %dma_start3A_440 = tpu.memref_slice %arg5[%dma_start3A_438, %dma_start3A_439] : memref<10240x128xf32, #tpu.memory_space<hbm>> -> memref<10240x128xf32, #tpu.memory_space<hbm>>
          tpu.enqueue_indirect_dma source(%dma_start3A_440 : memref<10240x128xf32, #tpu.memory_space<hbm>>) target(%arg29 : memref<80x128xf32, #tpu.memory_space<vmem>>) offsets(%arg17 : memref<80xi32, #tpu.memory_space<vmem>>) semaphore(%arg42 : memref<!tpu.dma_semaphore, #tpu.memory_space<semaphore_mem>>)
        } else {
        }
        %mul3A_283 = arith.constant 8 : i32
        %mul3A_284 = arith.muli %scan3A_262, %mul3A_283 : i32
        %add3A_285 = arith.constant 1 : i32
        %add3A_286 = arith.addi %mul3A_284, %add3A_285 : i32
        %dma_wait3A_287 = arith.constant 0 : i32
        %dma_wait3A_288 = arith.constant 0 : i32
        %dma_wait3A_289 = tpu.memref_slice %arg5[%dma_wait3A_287, %dma_wait3A_288] : memref<10240x128xf32, #tpu.memory_space<hbm>> -> memref<10240x128xf32, #tpu.memory_space<hbm>>
        tpu.wait_indirect_dma semaphore(%arg43 : memref<!tpu.dma_semaphore, #tpu.memory_space<semaphore_mem>>) src(%dma_wait3A_289 : memref<10240x128xf32, #tpu.memory_space<hbm>>) dst(%arg30 : memref<80x128xf32, #tpu.memory_space<vmem>>)
        "tpu.region"() ({
          %run_scoped3A = tpu.sem_alloc : memref<!tpu.dma_semaphore, #tpu.memory_space<semaphore_mem>>
          %dma_start3A_430 = arith.constant 0 : i32
          %dma_start3A_431 = arith.constant 0 : i32
          %dma_start3A_432 = tpu.memref_slice %arg33[%dma_start3A_430, %dma_start3A_431] : memref<10240x128xf32, #tpu.memory_space<vmem_shared>> -> memref<10240x128xf32, #tpu.memory_space<vmem_shared>>
          tpu.enqueue_indirect_dma source(%arg30 : memref<80x128xf32, #tpu.memory_space<vmem>>) target(%dma_start3A_432 : memref<10240x128xf32, #tpu.memory_space<vmem_shared>>) offsets(%arg22 : memref<80xi32, #tpu.memory_space<vmem>>) semaphore(%run_scoped3A : memref<!tpu.dma_semaphore, #tpu.memory_space<semaphore_mem>>) {add = true}
          %dma_wait3A_433 = arith.constant 0 : i32
          %dma_wait3A_434 = arith.constant 0 : i32
          %dma_wait3A_435 = tpu.memref_slice %arg33[%dma_wait3A_433, %dma_wait3A_434] : memref<10240x128xf32, #tpu.memory_space<vmem_shared>> -> memref<10240x128xf32, #tpu.memory_space<vmem_shared>>
          tpu.wait_indirect_dma semaphore(%run_scoped3A : memref<!tpu.dma_semaphore, #tpu.memory_space<semaphore_mem>>) src(%arg30 : memref<80x128xf32, #tpu.memory_space<vmem>>) dst(%dma_wait3A_435 : memref<10240x128xf32, #tpu.memory_space<vmem_shared>>)
          tpu.yield
        }) : () -> ()
        %add3A_290 = arith.constant 8 : i32
        %add3A_291 = arith.addi %add3A_286, %add3A_290 : i32
        %lt3A_292 = arith.constant 128 : i32
        %lt3A_293 = arith.cmpi slt, %add3A_291, %lt3A_292 : i32
        %convert_element_type3A_294 = arith.extui %lt3A_293 : i1 to i32
        %cond3A_295 = arith.constant 0 : i32
        %cond3A_296 = arith.cmpi ne, %convert_element_type3A_294, %cond3A_295 : i32
        scf.if %cond3A_296 {
          %mul3A_430 = arith.constant 10240 : i32
          %mul3A_431 = arith.muli %arg1, %mul3A_430 : i32
          %mul3A_432 = arith.constant 80 : i32
          %mul3A_433 = arith.muli %add3A_291, %mul3A_432 : i32
          %add3A_434 = arith.addi %mul3A_431, %mul3A_433 : i32
          %multiple_of3A_435 = tpu.assume_multiple %add3A_434, 8 : i32
          %dma_start3A_436 = tpu.memref_slice %arg3[%multiple_of3A_435] : memref<163840xi32, #tpu.memory_space<hbm>> -> memref<80xi32, #tpu.memory_space<hbm>>
          %dma_start3A_437 = tpu.memref_slice %arg3[%multiple_of3A_435] : memref<163840xi32, #tpu.memory_space<hbm>> -> memref<80xi32, #tpu.memory_space<hbm>>
          tpu.enqueue_dma source(%dma_start3A_437 : memref<80xi32, #tpu.memory_space<hbm>>) target(%arg14 : memref<80xi32, #tpu.memory_space<vmem>>) target_semaphore(%arg35 : memref<!tpu.dma_semaphore, #tpu.memory_space<semaphore_mem>>)
          %dma_start3A_438 = tpu.memref_slice %arg2[%multiple_of3A_435] : memref<163840xi32, #tpu.memory_space<hbm>> -> memref<80xi32, #tpu.memory_space<hbm>>
          %dma_start3A_439 = tpu.memref_slice %arg2[%multiple_of3A_435] : memref<163840xi32, #tpu.memory_space<hbm>> -> memref<80xi32, #tpu.memory_space<hbm>>
          tpu.enqueue_dma source(%dma_start3A_439 : memref<80xi32, #tpu.memory_space<hbm>>) target(%arg22 : memref<80xi32, #tpu.memory_space<vmem>>) target_semaphore(%arg35 : memref<!tpu.dma_semaphore, #tpu.memory_space<semaphore_mem>>)
        } else {
        }
        %add3A_297 = arith.constant 4 : i32
        %add3A_298 = arith.addi %add3A_286, %add3A_297 : i32
        %lt3A_299 = arith.constant 128 : i32
        %lt3A_300 = arith.cmpi slt, %add3A_298, %lt3A_299 : i32
        %convert_element_type3A_301 = arith.extui %lt3A_300 : i1 to i32
        %cond3A_302 = arith.constant 0 : i32
        %cond3A_303 = arith.cmpi ne, %convert_element_type3A_301, %cond3A_302 : i32
        scf.if %cond3A_303 {
          %dma_wait3A_430 = arith.constant 0 : i32
          %dma_wait3A_431 = tpu.memref_slice %arg3[%dma_wait3A_430] : memref<163840xi32, #tpu.memory_space<hbm>> -> memref<80xi32, #tpu.memory_space<hbm>>
          %dma_wait3A_432 = arith.constant 0 : i32
          %dma_wait3A_433 = tpu.memref_slice %arg3[%dma_wait3A_432] : memref<163840xi32, #tpu.memory_space<hbm>> -> memref<80xi32, #tpu.memory_space<hbm>>
          tpu.wait_dma2 semaphore(%arg39 : memref<!tpu.dma_semaphore, #tpu.memory_space<semaphore_mem>>) src(%dma_wait3A_433 : memref<80xi32, #tpu.memory_space<hbm>>) dst(%arg18 : memref<80xi32, #tpu.memory_space<vmem>>)
          %dma_wait3A_434 = arith.constant 0 : i32
          %dma_wait3A_435 = tpu.memref_slice %arg2[%dma_wait3A_434] : memref<163840xi32, #tpu.memory_space<hbm>> -> memref<80xi32, #tpu.memory_space<hbm>>
          %dma_wait3A_436 = arith.constant 0 : i32
          %dma_wait3A_437 = tpu.memref_slice %arg2[%dma_wait3A_436] : memref<163840xi32, #tpu.memory_space<hbm>> -> memref<80xi32, #tpu.memory_space<hbm>>
          tpu.wait_dma2 semaphore(%arg39 : memref<!tpu.dma_semaphore, #tpu.memory_space<semaphore_mem>>) src(%dma_wait3A_437 : memref<80xi32, #tpu.memory_space<hbm>>) dst(%arg26 : memref<80xi32, #tpu.memory_space<vmem>>)
          %dma_start3A_438 = arith.constant 0 : i32
          %dma_start3A_439 = arith.constant 0 : i32
          %dma_start3A_440 = tpu.memref_slice %arg5[%dma_start3A_438, %dma_start3A_439] : memref<10240x128xf32, #tpu.memory_space<hbm>> -> memref<10240x128xf32, #tpu.memory_space<hbm>>
          tpu.enqueue_indirect_dma source(%dma_start3A_440 : memref<10240x128xf32, #tpu.memory_space<hbm>>) target(%arg30 : memref<80x128xf32, #tpu.memory_space<vmem>>) offsets(%arg18 : memref<80xi32, #tpu.memory_space<vmem>>) semaphore(%arg43 : memref<!tpu.dma_semaphore, #tpu.memory_space<semaphore_mem>>)
        } else {
        }
        %mul3A_304 = arith.constant 8 : i32
        %mul3A_305 = arith.muli %scan3A_262, %mul3A_304 : i32
        %add3A_306 = arith.constant 2 : i32
        %add3A_307 = arith.addi %mul3A_305, %add3A_306 : i32
        %dma_wait3A_308 = arith.constant 0 : i32
        %dma_wait3A_309 = arith.constant 0 : i32
        %dma_wait3A_310 = tpu.memref_slice %arg5[%dma_wait3A_308, %dma_wait3A_309] : memref<10240x128xf32, #tpu.memory_space<hbm>> -> memref<10240x128xf32, #tpu.memory_space<hbm>>
        tpu.wait_indirect_dma semaphore(%arg44 : memref<!tpu.dma_semaphore, #tpu.memory_space<semaphore_mem>>) src(%dma_wait3A_310 : memref<10240x128xf32, #tpu.memory_space<hbm>>) dst(%arg31 : memref<80x128xf32, #tpu.memory_space<vmem>>)
        "tpu.region"() ({
          %run_scoped3A = tpu.sem_alloc : memref<!tpu.dma_semaphore, #tpu.memory_space<semaphore_mem>>
          %dma_start3A_430 = arith.constant 0 : i32
          %dma_start3A_431 = arith.constant 0 : i32
          %dma_start3A_432 = tpu.memref_slice %arg33[%dma_start3A_430, %dma_start3A_431] : memref<10240x128xf32, #tpu.memory_space<vmem_shared>> -> memref<10240x128xf32, #tpu.memory_space<vmem_shared>>
          tpu.enqueue_indirect_dma source(%arg31 : memref<80x128xf32, #tpu.memory_space<vmem>>) target(%dma_start3A_432 : memref<10240x128xf32, #tpu.memory_space<vmem_shared>>) offsets(%arg23 : memref<80xi32, #tpu.memory_space<vmem>>) semaphore(%run_scoped3A : memref<!tpu.dma_semaphore, #tpu.memory_space<semaphore_mem>>) {add = true}
          %dma_wait3A_433 = arith.constant 0 : i32
          %dma_wait3A_434 = arith.constant 0 : i32
          %dma_wait3A_435 = tpu.memref_slice %arg33[%dma_wait3A_433, %dma_wait3A_434] : memref<10240x128xf32, #tpu.memory_space<vmem_shared>> -> memref<10240x128xf32, #tpu.memory_space<vmem_shared>>
          tpu.wait_indirect_dma semaphore(%run_scoped3A : memref<!tpu.dma_semaphore, #tpu.memory_space<semaphore_mem>>) src(%arg31 : memref<80x128xf32, #tpu.memory_space<vmem>>) dst(%dma_wait3A_435 : memref<10240x128xf32, #tpu.memory_space<vmem_shared>>)
          tpu.yield
        }) : () -> ()
        %add3A_311 = arith.constant 8 : i32
        %add3A_312 = arith.addi %add3A_307, %add3A_311 : i32
        %lt3A_313 = arith.constant 128 : i32
        %lt3A_314 = arith.cmpi slt, %add3A_312, %lt3A_313 : i32
        %convert_element_type3A_315 = arith.extui %lt3A_314 : i1 to i32
        %cond3A_316 = arith.constant 0 : i32
        %cond3A_317 = arith.cmpi ne, %convert_element_type3A_315, %cond3A_316 : i32
        scf.if %cond3A_317 {
          %mul3A_430 = arith.constant 10240 : i32
          %mul3A_431 = arith.muli %arg1, %mul3A_430 : i32
          %mul3A_432 = arith.constant 80 : i32
          %mul3A_433 = arith.muli %add3A_312, %mul3A_432 : i32
          %add3A_434 = arith.addi %mul3A_431, %mul3A_433 : i32
          %multiple_of3A_435 = tpu.assume_multiple %add3A_434, 8 : i32
          %dma_start3A_436 = tpu.memref_slice %arg3[%multiple_of3A_435] : memref<163840xi32, #tpu.memory_space<hbm>> -> memref<80xi32, #tpu.memory_space<hbm>>
          %dma_start3A_437 = tpu.memref_slice %arg3[%multiple_of3A_435] : memref<163840xi32, #tpu.memory_space<hbm>> -> memref<80xi32, #tpu.memory_space<hbm>>
          tpu.enqueue_dma source(%dma_start3A_437 : memref<80xi32, #tpu.memory_space<hbm>>) target(%arg15 : memref<80xi32, #tpu.memory_space<vmem>>) target_semaphore(%arg36 : memref<!tpu.dma_semaphore, #tpu.memory_space<semaphore_mem>>)
          %dma_start3A_438 = tpu.memref_slice %arg2[%multiple_of3A_435] : memref<163840xi32, #tpu.memory_space<hbm>> -> memref<80xi32, #tpu.memory_space<hbm>>
          %dma_start3A_439 = tpu.memref_slice %arg2[%multiple_of3A_435] : memref<163840xi32, #tpu.memory_space<hbm>> -> memref<80xi32, #tpu.memory_space<hbm>>
          tpu.enqueue_dma source(%dma_start3A_439 : memref<80xi32, #tpu.memory_space<hbm>>) target(%arg23 : memref<80xi32, #tpu.memory_space<vmem>>) target_semaphore(%arg36 : memref<!tpu.dma_semaphore, #tpu.memory_space<semaphore_mem>>)
        } else {
        }
        %add3A_318 = arith.constant 4 : i32
        %add3A_319 = arith.addi %add3A_307, %add3A_318 : i32
        %lt3A_320 = arith.constant 128 : i32
        %lt3A_321 = arith.cmpi slt, %add3A_319, %lt3A_320 : i32
        %convert_element_type3A_322 = arith.extui %lt3A_321 : i1 to i32
        %cond3A_323 = arith.constant 0 : i32
        %cond3A_324 = arith.cmpi ne, %convert_element_type3A_322, %cond3A_323 : i32
        scf.if %cond3A_324 {
          %dma_wait3A_430 = arith.constant 0 : i32
          %dma_wait3A_431 = tpu.memref_slice %arg3[%dma_wait3A_430] : memref<163840xi32, #tpu.memory_space<hbm>> -> memref<80xi32, #tpu.memory_space<hbm>>
          %dma_wait3A_432 = arith.constant 0 : i32
          %dma_wait3A_433 = tpu.memref_slice %arg3[%dma_wait3A_432] : memref<163840xi32, #tpu.memory_space<hbm>> -> memref<80xi32, #tpu.memory_space<hbm>>
          tpu.wait_dma2 semaphore(%arg40 : memref<!tpu.dma_semaphore, #tpu.memory_space<semaphore_mem>>) src(%dma_wait3A_433 : memref<80xi32, #tpu.memory_space<hbm>>) dst(%arg19 : memref<80xi32, #tpu.memory_space<vmem>>)
          %dma_wait3A_434 = arith.constant 0 : i32
          %dma_wait3A_435 = tpu.memref_slice %arg2[%dma_wait3A_434] : memref<163840xi32, #tpu.memory_space<hbm>> -> memref<80xi32, #tpu.memory_space<hbm>>
          %dma_wait3A_436 = arith.constant 0 : i32
          %dma_wait3A_437 = tpu.memref_slice %arg2[%dma_wait3A_436] : memref<163840xi32, #tpu.memory_space<hbm>> -> memref<80xi32, #tpu.memory_space<hbm>>
          tpu.wait_dma2 semaphore(%arg40 : memref<!tpu.dma_semaphore, #tpu.memory_space<semaphore_mem>>) src(%dma_wait3A_437 : memref<80xi32, #tpu.memory_space<hbm>>) dst(%arg27 : memref<80xi32, #tpu.memory_space<vmem>>)
          %dma_start3A_438 = arith.constant 0 : i32
          %dma_start3A_439 = arith.constant 0 : i32
          %dma_start3A_440 = tpu.memref_slice %arg5[%dma_start3A_438, %dma_start3A_439] : memref<10240x128xf32, #tpu.memory_space<hbm>> -> memref<10240x128xf32, #tpu.memory_space<hbm>>
          tpu.enqueue_indirect_dma source(%dma_start3A_440 : memref<10240x128xf32, #tpu.memory_space<hbm>>) target(%arg31 : memref<80x128xf32, #tpu.memory_space<vmem>>) offsets(%arg19 : memref<80xi32, #tpu.memory_space<vmem>>) semaphore(%arg44 : memref<!tpu.dma_semaphore, #tpu.memory_space<semaphore_mem>>)
        } else {
        }
        %mul3A_325 = arith.constant 8 : i32
        %mul3A_326 = arith.muli %scan3A_262, %mul3A_325 : i32
        %add3A_327 = arith.constant 3 : i32
        %add3A_328 = arith.addi %mul3A_326, %add3A_327 : i32
        %dma_wait3A_329 = arith.constant 0 : i32
        %dma_wait3A_330 = arith.constant 0 : i32
        %dma_wait3A_331 = tpu.memref_slice %arg5[%dma_wait3A_329, %dma_wait3A_330] : memref<10240x128xf32, #tpu.memory_space<hbm>> -> memref<10240x128xf32, #tpu.memory_space<hbm>>
        tpu.wait_indirect_dma semaphore(%arg45 : memref<!tpu.dma_semaphore, #tpu.memory_space<semaphore_mem>>) src(%dma_wait3A_331 : memref<10240x128xf32, #tpu.memory_space<hbm>>) dst(%arg32 : memref<80x128xf32, #tpu.memory_space<vmem>>)
        "tpu.region"() ({
          %run_scoped3A = tpu.sem_alloc : memref<!tpu.dma_semaphore, #tpu.memory_space<semaphore_mem>>
          %dma_start3A_430 = arith.constant 0 : i32
          %dma_start3A_431 = arith.constant 0 : i32
          %dma_start3A_432 = tpu.memref_slice %arg33[%dma_start3A_430, %dma_start3A_431] : memref<10240x128xf32, #tpu.memory_space<vmem_shared>> -> memref<10240x128xf32, #tpu.memory_space<vmem_shared>>
          tpu.enqueue_indirect_dma source(%arg32 : memref<80x128xf32, #tpu.memory_space<vmem>>) target(%dma_start3A_432 : memref<10240x128xf32, #tpu.memory_space<vmem_shared>>) offsets(%arg24 : memref<80xi32, #tpu.memory_space<vmem>>) semaphore(%run_scoped3A : memref<!tpu.dma_semaphore, #tpu.memory_space<semaphore_mem>>) {add = true}
          %dma_wait3A_433 = arith.constant 0 : i32
          %dma_wait3A_434 = arith.constant 0 : i32
          %dma_wait3A_435 = tpu.memref_slice %arg33[%dma_wait3A_433, %dma_wait3A_434] : memref<10240x128xf32, #tpu.memory_space<vmem_shared>> -> memref<10240x128xf32, #tpu.memory_space<vmem_shared>>
          tpu.wait_indirect_dma semaphore(%run_scoped3A : memref<!tpu.dma_semaphore, #tpu.memory_space<semaphore_mem>>) src(%arg32 : memref<80x128xf32, #tpu.memory_space<vmem>>) dst(%dma_wait3A_435 : memref<10240x128xf32, #tpu.memory_space<vmem_shared>>)
          tpu.yield
        }) : () -> ()
        %add3A_332 = arith.constant 8 : i32
        %add3A_333 = arith.addi %add3A_328, %add3A_332 : i32
        %lt3A_334 = arith.constant 128 : i32
        %lt3A_335 = arith.cmpi slt, %add3A_333, %lt3A_334 : i32
        %convert_element_type3A_336 = arith.extui %lt3A_335 : i1 to i32
        %cond3A_337 = arith.constant 0 : i32
        %cond3A_338 = arith.cmpi ne, %convert_element_type3A_336, %cond3A_337 : i32
        scf.if %cond3A_338 {
          %mul3A_430 = arith.constant 10240 : i32
          %mul3A_431 = arith.muli %arg1, %mul3A_430 : i32
          %mul3A_432 = arith.constant 80 : i32
          %mul3A_433 = arith.muli %add3A_333, %mul3A_432 : i32
          %add3A_434 = arith.addi %mul3A_431, %mul3A_433 : i32
          %multiple_of3A_435 = tpu.assume_multiple %add3A_434, 8 : i32
          %dma_start3A_436 = tpu.memref_slice %arg3[%multiple_of3A_435] : memref<163840xi32, #tpu.memory_space<hbm>> -> memref<80xi32, #tpu.memory_space<hbm>>
          %dma_start3A_437 = tpu.memref_slice %arg3[%multiple_of3A_435] : memref<163840xi32, #tpu.memory_space<hbm>> -> memref<80xi32, #tpu.memory_space<hbm>>
          tpu.enqueue_dma source(%dma_start3A_437 : memref<80xi32, #tpu.memory_space<hbm>>) target(%arg16 : memref<80xi32, #tpu.memory_space<vmem>>) target_semaphore(%arg37 : memref<!tpu.dma_semaphore, #tpu.memory_space<semaphore_mem>>)
          %dma_start3A_438 = tpu.memref_slice %arg2[%multiple_of3A_435] : memref<163840xi32, #tpu.memory_space<hbm>> -> memref<80xi32, #tpu.memory_space<hbm>>
          %dma_start3A_439 = tpu.memref_slice %arg2[%multiple_of3A_435] : memref<163840xi32, #tpu.memory_space<hbm>> -> memref<80xi32, #tpu.memory_space<hbm>>
          tpu.enqueue_dma source(%dma_start3A_439 : memref<80xi32, #tpu.memory_space<hbm>>) target(%arg24 : memref<80xi32, #tpu.memory_space<vmem>>) target_semaphore(%arg37 : memref<!tpu.dma_semaphore, #tpu.memory_space<semaphore_mem>>)
        } else {
        }
        %add3A_339 = arith.constant 4 : i32
        %add3A_340 = arith.addi %add3A_328, %add3A_339 : i32
        %lt3A_341 = arith.constant 128 : i32
        %lt3A_342 = arith.cmpi slt, %add3A_340, %lt3A_341 : i32
        %convert_element_type3A_343 = arith.extui %lt3A_342 : i1 to i32
        %cond3A_344 = arith.constant 0 : i32
        %cond3A_345 = arith.cmpi ne, %convert_element_type3A_343, %cond3A_344 : i32
        scf.if %cond3A_345 {
          %dma_wait3A_430 = arith.constant 0 : i32
          %dma_wait3A_431 = tpu.memref_slice %arg3[%dma_wait3A_430] : memref<163840xi32, #tpu.memory_space<hbm>> -> memref<80xi32, #tpu.memory_space<hbm>>
          %dma_wait3A_432 = arith.constant 0 : i32
          %dma_wait3A_433 = tpu.memref_slice %arg3[%dma_wait3A_432] : memref<163840xi32, #tpu.memory_space<hbm>> -> memref<80xi32, #tpu.memory_space<hbm>>
          tpu.wait_dma2 semaphore(%arg41 : memref<!tpu.dma_semaphore, #tpu.memory_space<semaphore_mem>>) src(%dma_wait3A_433 : memref<80xi32, #tpu.memory_space<hbm>>) dst(%arg20 : memref<80xi32, #tpu.memory_space<vmem>>)
          %dma_wait3A_434 = arith.constant 0 : i32
          %dma_wait3A_435 = tpu.memref_slice %arg2[%dma_wait3A_434] : memref<163840xi32, #tpu.memory_space<hbm>> -> memref<80xi32, #tpu.memory_space<hbm>>
          %dma_wait3A_436 = arith.constant 0 : i32
          %dma_wait3A_437 = tpu.memref_slice %arg2[%dma_wait3A_436] : memref<163840xi32, #tpu.memory_space<hbm>> -> memref<80xi32, #tpu.memory_space<hbm>>
          tpu.wait_dma2 semaphore(%arg41 : memref<!tpu.dma_semaphore, #tpu.memory_space<semaphore_mem>>) src(%dma_wait3A_437 : memref<80xi32, #tpu.memory_space<hbm>>) dst(%arg28 : memref<80xi32, #tpu.memory_space<vmem>>)
          %dma_start3A_438 = arith.constant 0 : i32
          %dma_start3A_439 = arith.constant 0 : i32
          %dma_start3A_440 = tpu.memref_slice %arg5[%dma_start3A_438, %dma_start3A_439] : memref<10240x128xf32, #tpu.memory_space<hbm>> -> memref<10240x128xf32, #tpu.memory_space<hbm>>
          tpu.enqueue_indirect_dma source(%dma_start3A_440 : memref<10240x128xf32, #tpu.memory_space<hbm>>) target(%arg32 : memref<80x128xf32, #tpu.memory_space<vmem>>) offsets(%arg20 : memref<80xi32, #tpu.memory_space<vmem>>) semaphore(%arg45 : memref<!tpu.dma_semaphore, #tpu.memory_space<semaphore_mem>>)
        } else {
        }
        %mul3A_346 = arith.constant 8 : i32
        %mul3A_347 = arith.muli %scan3A_262, %mul3A_346 : i32
        %add3A_348 = arith.constant 4 : i32
        %add3A_349 = arith.addi %mul3A_347, %add3A_348 : i32
        %dma_wait3A_350 = arith.constant 0 : i32
        %dma_wait3A_351 = arith.constant 0 : i32
        %dma_wait3A_352 = tpu.memref_slice %arg5[%dma_wait3A_350, %dma_wait3A_351] : memref<10240x128xf32, #tpu.memory_space<hbm>> -> memref<10240x128xf32, #tpu.memory_space<hbm>>
        tpu.wait_indirect_dma semaphore(%arg42 : memref<!tpu.dma_semaphore, #tpu.memory_space<semaphore_mem>>) src(%dma_wait3A_352 : memref<10240x128xf32, #tpu.memory_space<hbm>>) dst(%arg29 : memref<80x128xf32, #tpu.memory_space<vmem>>)
        "tpu.region"() ({
          %run_scoped3A = tpu.sem_alloc : memref<!tpu.dma_semaphore, #tpu.memory_space<semaphore_mem>>
          %dma_start3A_430 = arith.constant 0 : i32
          %dma_start3A_431 = arith.constant 0 : i32
          %dma_start3A_432 = tpu.memref_slice %arg33[%dma_start3A_430, %dma_start3A_431] : memref<10240x128xf32, #tpu.memory_space<vmem_shared>> -> memref<10240x128xf32, #tpu.memory_space<vmem_shared>>
          tpu.enqueue_indirect_dma source(%arg29 : memref<80x128xf32, #tpu.memory_space<vmem>>) target(%dma_start3A_432 : memref<10240x128xf32, #tpu.memory_space<vmem_shared>>) offsets(%arg25 : memref<80xi32, #tpu.memory_space<vmem>>) semaphore(%run_scoped3A : memref<!tpu.dma_semaphore, #tpu.memory_space<semaphore_mem>>) {add = true}
          %dma_wait3A_433 = arith.constant 0 : i32
          %dma_wait3A_434 = arith.constant 0 : i32
          %dma_wait3A_435 = tpu.memref_slice %arg33[%dma_wait3A_433, %dma_wait3A_434] : memref<10240x128xf32, #tpu.memory_space<vmem_shared>> -> memref<10240x128xf32, #tpu.memory_space<vmem_shared>>
          tpu.wait_indirect_dma semaphore(%run_scoped3A : memref<!tpu.dma_semaphore, #tpu.memory_space<semaphore_mem>>) src(%arg29 : memref<80x128xf32, #tpu.memory_space<vmem>>) dst(%dma_wait3A_435 : memref<10240x128xf32, #tpu.memory_space<vmem_shared>>)
          tpu.yield
        }) : () -> ()
        %add3A_353 = arith.constant 8 : i32
        %add3A_354 = arith.addi %add3A_349, %add3A_353 : i32
        %lt3A_355 = arith.constant 128 : i32
        %lt3A_356 = arith.cmpi slt, %add3A_354, %lt3A_355 : i32
        %convert_element_type3A_357 = arith.extui %lt3A_356 : i1 to i32
        %cond3A_358 = arith.constant 0 : i32
        %cond3A_359 = arith.cmpi ne, %convert_element_type3A_357, %cond3A_358 : i32
        scf.if %cond3A_359 {
          %mul3A_430 = arith.constant 10240 : i32
          %mul3A_431 = arith.muli %arg1, %mul3A_430 : i32
          %mul3A_432 = arith.constant 80 : i32
          %mul3A_433 = arith.muli %add3A_354, %mul3A_432 : i32
          %add3A_434 = arith.addi %mul3A_431, %mul3A_433 : i32
          %multiple_of3A_435 = tpu.assume_multiple %add3A_434, 8 : i32
          %dma_start3A_436 = tpu.memref_slice %arg3[%multiple_of3A_435] : memref<163840xi32, #tpu.memory_space<hbm>> -> memref<80xi32, #tpu.memory_space<hbm>>
          %dma_start3A_437 = tpu.memref_slice %arg3[%multiple_of3A_435] : memref<163840xi32, #tpu.memory_space<hbm>> -> memref<80xi32, #tpu.memory_space<hbm>>
          tpu.enqueue_dma source(%dma_start3A_437 : memref<80xi32, #tpu.memory_space<hbm>>) target(%arg17 : memref<80xi32, #tpu.memory_space<vmem>>) target_semaphore(%arg38 : memref<!tpu.dma_semaphore, #tpu.memory_space<semaphore_mem>>)
          %dma_start3A_438 = tpu.memref_slice %arg2[%multiple_of3A_435] : memref<163840xi32, #tpu.memory_space<hbm>> -> memref<80xi32, #tpu.memory_space<hbm>>
          %dma_start3A_439 = tpu.memref_slice %arg2[%multiple_of3A_435] : memref<163840xi32, #tpu.memory_space<hbm>> -> memref<80xi32, #tpu.memory_space<hbm>>
          tpu.enqueue_dma source(%dma_start3A_439 : memref<80xi32, #tpu.memory_space<hbm>>) target(%arg25 : memref<80xi32, #tpu.memory_space<vmem>>) target_semaphore(%arg38 : memref<!tpu.dma_semaphore, #tpu.memory_space<semaphore_mem>>)
        } else {
        }
        %add3A_360 = arith.constant 4 : i32
        %add3A_361 = arith.addi %add3A_349, %add3A_360 : i32
        %lt3A_362 = arith.constant 128 : i32
        %lt3A_363 = arith.cmpi slt, %add3A_361, %lt3A_362 : i32
        %convert_element_type3A_364 = arith.extui %lt3A_363 : i1 to i32
        %cond3A_365 = arith.constant 0 : i32
        %cond3A_366 = arith.cmpi ne, %convert_element_type3A_364, %cond3A_365 : i32
        scf.if %cond3A_366 {
          %dma_wait3A_430 = arith.constant 0 : i32
          %dma_wait3A_431 = tpu.memref_slice %arg3[%dma_wait3A_430] : memref<163840xi32, #tpu.memory_space<hbm>> -> memref<80xi32, #tpu.memory_space<hbm>>
          %dma_wait3A_432 = arith.constant 0 : i32
          %dma_wait3A_433 = tpu.memref_slice %arg3[%dma_wait3A_432] : memref<163840xi32, #tpu.memory_space<hbm>> -> memref<80xi32, #tpu.memory_space<hbm>>
          tpu.wait_dma2 semaphore(%arg34 : memref<!tpu.dma_semaphore, #tpu.memory_space<semaphore_mem>>) src(%dma_wait3A_433 : memref<80xi32, #tpu.memory_space<hbm>>) dst(%arg13 : memref<80xi32, #tpu.memory_space<vmem>>)
          %dma_wait3A_434 = arith.constant 0 : i32
          %dma_wait3A_435 = tpu.memref_slice %arg2[%dma_wait3A_434] : memref<163840xi32, #tpu.memory_space<hbm>> -> memref<80xi32, #tpu.memory_space<hbm>>
          %dma_wait3A_436 = arith.constant 0 : i32
          %dma_wait3A_437 = tpu.memref_slice %arg2[%dma_wait3A_436] : memref<163840xi32, #tpu.memory_space<hbm>> -> memref<80xi32, #tpu.memory_space<hbm>>
          tpu.wait_dma2 semaphore(%arg34 : memref<!tpu.dma_semaphore, #tpu.memory_space<semaphore_mem>>) src(%dma_wait3A_437 : memref<80xi32, #tpu.memory_space<hbm>>) dst(%arg21 : memref<80xi32, #tpu.memory_space<vmem>>)
          %dma_start3A_438 = arith.constant 0 : i32
          %dma_start3A_439 = arith.constant 0 : i32
          %dma_start3A_440 = tpu.memref_slice %arg5[%dma_start3A_438, %dma_start3A_439] : memref<10240x128xf32, #tpu.memory_space<hbm>> -> memref<10240x128xf32, #tpu.memory_space<hbm>>
          tpu.enqueue_indirect_dma source(%dma_start3A_440 : memref<10240x128xf32, #tpu.memory_space<hbm>>) target(%arg29 : memref<80x128xf32, #tpu.memory_space<vmem>>) offsets(%arg13 : memref<80xi32, #tpu.memory_space<vmem>>) semaphore(%arg42 : memref<!tpu.dma_semaphore, #tpu.memory_space<semaphore_mem>>)
        } else {
        }
        %mul3A_367 = arith.constant 8 : i32
        %mul3A_368 = arith.muli %scan3A_262, %mul3A_367 : i32
        %add3A_369 = arith.constant 5 : i32
        %add3A_370 = arith.addi %mul3A_368, %add3A_369 : i32
        %dma_wait3A_371 = arith.constant 0 : i32
        %dma_wait3A_372 = arith.constant 0 : i32
        %dma_wait3A_373 = tpu.memref_slice %arg5[%dma_wait3A_371, %dma_wait3A_372] : memref<10240x128xf32, #tpu.memory_space<hbm>> -> memref<10240x128xf32, #tpu.memory_space<hbm>>
        tpu.wait_indirect_dma semaphore(%arg43 : memref<!tpu.dma_semaphore, #tpu.memory_space<semaphore_mem>>) src(%dma_wait3A_373 : memref<10240x128xf32, #tpu.memory_space<hbm>>) dst(%arg30 : memref<80x128xf32, #tpu.memory_space<vmem>>)
        "tpu.region"() ({
          %run_scoped3A = tpu.sem_alloc : memref<!tpu.dma_semaphore, #tpu.memory_space<semaphore_mem>>
          %dma_start3A_430 = arith.constant 0 : i32
          %dma_start3A_431 = arith.constant 0 : i32
          %dma_start3A_432 = tpu.memref_slice %arg33[%dma_start3A_430, %dma_start3A_431] : memref<10240x128xf32, #tpu.memory_space<vmem_shared>> -> memref<10240x128xf32, #tpu.memory_space<vmem_shared>>
          tpu.enqueue_indirect_dma source(%arg30 : memref<80x128xf32, #tpu.memory_space<vmem>>) target(%dma_start3A_432 : memref<10240x128xf32, #tpu.memory_space<vmem_shared>>) offsets(%arg26 : memref<80xi32, #tpu.memory_space<vmem>>) semaphore(%run_scoped3A : memref<!tpu.dma_semaphore, #tpu.memory_space<semaphore_mem>>) {add = true}
          %dma_wait3A_433 = arith.constant 0 : i32
          %dma_wait3A_434 = arith.constant 0 : i32
          %dma_wait3A_435 = tpu.memref_slice %arg33[%dma_wait3A_433, %dma_wait3A_434] : memref<10240x128xf32, #tpu.memory_space<vmem_shared>> -> memref<10240x128xf32, #tpu.memory_space<vmem_shared>>
          tpu.wait_indirect_dma semaphore(%run_scoped3A : memref<!tpu.dma_semaphore, #tpu.memory_space<semaphore_mem>>) src(%arg30 : memref<80x128xf32, #tpu.memory_space<vmem>>) dst(%dma_wait3A_435 : memref<10240x128xf32, #tpu.memory_space<vmem_shared>>)
          tpu.yield
        }) : () -> ()
        %add3A_374 = arith.constant 8 : i32
        %add3A_375 = arith.addi %add3A_370, %add3A_374 : i32
        %lt3A_376 = arith.constant 128 : i32
        %lt3A_377 = arith.cmpi slt, %add3A_375, %lt3A_376 : i32
        %convert_element_type3A_378 = arith.extui %lt3A_377 : i1 to i32
        %cond3A_379 = arith.constant 0 : i32
        %cond3A_380 = arith.cmpi ne, %convert_element_type3A_378, %cond3A_379 : i32
        scf.if %cond3A_380 {
          %mul3A_430 = arith.constant 10240 : i32
          %mul3A_431 = arith.muli %arg1, %mul3A_430 : i32
          %mul3A_432 = arith.constant 80 : i32
          %mul3A_433 = arith.muli %add3A_375, %mul3A_432 : i32
          %add3A_434 = arith.addi %mul3A_431, %mul3A_433 : i32
          %multiple_of3A_435 = tpu.assume_multiple %add3A_434, 8 : i32
          %dma_start3A_436 = tpu.memref_slice %arg3[%multiple_of3A_435] : memref<163840xi32, #tpu.memory_space<hbm>> -> memref<80xi32, #tpu.memory_space<hbm>>
          %dma_start3A_437 = tpu.memref_slice %arg3[%multiple_of3A_435] : memref<163840xi32, #tpu.memory_space<hbm>> -> memref<80xi32, #tpu.memory_space<hbm>>
          tpu.enqueue_dma source(%dma_start3A_437 : memref<80xi32, #tpu.memory_space<hbm>>) target(%arg18 : memref<80xi32, #tpu.memory_space<vmem>>) target_semaphore(%arg39 : memref<!tpu.dma_semaphore, #tpu.memory_space<semaphore_mem>>)
          %dma_start3A_438 = tpu.memref_slice %arg2[%multiple_of3A_435] : memref<163840xi32, #tpu.memory_space<hbm>> -> memref<80xi32, #tpu.memory_space<hbm>>
          %dma_start3A_439 = tpu.memref_slice %arg2[%multiple_of3A_435] : memref<163840xi32, #tpu.memory_space<hbm>> -> memref<80xi32, #tpu.memory_space<hbm>>
          tpu.enqueue_dma source(%dma_start3A_439 : memref<80xi32, #tpu.memory_space<hbm>>) target(%arg26 : memref<80xi32, #tpu.memory_space<vmem>>) target_semaphore(%arg39 : memref<!tpu.dma_semaphore, #tpu.memory_space<semaphore_mem>>)
        } else {
        }
        %add3A_381 = arith.constant 4 : i32
        %add3A_382 = arith.addi %add3A_370, %add3A_381 : i32
        %lt3A_383 = arith.constant 128 : i32
        %lt3A_384 = arith.cmpi slt, %add3A_382, %lt3A_383 : i32
        %convert_element_type3A_385 = arith.extui %lt3A_384 : i1 to i32
        %cond3A_386 = arith.constant 0 : i32
        %cond3A_387 = arith.cmpi ne, %convert_element_type3A_385, %cond3A_386 : i32
        scf.if %cond3A_387 {
          %dma_wait3A_430 = arith.constant 0 : i32
          %dma_wait3A_431 = tpu.memref_slice %arg3[%dma_wait3A_430] : memref<163840xi32, #tpu.memory_space<hbm>> -> memref<80xi32, #tpu.memory_space<hbm>>
          %dma_wait3A_432 = arith.constant 0 : i32
          %dma_wait3A_433 = tpu.memref_slice %arg3[%dma_wait3A_432] : memref<163840xi32, #tpu.memory_space<hbm>> -> memref<80xi32, #tpu.memory_space<hbm>>
          tpu.wait_dma2 semaphore(%arg35 : memref<!tpu.dma_semaphore, #tpu.memory_space<semaphore_mem>>) src(%dma_wait3A_433 : memref<80xi32, #tpu.memory_space<hbm>>) dst(%arg14 : memref<80xi32, #tpu.memory_space<vmem>>)
          %dma_wait3A_434 = arith.constant 0 : i32
          %dma_wait3A_435 = tpu.memref_slice %arg2[%dma_wait3A_434] : memref<163840xi32, #tpu.memory_space<hbm>> -> memref<80xi32, #tpu.memory_space<hbm>>
          %dma_wait3A_436 = arith.constant 0 : i32
          %dma_wait3A_437 = tpu.memref_slice %arg2[%dma_wait3A_436] : memref<163840xi32, #tpu.memory_space<hbm>> -> memref<80xi32, #tpu.memory_space<hbm>>
          tpu.wait_dma2 semaphore(%arg35 : memref<!tpu.dma_semaphore, #tpu.memory_space<semaphore_mem>>) src(%dma_wait3A_437 : memref<80xi32, #tpu.memory_space<hbm>>) dst(%arg22 : memref<80xi32, #tpu.memory_space<vmem>>)
          %dma_start3A_438 = arith.constant 0 : i32
          %dma_start3A_439 = arith.constant 0 : i32
          %dma_start3A_440 = tpu.memref_slice %arg5[%dma_start3A_438, %dma_start3A_439] : memref<10240x128xf32, #tpu.memory_space<hbm>> -> memref<10240x128xf32, #tpu.memory_space<hbm>>
          tpu.enqueue_indirect_dma source(%dma_start3A_440 : memref<10240x128xf32, #tpu.memory_space<hbm>>) target(%arg30 : memref<80x128xf32, #tpu.memory_space<vmem>>) offsets(%arg14 : memref<80xi32, #tpu.memory_space<vmem>>) semaphore(%arg43 : memref<!tpu.dma_semaphore, #tpu.memory_space<semaphore_mem>>)
        } else {
        }
        %mul3A_388 = arith.constant 8 : i32
        %mul3A_389 = arith.muli %scan3A_262, %mul3A_388 : i32
        %add3A_390 = arith.constant 6 : i32
        %add3A_391 = arith.addi %mul3A_389, %add3A_390 : i32
        %dma_wait3A_392 = arith.constant 0 : i32
        %dma_wait3A_393 = arith.constant 0 : i32
        %dma_wait3A_394 = tpu.memref_slice %arg5[%dma_wait3A_392, %dma_wait3A_393] : memref<10240x128xf32, #tpu.memory_space<hbm>> -> memref<10240x128xf32, #tpu.memory_space<hbm>>
        tpu.wait_indirect_dma semaphore(%arg44 : memref<!tpu.dma_semaphore, #tpu.memory_space<semaphore_mem>>) src(%dma_wait3A_394 : memref<10240x128xf32, #tpu.memory_space<hbm>>) dst(%arg31 : memref<80x128xf32, #tpu.memory_space<vmem>>)
        "tpu.region"() ({
          %run_scoped3A = tpu.sem_alloc : memref<!tpu.dma_semaphore, #tpu.memory_space<semaphore_mem>>
          %dma_start3A_430 = arith.constant 0 : i32
          %dma_start3A_431 = arith.constant 0 : i32
          %dma_start3A_432 = tpu.memref_slice %arg33[%dma_start3A_430, %dma_start3A_431] : memref<10240x128xf32, #tpu.memory_space<vmem_shared>> -> memref<10240x128xf32, #tpu.memory_space<vmem_shared>>
          tpu.enqueue_indirect_dma source(%arg31 : memref<80x128xf32, #tpu.memory_space<vmem>>) target(%dma_start3A_432 : memref<10240x128xf32, #tpu.memory_space<vmem_shared>>) offsets(%arg27 : memref<80xi32, #tpu.memory_space<vmem>>) semaphore(%run_scoped3A : memref<!tpu.dma_semaphore, #tpu.memory_space<semaphore_mem>>) {add = true}
          %dma_wait3A_433 = arith.constant 0 : i32
          %dma_wait3A_434 = arith.constant 0 : i32
          %dma_wait3A_435 = tpu.memref_slice %arg33[%dma_wait3A_433, %dma_wait3A_434] : memref<10240x128xf32, #tpu.memory_space<vmem_shared>> -> memref<10240x128xf32, #tpu.memory_space<vmem_shared>>
          tpu.wait_indirect_dma semaphore(%run_scoped3A : memref<!tpu.dma_semaphore, #tpu.memory_space<semaphore_mem>>) src(%arg31 : memref<80x128xf32, #tpu.memory_space<vmem>>) dst(%dma_wait3A_435 : memref<10240x128xf32, #tpu.memory_space<vmem_shared>>)
          tpu.yield
        }) : () -> ()
        %add3A_395 = arith.constant 8 : i32
        %add3A_396 = arith.addi %add3A_391, %add3A_395 : i32
        %lt3A_397 = arith.constant 128 : i32
        %lt3A_398 = arith.cmpi slt, %add3A_396, %lt3A_397 : i32
        %convert_element_type3A_399 = arith.extui %lt3A_398 : i1 to i32
        %cond3A_400 = arith.constant 0 : i32
        %cond3A_401 = arith.cmpi ne, %convert_element_type3A_399, %cond3A_400 : i32
        scf.if %cond3A_401 {
          %mul3A_430 = arith.constant 10240 : i32
          %mul3A_431 = arith.muli %arg1, %mul3A_430 : i32
          %mul3A_432 = arith.constant 80 : i32
          %mul3A_433 = arith.muli %add3A_396, %mul3A_432 : i32
          %add3A_434 = arith.addi %mul3A_431, %mul3A_433 : i32
          %multiple_of3A_435 = tpu.assume_multiple %add3A_434, 8 : i32
          %dma_start3A_436 = tpu.memref_slice %arg3[%multiple_of3A_435] : memref<163840xi32, #tpu.memory_space<hbm>> -> memref<80xi32, #tpu.memory_space<hbm>>
          %dma_start3A_437 = tpu.memref_slice %arg3[%multiple_of3A_435] : memref<163840xi32, #tpu.memory_space<hbm>> -> memref<80xi32, #tpu.memory_space<hbm>>
          tpu.enqueue_dma source(%dma_start3A_437 : memref<80xi32, #tpu.memory_space<hbm>>) target(%arg19 : memref<80xi32, #tpu.memory_space<vmem>>) target_semaphore(%arg40 : memref<!tpu.dma_semaphore, #tpu.memory_space<semaphore_mem>>)
          %dma_start3A_438 = tpu.memref_slice %arg2[%multiple_of3A_435] : memref<163840xi32, #tpu.memory_space<hbm>> -> memref<80xi32, #tpu.memory_space<hbm>>
          %dma_start3A_439 = tpu.memref_slice %arg2[%multiple_of3A_435] : memref<163840xi32, #tpu.memory_space<hbm>> -> memref<80xi32, #tpu.memory_space<hbm>>
          tpu.enqueue_dma source(%dma_start3A_439 : memref<80xi32, #tpu.memory_space<hbm>>) target(%arg27 : memref<80xi32, #tpu.memory_space<vmem>>) target_semaphore(%arg40 : memref<!tpu.dma_semaphore, #tpu.memory_space<semaphore_mem>>)
        } else {
        }
        %add3A_402 = arith.constant 4 : i32
        %add3A_403 = arith.addi %add3A_391, %add3A_402 : i32
        %lt3A_404 = arith.constant 128 : i32
        %lt3A_405 = arith.cmpi slt, %add3A_403, %lt3A_404 : i32
        %convert_element_type3A_406 = arith.extui %lt3A_405 : i1 to i32
        %cond3A_407 = arith.constant 0 : i32
        %cond3A_408 = arith.cmpi ne, %convert_element_type3A_406, %cond3A_407 : i32
        scf.if %cond3A_408 {
          %dma_wait3A_430 = arith.constant 0 : i32
          %dma_wait3A_431 = tpu.memref_slice %arg3[%dma_wait3A_430] : memref<163840xi32, #tpu.memory_space<hbm>> -> memref<80xi32, #tpu.memory_space<hbm>>
          %dma_wait3A_432 = arith.constant 0 : i32
          %dma_wait3A_433 = tpu.memref_slice %arg3[%dma_wait3A_432] : memref<163840xi32, #tpu.memory_space<hbm>> -> memref<80xi32, #tpu.memory_space<hbm>>
          tpu.wait_dma2 semaphore(%arg36 : memref<!tpu.dma_semaphore, #tpu.memory_space<semaphore_mem>>) src(%dma_wait3A_433 : memref<80xi32, #tpu.memory_space<hbm>>) dst(%arg15 : memref<80xi32, #tpu.memory_space<vmem>>)
          %dma_wait3A_434 = arith.constant 0 : i32
          %dma_wait3A_435 = tpu.memref_slice %arg2[%dma_wait3A_434] : memref<163840xi32, #tpu.memory_space<hbm>> -> memref<80xi32, #tpu.memory_space<hbm>>
          %dma_wait3A_436 = arith.constant 0 : i32
          %dma_wait3A_437 = tpu.memref_slice %arg2[%dma_wait3A_436] : memref<163840xi32, #tpu.memory_space<hbm>> -> memref<80xi32, #tpu.memory_space<hbm>>
          tpu.wait_dma2 semaphore(%arg36 : memref<!tpu.dma_semaphore, #tpu.memory_space<semaphore_mem>>) src(%dma_wait3A_437 : memref<80xi32, #tpu.memory_space<hbm>>) dst(%arg23 : memref<80xi32, #tpu.memory_space<vmem>>)
          %dma_start3A_438 = arith.constant 0 : i32
          %dma_start3A_439 = arith.constant 0 : i32
          %dma_start3A_440 = tpu.memref_slice %arg5[%dma_start3A_438, %dma_start3A_439] : memref<10240x128xf32, #tpu.memory_space<hbm>> -> memref<10240x128xf32, #tpu.memory_space<hbm>>
          tpu.enqueue_indirect_dma source(%dma_start3A_440 : memref<10240x128xf32, #tpu.memory_space<hbm>>) target(%arg31 : memref<80x128xf32, #tpu.memory_space<vmem>>) offsets(%arg15 : memref<80xi32, #tpu.memory_space<vmem>>) semaphore(%arg44 : memref<!tpu.dma_semaphore, #tpu.memory_space<semaphore_mem>>)
        } else {
        }
        %mul3A_409 = arith.constant 8 : i32
        %mul3A_410 = arith.muli %scan3A_262, %mul3A_409 : i32
        %add3A_411 = arith.constant 7 : i32
        %add3A_412 = arith.addi %mul3A_410, %add3A_411 : i32
        %dma_wait3A_413 = arith.constant 0 : i32
        %dma_wait3A_414 = arith.constant 0 : i32
        %dma_wait3A_415 = tpu.memref_slice %arg5[%dma_wait3A_413, %dma_wait3A_414] : memref<10240x128xf32, #tpu.memory_space<hbm>> -> memref<10240x128xf32, #tpu.memory_space<hbm>>
        tpu.wait_indirect_dma semaphore(%arg45 : memref<!tpu.dma_semaphore, #tpu.memory_space<semaphore_mem>>) src(%dma_wait3A_415 : memref<10240x128xf32, #tpu.memory_space<hbm>>) dst(%arg32 : memref<80x128xf32, #tpu.memory_space<vmem>>)
        "tpu.region"() ({
          %run_scoped3A = tpu.sem_alloc : memref<!tpu.dma_semaphore, #tpu.memory_space<semaphore_mem>>
          %dma_start3A_430 = arith.constant 0 : i32
          %dma_start3A_431 = arith.constant 0 : i32
          %dma_start3A_432 = tpu.memref_slice %arg33[%dma_start3A_430, %dma_start3A_431] : memref<10240x128xf32, #tpu.memory_space<vmem_shared>> -> memref<10240x128xf32, #tpu.memory_space<vmem_shared>>
          tpu.enqueue_indirect_dma source(%arg32 : memref<80x128xf32, #tpu.memory_space<vmem>>) target(%dma_start3A_432 : memref<10240x128xf32, #tpu.memory_space<vmem_shared>>) offsets(%arg28 : memref<80xi32, #tpu.memory_space<vmem>>) semaphore(%run_scoped3A : memref<!tpu.dma_semaphore, #tpu.memory_space<semaphore_mem>>) {add = true}
          %dma_wait3A_433 = arith.constant 0 : i32
          %dma_wait3A_434 = arith.constant 0 : i32
          %dma_wait3A_435 = tpu.memref_slice %arg33[%dma_wait3A_433, %dma_wait3A_434] : memref<10240x128xf32, #tpu.memory_space<vmem_shared>> -> memref<10240x128xf32, #tpu.memory_space<vmem_shared>>
          tpu.wait_indirect_dma semaphore(%run_scoped3A : memref<!tpu.dma_semaphore, #tpu.memory_space<semaphore_mem>>) src(%arg32 : memref<80x128xf32, #tpu.memory_space<vmem>>) dst(%dma_wait3A_435 : memref<10240x128xf32, #tpu.memory_space<vmem_shared>>)
          tpu.yield
        }) : () -> ()
        %add3A_416 = arith.constant 8 : i32
        %add3A_417 = arith.addi %add3A_412, %add3A_416 : i32
        %lt3A_418 = arith.constant 128 : i32
        %lt3A_419 = arith.cmpi slt, %add3A_417, %lt3A_418 : i32
        %convert_element_type3A_420 = arith.extui %lt3A_419 : i1 to i32
        %cond3A_421 = arith.constant 0 : i32
        %cond3A_422 = arith.cmpi ne, %convert_element_type3A_420, %cond3A_421 : i32
        scf.if %cond3A_422 {
          %mul3A_430 = arith.constant 10240 : i32
          %mul3A_431 = arith.muli %arg1, %mul3A_430 : i32
          %mul3A_432 = arith.constant 80 : i32
          %mul3A_433 = arith.muli %add3A_417, %mul3A_432 : i32
          %add3A_434 = arith.addi %mul3A_431, %mul3A_433 : i32
          %multiple_of3A_435 = tpu.assume_multiple %add3A_434, 8 : i32
          %dma_start3A_436 = tpu.memref_slice %arg3[%multiple_of3A_435] : memref<163840xi32, #tpu.memory_space<hbm>> -> memref<80xi32, #tpu.memory_space<hbm>>
          %dma_start3A_437 = tpu.memref_slice %arg3[%multiple_of3A_435] : memref<163840xi32, #tpu.memory_space<hbm>> -> memref<80xi32, #tpu.memory_space<hbm>>
          tpu.enqueue_dma source(%dma_start3A_437 : memref<80xi32, #tpu.memory_space<hbm>>) target(%arg20 : memref<80xi32, #tpu.memory_space<vmem>>) target_semaphore(%arg41 : memref<!tpu.dma_semaphore, #tpu.memory_space<semaphore_mem>>)
          %dma_start3A_438 = tpu.memref_slice %arg2[%multiple_of3A_435] : memref<163840xi32, #tpu.memory_space<hbm>> -> memref<80xi32, #tpu.memory_space<hbm>>
          %dma_start3A_439 = tpu.memref_slice %arg2[%multiple_of3A_435] : memref<163840xi32, #tpu.memory_space<hbm>> -> memref<80xi32, #tpu.memory_space<hbm>>
          tpu.enqueue_dma source(%dma_start3A_439 : memref<80xi32, #tpu.memory_space<hbm>>) target(%arg28 : memref<80xi32, #tpu.memory_space<vmem>>) target_semaphore(%arg41 : memref<!tpu.dma_semaphore, #tpu.memory_space<semaphore_mem>>)
        } else {
        }
        %add3A_423 = arith.constant 4 : i32
        %add3A_424 = arith.addi %add3A_412, %add3A_423 : i32
        %lt3A_425 = arith.constant 128 : i32
        %lt3A_426 = arith.cmpi slt, %add3A_424, %lt3A_425 : i32
        %convert_element_type3A_427 = arith.extui %lt3A_426 : i1 to i32
        %cond3A_428 = arith.constant 0 : i32
        %cond3A_429 = arith.cmpi ne, %convert_element_type3A_427, %cond3A_428 : i32
        scf.if %cond3A_429 {
          %dma_wait3A_430 = arith.constant 0 : i32
          %dma_wait3A_431 = tpu.memref_slice %arg3[%dma_wait3A_430] : memref<163840xi32, #tpu.memory_space<hbm>> -> memref<80xi32, #tpu.memory_space<hbm>>
          %dma_wait3A_432 = arith.constant 0 : i32
          %dma_wait3A_433 = tpu.memref_slice %arg3[%dma_wait3A_432] : memref<163840xi32, #tpu.memory_space<hbm>> -> memref<80xi32, #tpu.memory_space<hbm>>
          tpu.wait_dma2 semaphore(%arg37 : memref<!tpu.dma_semaphore, #tpu.memory_space<semaphore_mem>>) src(%dma_wait3A_433 : memref<80xi32, #tpu.memory_space<hbm>>) dst(%arg16 : memref<80xi32, #tpu.memory_space<vmem>>)
          %dma_wait3A_434 = arith.constant 0 : i32
          %dma_wait3A_435 = tpu.memref_slice %arg2[%dma_wait3A_434] : memref<163840xi32, #tpu.memory_space<hbm>> -> memref<80xi32, #tpu.memory_space<hbm>>
          %dma_wait3A_436 = arith.constant 0 : i32
          %dma_wait3A_437 = tpu.memref_slice %arg2[%dma_wait3A_436] : memref<163840xi32, #tpu.memory_space<hbm>> -> memref<80xi32, #tpu.memory_space<hbm>>
          tpu.wait_dma2 semaphore(%arg37 : memref<!tpu.dma_semaphore, #tpu.memory_space<semaphore_mem>>) src(%dma_wait3A_437 : memref<80xi32, #tpu.memory_space<hbm>>) dst(%arg24 : memref<80xi32, #tpu.memory_space<vmem>>)
          %dma_start3A_438 = arith.constant 0 : i32
          %dma_start3A_439 = arith.constant 0 : i32
          %dma_start3A_440 = tpu.memref_slice %arg5[%dma_start3A_438, %dma_start3A_439] : memref<10240x128xf32, #tpu.memory_space<hbm>> -> memref<10240x128xf32, #tpu.memory_space<hbm>>
          tpu.enqueue_indirect_dma source(%dma_start3A_440 : memref<10240x128xf32, #tpu.memory_space<hbm>>) target(%arg32 : memref<80x128xf32, #tpu.memory_space<vmem>>) offsets(%arg16 : memref<80xi32, #tpu.memory_space<vmem>>) semaphore(%arg45 : memref<!tpu.dma_semaphore, #tpu.memory_space<semaphore_mem>>)
        } else {
        }
      }
      %scan3A_124 = arith.constant 16 : i32
      %barrier3A_125 = arith.constant 0 : index
      tpu.barrier barrier_id(%barrier3A_125)
      %mul3A_126 = arith.constant 640 : i32
      %mul3A_127 = arith.muli %arg1, %mul3A_126 : i32
      %mul3A_128 = arith.constant 640 : i32
      %mul3A_129 = arith.muli %arg1, %mul3A_128 : i32
      "tpu.region"() ({
        %run_scoped3A = tpu.sem_alloc : memref<!tpu.dma_semaphore, #tpu.memory_space<semaphore_mem>>
        %dma_start3A_262 = arith.constant 0 : i32
        %dma_start3A_263 = tpu.memref_slice %arg10[%mul3A_129, %dma_start3A_262] : memref<10240x128xf32, #tpu.memory_space<hbm>> -> memref<640x128xf32, #tpu.memory_space<hbm>>
        %dma_start3A_264 = arith.constant 0 : i32
        %dma_start3A_265 = tpu.memref_slice %arg33[%mul3A_127, %dma_start3A_264] : memref<10240x128xf32, #tpu.memory_space<vmem_shared>> -> memref<640x128xf32, #tpu.memory_space<vmem_shared>>
        tpu.enqueue_dma source(%dma_start3A_265 : memref<640x128xf32, #tpu.memory_space<vmem_shared>>) target(%dma_start3A_263 : memref<640x128xf32, #tpu.memory_space<hbm>>) target_semaphore(%run_scoped3A : memref<!tpu.dma_semaphore, #tpu.memory_space<semaphore_mem>>)
        %dma_wait3A_266 = arith.constant 0 : i32
        %dma_wait3A_267 = tpu.memref_slice %arg10[%mul3A_129, %dma_wait3A_266] : memref<10240x128xf32, #tpu.memory_space<hbm>> -> memref<640x128xf32, #tpu.memory_space<hbm>>
        %dma_wait3A_268 = arith.constant 0 : i32
        %dma_wait3A_269 = tpu.memref_slice %arg33[%mul3A_127, %dma_wait3A_268] : memref<10240x128xf32, #tpu.memory_space<vmem_shared>> -> memref<640x128xf32, #tpu.memory_space<vmem_shared>>
        tpu.wait_dma2 semaphore(%run_scoped3A : memref<!tpu.dma_semaphore, #tpu.memory_space<semaphore_mem>>) src(%dma_wait3A_269 : memref<640x128xf32, #tpu.memory_space<vmem_shared>>) dst(%dma_wait3A_267 : memref<640x128xf32, #tpu.memory_space<hbm>>)
        tpu.yield
      }) : () -> ()
      %barrier3A_130 = arith.constant 0 : index
      tpu.barrier barrier_id(%barrier3A_130)
      %mul3A_131 = arith.constant 640 : i32
      %mul3A_132 = arith.muli %arg1, %mul3A_131 : i32
      "tpu.region"() ({
        %run_scoped3A = tpu.sem_alloc : memref<!tpu.dma_semaphore, #tpu.memory_space<semaphore_mem>>
        %dma_start3A_262 = arith.constant 0 : i32
        %dma_start3A_263 = tpu.memref_slice %arg33[%mul3A_132, %dma_start3A_262] : memref<10240x128xf32, #tpu.memory_space<vmem_shared>> -> memref<640x128xf32, #tpu.memory_space<vmem_shared>>
        tpu.enqueue_dma source(%arg8 : memref<640x128xf32, #tpu.memory_space<hbm>>) target(%dma_start3A_263 : memref<640x128xf32, #tpu.memory_space<vmem_shared>>) target_semaphore(%run_scoped3A : memref<!tpu.dma_semaphore, #tpu.memory_space<semaphore_mem>>)
        %dma_wait3A_264 = arith.constant 0 : i32
        %dma_wait3A_265 = tpu.memref_slice %arg33[%mul3A_132, %dma_wait3A_264] : memref<10240x128xf32, #tpu.memory_space<vmem_shared>> -> memref<640x128xf32, #tpu.memory_space<vmem_shared>>
        tpu.wait_dma2 semaphore(%run_scoped3A : memref<!tpu.dma_semaphore, #tpu.memory_space<semaphore_mem>>) src(%arg8 : memref<640x128xf32, #tpu.memory_space<hbm>>) dst(%dma_wait3A_265 : memref<640x128xf32, #tpu.memory_space<vmem_shared>>)
        tpu.yield
      }) : () -> ()
      %barrier3A_133 = arith.constant 0 : index
      tpu.barrier barrier_id(%barrier3A_133)
      %mul3A_134 = arith.constant 10240 : i32
      %mul3A_135 = arith.muli %arg1, %mul3A_134 : i32
      %add3A_136 = arith.constant 0 : i32
      %add3A_137 = arith.addi %mul3A_135, %add3A_136 : i32
      %multiple_of3A_138 = tpu.assume_multiple %add3A_137, 8 : i32
      %dma_start3A_139 = tpu.memref_slice %arg2[%multiple_of3A_138] : memref<163840xi32, #tpu.memory_space<hbm>> -> memref<80xi32, #tpu.memory_space<hbm>>
      %dma_start3A_140 = tpu.memref_slice %arg2[%multiple_of3A_138] : memref<163840xi32, #tpu.memory_space<hbm>> -> memref<80xi32, #tpu.memory_space<hbm>>
      tpu.enqueue_dma source(%dma_start3A_140 : memref<80xi32, #tpu.memory_space<hbm>>) target(%arg13 : memref<80xi32, #tpu.memory_space<vmem>>) target_semaphore(%arg34 : memref<!tpu.dma_semaphore, #tpu.memory_space<semaphore_mem>>)
      %dma_start3A_141 = tpu.memref_slice %arg3[%multiple_of3A_138] : memref<163840xi32, #tpu.memory_space<hbm>> -> memref<80xi32, #tpu.memory_space<hbm>>
      %dma_start3A_142 = tpu.memref_slice %arg3[%multiple_of3A_138] : memref<163840xi32, #tpu.memory_space<hbm>> -> memref<80xi32, #tpu.memory_space<hbm>>
      tpu.enqueue_dma source(%dma_start3A_142 : memref<80xi32, #tpu.memory_space<hbm>>) target(%arg21 : memref<80xi32, #tpu.memory_space<vmem>>) target_semaphore(%arg34 : memref<!tpu.dma_semaphore, #tpu.memory_space<semaphore_mem>>)
      %mul3A_143 = arith.constant 10240 : i32
      %mul3A_144 = arith.muli %arg1, %mul3A_143 : i32
      %add3A_145 = arith.constant 80 : i32
      %add3A_146 = arith.addi %mul3A_144, %add3A_145 : i32
      %multiple_of3A_147 = tpu.assume_multiple %add3A_146, 8 : i32
      %dma_start3A_148 = tpu.memref_slice %arg2[%multiple_of3A_147] : memref<163840xi32, #tpu.memory_space<hbm>> -> memref<80xi32, #tpu.memory_space<hbm>>
      %dma_start3A_149 = tpu.memref_slice %arg2[%multiple_of3A_147] : memref<163840xi32, #tpu.memory_space<hbm>> -> memref<80xi32, #tpu.memory_space<hbm>>
      tpu.enqueue_dma source(%dma_start3A_149 : memref<80xi32, #tpu.memory_space<hbm>>) target(%arg14 : memref<80xi32, #tpu.memory_space<vmem>>) target_semaphore(%arg35 : memref<!tpu.dma_semaphore, #tpu.memory_space<semaphore_mem>>)
      %dma_start3A_150 = tpu.memref_slice %arg3[%multiple_of3A_147] : memref<163840xi32, #tpu.memory_space<hbm>> -> memref<80xi32, #tpu.memory_space<hbm>>
      %dma_start3A_151 = tpu.memref_slice %arg3[%multiple_of3A_147] : memref<163840xi32, #tpu.memory_space<hbm>> -> memref<80xi32, #tpu.memory_space<hbm>>
      tpu.enqueue_dma source(%dma_start3A_151 : memref<80xi32, #tpu.memory_space<hbm>>) target(%arg22 : memref<80xi32, #tpu.memory_space<vmem>>) target_semaphore(%arg35 : memref<!tpu.dma_semaphore, #tpu.memory_space<semaphore_mem>>)
      %mul3A_152 = arith.constant 10240 : i32
      %mul3A_153 = arith.muli %arg1, %mul3A_152 : i32
      %add3A_154 = arith.constant 160 : i32
      %add3A_155 = arith.addi %mul3A_153, %add3A_154 : i32
      %multiple_of3A_156 = tpu.assume_multiple %add3A_155, 8 : i32
      %dma_start3A_157 = tpu.memref_slice %arg2[%multiple_of3A_156] : memref<163840xi32, #tpu.memory_space<hbm>> -> memref<80xi32, #tpu.memory_space<hbm>>
      %dma_start3A_158 = tpu.memref_slice %arg2[%multiple_of3A_156] : memref<163840xi32, #tpu.memory_space<hbm>> -> memref<80xi32, #tpu.memory_space<hbm>>
      tpu.enqueue_dma source(%dma_start3A_158 : memref<80xi32, #tpu.memory_space<hbm>>) target(%arg15 : memref<80xi32, #tpu.memory_space<vmem>>) target_semaphore(%arg36 : memref<!tpu.dma_semaphore, #tpu.memory_space<semaphore_mem>>)
      %dma_start3A_159 = tpu.memref_slice %arg3[%multiple_of3A_156] : memref<163840xi32, #tpu.memory_space<hbm>> -> memref<80xi32, #tpu.memory_space<hbm>>
      %dma_start3A_160 = tpu.memref_slice %arg3[%multiple_of3A_156] : memref<163840xi32, #tpu.memory_space<hbm>> -> memref<80xi32, #tpu.memory_space<hbm>>
      tpu.enqueue_dma source(%dma_start3A_160 : memref<80xi32, #tpu.memory_space<hbm>>) target(%arg23 : memref<80xi32, #tpu.memory_space<vmem>>) target_semaphore(%arg36 : memref<!tpu.dma_semaphore, #tpu.memory_space<semaphore_mem>>)
      %mul3A_161 = arith.constant 10240 : i32
      %mul3A_162 = arith.muli %arg1, %mul3A_161 : i32
      %add3A_163 = arith.constant 240 : i32
      %add3A_164 = arith.addi %mul3A_162, %add3A_163 : i32
      %multiple_of3A_165 = tpu.assume_multiple %add3A_164, 8 : i32
      %dma_start3A_166 = tpu.memref_slice %arg2[%multiple_of3A_165] : memref<163840xi32, #tpu.memory_space<hbm>> -> memref<80xi32, #tpu.memory_space<hbm>>
      %dma_start3A_167 = tpu.memref_slice %arg2[%multiple_of3A_165] : memref<163840xi32, #tpu.memory_space<hbm>> -> memref<80xi32, #tpu.memory_space<hbm>>
      tpu.enqueue_dma source(%dma_start3A_167 : memref<80xi32, #tpu.memory_space<hbm>>) target(%arg16 : memref<80xi32, #tpu.memory_space<vmem>>) target_semaphore(%arg37 : memref<!tpu.dma_semaphore, #tpu.memory_space<semaphore_mem>>)
      %dma_start3A_168 = tpu.memref_slice %arg3[%multiple_of3A_165] : memref<163840xi32, #tpu.memory_space<hbm>> -> memref<80xi32, #tpu.memory_space<hbm>>
      %dma_start3A_169 = tpu.memref_slice %arg3[%multiple_of3A_165] : memref<163840xi32, #tpu.memory_space<hbm>> -> memref<80xi32, #tpu.memory_space<hbm>>
      tpu.enqueue_dma source(%dma_start3A_169 : memref<80xi32, #tpu.memory_space<hbm>>) target(%arg24 : memref<80xi32, #tpu.memory_space<vmem>>) target_semaphore(%arg37 : memref<!tpu.dma_semaphore, #tpu.memory_space<semaphore_mem>>)
      %mul3A_170 = arith.constant 10240 : i32
      %mul3A_171 = arith.muli %arg1, %mul3A_170 : i32
      %add3A_172 = arith.constant 320 : i32
      %add3A_173 = arith.addi %mul3A_171, %add3A_172 : i32
      %multiple_of3A_174 = tpu.assume_multiple %add3A_173, 8 : i32
      %dma_start3A_175 = tpu.memref_slice %arg2[%multiple_of3A_174] : memref<163840xi32, #tpu.memory_space<hbm>> -> memref<80xi32, #tpu.memory_space<hbm>>
      %dma_start3A_176 = tpu.memref_slice %arg2[%multiple_of3A_174] : memref<163840xi32, #tpu.memory_space<hbm>> -> memref<80xi32, #tpu.memory_space<hbm>>
      tpu.enqueue_dma source(%dma_start3A_176 : memref<80xi32, #tpu.memory_space<hbm>>) target(%arg17 : memref<80xi32, #tpu.memory_space<vmem>>) target_semaphore(%arg38 : memref<!tpu.dma_semaphore, #tpu.memory_space<semaphore_mem>>)
      %dma_start3A_177 = tpu.memref_slice %arg3[%multiple_of3A_174] : memref<163840xi32, #tpu.memory_space<hbm>> -> memref<80xi32, #tpu.memory_space<hbm>>
      %dma_start3A_178 = tpu.memref_slice %arg3[%multiple_of3A_174] : memref<163840xi32, #tpu.memory_space<hbm>> -> memref<80xi32, #tpu.memory_space<hbm>>
      tpu.enqueue_dma source(%dma_start3A_178 : memref<80xi32, #tpu.memory_space<hbm>>) target(%arg25 : memref<80xi32, #tpu.memory_space<vmem>>) target_semaphore(%arg38 : memref<!tpu.dma_semaphore, #tpu.memory_space<semaphore_mem>>)
      %mul3A_179 = arith.constant 10240 : i32
      %mul3A_180 = arith.muli %arg1, %mul3A_179 : i32
      %add3A_181 = arith.constant 400 : i32
      %add3A_182 = arith.addi %mul3A_180, %add3A_181 : i32
      %multiple_of3A_183 = tpu.assume_multiple %add3A_182, 8 : i32
      %dma_start3A_184 = tpu.memref_slice %arg2[%multiple_of3A_183] : memref<163840xi32, #tpu.memory_space<hbm>> -> memref<80xi32, #tpu.memory_space<hbm>>
      %dma_start3A_185 = tpu.memref_slice %arg2[%multiple_of3A_183] : memref<163840xi32, #tpu.memory_space<hbm>> -> memref<80xi32, #tpu.memory_space<hbm>>
      tpu.enqueue_dma source(%dma_start3A_185 : memref<80xi32, #tpu.memory_space<hbm>>) target(%arg18 : memref<80xi32, #tpu.memory_space<vmem>>) target_semaphore(%arg39 : memref<!tpu.dma_semaphore, #tpu.memory_space<semaphore_mem>>)
      %dma_start3A_186 = tpu.memref_slice %arg3[%multiple_of3A_183] : memref<163840xi32, #tpu.memory_space<hbm>> -> memref<80xi32, #tpu.memory_space<hbm>>
      %dma_start3A_187 = tpu.memref_slice %arg3[%multiple_of3A_183] : memref<163840xi32, #tpu.memory_space<hbm>> -> memref<80xi32, #tpu.memory_space<hbm>>
      tpu.enqueue_dma source(%dma_start3A_187 : memref<80xi32, #tpu.memory_space<hbm>>) target(%arg26 : memref<80xi32, #tpu.memory_space<vmem>>) target_semaphore(%arg39 : memref<!tpu.dma_semaphore, #tpu.memory_space<semaphore_mem>>)
      %mul3A_188 = arith.constant 10240 : i32
      %mul3A_189 = arith.muli %arg1, %mul3A_188 : i32
      %add3A_190 = arith.constant 480 : i32
      %add3A_191 = arith.addi %mul3A_189, %add3A_190 : i32
      %multiple_of3A_192 = tpu.assume_multiple %add3A_191, 8 : i32
      %dma_start3A_193 = tpu.memref_slice %arg2[%multiple_of3A_192] : memref<163840xi32, #tpu.memory_space<hbm>> -> memref<80xi32, #tpu.memory_space<hbm>>
      %dma_start3A_194 = tpu.memref_slice %arg2[%multiple_of3A_192] : memref<163840xi32, #tpu.memory_space<hbm>> -> memref<80xi32, #tpu.memory_space<hbm>>
      tpu.enqueue_dma source(%dma_start3A_194 : memref<80xi32, #tpu.memory_space<hbm>>) target(%arg19 : memref<80xi32, #tpu.memory_space<vmem>>) target_semaphore(%arg40 : memref<!tpu.dma_semaphore, #tpu.memory_space<semaphore_mem>>)
      %dma_start3A_195 = tpu.memref_slice %arg3[%multiple_of3A_192] : memref<163840xi32, #tpu.memory_space<hbm>> -> memref<80xi32, #tpu.memory_space<hbm>>
      %dma_start3A_196 = tpu.memref_slice %arg3[%multiple_of3A_192] : memref<163840xi32, #tpu.memory_space<hbm>> -> memref<80xi32, #tpu.memory_space<hbm>>
      tpu.enqueue_dma source(%dma_start3A_196 : memref<80xi32, #tpu.memory_space<hbm>>) target(%arg27 : memref<80xi32, #tpu.memory_space<vmem>>) target_semaphore(%arg40 : memref<!tpu.dma_semaphore, #tpu.memory_space<semaphore_mem>>)
      %mul3A_197 = arith.constant 10240 : i32
      %mul3A_198 = arith.muli %arg1, %mul3A_197 : i32
      %add3A_199 = arith.constant 560 : i32
      %add3A_200 = arith.addi %mul3A_198, %add3A_199 : i32
      %multiple_of3A_201 = tpu.assume_multiple %add3A_200, 8 : i32
      %dma_start3A_202 = tpu.memref_slice %arg2[%multiple_of3A_201] : memref<163840xi32, #tpu.memory_space<hbm>> -> memref<80xi32, #tpu.memory_space<hbm>>
      %dma_start3A_203 = tpu.memref_slice %arg2[%multiple_of3A_201] : memref<163840xi32, #tpu.memory_space<hbm>> -> memref<80xi32, #tpu.memory_space<hbm>>
      tpu.enqueue_dma source(%dma_start3A_203 : memref<80xi32, #tpu.memory_space<hbm>>) target(%arg20 : memref<80xi32, #tpu.memory_space<vmem>>) target_semaphore(%arg41 : memref<!tpu.dma_semaphore, #tpu.memory_space<semaphore_mem>>)
      %dma_start3A_204 = tpu.memref_slice %arg3[%multiple_of3A_201] : memref<163840xi32, #tpu.memory_space<hbm>> -> memref<80xi32, #tpu.memory_space<hbm>>
      %dma_start3A_205 = tpu.memref_slice %arg3[%multiple_of3A_201] : memref<163840xi32, #tpu.memory_space<hbm>> -> memref<80xi32, #tpu.memory_space<hbm>>
      tpu.enqueue_dma source(%dma_start3A_205 : memref<80xi32, #tpu.memory_space<hbm>>) target(%arg28 : memref<80xi32, #tpu.memory_space<vmem>>) target_semaphore(%arg41 : memref<!tpu.dma_semaphore, #tpu.memory_space<semaphore_mem>>)
      %dma_wait3A_206 = arith.constant 0 : i32
      %dma_wait3A_207 = tpu.memref_slice %arg2[%dma_wait3A_206] : memref<163840xi32, #tpu.memory_space<hbm>> -> memref<80xi32, #tpu.memory_space<hbm>>
      %dma_wait3A_208 = arith.constant 0 : i32
      %dma_wait3A_209 = tpu.memref_slice %arg2[%dma_wait3A_208] : memref<163840xi32, #tpu.memory_space<hbm>> -> memref<80xi32, #tpu.memory_space<hbm>>
      tpu.wait_dma2 semaphore(%arg34 : memref<!tpu.dma_semaphore, #tpu.memory_space<semaphore_mem>>) src(%dma_wait3A_209 : memref<80xi32, #tpu.memory_space<hbm>>) dst(%arg13 : memref<80xi32, #tpu.memory_space<vmem>>)
      %dma_wait3A_210 = arith.constant 0 : i32
      %dma_wait3A_211 = tpu.memref_slice %arg3[%dma_wait3A_210] : memref<163840xi32, #tpu.memory_space<hbm>> -> memref<80xi32, #tpu.memory_space<hbm>>
      %dma_wait3A_212 = arith.constant 0 : i32
      %dma_wait3A_213 = tpu.memref_slice %arg3[%dma_wait3A_212] : memref<163840xi32, #tpu.memory_space<hbm>> -> memref<80xi32, #tpu.memory_space<hbm>>
      tpu.wait_dma2 semaphore(%arg34 : memref<!tpu.dma_semaphore, #tpu.memory_space<semaphore_mem>>) src(%dma_wait3A_213 : memref<80xi32, #tpu.memory_space<hbm>>) dst(%arg21 : memref<80xi32, #tpu.memory_space<vmem>>)
      %dma_start3A_214 = arith.constant 0 : i32
      %dma_start3A_215 = arith.constant 0 : i32
      %dma_start3A_216 = tpu.memref_slice %arg7[%dma_start3A_214, %dma_start3A_215] : memref<10240x128xf32, #tpu.memory_space<hbm>> -> memref<10240x128xf32, #tpu.memory_space<hbm>>
      tpu.enqueue_indirect_dma source(%dma_start3A_216 : memref<10240x128xf32, #tpu.memory_space<hbm>>) target(%arg29 : memref<80x128xf32, #tpu.memory_space<vmem>>) offsets(%arg13 : memref<80xi32, #tpu.memory_space<vmem>>) semaphore(%arg42 : memref<!tpu.dma_semaphore, #tpu.memory_space<semaphore_mem>>)
      %dma_wait3A_217 = arith.constant 0 : i32
      %dma_wait3A_218 = tpu.memref_slice %arg2[%dma_wait3A_217] : memref<163840xi32, #tpu.memory_space<hbm>> -> memref<80xi32, #tpu.memory_space<hbm>>
      %dma_wait3A_219 = arith.constant 0 : i32
      %dma_wait3A_220 = tpu.memref_slice %arg2[%dma_wait3A_219] : memref<163840xi32, #tpu.memory_space<hbm>> -> memref<80xi32, #tpu.memory_space<hbm>>
      tpu.wait_dma2 semaphore(%arg35 : memref<!tpu.dma_semaphore, #tpu.memory_space<semaphore_mem>>) src(%dma_wait3A_220 : memref<80xi32, #tpu.memory_space<hbm>>) dst(%arg14 : memref<80xi32, #tpu.memory_space<vmem>>)
      %dma_wait3A_221 = arith.constant 0 : i32
      %dma_wait3A_222 = tpu.memref_slice %arg3[%dma_wait3A_221] : memref<163840xi32, #tpu.memory_space<hbm>> -> memref<80xi32, #tpu.memory_space<hbm>>
      %dma_wait3A_223 = arith.constant 0 : i32
      %dma_wait3A_224 = tpu.memref_slice %arg3[%dma_wait3A_223] : memref<163840xi32, #tpu.memory_space<hbm>> -> memref<80xi32, #tpu.memory_space<hbm>>
      tpu.wait_dma2 semaphore(%arg35 : memref<!tpu.dma_semaphore, #tpu.memory_space<semaphore_mem>>) src(%dma_wait3A_224 : memref<80xi32, #tpu.memory_space<hbm>>) dst(%arg22 : memref<80xi32, #tpu.memory_space<vmem>>)
      %dma_start3A_225 = arith.constant 0 : i32
      %dma_start3A_226 = arith.constant 0 : i32
      %dma_start3A_227 = tpu.memref_slice %arg7[%dma_start3A_225, %dma_start3A_226] : memref<10240x128xf32, #tpu.memory_space<hbm>> -> memref<10240x128xf32, #tpu.memory_space<hbm>>
      tpu.enqueue_indirect_dma source(%dma_start3A_227 : memref<10240x128xf32, #tpu.memory_space<hbm>>) target(%arg30 : memref<80x128xf32, #tpu.memory_space<vmem>>) offsets(%arg14 : memref<80xi32, #tpu.memory_space<vmem>>) semaphore(%arg43 : memref<!tpu.dma_semaphore, #tpu.memory_space<semaphore_mem>>)
      %dma_wait3A_228 = arith.constant 0 : i32
      %dma_wait3A_229 = tpu.memref_slice %arg2[%dma_wait3A_228] : memref<163840xi32, #tpu.memory_space<hbm>> -> memref<80xi32, #tpu.memory_space<hbm>>
      %dma_wait3A_230 = arith.constant 0 : i32
      %dma_wait3A_231 = tpu.memref_slice %arg2[%dma_wait3A_230] : memref<163840xi32, #tpu.memory_space<hbm>> -> memref<80xi32, #tpu.memory_space<hbm>>
      tpu.wait_dma2 semaphore(%arg36 : memref<!tpu.dma_semaphore, #tpu.memory_space<semaphore_mem>>) src(%dma_wait3A_231 : memref<80xi32, #tpu.memory_space<hbm>>) dst(%arg15 : memref<80xi32, #tpu.memory_space<vmem>>)
      %dma_wait3A_232 = arith.constant 0 : i32
      %dma_wait3A_233 = tpu.memref_slice %arg3[%dma_wait3A_232] : memref<163840xi32, #tpu.memory_space<hbm>> -> memref<80xi32, #tpu.memory_space<hbm>>
      %dma_wait3A_234 = arith.constant 0 : i32
      %dma_wait3A_235 = tpu.memref_slice %arg3[%dma_wait3A_234] : memref<163840xi32, #tpu.memory_space<hbm>> -> memref<80xi32, #tpu.memory_space<hbm>>
      tpu.wait_dma2 semaphore(%arg36 : memref<!tpu.dma_semaphore, #tpu.memory_space<semaphore_mem>>) src(%dma_wait3A_235 : memref<80xi32, #tpu.memory_space<hbm>>) dst(%arg23 : memref<80xi32, #tpu.memory_space<vmem>>)
      %dma_start3A_236 = arith.constant 0 : i32
      %dma_start3A_237 = arith.constant 0 : i32
      %dma_start3A_238 = tpu.memref_slice %arg7[%dma_start3A_236, %dma_start3A_237] : memref<10240x128xf32, #tpu.memory_space<hbm>> -> memref<10240x128xf32, #tpu.memory_space<hbm>>
      tpu.enqueue_indirect_dma source(%dma_start3A_238 : memref<10240x128xf32, #tpu.memory_space<hbm>>) target(%arg31 : memref<80x128xf32, #tpu.memory_space<vmem>>) offsets(%arg15 : memref<80xi32, #tpu.memory_space<vmem>>) semaphore(%arg44 : memref<!tpu.dma_semaphore, #tpu.memory_space<semaphore_mem>>)
      %dma_wait3A_239 = arith.constant 0 : i32
      %dma_wait3A_240 = tpu.memref_slice %arg2[%dma_wait3A_239] : memref<163840xi32, #tpu.memory_space<hbm>> -> memref<80xi32, #tpu.memory_space<hbm>>
      %dma_wait3A_241 = arith.constant 0 : i32
      %dma_wait3A_242 = tpu.memref_slice %arg2[%dma_wait3A_241] : memref<163840xi32, #tpu.memory_space<hbm>> -> memref<80xi32, #tpu.memory_space<hbm>>
      tpu.wait_dma2 semaphore(%arg37 : memref<!tpu.dma_semaphore, #tpu.memory_space<semaphore_mem>>) src(%dma_wait3A_242 : memref<80xi32, #tpu.memory_space<hbm>>) dst(%arg16 : memref<80xi32, #tpu.memory_space<vmem>>)
      %dma_wait3A_243 = arith.constant 0 : i32
      %dma_wait3A_244 = tpu.memref_slice %arg3[%dma_wait3A_243] : memref<163840xi32, #tpu.memory_space<hbm>> -> memref<80xi32, #tpu.memory_space<hbm>>
      %dma_wait3A_245 = arith.constant 0 : i32
      %dma_wait3A_246 = tpu.memref_slice %arg3[%dma_wait3A_245] : memref<163840xi32, #tpu.memory_space<hbm>> -> memref<80xi32, #tpu.memory_space<hbm>>
      tpu.wait_dma2 semaphore(%arg37 : memref<!tpu.dma_semaphore, #tpu.memory_space<semaphore_mem>>) src(%dma_wait3A_246 : memref<80xi32, #tpu.memory_space<hbm>>) dst(%arg24 : memref<80xi32, #tpu.memory_space<vmem>>)
      %dma_start3A_247 = arith.constant 0 : i32
      %dma_start3A_248 = arith.constant 0 : i32
      %dma_start3A_249 = tpu.memref_slice %arg7[%dma_start3A_247, %dma_start3A_248] : memref<10240x128xf32, #tpu.memory_space<hbm>> -> memref<10240x128xf32, #tpu.memory_space<hbm>>
      tpu.enqueue_indirect_dma source(%dma_start3A_249 : memref<10240x128xf32, #tpu.memory_space<hbm>>) target(%arg32 : memref<80x128xf32, #tpu.memory_space<vmem>>) offsets(%arg16 : memref<80xi32, #tpu.memory_space<vmem>>) semaphore(%arg45 : memref<!tpu.dma_semaphore, #tpu.memory_space<semaphore_mem>>)
      %scan3A_250 = arith.constant 0 : i32
      %scan3A_251 = arith.constant 0 : i32
      %scan3A_252 = arith.constant 16 : i32
      %scan3A_253 = arith.addi %scan3A_251, %scan3A_252 : i32
      %scan3A_254 = arith.constant 1 : i32
      scf.for %scan3A_262 = %scan3A_251 to %scan3A_253 step %scan3A_254  : i32 {
        %mul3A_263 = arith.constant 8 : i32
        %mul3A_264 = arith.muli %scan3A_262, %mul3A_263 : i32
        %add3A_265 = arith.constant 0 : i32
        %add3A_266 = arith.addi %mul3A_264, %add3A_265 : i32
        %dma_wait3A_267 = arith.constant 0 : i32
        %dma_wait3A_268 = arith.constant 0 : i32
        %dma_wait3A_269 = tpu.memref_slice %arg7[%dma_wait3A_267, %dma_wait3A_268] : memref<10240x128xf32, #tpu.memory_space<hbm>> -> memref<10240x128xf32, #tpu.memory_space<hbm>>
        tpu.wait_indirect_dma semaphore(%arg42 : memref<!tpu.dma_semaphore, #tpu.memory_space<semaphore_mem>>) src(%dma_wait3A_269 : memref<10240x128xf32, #tpu.memory_space<hbm>>) dst(%arg29 : memref<80x128xf32, #tpu.memory_space<vmem>>)
        "tpu.region"() ({
          %run_scoped3A = tpu.sem_alloc : memref<!tpu.dma_semaphore, #tpu.memory_space<semaphore_mem>>
          %dma_start3A_430 = arith.constant 0 : i32
          %dma_start3A_431 = arith.constant 0 : i32
          %dma_start3A_432 = tpu.memref_slice %arg33[%dma_start3A_430, %dma_start3A_431] : memref<10240x128xf32, #tpu.memory_space<vmem_shared>> -> memref<10240x128xf32, #tpu.memory_space<vmem_shared>>
          tpu.enqueue_indirect_dma source(%arg29 : memref<80x128xf32, #tpu.memory_space<vmem>>) target(%dma_start3A_432 : memref<10240x128xf32, #tpu.memory_space<vmem_shared>>) offsets(%arg21 : memref<80xi32, #tpu.memory_space<vmem>>) semaphore(%run_scoped3A : memref<!tpu.dma_semaphore, #tpu.memory_space<semaphore_mem>>) {add = true}
          %dma_wait3A_433 = arith.constant 0 : i32
          %dma_wait3A_434 = arith.constant 0 : i32
          %dma_wait3A_435 = tpu.memref_slice %arg33[%dma_wait3A_433, %dma_wait3A_434] : memref<10240x128xf32, #tpu.memory_space<vmem_shared>> -> memref<10240x128xf32, #tpu.memory_space<vmem_shared>>
          tpu.wait_indirect_dma semaphore(%run_scoped3A : memref<!tpu.dma_semaphore, #tpu.memory_space<semaphore_mem>>) src(%arg29 : memref<80x128xf32, #tpu.memory_space<vmem>>) dst(%dma_wait3A_435 : memref<10240x128xf32, #tpu.memory_space<vmem_shared>>)
          tpu.yield
        }) : () -> ()
        %add3A_270 = arith.constant 8 : i32
        %add3A_271 = arith.addi %add3A_266, %add3A_270 : i32
        %lt3A = arith.constant 128 : i32
        %lt3A_272 = arith.cmpi slt, %add3A_271, %lt3A : i32
        %convert_element_type3A_273 = arith.extui %lt3A_272 : i1 to i32
        %cond3A_274 = arith.constant 0 : i32
        %cond3A_275 = arith.cmpi ne, %convert_element_type3A_273, %cond3A_274 : i32
        scf.if %cond3A_275 {
          %mul3A_430 = arith.constant 10240 : i32
          %mul3A_431 = arith.muli %arg1, %mul3A_430 : i32
          %mul3A_432 = arith.constant 80 : i32
          %mul3A_433 = arith.muli %add3A_271, %mul3A_432 : i32
          %add3A_434 = arith.addi %mul3A_431, %mul3A_433 : i32
          %multiple_of3A_435 = tpu.assume_multiple %add3A_434, 8 : i32
          %dma_start3A_436 = tpu.memref_slice %arg2[%multiple_of3A_435] : memref<163840xi32, #tpu.memory_space<hbm>> -> memref<80xi32, #tpu.memory_space<hbm>>
          %dma_start3A_437 = tpu.memref_slice %arg2[%multiple_of3A_435] : memref<163840xi32, #tpu.memory_space<hbm>> -> memref<80xi32, #tpu.memory_space<hbm>>
          tpu.enqueue_dma source(%dma_start3A_437 : memref<80xi32, #tpu.memory_space<hbm>>) target(%arg13 : memref<80xi32, #tpu.memory_space<vmem>>) target_semaphore(%arg34 : memref<!tpu.dma_semaphore, #tpu.memory_space<semaphore_mem>>)
          %dma_start3A_438 = tpu.memref_slice %arg3[%multiple_of3A_435] : memref<163840xi32, #tpu.memory_space<hbm>> -> memref<80xi32, #tpu.memory_space<hbm>>
          %dma_start3A_439 = tpu.memref_slice %arg3[%multiple_of3A_435] : memref<163840xi32, #tpu.memory_space<hbm>> -> memref<80xi32, #tpu.memory_space<hbm>>
          tpu.enqueue_dma source(%dma_start3A_439 : memref<80xi32, #tpu.memory_space<hbm>>) target(%arg21 : memref<80xi32, #tpu.memory_space<vmem>>) target_semaphore(%arg34 : memref<!tpu.dma_semaphore, #tpu.memory_space<semaphore_mem>>)
        } else {
        }
        %add3A_276 = arith.constant 4 : i32
        %add3A_277 = arith.addi %add3A_266, %add3A_276 : i32
        %lt3A_278 = arith.constant 128 : i32
        %lt3A_279 = arith.cmpi slt, %add3A_277, %lt3A_278 : i32
        %convert_element_type3A_280 = arith.extui %lt3A_279 : i1 to i32
        %cond3A_281 = arith.constant 0 : i32
        %cond3A_282 = arith.cmpi ne, %convert_element_type3A_280, %cond3A_281 : i32
        scf.if %cond3A_282 {
          %dma_wait3A_430 = arith.constant 0 : i32
          %dma_wait3A_431 = tpu.memref_slice %arg2[%dma_wait3A_430] : memref<163840xi32, #tpu.memory_space<hbm>> -> memref<80xi32, #tpu.memory_space<hbm>>
          %dma_wait3A_432 = arith.constant 0 : i32
          %dma_wait3A_433 = tpu.memref_slice %arg2[%dma_wait3A_432] : memref<163840xi32, #tpu.memory_space<hbm>> -> memref<80xi32, #tpu.memory_space<hbm>>
          tpu.wait_dma2 semaphore(%arg38 : memref<!tpu.dma_semaphore, #tpu.memory_space<semaphore_mem>>) src(%dma_wait3A_433 : memref<80xi32, #tpu.memory_space<hbm>>) dst(%arg17 : memref<80xi32, #tpu.memory_space<vmem>>)
          %dma_wait3A_434 = arith.constant 0 : i32
          %dma_wait3A_435 = tpu.memref_slice %arg3[%dma_wait3A_434] : memref<163840xi32, #tpu.memory_space<hbm>> -> memref<80xi32, #tpu.memory_space<hbm>>
          %dma_wait3A_436 = arith.constant 0 : i32
          %dma_wait3A_437 = tpu.memref_slice %arg3[%dma_wait3A_436] : memref<163840xi32, #tpu.memory_space<hbm>> -> memref<80xi32, #tpu.memory_space<hbm>>
          tpu.wait_dma2 semaphore(%arg38 : memref<!tpu.dma_semaphore, #tpu.memory_space<semaphore_mem>>) src(%dma_wait3A_437 : memref<80xi32, #tpu.memory_space<hbm>>) dst(%arg25 : memref<80xi32, #tpu.memory_space<vmem>>)
          %dma_start3A_438 = arith.constant 0 : i32
          %dma_start3A_439 = arith.constant 0 : i32
          %dma_start3A_440 = tpu.memref_slice %arg7[%dma_start3A_438, %dma_start3A_439] : memref<10240x128xf32, #tpu.memory_space<hbm>> -> memref<10240x128xf32, #tpu.memory_space<hbm>>
          tpu.enqueue_indirect_dma source(%dma_start3A_440 : memref<10240x128xf32, #tpu.memory_space<hbm>>) target(%arg29 : memref<80x128xf32, #tpu.memory_space<vmem>>) offsets(%arg17 : memref<80xi32, #tpu.memory_space<vmem>>) semaphore(%arg42 : memref<!tpu.dma_semaphore, #tpu.memory_space<semaphore_mem>>)
        } else {
        }
        %mul3A_283 = arith.constant 8 : i32
        %mul3A_284 = arith.muli %scan3A_262, %mul3A_283 : i32
        %add3A_285 = arith.constant 1 : i32
        %add3A_286 = arith.addi %mul3A_284, %add3A_285 : i32
        %dma_wait3A_287 = arith.constant 0 : i32
        %dma_wait3A_288 = arith.constant 0 : i32
        %dma_wait3A_289 = tpu.memref_slice %arg7[%dma_wait3A_287, %dma_wait3A_288] : memref<10240x128xf32, #tpu.memory_space<hbm>> -> memref<10240x128xf32, #tpu.memory_space<hbm>>
        tpu.wait_indirect_dma semaphore(%arg43 : memref<!tpu.dma_semaphore, #tpu.memory_space<semaphore_mem>>) src(%dma_wait3A_289 : memref<10240x128xf32, #tpu.memory_space<hbm>>) dst(%arg30 : memref<80x128xf32, #tpu.memory_space<vmem>>)
        "tpu.region"() ({
          %run_scoped3A = tpu.sem_alloc : memref<!tpu.dma_semaphore, #tpu.memory_space<semaphore_mem>>
          %dma_start3A_430 = arith.constant 0 : i32
          %dma_start3A_431 = arith.constant 0 : i32
          %dma_start3A_432 = tpu.memref_slice %arg33[%dma_start3A_430, %dma_start3A_431] : memref<10240x128xf32, #tpu.memory_space<vmem_shared>> -> memref<10240x128xf32, #tpu.memory_space<vmem_shared>>
          tpu.enqueue_indirect_dma source(%arg30 : memref<80x128xf32, #tpu.memory_space<vmem>>) target(%dma_start3A_432 : memref<10240x128xf32, #tpu.memory_space<vmem_shared>>) offsets(%arg22 : memref<80xi32, #tpu.memory_space<vmem>>) semaphore(%run_scoped3A : memref<!tpu.dma_semaphore, #tpu.memory_space<semaphore_mem>>) {add = true}
          %dma_wait3A_433 = arith.constant 0 : i32
          %dma_wait3A_434 = arith.constant 0 : i32
          %dma_wait3A_435 = tpu.memref_slice %arg33[%dma_wait3A_433, %dma_wait3A_434] : memref<10240x128xf32, #tpu.memory_space<vmem_shared>> -> memref<10240x128xf32, #tpu.memory_space<vmem_shared>>
          tpu.wait_indirect_dma semaphore(%run_scoped3A : memref<!tpu.dma_semaphore, #tpu.memory_space<semaphore_mem>>) src(%arg30 : memref<80x128xf32, #tpu.memory_space<vmem>>) dst(%dma_wait3A_435 : memref<10240x128xf32, #tpu.memory_space<vmem_shared>>)
          tpu.yield
        }) : () -> ()
        %add3A_290 = arith.constant 8 : i32
        %add3A_291 = arith.addi %add3A_286, %add3A_290 : i32
        %lt3A_292 = arith.constant 128 : i32
        %lt3A_293 = arith.cmpi slt, %add3A_291, %lt3A_292 : i32
        %convert_element_type3A_294 = arith.extui %lt3A_293 : i1 to i32
        %cond3A_295 = arith.constant 0 : i32
        %cond3A_296 = arith.cmpi ne, %convert_element_type3A_294, %cond3A_295 : i32
        scf.if %cond3A_296 {
          %mul3A_430 = arith.constant 10240 : i32
          %mul3A_431 = arith.muli %arg1, %mul3A_430 : i32
          %mul3A_432 = arith.constant 80 : i32
          %mul3A_433 = arith.muli %add3A_291, %mul3A_432 : i32
          %add3A_434 = arith.addi %mul3A_431, %mul3A_433 : i32
          %multiple_of3A_435 = tpu.assume_multiple %add3A_434, 8 : i32
          %dma_start3A_436 = tpu.memref_slice %arg2[%multiple_of3A_435] : memref<163840xi32, #tpu.memory_space<hbm>> -> memref<80xi32, #tpu.memory_space<hbm>>
          %dma_start3A_437 = tpu.memref_slice %arg2[%multiple_of3A_435] : memref<163840xi32, #tpu.memory_space<hbm>> -> memref<80xi32, #tpu.memory_space<hbm>>
          tpu.enqueue_dma source(%dma_start3A_437 : memref<80xi32, #tpu.memory_space<hbm>>) target(%arg14 : memref<80xi32, #tpu.memory_space<vmem>>) target_semaphore(%arg35 : memref<!tpu.dma_semaphore, #tpu.memory_space<semaphore_mem>>)
          %dma_start3A_438 = tpu.memref_slice %arg3[%multiple_of3A_435] : memref<163840xi32, #tpu.memory_space<hbm>> -> memref<80xi32, #tpu.memory_space<hbm>>
          %dma_start3A_439 = tpu.memref_slice %arg3[%multiple_of3A_435] : memref<163840xi32, #tpu.memory_space<hbm>> -> memref<80xi32, #tpu.memory_space<hbm>>
          tpu.enqueue_dma source(%dma_start3A_439 : memref<80xi32, #tpu.memory_space<hbm>>) target(%arg22 : memref<80xi32, #tpu.memory_space<vmem>>) target_semaphore(%arg35 : memref<!tpu.dma_semaphore, #tpu.memory_space<semaphore_mem>>)
        } else {
        }
        %add3A_297 = arith.constant 4 : i32
        %add3A_298 = arith.addi %add3A_286, %add3A_297 : i32
        %lt3A_299 = arith.constant 128 : i32
        %lt3A_300 = arith.cmpi slt, %add3A_298, %lt3A_299 : i32
        %convert_element_type3A_301 = arith.extui %lt3A_300 : i1 to i32
        %cond3A_302 = arith.constant 0 : i32
        %cond3A_303 = arith.cmpi ne, %convert_element_type3A_301, %cond3A_302 : i32
        scf.if %cond3A_303 {
          %dma_wait3A_430 = arith.constant 0 : i32
          %dma_wait3A_431 = tpu.memref_slice %arg2[%dma_wait3A_430] : memref<163840xi32, #tpu.memory_space<hbm>> -> memref<80xi32, #tpu.memory_space<hbm>>
          %dma_wait3A_432 = arith.constant 0 : i32
          %dma_wait3A_433 = tpu.memref_slice %arg2[%dma_wait3A_432] : memref<163840xi32, #tpu.memory_space<hbm>> -> memref<80xi32, #tpu.memory_space<hbm>>
          tpu.wait_dma2 semaphore(%arg39 : memref<!tpu.dma_semaphore, #tpu.memory_space<semaphore_mem>>) src(%dma_wait3A_433 : memref<80xi32, #tpu.memory_space<hbm>>) dst(%arg18 : memref<80xi32, #tpu.memory_space<vmem>>)
          %dma_wait3A_434 = arith.constant 0 : i32
          %dma_wait3A_435 = tpu.memref_slice %arg3[%dma_wait3A_434] : memref<163840xi32, #tpu.memory_space<hbm>> -> memref<80xi32, #tpu.memory_space<hbm>>
          %dma_wait3A_436 = arith.constant 0 : i32
          %dma_wait3A_437 = tpu.memref_slice %arg3[%dma_wait3A_436] : memref<163840xi32, #tpu.memory_space<hbm>> -> memref<80xi32, #tpu.memory_space<hbm>>
          tpu.wait_dma2 semaphore(%arg39 : memref<!tpu.dma_semaphore, #tpu.memory_space<semaphore_mem>>) src(%dma_wait3A_437 : memref<80xi32, #tpu.memory_space<hbm>>) dst(%arg26 : memref<80xi32, #tpu.memory_space<vmem>>)
          %dma_start3A_438 = arith.constant 0 : i32
          %dma_start3A_439 = arith.constant 0 : i32
          %dma_start3A_440 = tpu.memref_slice %arg7[%dma_start3A_438, %dma_start3A_439] : memref<10240x128xf32, #tpu.memory_space<hbm>> -> memref<10240x128xf32, #tpu.memory_space<hbm>>
          tpu.enqueue_indirect_dma source(%dma_start3A_440 : memref<10240x128xf32, #tpu.memory_space<hbm>>) target(%arg30 : memref<80x128xf32, #tpu.memory_space<vmem>>) offsets(%arg18 : memref<80xi32, #tpu.memory_space<vmem>>) semaphore(%arg43 : memref<!tpu.dma_semaphore, #tpu.memory_space<semaphore_mem>>)
        } else {
        }
        %mul3A_304 = arith.constant 8 : i32
        %mul3A_305 = arith.muli %scan3A_262, %mul3A_304 : i32
        %add3A_306 = arith.constant 2 : i32
        %add3A_307 = arith.addi %mul3A_305, %add3A_306 : i32
        %dma_wait3A_308 = arith.constant 0 : i32
        %dma_wait3A_309 = arith.constant 0 : i32
        %dma_wait3A_310 = tpu.memref_slice %arg7[%dma_wait3A_308, %dma_wait3A_309] : memref<10240x128xf32, #tpu.memory_space<hbm>> -> memref<10240x128xf32, #tpu.memory_space<hbm>>
        tpu.wait_indirect_dma semaphore(%arg44 : memref<!tpu.dma_semaphore, #tpu.memory_space<semaphore_mem>>) src(%dma_wait3A_310 : memref<10240x128xf32, #tpu.memory_space<hbm>>) dst(%arg31 : memref<80x128xf32, #tpu.memory_space<vmem>>)
        "tpu.region"() ({
          %run_scoped3A = tpu.sem_alloc : memref<!tpu.dma_semaphore, #tpu.memory_space<semaphore_mem>>
          %dma_start3A_430 = arith.constant 0 : i32
          %dma_start3A_431 = arith.constant 0 : i32
          %dma_start3A_432 = tpu.memref_slice %arg33[%dma_start3A_430, %dma_start3A_431] : memref<10240x128xf32, #tpu.memory_space<vmem_shared>> -> memref<10240x128xf32, #tpu.memory_space<vmem_shared>>
          tpu.enqueue_indirect_dma source(%arg31 : memref<80x128xf32, #tpu.memory_space<vmem>>) target(%dma_start3A_432 : memref<10240x128xf32, #tpu.memory_space<vmem_shared>>) offsets(%arg23 : memref<80xi32, #tpu.memory_space<vmem>>) semaphore(%run_scoped3A : memref<!tpu.dma_semaphore, #tpu.memory_space<semaphore_mem>>) {add = true}
          %dma_wait3A_433 = arith.constant 0 : i32
          %dma_wait3A_434 = arith.constant 0 : i32
          %dma_wait3A_435 = tpu.memref_slice %arg33[%dma_wait3A_433, %dma_wait3A_434] : memref<10240x128xf32, #tpu.memory_space<vmem_shared>> -> memref<10240x128xf32, #tpu.memory_space<vmem_shared>>
          tpu.wait_indirect_dma semaphore(%run_scoped3A : memref<!tpu.dma_semaphore, #tpu.memory_space<semaphore_mem>>) src(%arg31 : memref<80x128xf32, #tpu.memory_space<vmem>>) dst(%dma_wait3A_435 : memref<10240x128xf32, #tpu.memory_space<vmem_shared>>)
          tpu.yield
        }) : () -> ()
        %add3A_311 = arith.constant 8 : i32
        %add3A_312 = arith.addi %add3A_307, %add3A_311 : i32
        %lt3A_313 = arith.constant 128 : i32
        %lt3A_314 = arith.cmpi slt, %add3A_312, %lt3A_313 : i32
        %convert_element_type3A_315 = arith.extui %lt3A_314 : i1 to i32
        %cond3A_316 = arith.constant 0 : i32
        %cond3A_317 = arith.cmpi ne, %convert_element_type3A_315, %cond3A_316 : i32
        scf.if %cond3A_317 {
          %mul3A_430 = arith.constant 10240 : i32
          %mul3A_431 = arith.muli %arg1, %mul3A_430 : i32
          %mul3A_432 = arith.constant 80 : i32
          %mul3A_433 = arith.muli %add3A_312, %mul3A_432 : i32
          %add3A_434 = arith.addi %mul3A_431, %mul3A_433 : i32
          %multiple_of3A_435 = tpu.assume_multiple %add3A_434, 8 : i32
          %dma_start3A_436 = tpu.memref_slice %arg2[%multiple_of3A_435] : memref<163840xi32, #tpu.memory_space<hbm>> -> memref<80xi32, #tpu.memory_space<hbm>>
          %dma_start3A_437 = tpu.memref_slice %arg2[%multiple_of3A_435] : memref<163840xi32, #tpu.memory_space<hbm>> -> memref<80xi32, #tpu.memory_space<hbm>>
          tpu.enqueue_dma source(%dma_start3A_437 : memref<80xi32, #tpu.memory_space<hbm>>) target(%arg15 : memref<80xi32, #tpu.memory_space<vmem>>) target_semaphore(%arg36 : memref<!tpu.dma_semaphore, #tpu.memory_space<semaphore_mem>>)
          %dma_start3A_438 = tpu.memref_slice %arg3[%multiple_of3A_435] : memref<163840xi32, #tpu.memory_space<hbm>> -> memref<80xi32, #tpu.memory_space<hbm>>
          %dma_start3A_439 = tpu.memref_slice %arg3[%multiple_of3A_435] : memref<163840xi32, #tpu.memory_space<hbm>> -> memref<80xi32, #tpu.memory_space<hbm>>
          tpu.enqueue_dma source(%dma_start3A_439 : memref<80xi32, #tpu.memory_space<hbm>>) target(%arg23 : memref<80xi32, #tpu.memory_space<vmem>>) target_semaphore(%arg36 : memref<!tpu.dma_semaphore, #tpu.memory_space<semaphore_mem>>)
        } else {
        }
        %add3A_318 = arith.constant 4 : i32
        %add3A_319 = arith.addi %add3A_307, %add3A_318 : i32
        %lt3A_320 = arith.constant 128 : i32
        %lt3A_321 = arith.cmpi slt, %add3A_319, %lt3A_320 : i32
        %convert_element_type3A_322 = arith.extui %lt3A_321 : i1 to i32
        %cond3A_323 = arith.constant 0 : i32
        %cond3A_324 = arith.cmpi ne, %convert_element_type3A_322, %cond3A_323 : i32
        scf.if %cond3A_324 {
          %dma_wait3A_430 = arith.constant 0 : i32
          %dma_wait3A_431 = tpu.memref_slice %arg2[%dma_wait3A_430] : memref<163840xi32, #tpu.memory_space<hbm>> -> memref<80xi32, #tpu.memory_space<hbm>>
          %dma_wait3A_432 = arith.constant 0 : i32
          %dma_wait3A_433 = tpu.memref_slice %arg2[%dma_wait3A_432] : memref<163840xi32, #tpu.memory_space<hbm>> -> memref<80xi32, #tpu.memory_space<hbm>>
          tpu.wait_dma2 semaphore(%arg40 : memref<!tpu.dma_semaphore, #tpu.memory_space<semaphore_mem>>) src(%dma_wait3A_433 : memref<80xi32, #tpu.memory_space<hbm>>) dst(%arg19 : memref<80xi32, #tpu.memory_space<vmem>>)
          %dma_wait3A_434 = arith.constant 0 : i32
          %dma_wait3A_435 = tpu.memref_slice %arg3[%dma_wait3A_434] : memref<163840xi32, #tpu.memory_space<hbm>> -> memref<80xi32, #tpu.memory_space<hbm>>
          %dma_wait3A_436 = arith.constant 0 : i32
          %dma_wait3A_437 = tpu.memref_slice %arg3[%dma_wait3A_436] : memref<163840xi32, #tpu.memory_space<hbm>> -> memref<80xi32, #tpu.memory_space<hbm>>
          tpu.wait_dma2 semaphore(%arg40 : memref<!tpu.dma_semaphore, #tpu.memory_space<semaphore_mem>>) src(%dma_wait3A_437 : memref<80xi32, #tpu.memory_space<hbm>>) dst(%arg27 : memref<80xi32, #tpu.memory_space<vmem>>)
          %dma_start3A_438 = arith.constant 0 : i32
          %dma_start3A_439 = arith.constant 0 : i32
          %dma_start3A_440 = tpu.memref_slice %arg7[%dma_start3A_438, %dma_start3A_439] : memref<10240x128xf32, #tpu.memory_space<hbm>> -> memref<10240x128xf32, #tpu.memory_space<hbm>>
          tpu.enqueue_indirect_dma source(%dma_start3A_440 : memref<10240x128xf32, #tpu.memory_space<hbm>>) target(%arg31 : memref<80x128xf32, #tpu.memory_space<vmem>>) offsets(%arg19 : memref<80xi32, #tpu.memory_space<vmem>>) semaphore(%arg44 : memref<!tpu.dma_semaphore, #tpu.memory_space<semaphore_mem>>)
        } else {
        }
        %mul3A_325 = arith.constant 8 : i32
        %mul3A_326 = arith.muli %scan3A_262, %mul3A_325 : i32
        %add3A_327 = arith.constant 3 : i32
        %add3A_328 = arith.addi %mul3A_326, %add3A_327 : i32
        %dma_wait3A_329 = arith.constant 0 : i32
        %dma_wait3A_330 = arith.constant 0 : i32
        %dma_wait3A_331 = tpu.memref_slice %arg7[%dma_wait3A_329, %dma_wait3A_330] : memref<10240x128xf32, #tpu.memory_space<hbm>> -> memref<10240x128xf32, #tpu.memory_space<hbm>>
        tpu.wait_indirect_dma semaphore(%arg45 : memref<!tpu.dma_semaphore, #tpu.memory_space<semaphore_mem>>) src(%dma_wait3A_331 : memref<10240x128xf32, #tpu.memory_space<hbm>>) dst(%arg32 : memref<80x128xf32, #tpu.memory_space<vmem>>)
        "tpu.region"() ({
          %run_scoped3A = tpu.sem_alloc : memref<!tpu.dma_semaphore, #tpu.memory_space<semaphore_mem>>
          %dma_start3A_430 = arith.constant 0 : i32
          %dma_start3A_431 = arith.constant 0 : i32
          %dma_start3A_432 = tpu.memref_slice %arg33[%dma_start3A_430, %dma_start3A_431] : memref<10240x128xf32, #tpu.memory_space<vmem_shared>> -> memref<10240x128xf32, #tpu.memory_space<vmem_shared>>
          tpu.enqueue_indirect_dma source(%arg32 : memref<80x128xf32, #tpu.memory_space<vmem>>) target(%dma_start3A_432 : memref<10240x128xf32, #tpu.memory_space<vmem_shared>>) offsets(%arg24 : memref<80xi32, #tpu.memory_space<vmem>>) semaphore(%run_scoped3A : memref<!tpu.dma_semaphore, #tpu.memory_space<semaphore_mem>>) {add = true}
          %dma_wait3A_433 = arith.constant 0 : i32
          %dma_wait3A_434 = arith.constant 0 : i32
          %dma_wait3A_435 = tpu.memref_slice %arg33[%dma_wait3A_433, %dma_wait3A_434] : memref<10240x128xf32, #tpu.memory_space<vmem_shared>> -> memref<10240x128xf32, #tpu.memory_space<vmem_shared>>
          tpu.wait_indirect_dma semaphore(%run_scoped3A : memref<!tpu.dma_semaphore, #tpu.memory_space<semaphore_mem>>) src(%arg32 : memref<80x128xf32, #tpu.memory_space<vmem>>) dst(%dma_wait3A_435 : memref<10240x128xf32, #tpu.memory_space<vmem_shared>>)
          tpu.yield
        }) : () -> ()
        %add3A_332 = arith.constant 8 : i32
        %add3A_333 = arith.addi %add3A_328, %add3A_332 : i32
        %lt3A_334 = arith.constant 128 : i32
        %lt3A_335 = arith.cmpi slt, %add3A_333, %lt3A_334 : i32
        %convert_element_type3A_336 = arith.extui %lt3A_335 : i1 to i32
        %cond3A_337 = arith.constant 0 : i32
        %cond3A_338 = arith.cmpi ne, %convert_element_type3A_336, %cond3A_337 : i32
        scf.if %cond3A_338 {
          %mul3A_430 = arith.constant 10240 : i32
          %mul3A_431 = arith.muli %arg1, %mul3A_430 : i32
          %mul3A_432 = arith.constant 80 : i32
          %mul3A_433 = arith.muli %add3A_333, %mul3A_432 : i32
          %add3A_434 = arith.addi %mul3A_431, %mul3A_433 : i32
          %multiple_of3A_435 = tpu.assume_multiple %add3A_434, 8 : i32
          %dma_start3A_436 = tpu.memref_slice %arg2[%multiple_of3A_435] : memref<163840xi32, #tpu.memory_space<hbm>> -> memref<80xi32, #tpu.memory_space<hbm>>
          %dma_start3A_437 = tpu.memref_slice %arg2[%multiple_of3A_435] : memref<163840xi32, #tpu.memory_space<hbm>> -> memref<80xi32, #tpu.memory_space<hbm>>
          tpu.enqueue_dma source(%dma_start3A_437 : memref<80xi32, #tpu.memory_space<hbm>>) target(%arg16 : memref<80xi32, #tpu.memory_space<vmem>>) target_semaphore(%arg37 : memref<!tpu.dma_semaphore, #tpu.memory_space<semaphore_mem>>)
          %dma_start3A_438 = tpu.memref_slice %arg3[%multiple_of3A_435] : memref<163840xi32, #tpu.memory_space<hbm>> -> memref<80xi32, #tpu.memory_space<hbm>>
          %dma_start3A_439 = tpu.memref_slice %arg3[%multiple_of3A_435] : memref<163840xi32, #tpu.memory_space<hbm>> -> memref<80xi32, #tpu.memory_space<hbm>>
          tpu.enqueue_dma source(%dma_start3A_439 : memref<80xi32, #tpu.memory_space<hbm>>) target(%arg24 : memref<80xi32, #tpu.memory_space<vmem>>) target_semaphore(%arg37 : memref<!tpu.dma_semaphore, #tpu.memory_space<semaphore_mem>>)
        } else {
        }
        %add3A_339 = arith.constant 4 : i32
        %add3A_340 = arith.addi %add3A_328, %add3A_339 : i32
        %lt3A_341 = arith.constant 128 : i32
        %lt3A_342 = arith.cmpi slt, %add3A_340, %lt3A_341 : i32
        %convert_element_type3A_343 = arith.extui %lt3A_342 : i1 to i32
        %cond3A_344 = arith.constant 0 : i32
        %cond3A_345 = arith.cmpi ne, %convert_element_type3A_343, %cond3A_344 : i32
        scf.if %cond3A_345 {
          %dma_wait3A_430 = arith.constant 0 : i32
          %dma_wait3A_431 = tpu.memref_slice %arg2[%dma_wait3A_430] : memref<163840xi32, #tpu.memory_space<hbm>> -> memref<80xi32, #tpu.memory_space<hbm>>
          %dma_wait3A_432 = arith.constant 0 : i32
          %dma_wait3A_433 = tpu.memref_slice %arg2[%dma_wait3A_432] : memref<163840xi32, #tpu.memory_space<hbm>> -> memref<80xi32, #tpu.memory_space<hbm>>
          tpu.wait_dma2 semaphore(%arg41 : memref<!tpu.dma_semaphore, #tpu.memory_space<semaphore_mem>>) src(%dma_wait3A_433 : memref<80xi32, #tpu.memory_space<hbm>>) dst(%arg20 : memref<80xi32, #tpu.memory_space<vmem>>)
          %dma_wait3A_434 = arith.constant 0 : i32
          %dma_wait3A_435 = tpu.memref_slice %arg3[%dma_wait3A_434] : memref<163840xi32, #tpu.memory_space<hbm>> -> memref<80xi32, #tpu.memory_space<hbm>>
          %dma_wait3A_436 = arith.constant 0 : i32
          %dma_wait3A_437 = tpu.memref_slice %arg3[%dma_wait3A_436] : memref<163840xi32, #tpu.memory_space<hbm>> -> memref<80xi32, #tpu.memory_space<hbm>>
          tpu.wait_dma2 semaphore(%arg41 : memref<!tpu.dma_semaphore, #tpu.memory_space<semaphore_mem>>) src(%dma_wait3A_437 : memref<80xi32, #tpu.memory_space<hbm>>) dst(%arg28 : memref<80xi32, #tpu.memory_space<vmem>>)
          %dma_start3A_438 = arith.constant 0 : i32
          %dma_start3A_439 = arith.constant 0 : i32
          %dma_start3A_440 = tpu.memref_slice %arg7[%dma_start3A_438, %dma_start3A_439] : memref<10240x128xf32, #tpu.memory_space<hbm>> -> memref<10240x128xf32, #tpu.memory_space<hbm>>
          tpu.enqueue_indirect_dma source(%dma_start3A_440 : memref<10240x128xf32, #tpu.memory_space<hbm>>) target(%arg32 : memref<80x128xf32, #tpu.memory_space<vmem>>) offsets(%arg20 : memref<80xi32, #tpu.memory_space<vmem>>) semaphore(%arg45 : memref<!tpu.dma_semaphore, #tpu.memory_space<semaphore_mem>>)
        } else {
        }
        %mul3A_346 = arith.constant 8 : i32
        %mul3A_347 = arith.muli %scan3A_262, %mul3A_346 : i32
        %add3A_348 = arith.constant 4 : i32
        %add3A_349 = arith.addi %mul3A_347, %add3A_348 : i32
        %dma_wait3A_350 = arith.constant 0 : i32
        %dma_wait3A_351 = arith.constant 0 : i32
        %dma_wait3A_352 = tpu.memref_slice %arg7[%dma_wait3A_350, %dma_wait3A_351] : memref<10240x128xf32, #tpu.memory_space<hbm>> -> memref<10240x128xf32, #tpu.memory_space<hbm>>
        tpu.wait_indirect_dma semaphore(%arg42 : memref<!tpu.dma_semaphore, #tpu.memory_space<semaphore_mem>>) src(%dma_wait3A_352 : memref<10240x128xf32, #tpu.memory_space<hbm>>) dst(%arg29 : memref<80x128xf32, #tpu.memory_space<vmem>>)
        "tpu.region"() ({
          %run_scoped3A = tpu.sem_alloc : memref<!tpu.dma_semaphore, #tpu.memory_space<semaphore_mem>>
          %dma_start3A_430 = arith.constant 0 : i32
          %dma_start3A_431 = arith.constant 0 : i32
          %dma_start3A_432 = tpu.memref_slice %arg33[%dma_start3A_430, %dma_start3A_431] : memref<10240x128xf32, #tpu.memory_space<vmem_shared>> -> memref<10240x128xf32, #tpu.memory_space<vmem_shared>>
          tpu.enqueue_indirect_dma source(%arg29 : memref<80x128xf32, #tpu.memory_space<vmem>>) target(%dma_start3A_432 : memref<10240x128xf32, #tpu.memory_space<vmem_shared>>) offsets(%arg25 : memref<80xi32, #tpu.memory_space<vmem>>) semaphore(%run_scoped3A : memref<!tpu.dma_semaphore, #tpu.memory_space<semaphore_mem>>) {add = true}
          %dma_wait3A_433 = arith.constant 0 : i32
          %dma_wait3A_434 = arith.constant 0 : i32
          %dma_wait3A_435 = tpu.memref_slice %arg33[%dma_wait3A_433, %dma_wait3A_434] : memref<10240x128xf32, #tpu.memory_space<vmem_shared>> -> memref<10240x128xf32, #tpu.memory_space<vmem_shared>>
          tpu.wait_indirect_dma semaphore(%run_scoped3A : memref<!tpu.dma_semaphore, #tpu.memory_space<semaphore_mem>>) src(%arg29 : memref<80x128xf32, #tpu.memory_space<vmem>>) dst(%dma_wait3A_435 : memref<10240x128xf32, #tpu.memory_space<vmem_shared>>)
          tpu.yield
        }) : () -> ()
        %add3A_353 = arith.constant 8 : i32
        %add3A_354 = arith.addi %add3A_349, %add3A_353 : i32
        %lt3A_355 = arith.constant 128 : i32
        %lt3A_356 = arith.cmpi slt, %add3A_354, %lt3A_355 : i32
        %convert_element_type3A_357 = arith.extui %lt3A_356 : i1 to i32
        %cond3A_358 = arith.constant 0 : i32
        %cond3A_359 = arith.cmpi ne, %convert_element_type3A_357, %cond3A_358 : i32
        scf.if %cond3A_359 {
          %mul3A_430 = arith.constant 10240 : i32
          %mul3A_431 = arith.muli %arg1, %mul3A_430 : i32
          %mul3A_432 = arith.constant 80 : i32
          %mul3A_433 = arith.muli %add3A_354, %mul3A_432 : i32
          %add3A_434 = arith.addi %mul3A_431, %mul3A_433 : i32
          %multiple_of3A_435 = tpu.assume_multiple %add3A_434, 8 : i32
          %dma_start3A_436 = tpu.memref_slice %arg2[%multiple_of3A_435] : memref<163840xi32, #tpu.memory_space<hbm>> -> memref<80xi32, #tpu.memory_space<hbm>>
          %dma_start3A_437 = tpu.memref_slice %arg2[%multiple_of3A_435] : memref<163840xi32, #tpu.memory_space<hbm>> -> memref<80xi32, #tpu.memory_space<hbm>>
          tpu.enqueue_dma source(%dma_start3A_437 : memref<80xi32, #tpu.memory_space<hbm>>) target(%arg17 : memref<80xi32, #tpu.memory_space<vmem>>) target_semaphore(%arg38 : memref<!tpu.dma_semaphore, #tpu.memory_space<semaphore_mem>>)
          %dma_start3A_438 = tpu.memref_slice %arg3[%multiple_of3A_435] : memref<163840xi32, #tpu.memory_space<hbm>> -> memref<80xi32, #tpu.memory_space<hbm>>
          %dma_start3A_439 = tpu.memref_slice %arg3[%multiple_of3A_435] : memref<163840xi32, #tpu.memory_space<hbm>> -> memref<80xi32, #tpu.memory_space<hbm>>
          tpu.enqueue_dma source(%dma_start3A_439 : memref<80xi32, #tpu.memory_space<hbm>>) target(%arg25 : memref<80xi32, #tpu.memory_space<vmem>>) target_semaphore(%arg38 : memref<!tpu.dma_semaphore, #tpu.memory_space<semaphore_mem>>)
        } else {
        }
        %add3A_360 = arith.constant 4 : i32
        %add3A_361 = arith.addi %add3A_349, %add3A_360 : i32
        %lt3A_362 = arith.constant 128 : i32
        %lt3A_363 = arith.cmpi slt, %add3A_361, %lt3A_362 : i32
        %convert_element_type3A_364 = arith.extui %lt3A_363 : i1 to i32
        %cond3A_365 = arith.constant 0 : i32
        %cond3A_366 = arith.cmpi ne, %convert_element_type3A_364, %cond3A_365 : i32
        scf.if %cond3A_366 {
          %dma_wait3A_430 = arith.constant 0 : i32
          %dma_wait3A_431 = tpu.memref_slice %arg2[%dma_wait3A_430] : memref<163840xi32, #tpu.memory_space<hbm>> -> memref<80xi32, #tpu.memory_space<hbm>>
          %dma_wait3A_432 = arith.constant 0 : i32
          %dma_wait3A_433 = tpu.memref_slice %arg2[%dma_wait3A_432] : memref<163840xi32, #tpu.memory_space<hbm>> -> memref<80xi32, #tpu.memory_space<hbm>>
          tpu.wait_dma2 semaphore(%arg34 : memref<!tpu.dma_semaphore, #tpu.memory_space<semaphore_mem>>) src(%dma_wait3A_433 : memref<80xi32, #tpu.memory_space<hbm>>) dst(%arg13 : memref<80xi32, #tpu.memory_space<vmem>>)
          %dma_wait3A_434 = arith.constant 0 : i32
          %dma_wait3A_435 = tpu.memref_slice %arg3[%dma_wait3A_434] : memref<163840xi32, #tpu.memory_space<hbm>> -> memref<80xi32, #tpu.memory_space<hbm>>
          %dma_wait3A_436 = arith.constant 0 : i32
          %dma_wait3A_437 = tpu.memref_slice %arg3[%dma_wait3A_436] : memref<163840xi32, #tpu.memory_space<hbm>> -> memref<80xi32, #tpu.memory_space<hbm>>
          tpu.wait_dma2 semaphore(%arg34 : memref<!tpu.dma_semaphore, #tpu.memory_space<semaphore_mem>>) src(%dma_wait3A_437 : memref<80xi32, #tpu.memory_space<hbm>>) dst(%arg21 : memref<80xi32, #tpu.memory_space<vmem>>)
          %dma_start3A_438 = arith.constant 0 : i32
          %dma_start3A_439 = arith.constant 0 : i32
          %dma_start3A_440 = tpu.memref_slice %arg7[%dma_start3A_438, %dma_start3A_439] : memref<10240x128xf32, #tpu.memory_space<hbm>> -> memref<10240x128xf32, #tpu.memory_space<hbm>>
          tpu.enqueue_indirect_dma source(%dma_start3A_440 : memref<10240x128xf32, #tpu.memory_space<hbm>>) target(%arg29 : memref<80x128xf32, #tpu.memory_space<vmem>>) offsets(%arg13 : memref<80xi32, #tpu.memory_space<vmem>>) semaphore(%arg42 : memref<!tpu.dma_semaphore, #tpu.memory_space<semaphore_mem>>)
        } else {
        }
        %mul3A_367 = arith.constant 8 : i32
        %mul3A_368 = arith.muli %scan3A_262, %mul3A_367 : i32
        %add3A_369 = arith.constant 5 : i32
        %add3A_370 = arith.addi %mul3A_368, %add3A_369 : i32
        %dma_wait3A_371 = arith.constant 0 : i32
        %dma_wait3A_372 = arith.constant 0 : i32
        %dma_wait3A_373 = tpu.memref_slice %arg7[%dma_wait3A_371, %dma_wait3A_372] : memref<10240x128xf32, #tpu.memory_space<hbm>> -> memref<10240x128xf32, #tpu.memory_space<hbm>>
        tpu.wait_indirect_dma semaphore(%arg43 : memref<!tpu.dma_semaphore, #tpu.memory_space<semaphore_mem>>) src(%dma_wait3A_373 : memref<10240x128xf32, #tpu.memory_space<hbm>>) dst(%arg30 : memref<80x128xf32, #tpu.memory_space<vmem>>)
        "tpu.region"() ({
          %run_scoped3A = tpu.sem_alloc : memref<!tpu.dma_semaphore, #tpu.memory_space<semaphore_mem>>
          %dma_start3A_430 = arith.constant 0 : i32
          %dma_start3A_431 = arith.constant 0 : i32
          %dma_start3A_432 = tpu.memref_slice %arg33[%dma_start3A_430, %dma_start3A_431] : memref<10240x128xf32, #tpu.memory_space<vmem_shared>> -> memref<10240x128xf32, #tpu.memory_space<vmem_shared>>
          tpu.enqueue_indirect_dma source(%arg30 : memref<80x128xf32, #tpu.memory_space<vmem>>) target(%dma_start3A_432 : memref<10240x128xf32, #tpu.memory_space<vmem_shared>>) offsets(%arg26 : memref<80xi32, #tpu.memory_space<vmem>>) semaphore(%run_scoped3A : memref<!tpu.dma_semaphore, #tpu.memory_space<semaphore_mem>>) {add = true}
          %dma_wait3A_433 = arith.constant 0 : i32
          %dma_wait3A_434 = arith.constant 0 : i32
          %dma_wait3A_435 = tpu.memref_slice %arg33[%dma_wait3A_433, %dma_wait3A_434] : memref<10240x128xf32, #tpu.memory_space<vmem_shared>> -> memref<10240x128xf32, #tpu.memory_space<vmem_shared>>
          tpu.wait_indirect_dma semaphore(%run_scoped3A : memref<!tpu.dma_semaphore, #tpu.memory_space<semaphore_mem>>) src(%arg30 : memref<80x128xf32, #tpu.memory_space<vmem>>) dst(%dma_wait3A_435 : memref<10240x128xf32, #tpu.memory_space<vmem_shared>>)
          tpu.yield
        }) : () -> ()
        %add3A_374 = arith.constant 8 : i32
        %add3A_375 = arith.addi %add3A_370, %add3A_374 : i32
        %lt3A_376 = arith.constant 128 : i32
        %lt3A_377 = arith.cmpi slt, %add3A_375, %lt3A_376 : i32
        %convert_element_type3A_378 = arith.extui %lt3A_377 : i1 to i32
        %cond3A_379 = arith.constant 0 : i32
        %cond3A_380 = arith.cmpi ne, %convert_element_type3A_378, %cond3A_379 : i32
        scf.if %cond3A_380 {
          %mul3A_430 = arith.constant 10240 : i32
          %mul3A_431 = arith.muli %arg1, %mul3A_430 : i32
          %mul3A_432 = arith.constant 80 : i32
          %mul3A_433 = arith.muli %add3A_375, %mul3A_432 : i32
          %add3A_434 = arith.addi %mul3A_431, %mul3A_433 : i32
          %multiple_of3A_435 = tpu.assume_multiple %add3A_434, 8 : i32
          %dma_start3A_436 = tpu.memref_slice %arg2[%multiple_of3A_435] : memref<163840xi32, #tpu.memory_space<hbm>> -> memref<80xi32, #tpu.memory_space<hbm>>
          %dma_start3A_437 = tpu.memref_slice %arg2[%multiple_of3A_435] : memref<163840xi32, #tpu.memory_space<hbm>> -> memref<80xi32, #tpu.memory_space<hbm>>
          tpu.enqueue_dma source(%dma_start3A_437 : memref<80xi32, #tpu.memory_space<hbm>>) target(%arg18 : memref<80xi32, #tpu.memory_space<vmem>>) target_semaphore(%arg39 : memref<!tpu.dma_semaphore, #tpu.memory_space<semaphore_mem>>)
          %dma_start3A_438 = tpu.memref_slice %arg3[%multiple_of3A_435] : memref<163840xi32, #tpu.memory_space<hbm>> -> memref<80xi32, #tpu.memory_space<hbm>>
          %dma_start3A_439 = tpu.memref_slice %arg3[%multiple_of3A_435] : memref<163840xi32, #tpu.memory_space<hbm>> -> memref<80xi32, #tpu.memory_space<hbm>>
          tpu.enqueue_dma source(%dma_start3A_439 : memref<80xi32, #tpu.memory_space<hbm>>) target(%arg26 : memref<80xi32, #tpu.memory_space<vmem>>) target_semaphore(%arg39 : memref<!tpu.dma_semaphore, #tpu.memory_space<semaphore_mem>>)
        } else {
        }
        %add3A_381 = arith.constant 4 : i32
        %add3A_382 = arith.addi %add3A_370, %add3A_381 : i32
        %lt3A_383 = arith.constant 128 : i32
        %lt3A_384 = arith.cmpi slt, %add3A_382, %lt3A_383 : i32
        %convert_element_type3A_385 = arith.extui %lt3A_384 : i1 to i32
        %cond3A_386 = arith.constant 0 : i32
        %cond3A_387 = arith.cmpi ne, %convert_element_type3A_385, %cond3A_386 : i32
        scf.if %cond3A_387 {
          %dma_wait3A_430 = arith.constant 0 : i32
          %dma_wait3A_431 = tpu.memref_slice %arg2[%dma_wait3A_430] : memref<163840xi32, #tpu.memory_space<hbm>> -> memref<80xi32, #tpu.memory_space<hbm>>
          %dma_wait3A_432 = arith.constant 0 : i32
          %dma_wait3A_433 = tpu.memref_slice %arg2[%dma_wait3A_432] : memref<163840xi32, #tpu.memory_space<hbm>> -> memref<80xi32, #tpu.memory_space<hbm>>
          tpu.wait_dma2 semaphore(%arg35 : memref<!tpu.dma_semaphore, #tpu.memory_space<semaphore_mem>>) src(%dma_wait3A_433 : memref<80xi32, #tpu.memory_space<hbm>>) dst(%arg14 : memref<80xi32, #tpu.memory_space<vmem>>)
          %dma_wait3A_434 = arith.constant 0 : i32
          %dma_wait3A_435 = tpu.memref_slice %arg3[%dma_wait3A_434] : memref<163840xi32, #tpu.memory_space<hbm>> -> memref<80xi32, #tpu.memory_space<hbm>>
          %dma_wait3A_436 = arith.constant 0 : i32
          %dma_wait3A_437 = tpu.memref_slice %arg3[%dma_wait3A_436] : memref<163840xi32, #tpu.memory_space<hbm>> -> memref<80xi32, #tpu.memory_space<hbm>>
          tpu.wait_dma2 semaphore(%arg35 : memref<!tpu.dma_semaphore, #tpu.memory_space<semaphore_mem>>) src(%dma_wait3A_437 : memref<80xi32, #tpu.memory_space<hbm>>) dst(%arg22 : memref<80xi32, #tpu.memory_space<vmem>>)
          %dma_start3A_438 = arith.constant 0 : i32
          %dma_start3A_439 = arith.constant 0 : i32
          %dma_start3A_440 = tpu.memref_slice %arg7[%dma_start3A_438, %dma_start3A_439] : memref<10240x128xf32, #tpu.memory_space<hbm>> -> memref<10240x128xf32, #tpu.memory_space<hbm>>
          tpu.enqueue_indirect_dma source(%dma_start3A_440 : memref<10240x128xf32, #tpu.memory_space<hbm>>) target(%arg30 : memref<80x128xf32, #tpu.memory_space<vmem>>) offsets(%arg14 : memref<80xi32, #tpu.memory_space<vmem>>) semaphore(%arg43 : memref<!tpu.dma_semaphore, #tpu.memory_space<semaphore_mem>>)
        } else {
        }
        %mul3A_388 = arith.constant 8 : i32
        %mul3A_389 = arith.muli %scan3A_262, %mul3A_388 : i32
        %add3A_390 = arith.constant 6 : i32
        %add3A_391 = arith.addi %mul3A_389, %add3A_390 : i32
        %dma_wait3A_392 = arith.constant 0 : i32
        %dma_wait3A_393 = arith.constant 0 : i32
        %dma_wait3A_394 = tpu.memref_slice %arg7[%dma_wait3A_392, %dma_wait3A_393] : memref<10240x128xf32, #tpu.memory_space<hbm>> -> memref<10240x128xf32, #tpu.memory_space<hbm>>
        tpu.wait_indirect_dma semaphore(%arg44 : memref<!tpu.dma_semaphore, #tpu.memory_space<semaphore_mem>>) src(%dma_wait3A_394 : memref<10240x128xf32, #tpu.memory_space<hbm>>) dst(%arg31 : memref<80x128xf32, #tpu.memory_space<vmem>>)
        "tpu.region"() ({
          %run_scoped3A = tpu.sem_alloc : memref<!tpu.dma_semaphore, #tpu.memory_space<semaphore_mem>>
          %dma_start3A_430 = arith.constant 0 : i32
          %dma_start3A_431 = arith.constant 0 : i32
          %dma_start3A_432 = tpu.memref_slice %arg33[%dma_start3A_430, %dma_start3A_431] : memref<10240x128xf32, #tpu.memory_space<vmem_shared>> -> memref<10240x128xf32, #tpu.memory_space<vmem_shared>>
          tpu.enqueue_indirect_dma source(%arg31 : memref<80x128xf32, #tpu.memory_space<vmem>>) target(%dma_start3A_432 : memref<10240x128xf32, #tpu.memory_space<vmem_shared>>) offsets(%arg27 : memref<80xi32, #tpu.memory_space<vmem>>) semaphore(%run_scoped3A : memref<!tpu.dma_semaphore, #tpu.memory_space<semaphore_mem>>) {add = true}
          %dma_wait3A_433 = arith.constant 0 : i32
          %dma_wait3A_434 = arith.constant 0 : i32
          %dma_wait3A_435 = tpu.memref_slice %arg33[%dma_wait3A_433, %dma_wait3A_434] : memref<10240x128xf32, #tpu.memory_space<vmem_shared>> -> memref<10240x128xf32, #tpu.memory_space<vmem_shared>>
          tpu.wait_indirect_dma semaphore(%run_scoped3A : memref<!tpu.dma_semaphore, #tpu.memory_space<semaphore_mem>>) src(%arg31 : memref<80x128xf32, #tpu.memory_space<vmem>>) dst(%dma_wait3A_435 : memref<10240x128xf32, #tpu.memory_space<vmem_shared>>)
          tpu.yield
        }) : () -> ()
        %add3A_395 = arith.constant 8 : i32
        %add3A_396 = arith.addi %add3A_391, %add3A_395 : i32
        %lt3A_397 = arith.constant 128 : i32
        %lt3A_398 = arith.cmpi slt, %add3A_396, %lt3A_397 : i32
        %convert_element_type3A_399 = arith.extui %lt3A_398 : i1 to i32
        %cond3A_400 = arith.constant 0 : i32
        %cond3A_401 = arith.cmpi ne, %convert_element_type3A_399, %cond3A_400 : i32
        scf.if %cond3A_401 {
          %mul3A_430 = arith.constant 10240 : i32
          %mul3A_431 = arith.muli %arg1, %mul3A_430 : i32
          %mul3A_432 = arith.constant 80 : i32
          %mul3A_433 = arith.muli %add3A_396, %mul3A_432 : i32
          %add3A_434 = arith.addi %mul3A_431, %mul3A_433 : i32
          %multiple_of3A_435 = tpu.assume_multiple %add3A_434, 8 : i32
          %dma_start3A_436 = tpu.memref_slice %arg2[%multiple_of3A_435] : memref<163840xi32, #tpu.memory_space<hbm>> -> memref<80xi32, #tpu.memory_space<hbm>>
          %dma_start3A_437 = tpu.memref_slice %arg2[%multiple_of3A_435] : memref<163840xi32, #tpu.memory_space<hbm>> -> memref<80xi32, #tpu.memory_space<hbm>>
          tpu.enqueue_dma source(%dma_start3A_437 : memref<80xi32, #tpu.memory_space<hbm>>) target(%arg19 : memref<80xi32, #tpu.memory_space<vmem>>) target_semaphore(%arg40 : memref<!tpu.dma_semaphore, #tpu.memory_space<semaphore_mem>>)
          %dma_start3A_438 = tpu.memref_slice %arg3[%multiple_of3A_435] : memref<163840xi32, #tpu.memory_space<hbm>> -> memref<80xi32, #tpu.memory_space<hbm>>
          %dma_start3A_439 = tpu.memref_slice %arg3[%multiple_of3A_435] : memref<163840xi32, #tpu.memory_space<hbm>> -> memref<80xi32, #tpu.memory_space<hbm>>
          tpu.enqueue_dma source(%dma_start3A_439 : memref<80xi32, #tpu.memory_space<hbm>>) target(%arg27 : memref<80xi32, #tpu.memory_space<vmem>>) target_semaphore(%arg40 : memref<!tpu.dma_semaphore, #tpu.memory_space<semaphore_mem>>)
        } else {
        }
        %add3A_402 = arith.constant 4 : i32
        %add3A_403 = arith.addi %add3A_391, %add3A_402 : i32
        %lt3A_404 = arith.constant 128 : i32
        %lt3A_405 = arith.cmpi slt, %add3A_403, %lt3A_404 : i32
        %convert_element_type3A_406 = arith.extui %lt3A_405 : i1 to i32
        %cond3A_407 = arith.constant 0 : i32
        %cond3A_408 = arith.cmpi ne, %convert_element_type3A_406, %cond3A_407 : i32
        scf.if %cond3A_408 {
          %dma_wait3A_430 = arith.constant 0 : i32
          %dma_wait3A_431 = tpu.memref_slice %arg2[%dma_wait3A_430] : memref<163840xi32, #tpu.memory_space<hbm>> -> memref<80xi32, #tpu.memory_space<hbm>>
          %dma_wait3A_432 = arith.constant 0 : i32
          %dma_wait3A_433 = tpu.memref_slice %arg2[%dma_wait3A_432] : memref<163840xi32, #tpu.memory_space<hbm>> -> memref<80xi32, #tpu.memory_space<hbm>>
          tpu.wait_dma2 semaphore(%arg36 : memref<!tpu.dma_semaphore, #tpu.memory_space<semaphore_mem>>) src(%dma_wait3A_433 : memref<80xi32, #tpu.memory_space<hbm>>) dst(%arg15 : memref<80xi32, #tpu.memory_space<vmem>>)
          %dma_wait3A_434 = arith.constant 0 : i32
          %dma_wait3A_435 = tpu.memref_slice %arg3[%dma_wait3A_434] : memref<163840xi32, #tpu.memory_space<hbm>> -> memref<80xi32, #tpu.memory_space<hbm>>
          %dma_wait3A_436 = arith.constant 0 : i32
          %dma_wait3A_437 = tpu.memref_slice %arg3[%dma_wait3A_436] : memref<163840xi32, #tpu.memory_space<hbm>> -> memref<80xi32, #tpu.memory_space<hbm>>
          tpu.wait_dma2 semaphore(%arg36 : memref<!tpu.dma_semaphore, #tpu.memory_space<semaphore_mem>>) src(%dma_wait3A_437 : memref<80xi32, #tpu.memory_space<hbm>>) dst(%arg23 : memref<80xi32, #tpu.memory_space<vmem>>)
          %dma_start3A_438 = arith.constant 0 : i32
          %dma_start3A_439 = arith.constant 0 : i32
          %dma_start3A_440 = tpu.memref_slice %arg7[%dma_start3A_438, %dma_start3A_439] : memref<10240x128xf32, #tpu.memory_space<hbm>> -> memref<10240x128xf32, #tpu.memory_space<hbm>>
          tpu.enqueue_indirect_dma source(%dma_start3A_440 : memref<10240x128xf32, #tpu.memory_space<hbm>>) target(%arg31 : memref<80x128xf32, #tpu.memory_space<vmem>>) offsets(%arg15 : memref<80xi32, #tpu.memory_space<vmem>>) semaphore(%arg44 : memref<!tpu.dma_semaphore, #tpu.memory_space<semaphore_mem>>)
        } else {
        }
        %mul3A_409 = arith.constant 8 : i32
        %mul3A_410 = arith.muli %scan3A_262, %mul3A_409 : i32
        %add3A_411 = arith.constant 7 : i32
        %add3A_412 = arith.addi %mul3A_410, %add3A_411 : i32
        %dma_wait3A_413 = arith.constant 0 : i32
        %dma_wait3A_414 = arith.constant 0 : i32
        %dma_wait3A_415 = tpu.memref_slice %arg7[%dma_wait3A_413, %dma_wait3A_414] : memref<10240x128xf32, #tpu.memory_space<hbm>> -> memref<10240x128xf32, #tpu.memory_space<hbm>>
        tpu.wait_indirect_dma semaphore(%arg45 : memref<!tpu.dma_semaphore, #tpu.memory_space<semaphore_mem>>) src(%dma_wait3A_415 : memref<10240x128xf32, #tpu.memory_space<hbm>>) dst(%arg32 : memref<80x128xf32, #tpu.memory_space<vmem>>)
        "tpu.region"() ({
          %run_scoped3A = tpu.sem_alloc : memref<!tpu.dma_semaphore, #tpu.memory_space<semaphore_mem>>
          %dma_start3A_430 = arith.constant 0 : i32
          %dma_start3A_431 = arith.constant 0 : i32
          %dma_start3A_432 = tpu.memref_slice %arg33[%dma_start3A_430, %dma_start3A_431] : memref<10240x128xf32, #tpu.memory_space<vmem_shared>> -> memref<10240x128xf32, #tpu.memory_space<vmem_shared>>
          tpu.enqueue_indirect_dma source(%arg32 : memref<80x128xf32, #tpu.memory_space<vmem>>) target(%dma_start3A_432 : memref<10240x128xf32, #tpu.memory_space<vmem_shared>>) offsets(%arg28 : memref<80xi32, #tpu.memory_space<vmem>>) semaphore(%run_scoped3A : memref<!tpu.dma_semaphore, #tpu.memory_space<semaphore_mem>>) {add = true}
          %dma_wait3A_433 = arith.constant 0 : i32
          %dma_wait3A_434 = arith.constant 0 : i32
          %dma_wait3A_435 = tpu.memref_slice %arg33[%dma_wait3A_433, %dma_wait3A_434] : memref<10240x128xf32, #tpu.memory_space<vmem_shared>> -> memref<10240x128xf32, #tpu.memory_space<vmem_shared>>
          tpu.wait_indirect_dma semaphore(%run_scoped3A : memref<!tpu.dma_semaphore, #tpu.memory_space<semaphore_mem>>) src(%arg32 : memref<80x128xf32, #tpu.memory_space<vmem>>) dst(%dma_wait3A_435 : memref<10240x128xf32, #tpu.memory_space<vmem_shared>>)
          tpu.yield
        }) : () -> ()
        %add3A_416 = arith.constant 8 : i32
        %add3A_417 = arith.addi %add3A_412, %add3A_416 : i32
        %lt3A_418 = arith.constant 128 : i32
        %lt3A_419 = arith.cmpi slt, %add3A_417, %lt3A_418 : i32
        %convert_element_type3A_420 = arith.extui %lt3A_419 : i1 to i32
        %cond3A_421 = arith.constant 0 : i32
        %cond3A_422 = arith.cmpi ne, %convert_element_type3A_420, %cond3A_421 : i32
        scf.if %cond3A_422 {
          %mul3A_430 = arith.constant 10240 : i32
          %mul3A_431 = arith.muli %arg1, %mul3A_430 : i32
          %mul3A_432 = arith.constant 80 : i32
          %mul3A_433 = arith.muli %add3A_417, %mul3A_432 : i32
          %add3A_434 = arith.addi %mul3A_431, %mul3A_433 : i32
          %multiple_of3A_435 = tpu.assume_multiple %add3A_434, 8 : i32
          %dma_start3A_436 = tpu.memref_slice %arg2[%multiple_of3A_435] : memref<163840xi32, #tpu.memory_space<hbm>> -> memref<80xi32, #tpu.memory_space<hbm>>
          %dma_start3A_437 = tpu.memref_slice %arg2[%multiple_of3A_435] : memref<163840xi32, #tpu.memory_space<hbm>> -> memref<80xi32, #tpu.memory_space<hbm>>
          tpu.enqueue_dma source(%dma_start3A_437 : memref<80xi32, #tpu.memory_space<hbm>>) target(%arg20 : memref<80xi32, #tpu.memory_space<vmem>>) target_semaphore(%arg41 : memref<!tpu.dma_semaphore, #tpu.memory_space<semaphore_mem>>)
          %dma_start3A_438 = tpu.memref_slice %arg3[%multiple_of3A_435] : memref<163840xi32, #tpu.memory_space<hbm>> -> memref<80xi32, #tpu.memory_space<hbm>>
          %dma_start3A_439 = tpu.memref_slice %arg3[%multiple_of3A_435] : memref<163840xi32, #tpu.memory_space<hbm>> -> memref<80xi32, #tpu.memory_space<hbm>>
          tpu.enqueue_dma source(%dma_start3A_439 : memref<80xi32, #tpu.memory_space<hbm>>) target(%arg28 : memref<80xi32, #tpu.memory_space<vmem>>) target_semaphore(%arg41 : memref<!tpu.dma_semaphore, #tpu.memory_space<semaphore_mem>>)
        } else {
        }
        %add3A_423 = arith.constant 4 : i32
        %add3A_424 = arith.addi %add3A_412, %add3A_423 : i32
        %lt3A_425 = arith.constant 128 : i32
        %lt3A_426 = arith.cmpi slt, %add3A_424, %lt3A_425 : i32
        %convert_element_type3A_427 = arith.extui %lt3A_426 : i1 to i32
        %cond3A_428 = arith.constant 0 : i32
        %cond3A_429 = arith.cmpi ne, %convert_element_type3A_427, %cond3A_428 : i32
        scf.if %cond3A_429 {
          %dma_wait3A_430 = arith.constant 0 : i32
          %dma_wait3A_431 = tpu.memref_slice %arg2[%dma_wait3A_430] : memref<163840xi32, #tpu.memory_space<hbm>> -> memref<80xi32, #tpu.memory_space<hbm>>
          %dma_wait3A_432 = arith.constant 0 : i32
          %dma_wait3A_433 = tpu.memref_slice %arg2[%dma_wait3A_432] : memref<163840xi32, #tpu.memory_space<hbm>> -> memref<80xi32, #tpu.memory_space<hbm>>
          tpu.wait_dma2 semaphore(%arg37 : memref<!tpu.dma_semaphore, #tpu.memory_space<semaphore_mem>>) src(%dma_wait3A_433 : memref<80xi32, #tpu.memory_space<hbm>>) dst(%arg16 : memref<80xi32, #tpu.memory_space<vmem>>)
          %dma_wait3A_434 = arith.constant 0 : i32
          %dma_wait3A_435 = tpu.memref_slice %arg3[%dma_wait3A_434] : memref<163840xi32, #tpu.memory_space<hbm>> -> memref<80xi32, #tpu.memory_space<hbm>>
          %dma_wait3A_436 = arith.constant 0 : i32
          %dma_wait3A_437 = tpu.memref_slice %arg3[%dma_wait3A_436] : memref<163840xi32, #tpu.memory_space<hbm>> -> memref<80xi32, #tpu.memory_space<hbm>>
          tpu.wait_dma2 semaphore(%arg37 : memref<!tpu.dma_semaphore, #tpu.memory_space<semaphore_mem>>) src(%dma_wait3A_437 : memref<80xi32, #tpu.memory_space<hbm>>) dst(%arg24 : memref<80xi32, #tpu.memory_space<vmem>>)
          %dma_start3A_438 = arith.constant 0 : i32
          %dma_start3A_439 = arith.constant 0 : i32
          %dma_start3A_440 = tpu.memref_slice %arg7[%dma_start3A_438, %dma_start3A_439] : memref<10240x128xf32, #tpu.memory_space<hbm>> -> memref<10240x128xf32, #tpu.memory_space<hbm>>
          tpu.enqueue_indirect_dma source(%dma_start3A_440 : memref<10240x128xf32, #tpu.memory_space<hbm>>) target(%arg32 : memref<80x128xf32, #tpu.memory_space<vmem>>) offsets(%arg16 : memref<80xi32, #tpu.memory_space<vmem>>) semaphore(%arg45 : memref<!tpu.dma_semaphore, #tpu.memory_space<semaphore_mem>>)
        } else {
        }
      }
      %scan3A_255 = arith.constant 16 : i32
      %barrier3A_256 = arith.constant 0 : index
      tpu.barrier barrier_id(%barrier3A_256)
      %mul3A_257 = arith.constant 640 : i32
      %mul3A_258 = arith.muli %arg1, %mul3A_257 : i32
      %mul3A_259 = arith.constant 640 : i32
      %mul3A_260 = arith.muli %arg1, %mul3A_259 : i32
      "tpu.region"() ({
        %run_scoped3A = tpu.sem_alloc : memref<!tpu.dma_semaphore, #tpu.memory_space<semaphore_mem>>
        %dma_start3A_262 = arith.constant 0 : i32
        %dma_start3A_263 = tpu.memref_slice %arg12[%mul3A_260, %dma_start3A_262] : memref<10240x128xf32, #tpu.memory_space<hbm>> -> memref<640x128xf32, #tpu.memory_space<hbm>>
        %dma_start3A_264 = arith.constant 0 : i32
        %dma_start3A_265 = tpu.memref_slice %arg33[%mul3A_258, %dma_start3A_264] : memref<10240x128xf32, #tpu.memory_space<vmem_shared>> -> memref<640x128xf32, #tpu.memory_space<vmem_shared>>
        tpu.enqueue_dma source(%dma_start3A_265 : memref<640x128xf32, #tpu.memory_space<vmem_shared>>) target(%dma_start3A_263 : memref<640x128xf32, #tpu.memory_space<hbm>>) target_semaphore(%run_scoped3A : memref<!tpu.dma_semaphore, #tpu.memory_space<semaphore_mem>>)
        %dma_wait3A_266 = arith.constant 0 : i32
        %dma_wait3A_267 = tpu.memref_slice %arg12[%mul3A_260, %dma_wait3A_266] : memref<10240x128xf32, #tpu.memory_space<hbm>> -> memref<640x128xf32, #tpu.memory_space<hbm>>
        %dma_wait3A_268 = arith.constant 0 : i32
        %dma_wait3A_269 = tpu.memref_slice %arg33[%mul3A_258, %dma_wait3A_268] : memref<10240x128xf32, #tpu.memory_space<vmem_shared>> -> memref<640x128xf32, #tpu.memory_space<vmem_shared>>
        tpu.wait_dma2 semaphore(%run_scoped3A : memref<!tpu.dma_semaphore, #tpu.memory_space<semaphore_mem>>) src(%dma_wait3A_269 : memref<640x128xf32, #tpu.memory_space<vmem_shared>>) dst(%dma_wait3A_267 : memref<640x128xf32, #tpu.memory_space<hbm>>)
        tpu.yield
      }) : () -> ()
      %barrier3A_261 = arith.constant 0 : index
      tpu.barrier barrier_id(%barrier3A_261)
    } else {
    }
    return
  }
}

#map = affine_map<(d0, d1) -> (0, 0, 0)>
#map1 = affine_map<(d0, d1) -> (0)>
module attributes {stable_mosaic.version = 14 : i64} {
  func.func @_deg_kernel(%arg0: i32, %arg1: i32, %arg2: memref<16x128x80xi32, #tpu.memory_space<hbm>>, %arg3: memref<16x128x80xi32, #tpu.memory_space<hbm>>, %arg4: memref<640xf32, #tpu.memory_space<hbm>>, %arg5: memref<10240xf32, #tpu.memory_space<hbm>>, %arg6: memref<10240xf32, #tpu.memory_space<hbm>>, %arg7: memref<128x80xi32, #tpu.memory_space<vmem>>, %arg8: memref<80xf32, #tpu.memory_space<vmem>>, %arg9: memref<10240xf32, #tpu.memory_space<vmem_shared>>) attributes {dimension_semantics = [#tpu.dimension_semantics<core_parallel>, #tpu.dimension_semantics<subcore_parallel>], iteration_bounds = array<i64: 2, 16>, scalar_prefetch = 0 : i64, scratch_operands = 3 : i64, tpu.core_type = #tpu.core_type<sc_vector_subcore>, window_params = [{transform_indices = #map}, {transform_indices = #map}, {transform_indices = #map1}, {transform_indices = #map1}, {transform_indices = #map1}]} {
    %broadcast_in_dim3A = arith.constant 1.000000e+00 : f32
    %broadcast_in_dim3A_0 = vector.broadcast %broadcast_in_dim3A : f32 to vector<16xf32>
    %swap3A = arith.constant 0 : index
    %swap3A_1 = tpu.vector_load %arg8[%swap3A] {strides = array<i32>} : memref<80xf32, #tpu.memory_space<vmem>>, vector<16xf32>,
    %swap3A_2 = vector.shape_cast %swap3A_1 : vector<16xf32> to vector<16xf32>
    %swap3A_3 = vector.shape_cast %broadcast_in_dim3A_0 : vector<16xf32> to vector<16xf32>
    tpu.vector_store %arg8[%swap3A], %swap3A_3 {strides = array<i32>} : memref<80xf32, #tpu.memory_space<vmem>>, vector<16xf32>,
    %broadcast_in_dim3A_4 = arith.constant 1.000000e+00 : f32
    %broadcast_in_dim3A_5 = vector.broadcast %broadcast_in_dim3A_4 : f32 to vector<16xf32>
    %swap3A_6 = arith.constant 16 : index
    %swap3A_7 = tpu.vector_load %arg8[%swap3A_6] {strides = array<i32>} : memref<80xf32, #tpu.memory_space<vmem>>, vector<16xf32>,
    %swap3A_8 = vector.shape_cast %swap3A_7 : vector<16xf32> to vector<16xf32>
    %swap3A_9 = vector.shape_cast %broadcast_in_dim3A_5 : vector<16xf32> to vector<16xf32>
    tpu.vector_store %arg8[%swap3A_6], %swap3A_9 {strides = array<i32>} : memref<80xf32, #tpu.memory_space<vmem>>, vector<16xf32>,
    %broadcast_in_dim3A_10 = arith.constant 1.000000e+00 : f32
    %broadcast_in_dim3A_11 = vector.broadcast %broadcast_in_dim3A_10 : f32 to vector<16xf32>
    %swap3A_12 = arith.constant 32 : index
    %swap3A_13 = tpu.vector_load %arg8[%swap3A_12] {strides = array<i32>} : memref<80xf32, #tpu.memory_space<vmem>>, vector<16xf32>,
    %swap3A_14 = vector.shape_cast %swap3A_13 : vector<16xf32> to vector<16xf32>
    %swap3A_15 = vector.shape_cast %broadcast_in_dim3A_11 : vector<16xf32> to vector<16xf32>
    tpu.vector_store %arg8[%swap3A_12], %swap3A_15 {strides = array<i32>} : memref<80xf32, #tpu.memory_space<vmem>>, vector<16xf32>,
    %broadcast_in_dim3A_16 = arith.constant 1.000000e+00 : f32
    %broadcast_in_dim3A_17 = vector.broadcast %broadcast_in_dim3A_16 : f32 to vector<16xf32>
    %swap3A_18 = arith.constant 48 : index
    %swap3A_19 = tpu.vector_load %arg8[%swap3A_18] {strides = array<i32>} : memref<80xf32, #tpu.memory_space<vmem>>, vector<16xf32>,
    %swap3A_20 = vector.shape_cast %swap3A_19 : vector<16xf32> to vector<16xf32>
    %swap3A_21 = vector.shape_cast %broadcast_in_dim3A_17 : vector<16xf32> to vector<16xf32>
    tpu.vector_store %arg8[%swap3A_18], %swap3A_21 {strides = array<i32>} : memref<80xf32, #tpu.memory_space<vmem>>, vector<16xf32>,
    %broadcast_in_dim3A_22 = arith.constant 1.000000e+00 : f32
    %broadcast_in_dim3A_23 = vector.broadcast %broadcast_in_dim3A_22 : f32 to vector<16xf32>
    %swap3A_24 = arith.constant 64 : index
    %swap3A_25 = tpu.vector_load %arg8[%swap3A_24] {strides = array<i32>} : memref<80xf32, #tpu.memory_space<vmem>>, vector<16xf32>,
    %swap3A_26 = vector.shape_cast %swap3A_25 : vector<16xf32> to vector<16xf32>
    %swap3A_27 = vector.shape_cast %broadcast_in_dim3A_23 : vector<16xf32> to vector<16xf32>
    tpu.vector_store %arg8[%swap3A_24], %swap3A_27 {strides = array<i32>} : memref<80xf32, #tpu.memory_space<vmem>>, vector<16xf32>,
    %mul3A = arith.constant 640 : i32
    %mul3A_28 = arith.muli %arg1, %mul3A : i32
    "tpu.region"() ({
      %run_scoped3A = tpu.sem_alloc : memref<!tpu.dma_semaphore, #tpu.memory_space<semaphore_mem>>
      %dma_start3A = tpu.memref_slice %arg9[%mul3A_28] : memref<10240xf32, #tpu.memory_space<vmem_shared>> -> memref<640xf32, #tpu.memory_space<vmem_shared>>
      tpu.enqueue_dma source(%arg4 : memref<640xf32, #tpu.memory_space<hbm>>) target(%dma_start3A : memref<640xf32, #tpu.memory_space<vmem_shared>>) target_semaphore(%run_scoped3A : memref<!tpu.dma_semaphore, #tpu.memory_space<semaphore_mem>>)
      %dma_wait3A = tpu.memref_slice %arg9[%mul3A_28] : memref<10240xf32, #tpu.memory_space<vmem_shared>> -> memref<640xf32, #tpu.memory_space<vmem_shared>>
      tpu.wait_dma2 semaphore(%run_scoped3A : memref<!tpu.dma_semaphore, #tpu.memory_space<semaphore_mem>>) src(%arg4 : memref<640xf32, #tpu.memory_space<hbm>>) dst(%dma_wait3A : memref<640xf32, #tpu.memory_space<vmem_shared>>)
      tpu.yield
    }) : () -> ()
    %eq3A = arith.constant 0 : i32
    %eq3A_29 = arith.cmpi eq, %arg0, %eq3A : i32
    %convert_element_type3A = arith.extui %eq3A_29 : i1 to i32
    %cond3A = arith.constant 0 : i32
    %cond3A_30 = arith.cmpi ne, %convert_element_type3A, %cond3A : i32
    scf.if %cond3A_30 {
      "tpu.region"() ({
        %run_scoped3A = tpu.sem_alloc : memref<!tpu.dma_semaphore, #tpu.memory_space<semaphore_mem>>
        %dma_start3A = arith.constant 0 : i32
        %dma_start3A_52 = arith.constant 0 : i32
        %dma_start3A_53 = tpu.memref_slice %arg2[%arg1, %dma_start3A, %dma_start3A_52] : memref<16x128x80xi32, #tpu.memory_space<hbm>> -> memref<1x128x80xi32, #tpu.memory_space<hbm>>
        %dma_start3A_54 = tpu.memref_squeeze %dma_start3A_53 : memref<1x128x80xi32, #tpu.memory_space<hbm>> -> memref<128x80xi32, #tpu.memory_space<hbm>>
        %dma_start3A_55 = arith.constant 0 : i32
        %dma_start3A_56 = arith.constant 0 : i32
        %dma_start3A_57 = tpu.memref_slice %arg2[%arg1, %dma_start3A_55, %dma_start3A_56] : memref<16x128x80xi32, #tpu.memory_space<hbm>> -> memref<1x128x80xi32, #tpu.memory_space<hbm>>
        %dma_start3A_58 = tpu.memref_squeeze %dma_start3A_57 : memref<1x128x80xi32, #tpu.memory_space<hbm>> -> memref<128x80xi32, #tpu.memory_space<hbm>>
        tpu.enqueue_dma source(%dma_start3A_58 : memref<128x80xi32, #tpu.memory_space<hbm>>) target(%arg7 : memref<128x80xi32, #tpu.memory_space<vmem>>) target_semaphore(%run_scoped3A : memref<!tpu.dma_semaphore, #tpu.memory_space<semaphore_mem>>)
        %dma_wait3A = arith.constant 0 : i32
        %dma_wait3A_59 = arith.constant 0 : i32
        %dma_wait3A_60 = tpu.memref_slice %arg2[%arg1, %dma_wait3A, %dma_wait3A_59] : memref<16x128x80xi32, #tpu.memory_space<hbm>> -> memref<1x128x80xi32, #tpu.memory_space<hbm>>
        %dma_wait3A_61 = tpu.memref_squeeze %dma_wait3A_60 : memref<1x128x80xi32, #tpu.memory_space<hbm>> -> memref<128x80xi32, #tpu.memory_space<hbm>>
        %dma_wait3A_62 = arith.constant 0 : i32
        %dma_wait3A_63 = arith.constant 0 : i32
        %dma_wait3A_64 = tpu.memref_slice %arg2[%arg1, %dma_wait3A_62, %dma_wait3A_63] : memref<16x128x80xi32, #tpu.memory_space<hbm>> -> memref<1x128x80xi32, #tpu.memory_space<hbm>>
        %dma_wait3A_65 = tpu.memref_squeeze %dma_wait3A_64 : memref<1x128x80xi32, #tpu.memory_space<hbm>> -> memref<128x80xi32, #tpu.memory_space<hbm>>
        tpu.wait_dma2 semaphore(%run_scoped3A : memref<!tpu.dma_semaphore, #tpu.memory_space<semaphore_mem>>) src(%dma_wait3A_65 : memref<128x80xi32, #tpu.memory_space<hbm>>) dst(%arg7 : memref<128x80xi32, #tpu.memory_space<vmem>>)
        tpu.yield
      }) : () -> ()
    } else {
    }
    %eq3A_31 = arith.constant 1 : i32
    %eq3A_32 = arith.cmpi eq, %arg0, %eq3A_31 : i32
    %convert_element_type3A_33 = arith.extui %eq3A_32 : i1 to i32
    %cond3A_34 = arith.constant 0 : i32
    %cond3A_35 = arith.cmpi ne, %convert_element_type3A_33, %cond3A_34 : i32
    scf.if %cond3A_35 {
      "tpu.region"() ({
        %run_scoped3A = tpu.sem_alloc : memref<!tpu.dma_semaphore, #tpu.memory_space<semaphore_mem>>
        %dma_start3A = arith.constant 0 : i32
        %dma_start3A_52 = arith.constant 0 : i32
        %dma_start3A_53 = tpu.memref_slice %arg3[%arg1, %dma_start3A, %dma_start3A_52] : memref<16x128x80xi32, #tpu.memory_space<hbm>> -> memref<1x128x80xi32, #tpu.memory_space<hbm>>
        %dma_start3A_54 = tpu.memref_squeeze %dma_start3A_53 : memref<1x128x80xi32, #tpu.memory_space<hbm>> -> memref<128x80xi32, #tpu.memory_space<hbm>>
        %dma_start3A_55 = arith.constant 0 : i32
        %dma_start3A_56 = arith.constant 0 : i32
        %dma_start3A_57 = tpu.memref_slice %arg3[%arg1, %dma_start3A_55, %dma_start3A_56] : memref<16x128x80xi32, #tpu.memory_space<hbm>> -> memref<1x128x80xi32, #tpu.memory_space<hbm>>
        %dma_start3A_58 = tpu.memref_squeeze %dma_start3A_57 : memref<1x128x80xi32, #tpu.memory_space<hbm>> -> memref<128x80xi32, #tpu.memory_space<hbm>>
        tpu.enqueue_dma source(%dma_start3A_58 : memref<128x80xi32, #tpu.memory_space<hbm>>) target(%arg7 : memref<128x80xi32, #tpu.memory_space<vmem>>) target_semaphore(%run_scoped3A : memref<!tpu.dma_semaphore, #tpu.memory_space<semaphore_mem>>)
        %dma_wait3A = arith.constant 0 : i32
        %dma_wait3A_59 = arith.constant 0 : i32
        %dma_wait3A_60 = tpu.memref_slice %arg3[%arg1, %dma_wait3A, %dma_wait3A_59] : memref<16x128x80xi32, #tpu.memory_space<hbm>> -> memref<1x128x80xi32, #tpu.memory_space<hbm>>
        %dma_wait3A_61 = tpu.memref_squeeze %dma_wait3A_60 : memref<1x128x80xi32, #tpu.memory_space<hbm>> -> memref<128x80xi32, #tpu.memory_space<hbm>>
        %dma_wait3A_62 = arith.constant 0 : i32
        %dma_wait3A_63 = arith.constant 0 : i32
        %dma_wait3A_64 = tpu.memref_slice %arg3[%arg1, %dma_wait3A_62, %dma_wait3A_63] : memref<16x128x80xi32, #tpu.memory_space<hbm>> -> memref<1x128x80xi32, #tpu.memory_space<hbm>>
        %dma_wait3A_65 = tpu.memref_squeeze %dma_wait3A_64 : memref<1x128x80xi32, #tpu.memory_space<hbm>> -> memref<128x80xi32, #tpu.memory_space<hbm>>
        tpu.wait_dma2 semaphore(%run_scoped3A : memref<!tpu.dma_semaphore, #tpu.memory_space<semaphore_mem>>) src(%dma_wait3A_65 : memref<128x80xi32, #tpu.memory_space<hbm>>) dst(%arg7 : memref<128x80xi32, #tpu.memory_space<vmem>>)
        tpu.yield
      }) : () -> ()
    } else {
    }
    %barrier3A = arith.constant 0 : index
    tpu.barrier barrier_id(%barrier3A)
    %scan3A = arith.constant 0 : i32
    %scan3A_36 = arith.constant 0 : i32
    %scan3A_37 = arith.constant 128 : i32
    %scan3A_38 = arith.addi %scan3A_36, %scan3A_37 : i32
    %scan3A_39 = arith.constant 1 : i32
    scf.for %scan3A_52 = %scan3A_36 to %scan3A_38 step %scan3A_39  : i32 {
      "tpu.region"() ({
        %run_scoped3A = tpu.sem_alloc : memref<!tpu.dma_semaphore, #tpu.memory_space<semaphore_mem>>
        %dma_start3A = arith.constant 0 : i32
        %dma_start3A_53 = tpu.memref_slice %arg7[%scan3A_52, %dma_start3A] : memref<128x80xi32, #tpu.memory_space<vmem>> -> memref<1x80xi32, #tpu.memory_space<vmem>>
        %dma_start3A_54 = tpu.memref_squeeze %dma_start3A_53 : memref<1x80xi32, #tpu.memory_space<vmem>> -> memref<80xi32, #tpu.memory_space<vmem>>
        %dma_start3A_55 = arith.constant 0 : i32
        %dma_start3A_56 = tpu.memref_slice %arg9[%dma_start3A_55] : memref<10240xf32, #tpu.memory_space<vmem_shared>> -> memref<10240xf32, #tpu.memory_space<vmem_shared>>
        tpu.enqueue_indirect_dma source(%arg8 : memref<80xf32, #tpu.memory_space<vmem>>) target(%dma_start3A_56 : memref<10240xf32, #tpu.memory_space<vmem_shared>>) offsets(%dma_start3A_54 : memref<80xi32, #tpu.memory_space<vmem>>) semaphore(%run_scoped3A : memref<!tpu.dma_semaphore, #tpu.memory_space<semaphore_mem>>) {add = true}
        %dma_wait3A = arith.constant 0 : i32
        %dma_wait3A_57 = tpu.memref_slice %arg7[%scan3A_52, %dma_wait3A] : memref<128x80xi32, #tpu.memory_space<vmem>> -> memref<1x80xi32, #tpu.memory_space<vmem>>
        %dma_wait3A_58 = tpu.memref_squeeze %dma_wait3A_57 : memref<1x80xi32, #tpu.memory_space<vmem>> -> memref<80xi32, #tpu.memory_space<vmem>>
        %dma_wait3A_59 = arith.constant 0 : i32
        %dma_wait3A_60 = tpu.memref_slice %arg9[%dma_wait3A_59] : memref<10240xf32, #tpu.memory_space<vmem_shared>> -> memref<10240xf32, #tpu.memory_space<vmem_shared>>
        tpu.wait_indirect_dma semaphore(%run_scoped3A : memref<!tpu.dma_semaphore, #tpu.memory_space<semaphore_mem>>) src(%arg8 : memref<80xf32, #tpu.memory_space<vmem>>) dst(%dma_wait3A_60 : memref<10240xf32, #tpu.memory_space<vmem_shared>>)
        tpu.yield
      }) : () -> ()
    }
    %scan3A_40 = arith.constant 128 : i32
    %barrier3A_41 = arith.constant 0 : index
    tpu.barrier barrier_id(%barrier3A_41)
    %eq3A_42 = arith.constant 0 : i32
    %eq3A_43 = arith.cmpi eq, %arg0, %eq3A_42 : i32
    %convert_element_type3A_44 = arith.extui %eq3A_43 : i1 to i32
    %cond3A_45 = arith.constant 0 : i32
    %cond3A_46 = arith.cmpi ne, %convert_element_type3A_44, %cond3A_45 : i32
    scf.if %cond3A_46 {
      %mul3A_52 = arith.constant 640 : i32
      %mul3A_53 = arith.muli %arg1, %mul3A_52 : i32
      %mul3A_54 = arith.constant 640 : i32
      %mul3A_55 = arith.muli %arg1, %mul3A_54 : i32
      "tpu.region"() ({
        %run_scoped3A = tpu.sem_alloc : memref<!tpu.dma_semaphore, #tpu.memory_space<semaphore_mem>>
        %dma_start3A = tpu.memref_slice %arg5[%mul3A_55] : memref<10240xf32, #tpu.memory_space<hbm>> -> memref<640xf32, #tpu.memory_space<hbm>>
        %dma_start3A_56 = tpu.memref_slice %arg9[%mul3A_53] : memref<10240xf32, #tpu.memory_space<vmem_shared>> -> memref<640xf32, #tpu.memory_space<vmem_shared>>
        tpu.enqueue_dma source(%dma_start3A_56 : memref<640xf32, #tpu.memory_space<vmem_shared>>) target(%dma_start3A : memref<640xf32, #tpu.memory_space<hbm>>) target_semaphore(%run_scoped3A : memref<!tpu.dma_semaphore, #tpu.memory_space<semaphore_mem>>)
        %dma_wait3A = tpu.memref_slice %arg5[%mul3A_55] : memref<10240xf32, #tpu.memory_space<hbm>> -> memref<640xf32, #tpu.memory_space<hbm>>
        %dma_wait3A_57 = tpu.memref_slice %arg9[%mul3A_53] : memref<10240xf32, #tpu.memory_space<vmem_shared>> -> memref<640xf32, #tpu.memory_space<vmem_shared>>
        tpu.wait_dma2 semaphore(%run_scoped3A : memref<!tpu.dma_semaphore, #tpu.memory_space<semaphore_mem>>) src(%dma_wait3A_57 : memref<640xf32, #tpu.memory_space<vmem_shared>>) dst(%dma_wait3A : memref<640xf32, #tpu.memory_space<hbm>>)
        tpu.yield
      }) : () -> ()
    } else {
    }
    %eq3A_47 = arith.constant 1 : i32
    %eq3A_48 = arith.cmpi eq, %arg0, %eq3A_47 : i32
    %convert_element_type3A_49 = arith.extui %eq3A_48 : i1 to i32
    %cond3A_50 = arith.constant 0 : i32
    %cond3A_51 = arith.cmpi ne, %convert_element_type3A_49, %cond3A_50 : i32
    scf.if %cond3A_51 {
      %mul3A_52 = arith.constant 640 : i32
      %mul3A_53 = arith.muli %arg1, %mul3A_52 : i32
      %mul3A_54 = arith.constant 640 : i32
      %mul3A_55 = arith.muli %arg1, %mul3A_54 : i32
      "tpu.region"() ({
        %run_scoped3A = tpu.sem_alloc : memref<!tpu.dma_semaphore, #tpu.memory_space<semaphore_mem>>
        %dma_start3A = tpu.memref_slice %arg6[%mul3A_55] : memref<10240xf32, #tpu.memory_space<hbm>> -> memref<640xf32, #tpu.memory_space<hbm>>
        %dma_start3A_56 = tpu.memref_slice %arg9[%mul3A_53] : memref<10240xf32, #tpu.memory_space<vmem_shared>> -> memref<640xf32, #tpu.memory_space<vmem_shared>>
        tpu.enqueue_dma source(%dma_start3A_56 : memref<640xf32, #tpu.memory_space<vmem_shared>>) target(%dma_start3A : memref<640xf32, #tpu.memory_space<hbm>>) target_semaphore(%run_scoped3A : memref<!tpu.dma_semaphore, #tpu.memory_space<semaphore_mem>>)
        %dma_wait3A = tpu.memref_slice %arg6[%mul3A_55] : memref<10240xf32, #tpu.memory_space<hbm>> -> memref<640xf32, #tpu.memory_space<hbm>>
        %dma_wait3A_57 = tpu.memref_slice %arg9[%mul3A_53] : memref<10240xf32, #tpu.memory_space<vmem_shared>> -> memref<640xf32, #tpu.memory_space<vmem_shared>>
        tpu.wait_dma2 semaphore(%run_scoped3A : memref<!tpu.dma_semaphore, #tpu.memory_space<semaphore_mem>>) src(%dma_wait3A_57 : memref<640xf32, #tpu.memory_space<vmem_shared>>) dst(%dma_wait3A : memref<640xf32, #tpu.memory_space<hbm>>)
        tpu.yield
      }) : () -> ()
    } else {
    }
    return
  }
}

module attributes {stable_mosaic.version = 14 : i64} {
  func.func @_mm_body(%arg0: i32, %arg1: memref<1000x256xf32, #tpu.memory_space<vmem>>, %arg2: memref<256x256xf32, #tpu.memory_space<vmem>>, %arg3: memref<256x256xf32, #tpu.memory_space<vmem>>, %arg4: memref<1000x1xf32, #tpu.memory_space<vmem>>, %arg5: memref<1000x1xf32, #tpu.memory_space<vmem>>, %arg6: memref<1000x128xf32, #tpu.memory_space<vmem>>, %arg7: memref<1000x128xf32, #tpu.memory_space<vmem>>, %arg8: memref<1000x128xf32, #tpu.memory_space<vmem>>, %arg9: memref<1000x128xf32, #tpu.memory_space<vmem>>) attributes {dimension_semantics = [#tpu.dimension_semantics<arbitrary>], iteration_bounds = array<i64: 10>, scalar_prefetch = 0 : i64, scratch_operands = 0 : i64, tpu.core_type = #tpu.core_type<tc>, window_params = [{transform_indices = @transform_0, window_bounds = array<i64: 1000, 256>}, {pipeline_mode = #tpu.pipeline_mode<synchronous>, transform_indices = @transform_1, window_bounds = array<i64: 256, 256>}, {pipeline_mode = #tpu.pipeline_mode<synchronous>, transform_indices = @transform_2, window_bounds = array<i64: 256, 256>}, {transform_indices = @transform_3, window_bounds = array<i64: 1000, 1>}, {transform_indices = @transform_4, window_bounds = array<i64: 1000, 1>}, {transform_indices = @transform_5, window_bounds = array<i64: 1000, 128>}, {transform_indices = @transform_6, window_bounds = array<i64: 1000, 128>}, {transform_indices = @transform_7, window_bounds = array<i64: 1000, 128>}, {transform_indices = @transform_8, window_bounds = array<i64: 1000, 128>}]} {
    %get3A = arith.constant 0 : index
    %get3A_0 = arith.constant 0 : index
    %get3A_1 = vector.load %arg1[%get3A, %get3A_0] : memref<1000x256xf32, #tpu.memory_space<vmem>>, vector<1000x256xf32>
    %get3A_2 = arith.constant 0 : index
    %get3A_3 = arith.constant 0 : index
    %get3A_4 = vector.load %arg4[%get3A_2, %get3A_3] : memref<1000x1xf32, #tpu.memory_space<vmem>>, vector<1000x1xf32>
    %get3A_5 = arith.constant 0 : index
    %get3A_6 = arith.constant 0 : index
    %get3A_7 = vector.load %arg5[%get3A_5, %get3A_6] : memref<1000x1xf32, #tpu.memory_space<vmem>>, vector<1000x1xf32>
    %gt3A = arith.constant 0.000000e+00 : f32
    %gt3A_8 = vector.broadcast %gt3A : f32 to vector<1000x1xf32>
    %gt3A_9 = arith.cmpf ogt, %get3A_4, %gt3A_8 : vector<1000x1xf32>
    %rsqrt3A = math.rsqrt %get3A_4 : vector<1000x1xf32>
    %jit3A = arith.constant 0.000000e+00 : f32
    %broadcast_in_dim3A = vector.broadcast %jit3A : f32 to vector<1000x1xf32>
    %select_n3A = arith.select %gt3A_9, %rsqrt3A, %broadcast_in_dim3A : vector<1000x1xi1>, vector<1000x1xf32>
    %gt3A_10 = arith.constant 0.000000e+00 : f32
    %gt3A_11 = vector.broadcast %gt3A_10 : f32 to vector<1000x1xf32>
    %gt3A_12 = arith.cmpf ogt, %get3A_7, %gt3A_11 : vector<1000x1xf32>
    %rsqrt3A_13 = math.rsqrt %get3A_7 : vector<1000x1xf32>
    %jit3A_14 = arith.constant 0.000000e+00 : f32
    %broadcast_in_dim3A_15 = vector.broadcast %jit3A_14 : f32 to vector<1000x1xf32>
    %select_n3A_16 = arith.select %gt3A_12, %rsqrt3A_13, %broadcast_in_dim3A_15 : vector<1000x1xi1>, vector<1000x1xf32>
    %mul3A = arith.constant 5.000000e-01 : f32
    %mul3A_17 = vector.broadcast %mul3A : f32 to vector<1000x1xf32>
    %mul3A_18 = arith.mulf %mul3A_17, %select_n3A_16 : vector<1000x1xf32>
    %get3A_19 = arith.constant 0 : index
    %get3A_20 = arith.constant 0 : index
    %get3A_21 = vector.load %arg2[%get3A_19, %get3A_20] : memref<256x256xf32, #tpu.memory_space<vmem>>, vector<256x256xf32>
    %dot_general3A = arith.constant dense<0.000000e+00> : vector<1000x256xf32>
    %dot_general3A_22 = tpu.matmul %get3A_1, %get3A_21, %dot_general3A {dimension_numbers = #tpu.dot_dimension_numbers<[1], [1], [0], [0], [0, 0, 1, 0], [], []>, transpose_lhs_hint = false} : vector<1000x256xf32>, vector<256x256xf32>, vector<1000x256xf32> -> vector<1000x256xf32>
    %mul3A_23 = vector.broadcast %mul3A_18 : vector<1000x1xf32> to vector<1000x256xf32>
    %mul3A_24 = arith.mulf %mul3A_23, %dot_general3A_22 : vector<1000x256xf32>
    %mul3A_25 = arith.constant 5.000000e-01 : f32
    %mul3A_26 = vector.broadcast %mul3A_25 : f32 to vector<1000x1xf32>
    %mul3A_27 = arith.mulf %mul3A_26, %select_n3A : vector<1000x1xf32>
    %get3A_28 = arith.constant 0 : index
    %get3A_29 = arith.constant 0 : index
    %get3A_30 = vector.load %arg3[%get3A_28, %get3A_29] : memref<256x256xf32, #tpu.memory_space<vmem>>, vector<256x256xf32>
    %dot_general3A_31 = arith.constant dense<0.000000e+00> : vector<1000x256xf32>
    %dot_general3A_32 = tpu.matmul %get3A_1, %get3A_30, %dot_general3A_31 {dimension_numbers = #tpu.dot_dimension_numbers<[1], [1], [0], [0], [0, 0, 1, 0], [], []>, transpose_lhs_hint = false} : vector<1000x256xf32>, vector<256x256xf32>, vector<1000x256xf32> -> vector<1000x256xf32>
    %mul3A_33 = vector.broadcast %mul3A_27 : vector<1000x1xf32> to vector<1000x256xf32>
    %mul3A_34 = arith.mulf %mul3A_33, %dot_general3A_32 : vector<1000x256xf32>
    %slice3A = vector.extract_strided_slice %mul3A_24 {offsets = [0, 0], sizes = [1000, 128], strides = [1, 1]} : vector<1000x256xf32> to vector<1000x128xf32>
    %swap3A = arith.constant 0 : index
    %swap3A_35 = arith.constant 0 : index
    %swap3A_36 = vector.load %arg6[%swap3A, %swap3A_35] : memref<1000x128xf32, #tpu.memory_space<vmem>>, vector<1000x128xf32>
    tpu.vector_store %arg6[%swap3A, %swap3A_35], %slice3A {strides = array<i32>} : memref<1000x128xf32, #tpu.memory_space<vmem>>, vector<1000x128xf32>,
    %slice3A_37 = vector.extract_strided_slice %mul3A_24 {offsets = [0, 128], sizes = [1000, 128], strides = [1, 1]} : vector<1000x256xf32> to vector<1000x128xf32>
    %swap3A_38 = arith.constant 0 : index
    %swap3A_39 = arith.constant 0 : index
    %swap3A_40 = vector.load %arg7[%swap3A_38, %swap3A_39] : memref<1000x128xf32, #tpu.memory_space<vmem>>, vector<1000x128xf32>
    tpu.vector_store %arg7[%swap3A_38, %swap3A_39], %slice3A_37 {strides = array<i32>} : memref<1000x128xf32, #tpu.memory_space<vmem>>, vector<1000x128xf32>,
    %slice3A_41 = vector.extract_strided_slice %mul3A_34 {offsets = [0, 0], sizes = [1000, 128], strides = [1, 1]} : vector<1000x256xf32> to vector<1000x128xf32>
    %swap3A_42 = arith.constant 0 : index
    %swap3A_43 = arith.constant 0 : index
    %swap3A_44 = vector.load %arg8[%swap3A_42, %swap3A_43] : memref<1000x128xf32, #tpu.memory_space<vmem>>, vector<1000x128xf32>
    tpu.vector_store %arg8[%swap3A_42, %swap3A_43], %slice3A_41 {strides = array<i32>} : memref<1000x128xf32, #tpu.memory_space<vmem>>, vector<1000x128xf32>,
    %slice3A_45 = vector.extract_strided_slice %mul3A_34 {offsets = [0, 128], sizes = [1000, 128], strides = [1, 1]} : vector<1000x256xf32> to vector<1000x128xf32>
    %swap3A_46 = arith.constant 0 : index
    %swap3A_47 = arith.constant 0 : index
    %swap3A_48 = vector.load %arg9[%swap3A_46, %swap3A_47] : memref<1000x128xf32, #tpu.memory_space<vmem>>, vector<1000x128xf32>
    tpu.vector_store %arg9[%swap3A_46, %swap3A_47], %slice3A_45 {strides = array<i32>} : memref<1000x128xf32, #tpu.memory_space<vmem>>, vector<1000x128xf32>,
    return
  }
  func.func @transform_0(%arg0: i32) -> (i32, i32) {
    %c0_i32 = arith.constant 0 : i32
    %c0_i32_0 = arith.constant 0 : i32
    return %arg0, %c0_i32 : i32, i32
  }
  func.func @transform_1(%arg0: i32) -> (i32, i32) {
    %c0_i32 = arith.constant 0 : i32
    %c0_i32_0 = arith.constant 0 : i32
    %c0_i32_1 = arith.constant 0 : i32
    return %c0_i32, %c0_i32_0 : i32, i32
  }
  func.func @transform_2(%arg0: i32) -> (i32, i32) {
    %c0_i32 = arith.constant 0 : i32
    %c0_i32_0 = arith.constant 0 : i32
    %c0_i32_1 = arith.constant 0 : i32
    return %c0_i32, %c0_i32_0 : i32, i32
  }
  func.func @transform_3(%arg0: i32) -> (i32, i32) {
    %c0_i32 = arith.constant 0 : i32
    %c0_i32_0 = arith.constant 0 : i32
    return %arg0, %c0_i32 : i32, i32
  }
  func.func @transform_4(%arg0: i32) -> (i32, i32) {
    %c0_i32 = arith.constant 0 : i32
    %c0_i32_0 = arith.constant 0 : i32
    return %arg0, %c0_i32 : i32, i32
  }
  func.func @transform_5(%arg0: i32) -> (i32, i32) {
    %c0_i32 = arith.constant 0 : i32
    %c0_i32_0 = arith.constant 0 : i32
    return %arg0, %c0_i32 : i32, i32
  }
  func.func @transform_6(%arg0: i32) -> (i32, i32) {
    %c0_i32 = arith.constant 0 : i32
    %c0_i32_0 = arith.constant 0 : i32
    return %arg0, %c0_i32 : i32, i32
  }
  func.func @transform_7(%arg0: i32) -> (i32, i32) {
    %c0_i32 = arith.constant 0 : i32
    %c0_i32_0 = arith.constant 0 : i32
    return %arg0, %c0_i32 : i32, i32
  }
  func.func @transform_8(%arg0: i32) -> (i32, i32) {
    %c0_i32 = arith.constant 0 : i32
    %c0_i32_0 = arith.constant 0 : i32
    return %arg0, %c0_i32 : i32, i32
  }
}

module attributes {stable_mosaic.version = 14 : i64} {
  func.func @_out_body(%arg0: i32, %arg1: memref<1000x128xf32, #tpu.memory_space<vmem>>, %arg2: memref<1000x128xf32, #tpu.memory_space<vmem>>, %arg3: memref<1000x128xf32, #tpu.memory_space<vmem>>, %arg4: memref<1000x128xf32, #tpu.memory_space<vmem>>, %arg5: memref<1000x1xf32, #tpu.memory_space<vmem>>, %arg6: memref<1000x1xf32, #tpu.memory_space<vmem>>, %arg7: memref<1x256xf32, #tpu.memory_space<vmem>>, %arg8: memref<1x256xf32, #tpu.memory_space<vmem>>, %arg9: memref<1000x256xf32, #tpu.memory_space<vmem>>) attributes {dimension_semantics = [#tpu.dimension_semantics<arbitrary>], iteration_bounds = array<i64: 10>, scalar_prefetch = 0 : i64, scratch_operands = 0 : i64, tpu.core_type = #tpu.core_type<tc>, window_params = [{transform_indices = @transform_0, window_bounds = array<i64: 1000, 128>}, {transform_indices = @transform_1, window_bounds = array<i64: 1000, 128>}, {transform_indices = @transform_2, window_bounds = array<i64: 1000, 128>}, {transform_indices = @transform_3, window_bounds = array<i64: 1000, 128>}, {transform_indices = @transform_4, window_bounds = array<i64: 1000, 1>}, {transform_indices = @transform_5, window_bounds = array<i64: 1000, 1>}, {pipeline_mode = #tpu.pipeline_mode<synchronous>, transform_indices = @transform_6, window_bounds = array<i64: 1, 256>}, {pipeline_mode = #tpu.pipeline_mode<synchronous>, transform_indices = @transform_7, window_bounds = array<i64: 1, 256>}, {transform_indices = @transform_8, window_bounds = array<i64: 1000, 256>}]} {
    %get3A = arith.constant 0 : index
    %get3A_0 = arith.constant 0 : index
    %get3A_1 = vector.load %arg5[%get3A, %get3A_0] : memref<1000x1xf32, #tpu.memory_space<vmem>>, vector<1000x1xf32>
    %get3A_2 = arith.constant 0 : index
    %get3A_3 = arith.constant 0 : index
    %get3A_4 = vector.load %arg6[%get3A_2, %get3A_3] : memref<1000x1xf32, #tpu.memory_space<vmem>>, vector<1000x1xf32>
    %gt3A = arith.constant 0.000000e+00 : f32
    %gt3A_5 = vector.broadcast %gt3A : f32 to vector<1000x1xf32>
    %gt3A_6 = arith.cmpf ogt, %get3A_1, %gt3A_5 : vector<1000x1xf32>
    %rsqrt3A = math.rsqrt %get3A_1 : vector<1000x1xf32>
    %jit3A = arith.constant 0.000000e+00 : f32
    %broadcast_in_dim3A = vector.broadcast %jit3A : f32 to vector<1000x1xf32>
    %select_n3A = arith.select %gt3A_6, %rsqrt3A, %broadcast_in_dim3A : vector<1000x1xi1>, vector<1000x1xf32>
    %gt3A_7 = arith.constant 0.000000e+00 : f32
    %gt3A_8 = vector.broadcast %gt3A_7 : f32 to vector<1000x1xf32>
    %gt3A_9 = arith.cmpf ogt, %get3A_4, %gt3A_8 : vector<1000x1xf32>
    %rsqrt3A_10 = math.rsqrt %get3A_4 : vector<1000x1xf32>
    %jit3A_11 = arith.constant 0.000000e+00 : f32
    %broadcast_in_dim3A_12 = vector.broadcast %jit3A_11 : f32 to vector<1000x1xf32>
    %select_n3A_13 = arith.select %gt3A_9, %rsqrt3A_10, %broadcast_in_dim3A_12 : vector<1000x1xi1>, vector<1000x1xf32>
    %get3A_14 = arith.constant 0 : index
    %get3A_15 = arith.constant 0 : index
    %get3A_16 = vector.load %arg7[%get3A_14, %get3A_15] : memref<1x256xf32, #tpu.memory_space<vmem>>, vector<1x256xf32>
    %mul3A = arith.constant 5.000000e-01 : f32
    %mul3A_17 = vector.broadcast %mul3A : f32 to vector<1x256xf32>
    %mul3A_18 = arith.mulf %mul3A_17, %get3A_16 : vector<1x256xf32>
    %get3A_19 = arith.constant 0 : index
    %get3A_20 = arith.constant 0 : index
    %get3A_21 = vector.load %arg8[%get3A_19, %get3A_20] : memref<1x256xf32, #tpu.memory_space<vmem>>, vector<1x256xf32>
    %mul3A_22 = arith.constant 5.000000e-01 : f32
    %mul3A_23 = vector.broadcast %mul3A_22 : f32 to vector<1x256xf32>
    %mul3A_24 = arith.mulf %mul3A_23, %get3A_21 : vector<1x256xf32>
    %add3A = arith.addf %mul3A_18, %mul3A_24 : vector<1x256xf32>
    %get3A_25 = arith.constant 0 : index
    %get3A_26 = arith.constant 0 : index
    %get3A_27 = vector.load %arg1[%get3A_25, %get3A_26] : memref<1000x128xf32, #tpu.memory_space<vmem>>, vector<1000x128xf32>
    %mul3A_28 = vector.broadcast %select_n3A : vector<1000x1xf32> to vector<1000x128xf32>
    %mul3A_29 = arith.mulf %mul3A_28, %get3A_27 : vector<1000x128xf32>
    %get3A_30 = arith.constant 0 : index
    %get3A_31 = arith.constant 0 : index
    %get3A_32 = vector.load %arg3[%get3A_30, %get3A_31] : memref<1000x128xf32, #tpu.memory_space<vmem>>, vector<1000x128xf32>
    %mul3A_33 = vector.broadcast %select_n3A_13 : vector<1000x1xf32> to vector<1000x128xf32>
    %mul3A_34 = arith.mulf %mul3A_33, %get3A_32 : vector<1000x128xf32>
    %add3A_35 = arith.addf %mul3A_29, %mul3A_34 : vector<1000x128xf32>
    %slice3A = vector.extract_strided_slice %add3A {offsets = [0, 0], sizes = [1, 128], strides = [1, 1]} : vector<1x256xf32> to vector<1x128xf32>
    %add3A_36 = vector.broadcast %slice3A : vector<1x128xf32> to vector<1000x128xf32>
    %add3A_37 = arith.addf %add3A_35, %add3A_36 : vector<1000x128xf32>
    %swap3A = arith.constant 0 : index
    %swap3A_38 = arith.constant 0 : index
    %swap3A_39 = vector.load %arg9[%swap3A, %swap3A_38] : memref<1000x256xf32, #tpu.memory_space<vmem>>, vector<1000x128xf32>
    tpu.vector_store %arg9[%swap3A, %swap3A_38], %add3A_37 {strides = array<i32>} : memref<1000x256xf32, #tpu.memory_space<vmem>>, vector<1000x128xf32>,
    %get3A_40 = arith.constant 0 : index
    %get3A_41 = arith.constant 0 : index
    %get3A_42 = vector.load %arg2[%get3A_40, %get3A_41] : memref<1000x128xf32, #tpu.memory_space<vmem>>, vector<1000x128xf32>
    %mul3A_43 = vector.broadcast %select_n3A : vector<1000x1xf32> to vector<1000x128xf32>
    %mul3A_44 = arith.mulf %mul3A_43, %get3A_42 : vector<1000x128xf32>
    %get3A_45 = arith.constant 0 : index
    %get3A_46 = arith.constant 0 : index
    %get3A_47 = vector.load %arg4[%get3A_45, %get3A_46] : memref<1000x128xf32, #tpu.memory_space<vmem>>, vector<1000x128xf32>
    %mul3A_48 = vector.broadcast %select_n3A_13 : vector<1000x1xf32> to vector<1000x128xf32>
    %mul3A_49 = arith.mulf %mul3A_48, %get3A_47 : vector<1000x128xf32>
    %add3A_50 = arith.addf %mul3A_44, %mul3A_49 : vector<1000x128xf32>
    %slice3A_51 = vector.extract_strided_slice %add3A {offsets = [0, 128], sizes = [1, 128], strides = [1, 1]} : vector<1x256xf32> to vector<1x128xf32>
    %add3A_52 = vector.broadcast %slice3A_51 : vector<1x128xf32> to vector<1000x128xf32>
    %add3A_53 = arith.addf %add3A_50, %add3A_52 : vector<1000x128xf32>
    %swap3A_54 = arith.constant 0 : index
    %swap3A_55 = arith.constant 128 : index
    %swap3A_56 = vector.load %arg9[%swap3A_54, %swap3A_55] : memref<1000x256xf32, #tpu.memory_space<vmem>>, vector<1000x128xf32>
    tpu.vector_store %arg9[%swap3A_54, %swap3A_55], %add3A_53 {strides = array<i32>} : memref<1000x256xf32, #tpu.memory_space<vmem>>, vector<1000x128xf32>,
    return
  }
  func.func @transform_0(%arg0: i32) -> (i32, i32) {
    %c0_i32 = arith.constant 0 : i32
    %c0_i32_0 = arith.constant 0 : i32
    return %arg0, %c0_i32 : i32, i32
  }
  func.func @transform_1(%arg0: i32) -> (i32, i32) {
    %c0_i32 = arith.constant 0 : i32
    %c0_i32_0 = arith.constant 0 : i32
    return %arg0, %c0_i32 : i32, i32
  }
  func.func @transform_2(%arg0: i32) -> (i32, i32) {
    %c0_i32 = arith.constant 0 : i32
    %c0_i32_0 = arith.constant 0 : i32
    return %arg0, %c0_i32 : i32, i32
  }
  func.func @transform_3(%arg0: i32) -> (i32, i32) {
    %c0_i32 = arith.constant 0 : i32
    %c0_i32_0 = arith.constant 0 : i32
    return %arg0, %c0_i32 : i32, i32
  }
  func.func @transform_4(%arg0: i32) -> (i32, i32) {
    %c0_i32 = arith.constant 0 : i32
    %c0_i32_0 = arith.constant 0 : i32
    return %arg0, %c0_i32 : i32, i32
  }
  func.func @transform_5(%arg0: i32) -> (i32, i32) {
    %c0_i32 = arith.constant 0 : i32
    %c0_i32_0 = arith.constant 0 : i32
    return %arg0, %c0_i32 : i32, i32
  }
  func.func @transform_6(%arg0: i32) -> (i32, i32) {
    %c0_i32 = arith.constant 0 : i32
    %c0_i32_0 = arith.constant 0 : i32
    %c0_i32_1 = arith.constant 0 : i32
    return %c0_i32, %c0_i32_0 : i32, i32
  }
  func.func @transform_7(%arg0: i32) -> (i32, i32) {
    %c0_i32 = arith.constant 0 : i32
    %c0_i32_0 = arith.constant 0 : i32
    %c0_i32_1 = arith.constant 0 : i32
    return %c0_i32, %c0_i32_0 : i32, i32
  }
  func.func @transform_8(%arg0: i32) -> (i32, i32) {
    %c0_i32 = arith.constant 0 : i32
    %c0_i32_0 = arith.constant 0 : i32
    return %arg0, %c0_i32 : i32, i32
  }
}

</mosaic_0001>

<sc_bundles>
// kernel: kernel.6.cloned.1.call-start
scs
__scs_entry_jumppad:
0x0: {  	(pc) =	sbr.rel $0x88, $3  }
0x1: {  	(tag) =	ssettag $0x0;
	lr =	simm.s32 $0x1  }
0x2: {  	[smem:$0x3F9B] =	sst lr;
	_ =	strace $0xD0000000  }
0x3: {  	_ = 	snop  }
0x4: {  	_ = 	snop  }
0x5: {  	_ = 	snop  }
0x6: {  	_ = 	snop  }
0x7: {  	_ = 	snop  }
__scs_overlays_trampoline_lowered:
0x8: {  	[smem:$0x3FAA] =	sst s0  }
0x9: {  	[smem:$0x3FAB] =	sst s1  }
0xa: {  	[smem:$0x3FAC] =	sst s2  }
0xb: {  	[smem:$0x3FAD] =	sst s3  }
0xc: {  	[smem:$0x3FAE] =	sst s4  }
0xd: {  	[smem:$0x3FAF] =	sst s5  }
0xe: {  	[smem:$0x3FB0] =	sst s6  }
0xf: {  	[smem:$0x3FB1] =	sst s7  }
0x10: {  	[smem:$0x3FB2] =	sst s8  }
0x11: {  	[smem:$0x3FB3] =	sst s9;
	s0 =	simm.s32 @!p0 $0x0  }
0x12: {  	s1 =	sld [smem:$0x3F99];
	s0 =	simm.s32 @p0 $0x1  }
0x13: {  	[smem:$0x3FB4] =	sst s0;
	s0 =	simm.s32 @!p1 $0x0  }
0x14: {  	s2 =	sld [smem:$0x3F98];
	s0 =	simm.s32 @p1 $0x1  }
0x15: {  	[smem:$0x3FB5] =	sst s0;
	s0 =	simm.s32 @!p2 $0x0  }
0x16: {  	s3 =	sld [smem:$0x3FDB];
	s0 =	simm.s32 @p2 $0x1  }
0x17: {  	s4 =	simm.s32 $0x1BF5;
	[smem:$0x3FB7] =	sst s0  }
0x18: {  	s0 =	sld [smem:$0x3F9A];
	_ =	swait.ge [sflag:s4], $0x0  }
0x19: {  	s7 =	sld [smem:$0x3F9B]  }
0x1a: {  	s8 =	sadd.s32 $0xFFFFE003, lr  }
0x1b: {  	s9 =	sadd.s32 $0xFFFFFEF7, lr;
	s5 =	simm.s32 $0xFFFFFFFF;
	p2 =	slt.u32 s8, $0xFFFFF086  }
0x1c: {  	p1 =	slt.u32 s9, $0xF7A;
	s5 =	simm.s32 @!p2 $0x0  }
0x1d: {  	s5 =	simm.s32 @p1 $0x1;
	p0 =	seq.s32 s7, s2  }
0x1e: {  	s7 =	smul.u32 @!p0 $0xF7A, s2;
	p2 =	seq.s32 @!p0 s5, $0x0  }
0x1f: {  	s9 =	smul.u32 $0xF7A, s1;
	s8 =	simm.s32 @!p0 $0x1BF5;
	p2 =	por !p2, p0  }
0x20: {  	[sflag:s8] =	ssyncset.s32 @!p0 $0xFFFFF086;
	s6 =	sadd.s32 @!p0 s3, s7;
	s7 =	simm.s32 @!p0 $0x108  }
0x21: {  	s3 =	sadd.s32 s3, s9;
	s6 =	sadd.s32 @!p0 $0x88, s6;
	s7 =	simm.s32 @p2 $0x1082  }
0x22: {  	[simem:s7], [sflag:s8] =	dma.local @!p0 [hbm:s6], $0xF7A  }
0x23: {  	s9 =	sor.u32 $0xD0000000, s2;
	s6 =	simm.s32 $0x108;
	_ =	swait.ge @!p0 [sflag:s8], $0x0  }
0x24: {  	s3 =	sadd.s32 $0x88, s3;
	s6 =	simm.s32 @!p1 $0x1082;
	[sflag:s4] =	ssyncset.s32 $0xFFFFF086  }
0x25: {  	[simem:s6], [sflag:s4] =	dma.local [hbm:s3], $0xF7A  }
0x26: {  	[smem:$0x3F9B] =	sst s1;
	(tag) =	ssettag s2;
	_ =	strace s9  }
0x27: {  	s1 =	sld [smem:$0x3FAB]  }
0x28: {  	s2 =	sld [smem:$0x3FAC]  }
0x29: {  	s4 =	sld [smem:$0x3FAE]  }
0x2a: {  	p0 =	seq.s32 s5, $0x0;
	s5 =	sld [smem:$0x3FAF]  }
0x2b: {  	s6 =	sld [smem:$0x3FB0]  }
0x2c: {  	s7 =	sld [smem:$0x3FB1]  }
0x2d: {  	s3 =	simm.s32 $0x108;
	s8 =	sld [smem:$0x3FB2]  }
0x2e: {  	s3 =	simm.s32 @!p0 $0x1082;
	s9 =	sld [smem:$0x3FB3]  }
0x2f: {  	lr =	sadd.s32 s0, s3;
	s0 =	sld [smem:$0x3FAA]  }
0x30: {  	s3 =	sld [smem:$0x3FAD]  }
0x31: {  	[smem:$0x3FB6] =	sst s10  }
0x32: {  	s10 =	sld [smem:$0x3FB4];
	_ =	sdelay $0x3  }
0x33: {  	p0 =	seq.s32 s10, $0x1;
	s10 =	sld [smem:$0x3FB6];
	_ =	sdelay $0x3  }
0x34: {  	[smem:$0x3FB6] =	sst s10  }
0x35: {  	s10 =	sld [smem:$0x3FB5];
	_ =	sdelay $0x3  }
0x36: {  	p1 =	seq.s32 s10, $0x1;
	s10 =	sld [smem:$0x3FB6];
	_ =	sdelay $0x3  }
0x37: {  	[smem:$0x3FB6] =	sst s10  }
0x38: {  	s10 =	sld [smem:$0x3FB7]  }
0x39: {  	_ = 	snop;
	(pc) =	sbr.ind lr, $3  }
0x3a: {  	_ = 	snop  }
0x3b: {  	_ = 	snop  }
0x3c: {  	p2 =	seq.s32 s10, $0x1;
	s10 =	sld [smem:$0x3FB6]  }
0x3d: {  	_ =	shalt  }
0x3e: {  	_ =	shalt  }
0x3f: {  	_ =	shalt  }
0x40: {  	_ =	shalt  }
0x41: {  	_ =	shalt  }
0x42: {  	_ =	shalt  }
0x43: {  	_ =	shalt  }
0x44: {  	_ =	shalt  }
0x45: {  	_ =	shalt  }
0x46: {  	_ =	shalt  }
0x47: {  	_ =	shalt  }
0x48: {  	_ =	shalt  }
0x49: {  	_ =	shalt  }
0x4a: {  	_ =	shalt  }
0x4b: {  	_ =	shalt  }
0x4c: {  	_ =	shalt  }
0x4d: {  	_ =	shalt  }
0x4e: {  	_ =	shalt  }
0x4f: {  	_ =	shalt  }
0x50: {  	_ =	shalt  }
0x51: {  	_ =	shalt  }
0x52: {  	_ =	shalt  }
0x53: {  	_ =	shalt  }
0x54: {  	_ =	shalt  }
0x55: {  	_ =	shalt  }
0x56: {  	_ =	shalt  }
0x57: {  	_ =	shalt  }
0x58: {  	_ =	shalt  }
0x59: {  	_ =	shalt  }
0x5a: {  	_ =	shalt  }
0x5b: {  	_ =	shalt  }
0x5c: {  	_ =	shalt  }
0x5d: {  	_ =	shalt  }
0x5e: {  	_ =	shalt  }
0x5f: {  	_ =	shalt  }
0x60: {  	_ =	shalt  }
0x61: {  	_ =	shalt  }
0x62: {  	_ =	shalt  }
0x63: {  	_ =	shalt  }
0x64: {  	_ =	shalt  }
0x65: {  	_ =	shalt  }
0x66: {  	_ =	shalt  }
0x67: {  	_ =	shalt  }
0x68: {  	_ =	shalt  }
0x69: {  	_ =	shalt  }
0x6a: {  	_ =	shalt  }
0x6b: {  	_ =	shalt  }
0x6c: {  	_ =	shalt  }
0x6d: {  	_ =	shalt  }
0x6e: {  	_ =	shalt  }
0x6f: {  	_ =	shalt  }
0x70: {  	_ =	shalt  }
0x71: {  	_ =	shalt  }
0x72: {  	_ =	shalt  }
0x73: {  	_ =	shalt  }
0x74: {  	_ =	shalt  }
0x75: {  	_ =	shalt  }
0x76: {  	_ =	shalt  }
0x77: {  	_ =	shalt  }
0x78: {  	_ =	shalt  }
0x79: {  	_ =	shalt  }
0x7a: {  	_ =	shalt  }
0x7b: {  	_ =	shalt  }
0x7c: {  	_ =	shalt  }
0x7d: {  	_ =	shalt  }
0x7e: {  	_ =	shalt  }
0x7f: {  	_ =	shalt  }
0x80: {  	_ =	shalt  }
0x81: {  	_ =	shalt  }
0x82: {  	_ =	shalt  }
0x83: {  	_ =	shalt  }
0x84: {  	_ =	shalt  }
0x85: {  	_ =	shalt  }
0x86: {  	_ =	shalt  }
0x87: {  	_ =	shalt  }
.Lfunc_end0:
.L_simem_size_0:
called_computation_lowered:
.L_overlay_start_0:
0x88: {  	s2 =	sld [smem:$0x3FD9]  }
0x89: {  	s3 =	sld [smem:$0x3FFE];
	_ =	sdelay $0x1  }
0x8a: {  	s1 =	srdreg.scid  }
0x8b: {  	s0 =	sand.u32 $0x1, s1  }
0x8c: {  	s17 =	sshll.u32 s0, $0xA;
	s2 =	sadd.s32 s3, s2  }
0x8d: {  	s2 =	sadd.s32 s2, s17  }
0x8e: {  	[smem:$0x3FC2] =	sst s2  }
0x8f: {  	_ = 	snop  }
0x90: {  	s2 =	sld [smem:$0x3FD0];
	(tm) =	ssettm $0x1  }
0x91: {  	s18 =	sld [smem:$0x3FFB];
	_ =	sdelay $0x3  }
0x92: {  	_ =	strace s18  }
0x93: {  	s3 =	sld [smem:$0x3FFC];
	_ =	sdelay $0x3  }
0x94: {  	_ =	strace s3  }
0x95: {  	s3 =	sld [smem:$0x3FFD];
	_ =	sdelay $0x3  }
0x96: {  	_ =	strace s3  }
0x97: {  	_ =	strace $0x8FFFFFFF  }
0x98: {  	s19 =	sld [smem:$0x3FDB];
	_ =	sdelay $0x1  }
0x99: {  	s4 =	simm.s32 $_scs_section_size  }
0x9a: {  	s5 =	simm.s32 $_size__tile_overlayer_lowered;
	s6 =	simm.s32 $_tile_overlayer_lowered  }
0x9b: {  	s22 =	simm.s32 $0x1BFF;
	s21 =	sshll.u32 s6, $0x1;
	s3 =	sadd.s32 s4, s19  }
0x9c: {  	s7 =	simm.s32 $0x0;
	s20 =	sshll.u32 s5, $0x1;
	s5 =	sadd.s32 s21, s3  }
0x9d: {  	[timem:s7], [sflag:s22] =	dma.local [hbm:s5], s20  }
0x9e: {  	_ =	swait.ge [sflag:s22], s20  }
0x9f: {  	s4 =	ssub.s32 $0x0, s20;
	[sflag:s22] =	ssyncset.done $0x0  }
0xa0: {  	[sflag:s22] =	ssyncadd.s32 s4;
	_ =	sdelay $0x1  }
0xa1: {  	s23 =	simm.s32 $0x1B8B  }
0xa2: {  	_ =	swait.ge [sflag:s23], $0x1  }
0xa3: {  	[sflag:s23] =	ssyncset.done $0x0  }
0xa4: {  	s25 =	simm.s32 $0x1B8E;
	s24 =	sld [smem:$0x3FFE];
	[sflag:s23] =	ssyncadd.s32 $0xFFFFFFFF  }
0xa5: {  	s26 =	simm.s32 $execute0_lowered;
	[smem:$0x3FD2] =	sst s25  }
0xa6: {  	s5 =	sshll.u32 s26, $0x1;
	_ =	strace $0x80000046;
	[dreg:$0x1] =	wrdreg $0xFFFFFFFF  }
0xa7: {  	s28 =	simm.s32 $_size_execute0_lowered;
	s3 =	sadd.s32 s3, s5;
	[dreg:$0x0] =	wrdreg $0x0  }
0xa8: {  	s5 =	sshll.u32 s28, $0x1;
	[dreg:$0x2] =	wrdreg s3  }
0xa9: {  	[dreg:$0x3] =	wrdreg s5  }
0xaa: {  	[dreg:$0x4] =	wrdreg $0xC0  }
0xab: {  	_ =	task [dreg:s7], $0x5FFFF  }
0xac: {  	[dreg:$0x1] =	wrdreg $0xFFFFFFFF  }
0xad: {  	[dreg:$0x0] =	wrdreg $0x60  }
0xae: {  	[dreg:$0x2] =	wrdreg s2  }
0xaf: {  	[dreg:$0x3] =	wrdreg s24  }
0xb0: {  	[dreg:$0x4] =	wrdreg $0x40800  }
0xb1: {  	[dreg:$0x5] =	wrdreg $0x9  }
0xb2: {  	_ =	task.clear_ibuf [dreg:s7], $0x6FFFF;
	_ =	strace $0x90000046  }
0xb3: {  	s29 =	simm.s32 $0x9;
	_ =	strace $0x80000048  }
0xb4: {  	_ =	swait.ge [sflag:s29], $0x1  }
0xb5: {  	[sflag:s29] =	ssyncadd.s32 $0xFFFFFFFF  }
0xb6: {  	_ =	strace $0x90000048  }
0xb7: {  	_ =	sfence  }
0xb8: {  	s30 =	sld [smem:$0x0];
	_ =	sdelay $0x2  }
0xb9: {  	s31 =	sshll.u32 s1, $0xD;
	s1 =	sshrl.u32 s1, $0x2  }
0xba: {  	s3 =	sand.u32 $0x4000, s31;
	s1 =	sadd.s32 s1, s30  }
0xbb: {  	s0 =	sor.u32 s3, s0;
	s1 =	sshll.u32 s1, $0x11  }
0xbc: {  	s0 =	sor.u32 s1, s0  }
0xbd: {  	s0 =	sadd.s32 $0x8F2B, s0  }
0xbe: {  	[sflag:s0] =	ssyncadd.remote.s32 $0x1  }
0xbf: {  	_ =	sfence.sel $0xFFFF  }
0xc0: {  	[dreg:$0x0] =	wrdreg $0xFFFFFFFF;
	(pc) =	sbr.abs _section_cstart, $3  }
0xc1: {  	[dreg:$0x1] =	wrdreg $0xFFFFFFFF  }
0xc2: {  	_ =	task.clear_ibuf [dreg:s7], $0x2FFFF;
	_ =	strace $0x9FFFFFFF  }
0xc3: {  	(tm) =	ssettm $0x7FFFFFFF  }
tec
execute0_lowered:
.L_overlay_start_1:
0x0: {  	(tag) =	ssettag $0x1  }
0x1: {  	s6 =	rddreg [dreg:$0x0]  }
0x2: {  	s5 =	rddreg [dreg:$0x1]  }
0x3: {  	s1 =	rddreg [dreg:$0x2]  }
0x4: {  	s0 =	rddreg [dreg:$0x3];
	s2 =	simm.s32 $0x0  }
0x5: {  	s3 =	srdreg.scid;
	[smem:$0x7FF] =	sst s2  }
0x6: {  	s7 =	sadd.s32 $0xCA00, s5;
	s8 =	sand.u32 $0x1, s3;
	s4 =	sadd.s32 $0x14A00, s5  }
0x7: {  	s3 =	stileid.u32;
	s10 =	sadd.s32 $0x15200, s5;
	s13 =	sadd.s32 $0x14C00, s5  }
0x8: {  	_ =	strace $0x80000047;
	s9 =	ssub.s32 $0x2, s8;
	s12 =	smul.u32 $0x280, s3  }
0x9: {  	s29 =	sshll.u32 s3, $0x6;
	p0 =	seq.s32 s8, $0x0;
	s31 =	sshll.u32 s3, $0xB  }
0xa: {  	s11 =	sshrl.u32 s9, $0x1;
	s5 =	sor.u32 $0x1C01, s29;
	s7 =	smov.u32 @p0 s6  }
0xb: {  	s13 =	smov.u32 @p0 s10;
	s10 =	simm.s32 $0x1;
	s9 =	ssub.s32 s9, s11  }
0xc: {  	s30 =	sadd.s32 s12, s1;
	s12 =	sshrl.u32 s12, $0x3;
	s7 =	sadd.s32 s7, s31  }
0xd: {  	s11 =	simm.s32 $0x50;
	s6 =	smax.u32 s9, $0x1;
	s8 =	sadd.s32 s13, s12  }
0xe: {  	v0 =	vimm.f32 $1.000000000e+00;
	s9 =	sshrl.u32 s30, $0x3;
	s12 =	simm.s32 $0x4000;
	s13 =	simm.s32 $0x0  }
.LBB2_1:
0xf: {  	[tilespmem:$0x4000] =	vst v0  }
0x10: {  	[tilespmem:$0x4010] =	vst v0  }
0x11: {  	[tilespmem:$0x4020] =	vst v0  }
0x12: {  	[tilespmem:$0x4030] =	vst v0  }
0x13: {  	[tilespmem:$0x4040] =	vst v0  }
0x14: {  	[spmem:s9], [sflag:s5] =	dma.local [hbm:s4], $0x50  }
0x15: {  	_ =	swait.ge [sflag:s10], $0x50  }
0x16: {  	[sflag:s10] =	ssyncset.done $0x0  }
0x17: {  	[sflag:s10] =	ssyncadd.s32 $0xFFFFFFB0  }
0x18: {  	[tilespmem:s2], [sflag:$0x1] =	stream.linear.gather [hbm4b:s7+s2], $0x4000, $0x38;
	[tilespmem:$0x4300] =	vst v63  }
0x19: {  	_ =	swait.ge [sflag:s10], $0x4000  }
0x1a: {  	[sflag:s10] =	ssyncset.done $0x0  }
0x1b: {  	[sflag:s10] =	ssyncadd.s32 $0xFFFFC000  }
0x1c: {  	s14 =	simm.s32 $0x0;
	[bflag:$0x0] =	sbarrier.arrive $0xFFFF  }
0x1d: {  	[spmem:s1] =	stream.indirect.scatter.add.f32 [tilespmem:s12], [sflag:$0x1], $0x1, s14, s11, $0xb8;
	[tilespmem:$0x4300] =	vst v63  }
0x1e: {  	_ =	swait.ge [sflag:s10], $0x50  }
0x1f: {  	s14 =	simm.s32 $0x200;
	[sflag:s10] =	ssyncset.done $0x0  }
.LBB2_2:
0x20: {  	s15 =	sshra.s32 s14, $0x2;
	[sflag:s10] =	ssyncadd.s32 $0xFFFFFFB0;
	p0 =	sne.s32 s14, $0xFE00  }
0x21: {  	[spmem:s1] =	stream.indirect.scatter.add.f32 [tilespmem:s12], [sflag:$0x1], $0x1, s15, s11, $0xb8;
	[tilespmem:$0x4300] =	vst v63  }
.Ltmp0:
0x22: {  	_ = 	snop;
	(pc) =	sbr.rel @p0 .LBB2_2-.Ltmp0, $4  }
0x23: {  	_ = 	snop  }
0x24: {  	s14 =	sadd.s32 $0x200, s14  }
0x25: {  	_ =	swait.ge [sflag:s10], $0x50  }
0x26: {  	[sflag:s10] =	ssyncset.done $0x0  }
0x27: {  	s13 =	sadd.s32 $0x1, s13  }
0x28: {  	[sflag:s10] =	ssyncadd.s32 $0xFFFFFFB0;
	p0 =	sne.s32 s13, s6  }
.Ltmp1:
0x29: {  	[bflag:$0x0] =	sbarrier.arrive $0xFFFF;
	(pc) =	sbr.rel @p0 .LBB2_1-.Ltmp1, $4  }
0x2a: {  	[hbm:s8], [sflag:s5] =	dma.local [spmem:s9], $0x50  }
0x2b: {  	_ =	swait.ge [sflag:s10], $0x50  }
0x2c: {  	[sflag:s10] =	ssyncset.done $0x0  }
0x2d: {  	[sflag:s10] =	ssyncadd.s32 $0xFFFFFFB0  }
0x2e: {  	_ =	sfence.sel $0x180000  }
0x2f: {  	[bflag:$0x0] =	sbarrier.arrive $0xFFFF  }
0x30: {  	p0 =	sne.s32 s3, $0x0;
	_ =	strace $0x90000047  }
0x31: {  	s0 =	sadd.s32 @!p0 $0x100000, s0;
	[bflag:$0x2] =	sbarrier.arrive $0xFFFF  }
0x32: {  	[sflag:s0] =	ssyncadd.tile.s32 @!p0 $0x1;
	_ =	shalt  }
.Lfunc_end2:
_tile_overlayer_lowered:
.L_overlay_start_2:
0x33: {  	(tag) =	ssettag $0x2  }
0x34: {  	s0 =	rddreg [dreg:$0x0];
	s2 =	stileid.u32  }
0x35: {  	s1 =	rddreg [dreg:$0x1];
	p0 =	sne.s32 s2, $0x0  }
0x36: {  	s3 =	rddreg [dreg:$0x2];
	[bflag:$0x3] =	sbarrier.arrive $0xFFFF;
	s2 =	simm.s32 @!p0 $0x1C01  }
0x37: {  	[timem:s3], [sflag:s2] =	dma.local @!p0 [hbm:s0], s1  }
0x38: {  	s0 =	simm.s32 @!p0 $0x1  }
0x39: {  	_ =	swait.ge @!p0 [sflag:s0], s1  }
0x3a: {  	s1 =	ssub.s32 @!p0 $0x0, s1;
	[sflag:s0] =	ssyncset.done @!p0 $0x0  }
0x3b: {  	[sflag:s0] =	ssyncadd.s32 @!p0 s1  }
0x3c: {  	[bflag:$0x3] =	sbarrier.arrive $0xFFFF  }
0x3d: {  	_ =	shalt  }

// kernel: kernel.9.cloned.1.call-start
scs
__scs_entry_jumppad:
0x0: {  	(pc) =	sbr.rel $0x88, $3  }
0x1: {  	(tag) =	ssettag $0x0;
	lr =	simm.s32 $0x1  }
0x2: {  	[smem:$0x3F9B] =	sst lr;
	_ =	strace $0xD0000000  }
0x3: {  	_ = 	snop  }
0x4: {  	_ = 	snop  }
0x5: {  	_ = 	snop  }
0x6: {  	_ = 	snop  }
0x7: {  	_ = 	snop  }
__scs_overlays_trampoline_lowered:
0x8: {  	[smem:$0x3FAA] =	sst s0  }
0x9: {  	[smem:$0x3FAB] =	sst s1  }
0xa: {  	[smem:$0x3FAC] =	sst s2  }
0xb: {  	[smem:$0x3FAD] =	sst s3  }
0xc: {  	[smem:$0x3FAE] =	sst s4  }
0xd: {  	[smem:$0x3FAF] =	sst s5  }
0xe: {  	[smem:$0x3FB0] =	sst s6  }
0xf: {  	[smem:$0x3FB1] =	sst s7  }
0x10: {  	[smem:$0x3FB2] =	sst s8  }
0x11: {  	[smem:$0x3FB3] =	sst s9;
	s0 =	simm.s32 @!p0 $0x0  }
0x12: {  	s1 =	sld [smem:$0x3F99];
	s0 =	simm.s32 @p0 $0x1  }
0x13: {  	[smem:$0x3FB4] =	sst s0;
	s0 =	simm.s32 @!p1 $0x0  }
0x14: {  	s2 =	sld [smem:$0x3F98];
	s0 =	simm.s32 @p1 $0x1  }
0x15: {  	[smem:$0x3FB5] =	sst s0;
	s0 =	simm.s32 @!p2 $0x0  }
0x16: {  	s3 =	sld [smem:$0x3FDB];
	s0 =	simm.s32 @p2 $0x1  }
0x17: {  	s4 =	simm.s32 $0x1BF5;
	[smem:$0x3FB7] =	sst s0  }
0x18: {  	s0 =	sld [smem:$0x3F9A];
	_ =	swait.ge [sflag:s4], $0x0  }
0x19: {  	s7 =	sld [smem:$0x3F9B]  }
0x1a: {  	s8 =	sadd.s32 $0xFFFFE003, lr  }
0x1b: {  	s9 =	sadd.s32 $0xFFFFFEF7, lr;
	s5 =	simm.s32 $0xFFFFFFFF;
	p2 =	slt.u32 s8, $0xFFFFF086  }
0x1c: {  	p1 =	slt.u32 s9, $0xF7A;
	s5 =	simm.s32 @!p2 $0x0  }
0x1d: {  	s5 =	simm.s32 @p1 $0x1;
	p0 =	seq.s32 s7, s2  }
0x1e: {  	s7 =	smul.u32 @!p0 $0xF7A, s2;
	p2 =	seq.s32 @!p0 s5, $0x0  }
0x1f: {  	s9 =	smul.u32 $0xF7A, s1;
	s8 =	simm.s32 @!p0 $0x1BF5;
	p2 =	por !p2, p0  }
0x20: {  	[sflag:s8] =	ssyncset.s32 @!p0 $0xFFFFF086;
	s6 =	sadd.s32 @!p0 s3, s7;
	s7 =	simm.s32 @!p0 $0x108  }
0x21: {  	s3 =	sadd.s32 s3, s9;
	s6 =	sadd.s32 @!p0 $0x88, s6;
	s7 =	simm.s32 @p2 $0x1082  }
0x22: {  	[simem:s7], [sflag:s8] =	dma.local @!p0 [hbm:s6], $0xF7A  }
0x23: {  	s9 =	sor.u32 $0xD0000000, s2;
	s6 =	simm.s32 $0x108;
	_ =	swait.ge @!p0 [sflag:s8], $0x0  }
0x24: {  	s3 =	sadd.s32 $0x88, s3;
	s6 =	simm.s32 @!p1 $0x1082;
	[sflag:s4] =	ssyncset.s32 $0xFFFFF086  }
0x25: {  	[simem:s6], [sflag:s4] =	dma.local [hbm:s3], $0xF7A  }
0x26: {  	[smem:$0x3F9B] =	sst s1;
	(tag) =	ssettag s2;
	_ =	strace s9  }
0x27: {  	s1 =	sld [smem:$0x3FAB]  }
0x28: {  	s2 =	sld [smem:$0x3FAC]  }
0x29: {  	s4 =	sld [smem:$0x3FAE]  }
0x2a: {  	p0 =	seq.s32 s5, $0x0;
	s5 =	sld [smem:$0x3FAF]  }
0x2b: {  	s6 =	sld [smem:$0x3FB0]  }
0x2c: {  	s7 =	sld [smem:$0x3FB1]  }
0x2d: {  	s3 =	simm.s32 $0x108;
	s8 =	sld [smem:$0x3FB2]  }
0x2e: {  	s3 =	simm.s32 @!p0 $0x1082;
	s9 =	sld [smem:$0x3FB3]  }
0x2f: {  	lr =	sadd.s32 s0, s3;
	s0 =	sld [smem:$0x3FAA]  }
0x30: {  	s3 =	sld [smem:$0x3FAD]  }
0x31: {  	[smem:$0x3FB6] =	sst s10  }
0x32: {  	s10 =	sld [smem:$0x3FB4];
	_ =	sdelay $0x3  }
0x33: {  	p0 =	seq.s32 s10, $0x1;
	s10 =	sld [smem:$0x3FB6];
	_ =	sdelay $0x3  }
0x34: {  	[smem:$0x3FB6] =	sst s10  }
0x35: {  	s10 =	sld [smem:$0x3FB5];
	_ =	sdelay $0x3  }
0x36: {  	p1 =	seq.s32 s10, $0x1;
	s10 =	sld [smem:$0x3FB6];
	_ =	sdelay $0x3  }
0x37: {  	[smem:$0x3FB6] =	sst s10  }
0x38: {  	s10 =	sld [smem:$0x3FB7]  }
0x39: {  	_ = 	snop;
	(pc) =	sbr.ind lr, $3  }
0x3a: {  	_ = 	snop  }
0x3b: {  	_ = 	snop  }
0x3c: {  	p2 =	seq.s32 s10, $0x1;
	s10 =	sld [smem:$0x3FB6]  }
0x3d: {  	_ =	shalt  }
0x3e: {  	_ =	shalt  }
0x3f: {  	_ =	shalt  }
0x40: {  	_ =	shalt  }
0x41: {  	_ =	shalt  }
0x42: {  	_ =	shalt  }
0x43: {  	_ =	shalt  }
0x44: {  	_ =	shalt  }
0x45: {  	_ =	shalt  }
0x46: {  	_ =	shalt  }
0x47: {  	_ =	shalt  }
0x48: {  	_ =	shalt  }
0x49: {  	_ =	shalt  }
0x4a: {  	_ =	shalt  }
0x4b: {  	_ =	shalt  }
0x4c: {  	_ =	shalt  }
0x4d: {  	_ =	shalt  }
0x4e: {  	_ =	shalt  }
0x4f: {  	_ =	shalt  }
0x50: {  	_ =	shalt  }
0x51: {  	_ =	shalt  }
0x52: {  	_ =	shalt  }
0x53: {  	_ =	shalt  }
0x54: {  	_ =	shalt  }
0x55: {  	_ =	shalt  }
0x56: {  	_ =	shalt  }
0x57: {  	_ =	shalt  }
0x58: {  	_ =	shalt  }
0x59: {  	_ =	shalt  }
0x5a: {  	_ =	shalt  }
0x5b: {  	_ =	shalt  }
0x5c: {  	_ =	shalt  }
0x5d: {  	_ =	shalt  }
0x5e: {  	_ =	shalt  }
0x5f: {  	_ =	shalt  }
0x60: {  	_ =	shalt  }
0x61: {  	_ =	shalt  }
0x62: {  	_ =	shalt  }
0x63: {  	_ =	shalt  }
0x64: {  	_ =	shalt  }
0x65: {  	_ =	shalt  }
0x66: {  	_ =	shalt  }
0x67: {  	_ =	shalt  }
0x68: {  	_ =	shalt  }
0x69: {  	_ =	shalt  }
0x6a: {  	_ =	shalt  }
0x6b: {  	_ =	shalt  }
0x6c: {  	_ =	shalt  }
0x6d: {  	_ =	shalt  }
0x6e: {  	_ =	shalt  }
0x6f: {  	_ =	shalt  }
0x70: {  	_ =	shalt  }
0x71: {  	_ =	shalt  }
0x72: {  	_ =	shalt  }
0x73: {  	_ =	shalt  }
0x74: {  	_ =	shalt  }
0x75: {  	_ =	shalt  }
0x76: {  	_ =	shalt  }
0x77: {  	_ =	shalt  }
0x78: {  	_ =	shalt  }
0x79: {  	_ =	shalt  }
0x7a: {  	_ =	shalt  }
0x7b: {  	_ =	shalt  }
0x7c: {  	_ =	shalt  }
0x7d: {  	_ =	shalt  }
0x7e: {  	_ =	shalt  }
0x7f: {  	_ =	shalt  }
0x80: {  	_ =	shalt  }
0x81: {  	_ =	shalt  }
0x82: {  	_ =	shalt  }
0x83: {  	_ =	shalt  }
0x84: {  	_ =	shalt  }
0x85: {  	_ =	shalt  }
0x86: {  	_ =	shalt  }
0x87: {  	_ =	shalt  }
.Lfunc_end0:
.L_simem_size_0:
called_computation.1_lowered:
.L_overlay_start_0:
0x88: {  	s2 =	sld [smem:$0x3FD9]  }
0x89: {  	s3 =	sld [smem:$0x3FFE];
	_ =	sdelay $0x1  }
0x8a: {  	s1 =	srdreg.scid  }
0x8b: {  	s0 =	sand.u32 $0x1, s1  }
0x8c: {  	s17 =	sshll.u32 s0, $0xA;
	s2 =	sadd.s32 s3, s2  }
0x8d: {  	s2 =	sadd.s32 s2, s17  }
0x8e: {  	[smem:$0x3FC2] =	sst s2  }
0x8f: {  	_ = 	snop  }
0x90: {  	s2 =	sld [smem:$0x3FD0];
	(tm) =	ssettm $0x1  }
0x91: {  	s18 =	sld [smem:$0x3FFB];
	_ =	sdelay $0x3  }
0x92: {  	_ =	strace s18  }
0x93: {  	s3 =	sld [smem:$0x3FFC];
	_ =	sdelay $0x3  }
0x94: {  	_ =	strace s3  }
0x95: {  	s3 =	sld [smem:$0x3FFD];
	_ =	sdelay $0x3  }
0x96: {  	_ =	strace s3  }
0x97: {  	_ =	strace $0x8FFFFFFF  }
0x98: {  	s19 =	sld [smem:$0x3FDB];
	_ =	sdelay $0x1  }
0x99: {  	s4 =	simm.s32 $_scs_section_size  }
0x9a: {  	s5 =	simm.s32 $_size__tile_overlayer_lowered;
	s6 =	simm.s32 $_tile_overlayer_lowered  }
0x9b: {  	s22 =	simm.s32 $0x1BFF;
	s21 =	sshll.u32 s6, $0x1;
	s3 =	sadd.s32 s4, s19  }
0x9c: {  	s7 =	simm.s32 $0x0;
	s20 =	sshll.u32 s5, $0x1;
	s5 =	sadd.s32 s21, s3  }
0x9d: {  	[timem:s7], [sflag:s22] =	dma.local [hbm:s5], s20  }
0x9e: {  	_ =	swait.ge [sflag:s22], s20  }
0x9f: {  	s4 =	ssub.s32 $0x0, s20;
	[sflag:s22] =	ssyncset.done $0x0  }
0xa0: {  	[sflag:s22] =	ssyncadd.s32 s4;
	_ =	sdelay $0x1  }
0xa1: {  	s23 =	simm.s32 $0x1B8B  }
0xa2: {  	_ =	swait.ge [sflag:s23], $0x1  }
0xa3: {  	[sflag:s23] =	ssyncset.done $0x0  }
0xa4: {  	s25 =	simm.s32 $0x1B8E;
	s24 =	sld [smem:$0x3FFE];
	[sflag:s23] =	ssyncadd.s32 $0xFFFFFFFF  }
0xa5: {  	s26 =	simm.s32 $execute0_lowered;
	[smem:$0x3FD2] =	sst s25  }
0xa6: {  	s5 =	sshll.u32 s26, $0x1;
	_ =	strace $0x80000049;
	[dreg:$0x1] =	wrdreg $0xFFFFFFFF  }
0xa7: {  	s28 =	simm.s32 $_size_execute0_lowered;
	s3 =	sadd.s32 s3, s5;
	[dreg:$0x0] =	wrdreg $0x0  }
0xa8: {  	s5 =	sshll.u32 s28, $0x1;
	[dreg:$0x2] =	wrdreg s3  }
0xa9: {  	[dreg:$0x3] =	wrdreg s5  }
0xaa: {  	[dreg:$0x4] =	wrdreg $0xC0  }
0xab: {  	_ =	task [dreg:s7], $0x5FFFF  }
0xac: {  	[dreg:$0x1] =	wrdreg $0xFFFFFFFF  }
0xad: {  	[dreg:$0x0] =	wrdreg $0x60  }
0xae: {  	[dreg:$0x2] =	wrdreg s24  }
0xaf: {  	[dreg:$0x3] =	wrdreg s2  }
0xb0: {  	[dreg:$0x4] =	wrdreg $0xA8000  }
0xb1: {  	[dreg:$0x5] =	wrdreg $0x9  }
0xb2: {  	_ =	task.clear_ibuf [dreg:s7], $0x6FFFF;
	_ =	strace $0x90000049  }
0xb3: {  	s29 =	simm.s32 $0x9;
	_ =	strace $0x8000004B  }
0xb4: {  	_ =	swait.ge [sflag:s29], $0x1  }
0xb5: {  	[sflag:s29] =	ssyncadd.s32 $0xFFFFFFFF  }
0xb6: {  	_ =	strace $0x9000004B  }
0xb7: {  	_ =	sfence  }
0xb8: {  	s30 =	sld [smem:$0x0];
	_ =	sdelay $0x2  }
0xb9: {  	s31 =	sshll.u32 s1, $0xD;
	s1 =	sshrl.u32 s1, $0x2  }
0xba: {  	s3 =	sand.u32 $0x4000, s31;
	s1 =	sadd.s32 s1, s30  }
0xbb: {  	s0 =	sor.u32 s3, s0;
	s1 =	sshll.u32 s1, $0x11  }
0xbc: {  	s0 =	sor.u32 s1, s0  }
0xbd: {  	s0 =	sadd.s32 $0x8F2B, s0  }
0xbe: {  	[sflag:s0] =	ssyncadd.remote.s32 $0x1  }
0xbf: {  	_ =	sfence.sel $0xFFFF  }
0xc0: {  	[dreg:$0x0] =	wrdreg $0xFFFFFFFF;
	(pc) =	sbr.abs _section_cstart, $3  }
0xc1: {  	[dreg:$0x1] =	wrdreg $0xFFFFFFFF  }
0xc2: {  	_ =	task.clear_ibuf [dreg:s7], $0x2FFFF;
	_ =	strace $0x9FFFFFFF  }
0xc3: {  	(tm) =	ssettm $0x7FFFFFFF  }
tec
execute0_lowered:
.L_overlay_start_1:
0x0: {  	(tag) =	ssettag $0x1  }
0x1: {  	s0 =	rddreg [dreg:$0x0]  }
0x2: {  	s13 =	rddreg [dreg:$0x1]  }
0x3: {  	s1 =	srdreg.scid;
	s2 =	rddreg [dreg:$0x2]  }
0x4: {  	s9 =	stileid.u32;
	s3 =	simm.s32 $0x0;
	s29 =	simm.s32 $0xD  }
0x5: {  	s28 =	simm.s32 $0x5800;
	s31 =	simm.s32 $0x4;
	s1 =	sand.u32 $0x1, s1  }
0x6: {  	s10 =	smul.u32 $0x2800, s9;
	[smem:$0x7FF] =	sst s3;
	s4 =	ssub.s32 $0x2, s1  }
0x7: {  	s5 =	sadd.s32 $0x2A00, s0;
	s7 =	sadd.s32 $0x7A00, s0;
	s6 =	sshrl.u32 s4, $0x1  }
0x8: {  	p0 =	seq.s32 s1, $0x1;
	s14 =	sshrl.u32 s10, $0x3;
	s4 =	ssub.s32 s4, s6  }
0x9: {  	s15 =	sadd.s32 s7, s14;
	s16 =	sor.u32 $0xA, s14;
	s8 =	sadd.s32 s5, s14  }
0xa: {  	s18 =	sor.u32 $0x14, s14;
	s20 =	sor.u32 $0x1E, s14;
	[dreg:$0x5] =	wrdreg s15  }
0xb: {  	s22 =	sor.u32 $0x28, s14;
	[dreg:$0x6] =	wrdreg s8;
	s17 =	sadd.s32 s7, s16  }
0xc: {  	s24 =	sor.u32 $0x32, s14;
	s1 =	sadd.s32 s5, s16;
	[dreg:$0x7] =	wrdreg s17  }
0xd: {  	s26 =	sor.u32 $0x3C, s14;
	s19 =	sadd.s32 s7, s18;
	[dreg:$0x8] =	wrdreg s1  }
0xe: {  	s3 =	sor.u32 $0x46, s14;
	s8 =	sadd.s32 s5, s18;
	[dreg:$0x9] =	wrdreg s19  }
0xf: {  	s14 =	smul.u32 $0x500, s9;
	s21 =	sadd.s32 s7, s20;
	[dreg:$0xa] =	wrdreg s8  }
0x10: {  	s6 =	simm.s32 $0xC;
	s23 =	sadd.s32 s7, s22;
	[dreg:$0xb] =	wrdreg s21  }
0x11: {  	s25 =	sadd.s32 s7, s24;
	s30 =	sadd.s32 s7, s26;
	[dreg:$0xd] =	wrdreg s23  }
0x12: {  	s11 =	sadd.s32 s5, s26;
	s12 =	sadd.s32 s7, s3;
	[dreg:$0xf] =	wrdreg s25  }
0x13: {  	s15 =	smul.u32 $0x50000, s9;
	s18 =	sadd.s32 $0xB5800, s0;
	[dreg:$0x11] =	wrdreg s30  }
0x14: {  	s26 =	sshll.u32 s9, $0x6;
	s9 =	simm.s32 $0x80;
	[dreg:$0x12] =	wrdreg s11  }
0x15: {  	s1 =	sadd.s32 s5, s20;
	s8 =	sadd.s32 s5, s22;
	[dreg:$0x13] =	wrdreg s12  }
0x16: {  	s16 =	sadd.s32 s14, s7;
	s17 =	sadd.s32 $0x65800, s0;
	[dreg:$0xc] =	wrdreg s1  }
0x17: {  	s25 =	sadd.s32 $0x8D800, s0;
	s19 =	sadd.s32 $0xCA00, s0;
	[dreg:$0xe] =	wrdreg s8  }
0x18: {  	s20 =	sadd.s32 s10, s0;
	s1 =	sadd.s32 s5, s24;
	[dreg:$0x1e] =	wrdreg s16  }
0x19: {  	s21 =	sadd.s32 $0x12D800, s0;
	[dreg:$0x10] =	wrdreg s1;
	s1 =	sadd.s32 s5, s3  }
0x1a: {  	s0 =	sadd.s32 $0x155800, s0;
	s5 =	sadd.s32 s14, s5;
	[dreg:$0x14] =	wrdreg s1  }
0x1b: {  	s30 =	smax.u32 s4, $0x1;
	s11 =	simm.s32 $0x180;
	[dreg:$0x1d] =	wrdreg s5  }
0x1c: {  	s12 =	simm.s32 $0x700;
	_ =	strace $0x8000004A;
	[dreg:$0x1f] =	wrdreg s17  }
0x1d: {  	s4 =	simm.s32 $0xB;
	s7 =	simm.s32 $0x8;
	[smem:$0x7FC] =	sst s18  }
0x1e: {  	s23 =	sadd.s32 $0xDD800, s20;
	s24 =	sadd.s32 $0x105800, s20;
	[dreg:$0x15] =	wrdreg s19  }
0x1f: {  	s8 =	sor.u32 $0x1C0D, s26;
	s20 =	simm.s32 $0x380;
	[dreg:$0x4] =	wrdreg s10  }
0x20: {  	s16 =	simm.s32 $0x50;
	s26 =	simm.s32 $0x3000;
	[dreg:$0x16] =	wrdreg s21  }
0x21: {  	s14 =	simm.s32 $0x300;
	s3 =	simm.s32 $0x0;
	[dreg:$0x17] =	wrdreg s0  }
0x22: {  	s1 =	sshrl.u32 s15, $0x2;
	s15 =	simm.s32 $0x9;
	[dreg:$0x19] =	wrdreg s23  }
.Ltmp0:
0x23: {  	s5 =	simm.s32 $0x7;
	[dreg:$0x1a] =	wrdreg s24;
	(pc) =	sbr.rel .LBB2_1-.Ltmp0, $4  }
0x24: {  	s22 =	sadd.s32 s1, s2;
	[dreg:$0x1b] =	wrdreg s30;
	s10 =	simm.s32 $0x100  }
0x25: {  	s18 =	simm.s32 $0x780;
	s24 =	simm.s32 $0x800;
	[dreg:$0x1c] =	wrdreg s8  }
0x26: {  	s21 =	simm.s32 $0x3;
	s0 =	simm.s32 $0x8000;
	[smem:$0x7FD] =	sst s25  }
0x27: {  	s19 =	simm.s32 $0x5;
	s17 =	simm.s32 $0x6;
	[dreg:$0x18] =	wrdreg s22  }
.LBB2_14:
0x28: {  	s1 =	rddreg [dreg:$0x17];
	s11 =	simm.s32 $0x180;
	s14 =	simm.s32 $0x300  }
0x29: {  	s20 =	simm.s32 $0x380;
	s18 =	simm.s32 $0x780;
	s3 =	sld [smem:$0x7FA]  }
.LBB2_15:
0x2a: {  	_ =	swait.ge [sflag:s6], $0x2800  }
0x2b: {  	[sflag:s6] =	ssyncset.done $0x0  }
0x2c: {  	[sflag:s6] =	ssyncadd.s32 $0xFFFFD800  }
0x2d: {  	[spmem:s2] =	stream.indirect.scatter.add.f32 [tilespmem:s0], [sflag:$0xD], $0x80, s18, s16, $0xb8;
	[tilespmem:$0x1E800] =	vst v63  }
0x2e: {  	_ =	swait.ge [sflag:s29], $0x2800  }
0x2f: {  	[sflag:s29] =	ssyncset.done $0x0  }
0x30: {  	[sflag:s29] =	ssyncadd.s32 $0xFFFFD800  }
0x31: {  	s8 =	rddreg [dreg:$0x4];
	[bflag:$0x0] =	sbarrier.arrive $0xFFFF  }
0x32: {  	s9 =	sld [smem:$0x7FB];
	_ =	sdelay $0x1  }
0x33: {  	s1 =	sadd.s32 s1, s8;
	s8 =	rddreg [dreg:$0x1c]  }
0x34: {  	[hbm:s1], [sflag:s8] =	dma.local [spmem:s9], $0x2800  }
0x35: {  	_ =	swait.ge [sflag:s29], $0x2800  }
0x36: {  	s3 =	sadd.s32 $0x1, s3;
	s30 =	rddreg [dreg:$0x1b]  }
0x37: {  	p1 =	sne.s32 s3, s30  }
.Ltmp1:
0x38: {  	_ = 	snop;
	(pc) =	sbr.rel @!p1 .LBB2_16-.Ltmp1, $4  }
0x39: {  	[sflag:s29] =	ssyncset.done $0x0  }
0x3a: {  	[sflag:s29] =	ssyncadd.s32 $0xFFFFD800  }
0x3b: {  	[bflag:$0x0] =	sbarrier.arrive $0xFFFF  }
0x3c: {  	s10 =	simm.s32 $0x100;
	s9 =	simm.s32 $0x80;
	s13 =	rddreg [dreg:$0x1]  }
.LBB2_1:
0x3d: {  	[smem:$0x7FA] =	sst s3  }
0x3e: {  	s1 =	rddreg [dreg:$0x18]  }
0x3f: {  	s30 =	rddreg [dreg:$0x15];
	s23 =	sshrl.u32 s1, $0x3  }
0x40: {  	[smem:$0x7FB] =	sst s23  }
0x41: {  	[spmem:s23], [sflag:s8] =	dma.local [hbm:s30], $0x2800  }
0x42: {  	_ =	swait.ge [sflag:s29], $0x2800  }
0x43: {  	[sflag:s29] =	ssyncset.done $0x0  }
0x44: {  	[sflag:s29] =	ssyncadd.s32 $0xFFFFD800  }
0x45: {  	[bflag:$0x0] =	sbarrier.arrive $0xFFFF  }
0x46: {  	s3 =	simm.s32 $0x0;
	s22 =	rddreg [dreg:$0x5]  }
0x47: {  	[tilespmem:s3], [sflag:$0x1] =	stream.linear.gather [hbm4b:s22+s3], $0x50, $0x38;
	[tilespmem:$0x1E800] =	vst v63  }
0x48: {  	s30 =	simm.s32 $0x400;
	s23 =	rddreg [dreg:$0x6]  }
0x49: {  	[tilespmem:s30], [sflag:$0x1] =	stream.linear.gather [hbm4b:s23+s3], $0x50, $0x38;
	[tilespmem:$0x1E800] =	vst v63  }
0x4a: {  	s22 =	rddreg [dreg:$0x7]  }
0x4b: {  	[tilespmem:s9], [sflag:$0x2] =	stream.linear.gather [hbm4b:s22+s3], $0x50, $0x38;
	[tilespmem:$0x1E800] =	vst v63  }
0x4c: {  	s23 =	rddreg [dreg:$0x8];
	s30 =	simm.s32 $0x480  }
0x4d: {  	[tilespmem:s30], [sflag:$0x2] =	stream.linear.gather [hbm4b:s23+s3], $0x50, $0x38;
	[tilespmem:$0x1E800] =	vst v63  }
0x4e: {  	s8 =	rddreg [dreg:$0x9]  }
0x4f: {  	[tilespmem:s10], [sflag:$0x3] =	stream.linear.gather [hbm4b:s8+s3], $0x50, $0x38;
	[tilespmem:$0x1E800] =	vst v63  }
0x50: {  	s22 =	rddreg [dreg:$0xa];
	s23 =	simm.s32 $0x500  }
0x51: {  	[tilespmem:s23], [sflag:$0x3] =	stream.linear.gather [hbm4b:s22+s3], $0x50, $0x38;
	[tilespmem:$0x1E800] =	vst v63  }
0x52: {  	s30 =	rddreg [dreg:$0xb]  }
0x53: {  	[tilespmem:s11], [sflag:$0x4] =	stream.linear.gather [hbm4b:s30+s3], $0x50, $0x38;
	[tilespmem:$0x1E800] =	vst v63  }
0x54: {  	s8 =	rddreg [dreg:$0xc];
	s22 =	simm.s32 $0x580  }
0x55: {  	[tilespmem:s22], [sflag:$0x4] =	stream.linear.gather [hbm4b:s8+s3], $0x50, $0x38;
	[tilespmem:$0x1E800] =	vst v63  }
0x56: {  	s23 =	rddreg [dreg:$0xd];
	s30 =	simm.s32 $0x200  }
0x57: {  	[tilespmem:s30], [sflag:$0x5] =	stream.linear.gather [hbm4b:s23+s3], $0x50, $0x38;
	[tilespmem:$0x1E800] =	vst v63  }
0x58: {  	s8 =	rddreg [dreg:$0xe];
	s22 =	simm.s32 $0x600  }
0x59: {  	[tilespmem:s22], [sflag:$0x5] =	stream.linear.gather [hbm4b:s8+s3], $0x50, $0x38;
	[tilespmem:$0x1E800] =	vst v63  }
0x5a: {  	s23 =	rddreg [dreg:$0xf];
	s30 =	simm.s32 $0x280  }
0x5b: {  	[tilespmem:s30], [sflag:$0x6] =	stream.linear.gather [hbm4b:s23+s3], $0x50, $0x38;
	[tilespmem:$0x1E800] =	vst v63  }
0x5c: {  	s22 =	rddreg [dreg:$0x10];
	s23 =	simm.s32 $0x680  }
0x5d: {  	[tilespmem:s23], [sflag:$0x6] =	stream.linear.gather [hbm4b:s22+s3], $0x50, $0x38;
	[tilespmem:$0x1E800] =	vst v63  }
0x5e: {  	s30 =	rddreg [dreg:$0x11]  }
0x5f: {  	[tilespmem:s14], [sflag:$0x7] =	stream.linear.gather [hbm4b:s30+s3], $0x50, $0x38;
	[tilespmem:$0x1E800] =	vst v63  }
0x60: {  	s8 =	rddreg [dreg:$0x12]  }
0x61: {  	[tilespmem:s12], [sflag:$0x7] =	stream.linear.gather [hbm4b:s8+s3], $0x50, $0x38;
	[tilespmem:$0x1E800] =	vst v63  }
0x62: {  	s22 =	rddreg [dreg:$0x13]  }
0x63: {  	[tilespmem:s20], [sflag:$0x8] =	stream.linear.gather [hbm4b:s22+s3], $0x50, $0x38;
	[tilespmem:$0x1E800] =	vst v63  }
0x64: {  	s23 =	rddreg [dreg:$0x14];
	s30 =	simm.s32 $0x1  }
0x65: {  	[tilespmem:s18], [sflag:$0x8] =	stream.linear.gather [hbm4b:s23+s3], $0x50, $0x38;
	[tilespmem:$0x1E800] =	vst v63  }
0x66: {  	_ =	swait.ge [sflag:s30], $0x50  }
.Ltmp2:
0x67: {  	[sflag:s30] =	ssyncset.done $0x0;
	(pc) =	sbr.rel @!p0 .LBB2_2-.Ltmp2, $4  }
0x68: {  	[sflag:s30] =	ssyncadd.s32 $0xFFFFFFB0  }
0x69: {  	_ =	swait.ge [sflag:s30], $0x50  }
0x6a: {  	[sflag:s30] =	ssyncset.done $0x0  }
0x6b: {  	s8 =	simm.s32 $0x0;
	[sflag:s30] =	ssyncadd.s32 $0xFFFFFFB0  }
0x6c: {  	s25 =	rddreg [dreg:$0x1f];
	s1 =	simm.s32 $0x2  }
0x6d: {  	[tilespmem:s24], [sflag:$0x9] =	stream.indirect.gather [hbm4b:s25+s16], $0x80, s8, s16, $0xb8;
	[tilespmem:$0x1E800] =	vst v63  }
0x6e: {  	_ =	swait.ge [sflag:s1], $0x50  }
0x6f: {  	[sflag:s1] =	ssyncset.done $0x0  }
0x70: {  	[sflag:s1] =	ssyncadd.s32 $0xFFFFFFB0  }
0x71: {  	_ =	swait.ge [sflag:s1], $0x50  }
0x72: {  	[sflag:s1] =	ssyncset.done $0x0  }
0x73: {  	[sflag:s1] =	ssyncadd.s32 $0xFFFFFFB0  }
0x74: {  	[tilespmem:s26], [sflag:$0xA] =	stream.indirect.gather [hbm4b:s25+s16], $0x80, s9, s16, $0xb8;
	[tilespmem:$0x1E800] =	vst v63  }
0x75: {  	_ =	swait.ge [sflag:s21], $0x50  }
0x76: {  	[sflag:s21] =	ssyncset.done $0x0  }
0x77: {  	[sflag:s21] =	ssyncadd.s32 $0xFFFFFFB0  }
0x78: {  	_ =	swait.ge [sflag:s21], $0x50  }
0x79: {  	[sflag:s21] =	ssyncset.done $0x0  }
0x7a: {  	[sflag:s21] =	ssyncadd.s32 $0xFFFFFFB0  }
0x7b: {  	[tilespmem:s28], [sflag:$0xB] =	stream.indirect.gather [hbm4b:s25+s16], $0x80, s10, s16, $0xb8;
	[tilespmem:$0x1E800] =	vst v63  }
0x7c: {  	_ =	swait.ge [sflag:s31], $0x50  }
0x7d: {  	[sflag:s31] =	ssyncset.done $0x0  }
0x7e: {  	[sflag:s31] =	ssyncadd.s32 $0xFFFFFFB0  }
0x7f: {  	_ =	swait.ge [sflag:s31], $0x50  }
0x80: {  	[sflag:s31] =	ssyncset.done $0x0;
	s23 =	rddreg [dreg:$0x1d]  }
0x81: {  	s18 =	simm.s32 $0x700;
	s3 =	rddreg [dreg:$0x1e];
	[sflag:s31] =	ssyncadd.s32 $0xFFFFFFB0  }
0x82: {  	[tilespmem:s0], [sflag:$0xC] =	stream.indirect.gather [hbm4b:s25+s16], $0x80, s11, s16, $0xb8;
	[tilespmem:$0x1E800] =	vst v63  }
.LBB2_10:
0x83: {  	_ =	swait.ge [sflag:s15], $0x2800  }
0x84: {  	[sflag:s15] =	ssyncset.done $0x0  }
0x85: {  	s1 =	simm.s32 $0x400;
	s22 =	simm.s32 $0x800;
	[sflag:s15] =	ssyncadd.s32 $0xFFFFD800  }
0x86: {  	[spmem:s2] =	stream.indirect.scatter.add.f32 [tilespmem:s22], [sflag:$0xD], $0x80, s1, s16, $0xb8;
	[tilespmem:$0x1E800] =	vst v63  }
0x87: {  	p1 =	seq.s32 s8, $0x4B0;
	_ =	swait.ge [sflag:s29], $0x2800  }
0x88: {  	s10 =	sadd.s32 @!p1 s8, s3;
	[sflag:s29] =	ssyncset.done $0x0  }
0x89: {  	s9 =	simm.s32 @!p1 $0x0;
	s1 =	sadd.s32 @!p1 $0x50, s10;
	[sflag:s29] =	ssyncadd.s32 $0xFFFFD800  }
0x8a: {  	[tilespmem:s9], [sflag:$0x1] =	stream.linear.gather @!p1 [hbm4b:s1+s9], $0x50, $0x38;
	[tilespmem:$0x1E800] =	vst v63  }
0x8b: {  	s1 =	sadd.s32 @!p1 s8, s23  }
0x8c: {  	s12 =	simm.s32 @!p1 $0x400;
	s11 =	sadd.s32 @!p1 $0x50, s1  }
0x8d: {  	[tilespmem:s12], [sflag:$0x1] =	stream.linear.gather @!p1 [hbm4b:s11+s9], $0x50, $0x38;
	[tilespmem:$0x1E800] =	vst v63  }
0x8e: {  	_ =	swait.ge [sflag:s19], $0x50  }
0x8f: {  	[sflag:s19] =	ssyncset.done $0x0  }
0x90: {  	[sflag:s19] =	ssyncadd.s32 $0xFFFFFFB0  }
0x91: {  	_ =	swait.ge [sflag:s19], $0x50  }
0x92: {  	[sflag:s19] =	ssyncset.done $0x0  }
0x93: {  	s24 =	simm.s32 $0x200;
	s26 =	simm.s32 $0xA;
	[sflag:s19] =	ssyncadd.s32 $0xFFFFFFB0  }
0x94: {  	[tilespmem:s22], [sflag:$0x9] =	stream.indirect.gather [hbm4b:s25+s16], $0x80, s24, s16, $0xb8;
	[tilespmem:$0x1E800] =	vst v63  }
0x95: {  	_ =	swait.ge [sflag:s26], $0x2800  }
0x96: {  	[sflag:s26] =	ssyncset.done $0x0  }
0x97: {  	s12 =	simm.s32 $0x480;
	s24 =	simm.s32 $0x3000;
	[sflag:s26] =	ssyncadd.s32 $0xFFFFD800  }
0x98: {  	[spmem:s2] =	stream.indirect.scatter.add.f32 [tilespmem:s24], [sflag:$0xD], $0x80, s12, s16, $0xb8;
	[tilespmem:$0x1E800] =	vst v63  }
0x99: {  	_ =	swait.ge [sflag:s29], $0x2800  }
0x9a: {  	[sflag:s29] =	ssyncset.done $0x0  }
0x9b: {  	s11 =	simm.s32 @!p1 $0x80;
	s12 =	sadd.s32 @!p1 $0x5A, s10;
	[sflag:s29] =	ssyncadd.s32 $0xFFFFD800  }
0x9c: {  	[tilespmem:s11], [sflag:$0x2] =	stream.linear.gather @!p1 [hbm4b:s12+s9], $0x50, $0x38;
	[tilespmem:$0x1E800] =	vst v63  }
0x9d: {  	s13 =	simm.s32 @!p1 $0x480;
	s12 =	sadd.s32 @!p1 $0x5A, s1  }
0x9e: {  	[tilespmem:s13], [sflag:$0x2] =	stream.linear.gather @!p1 [hbm4b:s12+s9], $0x50, $0x38;
	[tilespmem:$0x1E800] =	vst v63  }
0x9f: {  	_ =	swait.ge [sflag:s17], $0x50  }
0xa0: {  	[sflag:s17] =	ssyncset.done $0x0  }
0xa1: {  	[sflag:s17] =	ssyncadd.s32 $0xFFFFFFB0  }
0xa2: {  	_ =	swait.ge [sflag:s17], $0x50  }
0xa3: {  	[sflag:s17] =	ssyncset.done $0x0  }
0xa4: {  	s13 =	simm.s32 $0x280;
	[sflag:s17] =	ssyncadd.s32 $0xFFFFFFB0  }
0xa5: {  	[tilespmem:s24], [sflag:$0xA] =	stream.indirect.gather [hbm4b:s25+s16], $0x80, s13, s16, $0xb8;
	[tilespmem:$0x1E800] =	vst v63  }
0xa6: {  	_ =	swait.ge [sflag:s4], $0x2800  }
0xa7: {  	[sflag:s4] =	ssyncset.done $0x0  }
0xa8: {  	s13 =	simm.s32 $0x500;
	[sflag:s4] =	ssyncadd.s32 $0xFFFFD800  }
0xa9: {  	[spmem:s2] =	stream.indirect.scatter.add.f32 [tilespmem:s28], [sflag:$0xD], $0x80, s13, s16, $0xb8;
	[tilespmem:$0x1E800] =	vst v63  }
0xaa: {  	_ =	swait.ge [sflag:s29], $0x2800  }
0xab: {  	[sflag:s29] =	ssyncset.done $0x0  }
0xac: {  	s12 =	sadd.s32 @!p1 $0x64, s10;
	s13 =	simm.s32 @!p1 $0x100;
	[sflag:s29] =	ssyncadd.s32 $0xFFFFD800  }
0xad: {  	[tilespmem:s13], [sflag:$0x3] =	stream.linear.gather @!p1 [hbm4b:s12+s9], $0x50, $0x38;
	[tilespmem:$0x1E800] =	vst v63  }
0xae: {  	s12 =	sadd.s32 @!p1 $0x64, s1;
	s13 =	simm.s32 @!p1 $0x500  }
0xaf: {  	[tilespmem:s13], [sflag:$0x3] =	stream.linear.gather @!p1 [hbm4b:s12+s9], $0x50, $0x38;
	[tilespmem:$0x1E800] =	vst v63  }
0xb0: {  	_ =	swait.ge [sflag:s5], $0x50  }
0xb1: {  	[sflag:s5] =	ssyncset.done $0x0  }
0xb2: {  	[sflag:s5] =	ssyncadd.s32 $0xFFFFFFB0  }
0xb3: {  	_ =	swait.ge [sflag:s5], $0x50  }
0xb4: {  	[sflag:s5] =	ssyncset.done $0x0  }
0xb5: {  	[sflag:s5] =	ssyncadd.s32 $0xFFFFFFB0  }
0xb6: {  	[tilespmem:s28], [sflag:$0xB] =	stream.indirect.gather [hbm4b:s25+s16], $0x80, s14, s16, $0xb8;
	[tilespmem:$0x1E800] =	vst v63  }
0xb7: {  	_ =	swait.ge [sflag:s6], $0x2800  }
0xb8: {  	[sflag:s6] =	ssyncset.done $0x0  }
0xb9: {  	s14 =	simm.s32 $0x580;
	[sflag:s6] =	ssyncadd.s32 $0xFFFFD800  }
0xba: {  	[spmem:s2] =	stream.indirect.scatter.add.f32 [tilespmem:s0], [sflag:$0xD], $0x80, s14, s16, $0xb8;
	[tilespmem:$0x1E800] =	vst v63  }
0xbb: {  	_ =	swait.ge [sflag:s29], $0x2800  }
0xbc: {  	[sflag:s29] =	ssyncset.done $0x0  }
0xbd: {  	s12 =	sadd.s32 @!p1 $0x6E, s10;
	s13 =	simm.s32 @!p1 $0x180;
	[sflag:s29] =	ssyncadd.s32 $0xFFFFD800  }
0xbe: {  	[tilespmem:s13], [sflag:$0x4] =	stream.linear.gather @!p1 [hbm4b:s12+s9], $0x50, $0x38;
	[tilespmem:$0x1E800] =	vst v63  }
0xbf: {  	s12 =	sadd.s32 @!p1 $0x6E, s1;
	s13 =	simm.s32 @!p1 $0x580  }
0xc0: {  	[tilespmem:s13], [sflag:$0x4] =	stream.linear.gather @!p1 [hbm4b:s12+s9], $0x50, $0x38;
	[tilespmem:$0x1E800] =	vst v63  }
0xc1: {  	_ =	swait.ge [sflag:s7], $0x50  }
0xc2: {  	[sflag:s7] =	ssyncset.done $0x0  }
0xc3: {  	[sflag:s7] =	ssyncadd.s32 $0xFFFFFFB0  }
0xc4: {  	_ =	swait.ge [sflag:s7], $0x50  }
0xc5: {  	[sflag:s7] =	ssyncset.done $0x0  }
0xc6: {  	[sflag:s7] =	ssyncadd.s32 $0xFFFFFFB0  }
0xc7: {  	[tilespmem:s0], [sflag:$0xC] =	stream.indirect.gather [hbm4b:s25+s16], $0x80, s20, s16, $0xb8;
	[tilespmem:$0x1E800] =	vst v63  }
0xc8: {  	_ =	swait.ge [sflag:s15], $0x2800  }
0xc9: {  	[sflag:s15] =	ssyncset.done $0x0  }
0xca: {  	s20 =	simm.s32 $0x600;
	[sflag:s15] =	ssyncadd.s32 $0xFFFFD800  }
0xcb: {  	[spmem:s2] =	stream.indirect.scatter.add.f32 [tilespmem:s22], [sflag:$0xD], $0x80, s20, s16, $0xb8;
	[tilespmem:$0x1E800] =	vst v63  }
0xcc: {  	_ =	swait.ge [sflag:s29], $0x2800  }
0xcd: {  	[sflag:s29] =	ssyncset.done $0x0  }
0xce: {  	s12 =	simm.s32 @p1 $0xA;
	[sflag:s29] =	ssyncadd.s32 $0xFFFFD800  }
0xcf: {  	_ =	swait.ge @p1 [sflag:s12], $0x2800  }
0xd0: {  	s14 =	simm.s32 @p1 $0x3000;
	[sflag:s12] =	ssyncset.done @p1 $0x0  }
0xd1: {  	s13 =	simm.s32 @p1 $0x680;
	[sflag:s12] =	ssyncadd.s32 @p1 $0xFFFFD800;
	s12 =	simm.s32 @p1 $0x50  }
0xd2: {  	[spmem:s2] =	stream.indirect.scatter.add.f32 @p1 [tilespmem:s14], [sflag:$0xD], $0x80, s13, s12, $0xb8;
	[tilespmem:$0x1E800] =	vst v63  }
0xd3: {  	s12 =	simm.s32 @p1 $0xD  }
0xd4: {  	_ =	swait.ge @p1 [sflag:s12], $0x2800  }
0xd5: {  	[sflag:s12] =	ssyncset.done @p1 $0x0  }
0xd6: {  	s13 =	simm.s32 @!p1 $0x200;
	[sflag:s12] =	ssyncadd.s32 @p1 $0xFFFFD800;
	s12 =	sadd.s32 @!p1 $0x78, s10  }
0xd7: {  	[tilespmem:s13], [sflag:$0x5] =	stream.linear.gather @!p1 [hbm4b:s12+s9], $0x50, $0x38;
	[tilespmem:$0x1E800] =	vst v63  }
0xd8: {  	s12 =	sadd.s32 @!p1 $0x78, s1;
	s13 =	simm.s32 @!p1 $0x600  }
0xd9: {  	[tilespmem:s13], [sflag:$0x5] =	stream.linear.gather @!p1 [hbm4b:s12+s9], $0x50, $0x38;
	[tilespmem:$0x1E800] =	vst v63  }
0xda: {  	s12 =	simm.s32 @!p1 $0x1  }
0xdb: {  	_ =	swait.ge @!p1 [sflag:s12], $0x50  }
0xdc: {  	[sflag:s12] =	ssyncset.done @!p1 $0x0  }
0xdd: {  	[sflag:s12] =	ssyncadd.s32 @!p1 $0xFFFFFFB0  }
0xde: {  	_ =	swait.ge @!p1 [sflag:s12], $0x50  }
0xdf: {  	[sflag:s12] =	ssyncset.done @!p1 $0x0  }
0xe0: {  	s13 =	simm.s32 @!p1 $0x800;
	[sflag:s12] =	ssyncadd.s32 @!p1 $0xFFFFFFB0;
	s12 =	simm.s32 @!p1 $0x50  }
0xe1: {  	[tilespmem:s13], [sflag:$0x9] =	stream.indirect.gather @!p1 [hbm4b:s25+s12], $0x80, s9, s12, $0xb8;
	[tilespmem:$0x1E800] =	vst v63  }
0xe2: {  	s13 =	simm.s32 @!p1 $0xA  }
0xe3: {  	_ =	swait.ge @!p1 [sflag:s13], $0x2800  }
0xe4: {  	s20 =	simm.s32 @!p1 $0xD;
	[sflag:s13] =	ssyncset.done @!p1 $0x0  }
0xe5: {  	s14 =	simm.s32 @!p1 $0x3000;
	[sflag:s13] =	ssyncadd.s32 @!p1 $0xFFFFD800;
	s13 =	simm.s32 @!p1 $0x680  }
0xe6: {  	[spmem:s2] =	stream.indirect.scatter.add.f32 @!p1 [tilespmem:s14], [sflag:$0xD], $0x80, s13, s12, $0xb8;
	[tilespmem:$0x1E800] =	vst v63  }
0xe7: {  	_ =	swait.ge @!p1 [sflag:s20], $0x2800  }
0xe8: {  	[sflag:s20] =	ssyncset.done @!p1 $0x0  }
0xe9: {  	s10 =	sadd.s32 @!p1 $0x82, s10;
	[sflag:s20] =	ssyncadd.s32 @!p1 $0xFFFFD800;
	s20 =	simm.s32 @!p1 $0x280  }
0xea: {  	[tilespmem:s20], [sflag:$0x6] =	stream.linear.gather @!p1 [hbm4b:s10+s9], $0x50, $0x38;
	[tilespmem:$0x1E800] =	vst v63  }
0xeb: {  	s1 =	sadd.s32 @!p1 $0x82, s1  }
0xec: {  	[tilespmem:s13], [sflag:$0x6] =	stream.linear.gather @!p1 [hbm4b:s1+s9], $0x50, $0x38;
	[tilespmem:$0x1E800] =	vst v63  }
0xed: {  	s1 =	simm.s32 @!p1 $0x2  }
0xee: {  	_ =	swait.ge @!p1 [sflag:s1], $0x50  }
0xef: {  	[sflag:s1] =	ssyncset.done @!p1 $0x0  }
0xf0: {  	[sflag:s1] =	ssyncadd.s32 @!p1 $0xFFFFFFB0  }
0xf1: {  	_ =	swait.ge @!p1 [sflag:s1], $0x50  }
0xf2: {  	[sflag:s1] =	ssyncset.done @!p1 $0x0  }
0xf3: {  	[sflag:s1] =	ssyncadd.s32 @!p1 $0xFFFFFFB0  }
0xf4: {  	[tilespmem:s14], [sflag:$0xA] =	stream.indirect.gather @!p1 [hbm4b:s25+s12], $0x80, s11, s12, $0xb8;
	[tilespmem:$0x1E800] =	vst v63  }
0xf5: {  	_ =	swait.ge [sflag:s4], $0x2800  }
0xf6: {  	[sflag:s4] =	ssyncset.done $0x0  }
.Ltmp3:
0xf7: {  	[sflag:s4] =	ssyncadd.s32 $0xFFFFD800;
	(pc) =	sbr.rel @p1 .LBB2_12-.Ltmp3, $4  }
0xf8: {  	[spmem:s2] =	stream.indirect.scatter.add.f32 [tilespmem:s28], [sflag:$0xD], $0x80, s18, s16, $0xb8;
	[tilespmem:$0x1E800] =	vst v63  }
0xf9: {  	s30 =	simm.s32 $0x300;
	_ =	swait.ge [sflag:s29], $0x2800  }
0xfa: {  	s26 =	simm.s32 $0x3000;
	s24 =	simm.s32 $0x800;
	[sflag:s29] =	ssyncset.done $0x0  }
0xfb: {  	s22 =	simm.s32 $0x380;
	s13 =	simm.s32 $0x700;
	[sflag:s29] =	ssyncadd.s32 $0xFFFFD800  }
0xfc: {  	s1 =	sadd.s32 s8, s3  }
0xfd: {  	s11 =	simm.s32 $0x0;
	s18 =	sadd.s32 s8, s23;
	s9 =	sadd.s32 $0x8C, s1  }
0xfe: {  	[tilespmem:s30], [sflag:$0x7] =	stream.linear.gather [hbm4b:s9+s11], $0x50, $0x38;
	[tilespmem:$0x1E800] =	vst v63  }
0xff: {  	s10 =	sadd.s32 $0x8C, s18  }
0x100: {  	[tilespmem:s13], [sflag:$0x7] =	stream.linear.gather [hbm4b:s10+s11], $0x50, $0x38;
	[tilespmem:$0x1E800] =	vst v63  }
0x101: {  	_ =	swait.ge [sflag:s21], $0x50  }
0x102: {  	[sflag:s21] =	ssyncset.done $0x0  }
0x103: {  	[sflag:s21] =	ssyncadd.s32 $0xFFFFFFB0  }
0x104: {  	_ =	swait.ge [sflag:s21], $0x50  }
0x105: {  	[sflag:s21] =	ssyncset.done $0x0  }
0x106: {  	s20 =	simm.s32 $0x100;
	[sflag:s21] =	ssyncadd.s32 $0xFFFFFFB0  }
0x107: {  	[tilespmem:s28], [sflag:$0xB] =	stream.indirect.gather [hbm4b:s25+s16], $0x80, s20, s16, $0xb8;
	[tilespmem:$0x1E800] =	vst v63  }
0x108: {  	_ =	swait.ge [sflag:s6], $0x2800  }
0x109: {  	[sflag:s6] =	ssyncset.done $0x0  }
0x10a: {  	s24 =	simm.s32 $0x780;
	[sflag:s6] =	ssyncadd.s32 $0xFFFFD800  }
0x10b: {  	[spmem:s2] =	stream.indirect.scatter.add.f32 [tilespmem:s0], [sflag:$0xD], $0x80, s24, s16, $0xb8;
	[tilespmem:$0x1E800] =	vst v63  }
0x10c: {  	_ =	swait.ge [sflag:s29], $0x2800  }
0x10d: {  	[sflag:s29] =	ssyncset.done $0x0  }
0x10e: {  	s1 =	sadd.s32 $0x96, s1;
	[sflag:s29] =	ssyncadd.s32 $0xFFFFD800  }
0x10f: {  	[tilespmem:s22], [sflag:$0x8] =	stream.linear.gather [hbm4b:s1+s11], $0x50, $0x38;
	[tilespmem:$0x1E800] =	vst v63  }
0x110: {  	s26 =	sadd.s32 $0x96, s18  }
0x111: {  	[tilespmem:s24], [sflag:$0x8] =	stream.linear.gather [hbm4b:s26+s11], $0x50, $0x38;
	[tilespmem:$0x1E800] =	vst v63  }
0x112: {  	_ =	swait.ge [sflag:s31], $0x50  }
0x113: {  	[sflag:s31] =	ssyncset.done $0x0  }
.Ltmp4:
0x114: {  	[sflag:s31] =	ssyncadd.s32 $0xFFFFFFB0;
	(pc) =	sbr.rel .LBB2_10-.Ltmp4, $4  }
0x115: {  	s8 =	sadd.s32 $0x50, s8;
	_ =	swait.ge [sflag:s31], $0x50  }
0x116: {  	s14 =	simm.s32 $0x300;
	s18 =	simm.s32 $0x700;
	[sflag:s31] =	ssyncset.done $0x0  }
0x117: {  	s30 =	simm.s32 $0x180;
	s20 =	simm.s32 $0x380;
	[sflag:s31] =	ssyncadd.s32 $0xFFFFFFB0  }
0x118: {  	[tilespmem:s0], [sflag:$0xC] =	stream.indirect.gather [hbm4b:s25+s16], $0x80, s30, s16, $0xb8;
	[tilespmem:$0x1E800] =	vst v63  }
.LBB2_2:
0x119: {  	[tilespmem:s24], [sflag:$0x9] =	stream.indirect.gather [hbm4b:s13+s16], $0x80, s8, s16, $0xb8;
	[tilespmem:$0x1E800] =	vst v63  }
0x11a: {  	s1 =	simm.s32 $0x2  }
0x11b: {  	_ =	swait.ge [sflag:s1], $0x50  }
0x11c: {  	[sflag:s1] =	ssyncset.done $0x0  }
0x11d: {  	[sflag:s1] =	ssyncadd.s32 $0xFFFFFFB0  }
0x11e: {  	_ =	swait.ge [sflag:s1], $0x50  }
0x11f: {  	[sflag:s1] =	ssyncset.done $0x0  }
0x120: {  	[sflag:s1] =	ssyncadd.s32 $0xFFFFFFB0  }
0x121: {  	[tilespmem:s26], [sflag:$0xA] =	stream.indirect.gather [hbm4b:s13+s16], $0x80, s9, s16, $0xb8;
	[tilespmem:$0x1E800] =	vst v63  }
0x122: {  	_ =	swait.ge [sflag:s21], $0x50  }
0x123: {  	[sflag:s21] =	ssyncset.done $0x0  }
0x124: {  	[sflag:s21] =	ssyncadd.s32 $0xFFFFFFB0  }
0x125: {  	_ =	swait.ge [sflag:s21], $0x50  }
0x126: {  	[sflag:s21] =	ssyncset.done $0x0  }
0x127: {  	[sflag:s21] =	ssyncadd.s32 $0xFFFFFFB0  }
0x128: {  	[tilespmem:s28], [sflag:$0xB] =	stream.indirect.gather [hbm4b:s13+s16], $0x80, s10, s16, $0xb8;
	[tilespmem:$0x1E800] =	vst v63  }
0x129: {  	_ =	swait.ge [sflag:s31], $0x50  }
0x12a: {  	[sflag:s31] =	ssyncset.done $0x0  }
0x12b: {  	[sflag:s31] =	ssyncadd.s32 $0xFFFFFFB0  }
0x12c: {  	_ =	swait.ge [sflag:s31], $0x50  }
0x12d: {  	[sflag:s31] =	ssyncset.done $0x0;
	s23 =	rddreg [dreg:$0x1d]  }
0x12e: {  	s18 =	simm.s32 $0x700;
	s3 =	rddreg [dreg:$0x1e];
	[sflag:s31] =	ssyncadd.s32 $0xFFFFFFB0  }
0x12f: {  	[tilespmem:s0], [sflag:$0xC] =	stream.indirect.gather [hbm4b:s13+s16], $0x80, s11, s16, $0xb8;
	[tilespmem:$0x1E800] =	vst v63  }
.LBB2_3:
0x130: {  	_ =	swait.ge [sflag:s15], $0x2800  }
0x131: {  	[sflag:s15] =	ssyncset.done $0x0  }
0x132: {  	s1 =	simm.s32 $0x400;
	s22 =	simm.s32 $0x800;
	[sflag:s15] =	ssyncadd.s32 $0xFFFFD800  }
0x133: {  	[spmem:s2] =	stream.indirect.scatter.add.f32 [tilespmem:s22], [sflag:$0xD], $0x80, s1, s16, $0xb8;
	[tilespmem:$0x1E800] =	vst v63  }
0x134: {  	p1 =	seq.s32 s8, $0x4B0;
	_ =	swait.ge [sflag:s29], $0x2800  }
0x135: {  	s10 =	sadd.s32 @!p1 s8, s3;
	[sflag:s29] =	ssyncset.done $0x0  }
0x136: {  	s9 =	simm.s32 @!p1 $0x0;
	s1 =	sadd.s32 @!p1 $0x50, s10;
	[sflag:s29] =	ssyncadd.s32 $0xFFFFD800  }
0x137: {  	[tilespmem:s9], [sflag:$0x1] =	stream.linear.gather @!p1 [hbm4b:s1+s9], $0x50, $0x38;
	[tilespmem:$0x1E800] =	vst v63  }
0x138: {  	s1 =	sadd.s32 @!p1 s8, s23  }
0x139: {  	s12 =	simm.s32 @!p1 $0x400;
	s11 =	sadd.s32 @!p1 $0x50, s1  }
0x13a: {  	[tilespmem:s12], [sflag:$0x1] =	stream.linear.gather @!p1 [hbm4b:s11+s9], $0x50, $0x38;
	[tilespmem:$0x1E800] =	vst v63  }
0x13b: {  	_ =	swait.ge [sflag:s19], $0x50  }
0x13c: {  	[sflag:s19] =	ssyncset.done $0x0  }
0x13d: {  	[sflag:s19] =	ssyncadd.s32 $0xFFFFFFB0  }
0x13e: {  	_ =	swait.ge [sflag:s19], $0x50  }
0x13f: {  	[sflag:s19] =	ssyncset.done $0x0  }
0x140: {  	s24 =	simm.s32 $0x200;
	s26 =	simm.s32 $0xA;
	[sflag:s19] =	ssyncadd.s32 $0xFFFFFFB0  }
0x141: {  	[tilespmem:s22], [sflag:$0x9] =	stream.indirect.gather [hbm4b:s13+s16], $0x80, s24, s16, $0xb8;
	[tilespmem:$0x1E800] =	vst v63  }
0x142: {  	_ =	swait.ge [sflag:s26], $0x2800  }
0x143: {  	[sflag:s26] =	ssyncset.done $0x0  }
0x144: {  	s12 =	simm.s32 $0x480;
	s24 =	simm.s32 $0x3000;
	[sflag:s26] =	ssyncadd.s32 $0xFFFFD800  }
0x145: {  	[spmem:s2] =	stream.indirect.scatter.add.f32 [tilespmem:s24], [sflag:$0xD], $0x80, s12, s16, $0xb8;
	[tilespmem:$0x1E800] =	vst v63  }
0x146: {  	_ =	swait.ge [sflag:s29], $0x2800  }
0x147: {  	[sflag:s29] =	ssyncset.done $0x0  }
0x148: {  	s11 =	simm.s32 @!p1 $0x80;
	s12 =	sadd.s32 @!p1 $0x5A, s10;
	[sflag:s29] =	ssyncadd.s32 $0xFFFFD800  }
0x149: {  	[tilespmem:s11], [sflag:$0x2] =	stream.linear.gather @!p1 [hbm4b:s12+s9], $0x50, $0x38;
	[tilespmem:$0x1E800] =	vst v63  }
0x14a: {  	s13 =	simm.s32 @!p1 $0x480;
	s12 =	sadd.s32 @!p1 $0x5A, s1  }
0x14b: {  	[tilespmem:s13], [sflag:$0x2] =	stream.linear.gather @!p1 [hbm4b:s12+s9], $0x50, $0x38;
	[tilespmem:$0x1E800] =	vst v63  }
0x14c: {  	_ =	swait.ge [sflag:s17], $0x50  }
0x14d: {  	[sflag:s17] =	ssyncset.done $0x0  }
0x14e: {  	[sflag:s17] =	ssyncadd.s32 $0xFFFFFFB0  }
0x14f: {  	_ =	swait.ge [sflag:s17], $0x50  }
0x150: {  	[sflag:s17] =	ssyncset.done $0x0  }
0x151: {  	[sflag:s17] =	ssyncadd.s32 $0xFFFFFFB0  }
0x152: {  	s13 =	simm.s32 $0x280;
	s12 =	rddreg [dreg:$0x1]  }
0x153: {  	[tilespmem:s24], [sflag:$0xA] =	stream.indirect.gather [hbm4b:s12+s16], $0x80, s13, s16, $0xb8;
	[tilespmem:$0x1E800] =	vst v63  }
0x154: {  	_ =	swait.ge [sflag:s4], $0x2800  }
0x155: {  	[sflag:s4] =	ssyncset.done $0x0  }
0x156: {  	s13 =	simm.s32 $0x500;
	[sflag:s4] =	ssyncadd.s32 $0xFFFFD800  }
0x157: {  	[spmem:s2] =	stream.indirect.scatter.add.f32 [tilespmem:s28], [sflag:$0xD], $0x80, s13, s16, $0xb8;
	[tilespmem:$0x1E800] =	vst v63  }
0x158: {  	_ =	swait.ge [sflag:s29], $0x2800  }
0x159: {  	[sflag:s29] =	ssyncset.done $0x0  }
0x15a: {  	s12 =	sadd.s32 @!p1 $0x64, s10;
	s13 =	simm.s32 @!p1 $0x100;
	[sflag:s29] =	ssyncadd.s32 $0xFFFFD800  }
0x15b: {  	[tilespmem:s13], [sflag:$0x3] =	stream.linear.gather @!p1 [hbm4b:s12+s9], $0x50, $0x38;
	[tilespmem:$0x1E800] =	vst v63  }
0x15c: {  	s12 =	sadd.s32 @!p1 $0x64, s1;
	s13 =	simm.s32 @!p1 $0x500  }
0x15d: {  	[tilespmem:s13], [sflag:$0x3] =	stream.linear.gather @!p1 [hbm4b:s12+s9], $0x50, $0x38;
	[tilespmem:$0x1E800] =	vst v63  }
0x15e: {  	_ =	swait.ge [sflag:s5], $0x50  }
0x15f: {  	[sflag:s5] =	ssyncset.done $0x0  }
0x160: {  	[sflag:s5] =	ssyncadd.s32 $0xFFFFFFB0  }
0x161: {  	_ =	swait.ge [sflag:s5], $0x50  }
0x162: {  	[sflag:s5] =	ssyncset.done $0x0  }
0x163: {  	[sflag:s5] =	ssyncadd.s32 $0xFFFFFFB0  }
0x164: {  	s24 =	rddreg [dreg:$0x1]  }
0x165: {  	[tilespmem:s28], [sflag:$0xB] =	stream.indirect.gather [hbm4b:s24+s16], $0x80, s14, s16, $0xb8;
	[tilespmem:$0x1E800] =	vst v63  }
0x166: {  	_ =	swait.ge [sflag:s6], $0x2800  }
0x167: {  	[sflag:s6] =	ssyncset.done $0x0  }
0x168: {  	s13 =	simm.s32 $0x580;
	[sflag:s6] =	ssyncadd.s32 $0xFFFFD800  }
0x169: {  	[spmem:s2] =	stream.indirect.scatter.add.f32 [tilespmem:s0], [sflag:$0xD], $0x80, s13, s16, $0xb8;
	[tilespmem:$0x1E800] =	vst v63  }
0x16a: {  	_ =	swait.ge [sflag:s29], $0x2800  }
0x16b: {  	[sflag:s29] =	ssyncset.done $0x0  }
0x16c: {  	s12 =	sadd.s32 @!p1 $0x6E, s10;
	s13 =	simm.s32 @!p1 $0x180;
	[sflag:s29] =	ssyncadd.s32 $0xFFFFD800  }
0x16d: {  	[tilespmem:s13], [sflag:$0x4] =	stream.linear.gather @!p1 [hbm4b:s12+s9], $0x50, $0x38;
	[tilespmem:$0x1E800] =	vst v63  }
0x16e: {  	s12 =	sadd.s32 @!p1 $0x6E, s1;
	s13 =	simm.s32 @!p1 $0x580  }
0x16f: {  	[tilespmem:s13], [sflag:$0x4] =	stream.linear.gather @!p1 [hbm4b:s12+s9], $0x50, $0x38;
	[tilespmem:$0x1E800] =	vst v63  }
0x170: {  	_ =	swait.ge [sflag:s7], $0x50  }
0x171: {  	[sflag:s7] =	ssyncset.done $0x0  }
0x172: {  	[sflag:s7] =	ssyncadd.s32 $0xFFFFFFB0  }
0x173: {  	_ =	swait.ge [sflag:s7], $0x50  }
0x174: {  	[sflag:s7] =	ssyncset.done $0x0  }
0x175: {  	[sflag:s7] =	ssyncadd.s32 $0xFFFFFFB0  }
0x176: {  	s14 =	rddreg [dreg:$0x1]  }
0x177: {  	[tilespmem:s0], [sflag:$0xC] =	stream.indirect.gather [hbm4b:s14+s16], $0x80, s20, s16, $0xb8;
	[tilespmem:$0x1E800] =	vst v63  }
0x178: {  	_ =	swait.ge [sflag:s15], $0x2800  }
0x179: {  	[sflag:s15] =	ssyncset.done $0x0  }
0x17a: {  	s20 =	simm.s32 $0x600;
	[sflag:s15] =	ssyncadd.s32 $0xFFFFD800  }
0x17b: {  	[spmem:s2] =	stream.indirect.scatter.add.f32 [tilespmem:s22], [sflag:$0xD], $0x80, s20, s16, $0xb8;
	[tilespmem:$0x1E800] =	vst v63  }
0x17c: {  	_ =	swait.ge [sflag:s29], $0x2800  }
0x17d: {  	[sflag:s29] =	ssyncset.done $0x0  }
0x17e: {  	s12 =	simm.s32 @p1 $0xA;
	[sflag:s29] =	ssyncadd.s32 $0xFFFFD800  }
0x17f: {  	_ =	swait.ge @p1 [sflag:s12], $0x2800  }
0x180: {  	s13 =	simm.s32 @p1 $0x680;
	[sflag:s12] =	ssyncset.done @p1 $0x0  }
0x181: {  	s14 =	simm.s32 @p1 $0x3000;
	[sflag:s12] =	ssyncadd.s32 @p1 $0xFFFFD800;
	s12 =	simm.s32 @p1 $0x50  }
0x182: {  	[spmem:s2] =	stream.indirect.scatter.add.f32 @p1 [tilespmem:s14], [sflag:$0xD], $0x80, s13, s12, $0xb8;
	[tilespmem:$0x1E800] =	vst v63  }
0x183: {  	s12 =	simm.s32 @p1 $0xD  }
0x184: {  	_ =	swait.ge @p1 [sflag:s12], $0x2800  }
0x185: {  	[sflag:s12] =	ssyncset.done @p1 $0x0  }
0x186: {  	s13 =	simm.s32 @!p1 $0x200;
	[sflag:s12] =	ssyncadd.s32 @p1 $0xFFFFD800;
	s12 =	sadd.s32 @!p1 $0x78, s10  }
0x187: {  	[tilespmem:s13], [sflag:$0x5] =	stream.linear.gather @!p1 [hbm4b:s12+s9], $0x50, $0x38;
	[tilespmem:$0x1E800] =	vst v63  }
0x188: {  	s12 =	sadd.s32 @!p1 $0x78, s1;
	s13 =	simm.s32 @!p1 $0x600  }
0x189: {  	[tilespmem:s13], [sflag:$0x5] =	stream.linear.gather @!p1 [hbm4b:s12+s9], $0x50, $0x38;
	[tilespmem:$0x1E800] =	vst v63  }
0x18a: {  	s12 =	simm.s32 @!p1 $0x1  }
0x18b: {  	_ =	swait.ge @!p1 [sflag:s12], $0x50  }
0x18c: {  	[sflag:s12] =	ssyncset.done @!p1 $0x0  }
0x18d: {  	[sflag:s12] =	ssyncadd.s32 @!p1 $0xFFFFFFB0  }
0x18e: {  	_ =	swait.ge @!p1 [sflag:s12], $0x50  }
0x18f: {  	[sflag:s12] =	ssyncset.done @!p1 $0x0  }
0x190: {  	[sflag:s12] =	ssyncadd.s32 @!p1 $0xFFFFFFB0  }
0x191: {  	s13 =	simm.s32 @!p1 $0x800;
	s12 =	simm.s32 @!p1 $0x50;
	s14 =	rddreg [dreg:$0x1]  }
0x192: {  	[tilespmem:s13], [sflag:$0x9] =	stream.indirect.gather @!p1 [hbm4b:s14+s12], $0x80, s9, s12, $0xb8;
	[tilespmem:$0x1E800] =	vst v63  }
0x193: {  	s13 =	simm.s32 @!p1 $0xA  }
0x194: {  	_ =	swait.ge @!p1 [sflag:s13], $0x2800  }
0x195: {  	s20 =	simm.s32 @!p1 $0xD;
	[sflag:s13] =	ssyncset.done @!p1 $0x0  }
0x196: {  	s14 =	simm.s32 @!p1 $0x3000;
	[sflag:s13] =	ssyncadd.s32 @!p1 $0xFFFFD800;
	s13 =	simm.s32 @!p1 $0x680  }
0x197: {  	[spmem:s2] =	stream.indirect.scatter.add.f32 @!p1 [tilespmem:s14], [sflag:$0xD], $0x80, s13, s12, $0xb8;
	[tilespmem:$0x1E800] =	vst v63  }
0x198: {  	_ =	swait.ge @!p1 [sflag:s20], $0x2800  }
0x199: {  	[sflag:s20] =	ssyncset.done @!p1 $0x0  }
0x19a: {  	s10 =	sadd.s32 @!p1 $0x82, s10;
	[sflag:s20] =	ssyncadd.s32 @!p1 $0xFFFFD800;
	s20 =	simm.s32 @!p1 $0x280  }
0x19b: {  	[tilespmem:s20], [sflag:$0x6] =	stream.linear.gather @!p1 [hbm4b:s10+s9], $0x50, $0x38;
	[tilespmem:$0x1E800] =	vst v63  }
0x19c: {  	s1 =	sadd.s32 @!p1 $0x82, s1  }
0x19d: {  	[tilespmem:s13], [sflag:$0x6] =	stream.linear.gather @!p1 [hbm4b:s1+s9], $0x50, $0x38;
	[tilespmem:$0x1E800] =	vst v63  }
0x19e: {  	s1 =	simm.s32 @!p1 $0x2  }
0x19f: {  	s13 =	rddreg [dreg:$0x1];
	_ =	swait.ge @!p1 [sflag:s1], $0x50  }
0x1a0: {  	[sflag:s1] =	ssyncset.done @!p1 $0x0  }
0x1a1: {  	[sflag:s1] =	ssyncadd.s32 @!p1 $0xFFFFFFB0  }
0x1a2: {  	_ =	swait.ge @!p1 [sflag:s1], $0x50  }
0x1a3: {  	[sflag:s1] =	ssyncset.done @!p1 $0x0  }
0x1a4: {  	[sflag:s1] =	ssyncadd.s32 @!p1 $0xFFFFFFB0  }
0x1a5: {  	[tilespmem:s14], [sflag:$0xA] =	stream.indirect.gather @!p1 [hbm4b:s13+s12], $0x80, s11, s12, $0xb8;
	[tilespmem:$0x1E800] =	vst v63  }
0x1a6: {  	_ =	swait.ge [sflag:s4], $0x2800  }
0x1a7: {  	[sflag:s4] =	ssyncset.done $0x0  }
.Ltmp5:
0x1a8: {  	[sflag:s4] =	ssyncadd.s32 $0xFFFFD800;
	(pc) =	sbr.rel @p1 .LBB2_5-.Ltmp5, $4  }
0x1a9: {  	[spmem:s2] =	stream.indirect.scatter.add.f32 [tilespmem:s28], [sflag:$0xD], $0x80, s18, s16, $0xb8;
	[tilespmem:$0x1E800] =	vst v63  }
0x1aa: {  	s30 =	simm.s32 $0x300;
	_ =	swait.ge [sflag:s29], $0x2800  }
0x1ab: {  	s26 =	simm.s32 $0x3000;
	s24 =	simm.s32 $0x800;
	[sflag:s29] =	ssyncset.done $0x0  }
0x1ac: {  	s22 =	simm.s32 $0x380;
	s14 =	simm.s32 $0x700;
	[sflag:s29] =	ssyncadd.s32 $0xFFFFD800  }
0x1ad: {  	s1 =	sadd.s32 s8, s3  }
0x1ae: {  	s11 =	simm.s32 $0x0;
	s18 =	sadd.s32 s8, s23;
	s9 =	sadd.s32 $0x8C, s1  }
0x1af: {  	[tilespmem:s30], [sflag:$0x7] =	stream.linear.gather [hbm4b:s9+s11], $0x50, $0x38;
	[tilespmem:$0x1E800] =	vst v63  }
0x1b0: {  	s10 =	sadd.s32 $0x8C, s18  }
0x1b1: {  	[tilespmem:s14], [sflag:$0x7] =	stream.linear.gather [hbm4b:s10+s11], $0x50, $0x38;
	[tilespmem:$0x1E800] =	vst v63  }
0x1b2: {  	_ =	swait.ge [sflag:s21], $0x50  }
0x1b3: {  	[sflag:s21] =	ssyncset.done $0x0  }
0x1b4: {  	[sflag:s21] =	ssyncadd.s32 $0xFFFFFFB0  }
0x1b5: {  	_ =	swait.ge [sflag:s21], $0x50  }
0x1b6: {  	[sflag:s21] =	ssyncset.done $0x0  }
0x1b7: {  	s20 =	simm.s32 $0x100;
	[sflag:s21] =	ssyncadd.s32 $0xFFFFFFB0  }
0x1b8: {  	[tilespmem:s28], [sflag:$0xB] =	stream.indirect.gather [hbm4b:s13+s16], $0x80, s20, s16, $0xb8;
	[tilespmem:$0x1E800] =	vst v63  }
0x1b9: {  	_ =	swait.ge [sflag:s6], $0x2800  }
0x1ba: {  	[sflag:s6] =	ssyncset.done $0x0  }
0x1bb: {  	s24 =	simm.s32 $0x780;
	[sflag:s6] =	ssyncadd.s32 $0xFFFFD800  }
0x1bc: {  	[spmem:s2] =	stream.indirect.scatter.add.f32 [tilespmem:s0], [sflag:$0xD], $0x80, s24, s16, $0xb8;
	[tilespmem:$0x1E800] =	vst v63  }
0x1bd: {  	_ =	swait.ge [sflag:s29], $0x2800  }
0x1be: {  	[sflag:s29] =	ssyncset.done $0x0  }
0x1bf: {  	s1 =	sadd.s32 $0x96, s1;
	[sflag:s29] =	ssyncadd.s32 $0xFFFFD800  }
0x1c0: {  	[tilespmem:s22], [sflag:$0x8] =	stream.linear.gather [hbm4b:s1+s11], $0x50, $0x38;
	[tilespmem:$0x1E800] =	vst v63  }
0x1c1: {  	s26 =	sadd.s32 $0x96, s18  }
0x1c2: {  	[tilespmem:s24], [sflag:$0x8] =	stream.linear.gather [hbm4b:s26+s11], $0x50, $0x38;
	[tilespmem:$0x1E800] =	vst v63  }
0x1c3: {  	_ =	swait.ge [sflag:s31], $0x50  }
0x1c4: {  	[sflag:s31] =	ssyncset.done $0x0  }
.Ltmp6:
0x1c5: {  	[sflag:s31] =	ssyncadd.s32 $0xFFFFFFB0;
	(pc) =	sbr.rel .LBB2_3-.Ltmp6, $4  }
0x1c6: {  	s8 =	sadd.s32 $0x50, s8;
	_ =	swait.ge [sflag:s31], $0x50  }
0x1c7: {  	s18 =	simm.s32 $0x700;
	s30 =	simm.s32 $0x180;
	[sflag:s31] =	ssyncset.done $0x0  }
0x1c8: {  	s14 =	simm.s32 $0x300;
	s20 =	simm.s32 $0x380;
	[sflag:s31] =	ssyncadd.s32 $0xFFFFFFB0  }
0x1c9: {  	[tilespmem:s0], [sflag:$0xC] =	stream.indirect.gather [hbm4b:s13+s16], $0x80, s30, s16, $0xb8;
	[tilespmem:$0x1E800] =	vst v63  }
.LBB2_12:
0x1ca: {  	_ =	swait.ge [sflag:s6], $0x2800  }
0x1cb: {  	[sflag:s6] =	ssyncset.done $0x0  }
0x1cc: {  	s14 =	simm.s32 $0x780;
	[sflag:s6] =	ssyncadd.s32 $0xFFFFD800  }
0x1cd: {  	[spmem:s2] =	stream.indirect.scatter.add.f32 [tilespmem:s0], [sflag:$0xD], $0x80, s14, s16, $0xb8;
	[tilespmem:$0x1E800] =	vst v63  }
0x1ce: {  	_ =	swait.ge [sflag:s29], $0x2800  }
0x1cf: {  	[sflag:s29] =	ssyncset.done $0x0  }
0x1d0: {  	[sflag:s29] =	ssyncadd.s32 $0xFFFFD800  }
0x1d1: {  	[bflag:$0x0] =	sbarrier.arrive $0xFFFF  }
0x1d2: {  	s9 =	sld [smem:$0x7FB]  }
0x1d3: {  	s1 =	rddreg [dreg:$0x1a]  }
0x1d4: {  	s8 =	rddreg [dreg:$0x1c]  }
0x1d5: {  	[hbm:s1], [sflag:s8] =	dma.local [spmem:s9], $0x2800  }
0x1d6: {  	_ =	swait.ge [sflag:s29], $0x2800  }
0x1d7: {  	[sflag:s29] =	ssyncset.done $0x0  }
0x1d8: {  	[sflag:s29] =	ssyncadd.s32 $0xFFFFD800  }
0x1d9: {  	[bflag:$0x0] =	sbarrier.arrive $0xFFFF  }
0x1da: {  	s12 =	rddreg [dreg:$0x15]  }
0x1db: {  	[spmem:s9], [sflag:s8] =	dma.local [hbm:s12], $0x2800  }
0x1dc: {  	_ =	swait.ge [sflag:s29], $0x2800  }
0x1dd: {  	[sflag:s29] =	ssyncset.done $0x0  }
0x1de: {  	[sflag:s29] =	ssyncadd.s32 $0xFFFFD800  }
0x1df: {  	[bflag:$0x0] =	sbarrier.arrive $0xFFFF  }
0x1e0: {  	s8 =	simm.s32 $0x0;
	s18 =	rddreg [dreg:$0x6]  }
0x1e1: {  	[tilespmem:s8], [sflag:$0x1] =	stream.linear.gather [hbm4b:s18+s8], $0x50, $0x38;
	[tilespmem:$0x1E800] =	vst v63  }
0x1e2: {  	s25 =	simm.s32 $0x400;
	s20 =	rddreg [dreg:$0x5]  }
0x1e3: {  	[tilespmem:s25], [sflag:$0x1] =	stream.linear.gather [hbm4b:s20+s8], $0x50, $0x38;
	[tilespmem:$0x1E800] =	vst v63  }
0x1e4: {  	s9 =	simm.s32 $0x80;
	s10 =	rddreg [dreg:$0x8]  }
0x1e5: {  	[tilespmem:s9], [sflag:$0x2] =	stream.linear.gather [hbm4b:s10+s8], $0x50, $0x38;
	[tilespmem:$0x1E800] =	vst v63  }
0x1e6: {  	s11 =	rddreg [dreg:$0x7];
	s10 =	simm.s32 $0x480  }
0x1e7: {  	[tilespmem:s10], [sflag:$0x2] =	stream.linear.gather [hbm4b:s11+s8], $0x50, $0x38;
	[tilespmem:$0x1E800] =	vst v63  }
0x1e8: {  	s12 =	rddreg [dreg:$0xa];
	s10 =	simm.s32 $0x100  }
0x1e9: {  	[tilespmem:s10], [sflag:$0x3] =	stream.linear.gather [hbm4b:s12+s8], $0x50, $0x38;
	[tilespmem:$0x1E800] =	vst v63  }
0x1ea: {  	s18 =	rddreg [dreg:$0x9];
	s11 =	simm.s32 $0x500  }
0x1eb: {  	[tilespmem:s11], [sflag:$0x3] =	stream.linear.gather [hbm4b:s18+s8], $0x50, $0x38;
	[tilespmem:$0x1E800] =	vst v63  }
0x1ec: {  	s20 =	rddreg [dreg:$0xc];
	s11 =	simm.s32 $0x180  }
0x1ed: {  	[tilespmem:s11], [sflag:$0x4] =	stream.linear.gather [hbm4b:s20+s8], $0x50, $0x38;
	[tilespmem:$0x1E800] =	vst v63  }
0x1ee: {  	s25 =	rddreg [dreg:$0xb];
	s12 =	simm.s32 $0x580  }
0x1ef: {  	[tilespmem:s12], [sflag:$0x4] =	stream.linear.gather [hbm4b:s25+s8], $0x50, $0x38;
	[tilespmem:$0x1E800] =	vst v63  }
0x1f0: {  	s18 =	simm.s32 $0x200;
	s12 =	rddreg [dreg:$0xe]  }
0x1f1: {  	[tilespmem:s18], [sflag:$0x5] =	stream.linear.gather [hbm4b:s12+s8], $0x50, $0x38;
	[tilespmem:$0x1E800] =	vst v63  }
0x1f2: {  	s20 =	rddreg [dreg:$0xd];
	s25 =	simm.s32 $0x600  }
0x1f3: {  	[tilespmem:s25], [sflag:$0x5] =	stream.linear.gather [hbm4b:s20+s8], $0x50, $0x38;
	[tilespmem:$0x1E800] =	vst v63  }
0x1f4: {  	s12 =	rddreg [dreg:$0x10];
	s18 =	simm.s32 $0x280  }
0x1f5: {  	[tilespmem:s18], [sflag:$0x6] =	stream.linear.gather [hbm4b:s12+s8], $0x50, $0x38;
	[tilespmem:$0x1E800] =	vst v63  }
0x1f6: {  	s20 =	rddreg [dreg:$0xf];
	s25 =	simm.s32 $0x680  }
0x1f7: {  	[tilespmem:s25], [sflag:$0x6] =	stream.linear.gather [hbm4b:s20+s8], $0x50, $0x38;
	[tilespmem:$0x1E800] =	vst v63  }
0x1f8: {  	s12 =	rddreg [dreg:$0x12]  }
0x1f9: {  	[tilespmem:s30], [sflag:$0x7] =	stream.linear.gather [hbm4b:s12+s8], $0x50, $0x38;
	[tilespmem:$0x1E800] =	vst v63  }
0x1fa: {  	s18 =	rddreg [dreg:$0x11]  }
0x1fb: {  	[tilespmem:s13], [sflag:$0x7] =	stream.linear.gather [hbm4b:s18+s8], $0x50, $0x38;
	[tilespmem:$0x1E800] =	vst v63  }
0x1fc: {  	s20 =	rddreg [dreg:$0x14]  }
0x1fd: {  	[tilespmem:s22], [sflag:$0x8] =	stream.linear.gather [hbm4b:s20+s8], $0x50, $0x38;
	[tilespmem:$0x1E800] =	vst v63  }
0x1fe: {  	s25 =	simm.s32 $0x1;
	s22 =	rddreg [dreg:$0x13]  }
0x1ff: {  	[tilespmem:s14], [sflag:$0x8] =	stream.linear.gather [hbm4b:s22+s8], $0x50, $0x38;
	[tilespmem:$0x1E800] =	vst v63  }
0x200: {  	_ =	swait.ge [sflag:s25], $0x50  }
0x201: {  	[sflag:s25] =	ssyncset.done $0x0  }
0x202: {  	[sflag:s25] =	ssyncadd.s32 $0xFFFFFFB0  }
0x203: {  	_ =	swait.ge [sflag:s25], $0x50  }
0x204: {  	s13 =	sld [smem:$0x7FC]  }
0x205: {  	[sflag:s25] =	ssyncset.done $0x0  }
0x206: {  	s30 =	simm.s32 $0x2;
	[sflag:s25] =	ssyncadd.s32 $0xFFFFFFB0  }
0x207: {  	[tilespmem:s24], [sflag:$0x9] =	stream.indirect.gather [hbm4b:s13+s16], $0x80, s8, s16, $0xb8;
	[tilespmem:$0x1E800] =	vst v63  }
0x208: {  	_ =	swait.ge [sflag:s30], $0x50  }
0x209: {  	[sflag:s30] =	ssyncset.done $0x0  }
0x20a: {  	[sflag:s30] =	ssyncadd.s32 $0xFFFFFFB0  }
0x20b: {  	_ =	swait.ge [sflag:s30], $0x50  }
0x20c: {  	[sflag:s30] =	ssyncset.done $0x0  }
0x20d: {  	[sflag:s30] =	ssyncadd.s32 $0xFFFFFFB0  }
0x20e: {  	[tilespmem:s26], [sflag:$0xA] =	stream.indirect.gather [hbm4b:s13+s16], $0x80, s9, s16, $0xb8;
	[tilespmem:$0x1E800] =	vst v63  }
0x20f: {  	_ =	swait.ge [sflag:s21], $0x50  }
0x210: {  	[sflag:s21] =	ssyncset.done $0x0  }
0x211: {  	[sflag:s21] =	ssyncadd.s32 $0xFFFFFFB0  }
0x212: {  	_ =	swait.ge [sflag:s21], $0x50  }
0x213: {  	[sflag:s21] =	ssyncset.done $0x0  }
0x214: {  	[sflag:s21] =	ssyncadd.s32 $0xFFFFFFB0  }
0x215: {  	[tilespmem:s28], [sflag:$0xB] =	stream.indirect.gather [hbm4b:s13+s16], $0x80, s10, s16, $0xb8;
	[tilespmem:$0x1E800] =	vst v63  }
0x216: {  	_ =	swait.ge [sflag:s31], $0x50  }
0x217: {  	[sflag:s31] =	ssyncset.done $0x0  }
0x218: {  	[sflag:s31] =	ssyncadd.s32 $0xFFFFFFB0  }
0x219: {  	_ =	swait.ge [sflag:s31], $0x50  }
0x21a: {  	s18 =	simm.s32 $0x700;
	s20 =	simm.s32 $0x380;
	[sflag:s31] =	ssyncset.done $0x0  }
0x21b: {  	s14 =	simm.s32 $0x300;
	s25 =	sld [smem:$0x7FD];
	[sflag:s31] =	ssyncadd.s32 $0xFFFFFFB0  }
0x21c: {  	[tilespmem:s0], [sflag:$0xC] =	stream.indirect.gather [hbm4b:s13+s16], $0x80, s11, s16, $0xb8;
	[tilespmem:$0x1E800] =	vst v63  }
.LBB2_13:
0x21d: {  	_ =	swait.ge [sflag:s15], $0x2800  }
0x21e: {  	[sflag:s15] =	ssyncset.done $0x0  }
0x21f: {  	s1 =	simm.s32 $0x400;
	s22 =	simm.s32 $0x800;
	[sflag:s15] =	ssyncadd.s32 $0xFFFFD800  }
0x220: {  	[spmem:s2] =	stream.indirect.scatter.add.f32 [tilespmem:s22], [sflag:$0xD], $0x80, s1, s16, $0xb8;
	[tilespmem:$0x1E800] =	vst v63  }
0x221: {  	p1 =	seq.s32 s8, $0x4B0;
	_ =	swait.ge [sflag:s29], $0x2800  }
0x222: {  	s10 =	sadd.s32 @!p1 s8, s23;
	[sflag:s29] =	ssyncset.done $0x0  }
0x223: {  	s9 =	simm.s32 @!p1 $0x0;
	s1 =	sadd.s32 @!p1 $0x50, s10;
	[sflag:s29] =	ssyncadd.s32 $0xFFFFD800  }
0x224: {  	[tilespmem:s9], [sflag:$0x1] =	stream.linear.gather @!p1 [hbm4b:s1+s9], $0x50, $0x38;
	[tilespmem:$0x1E800] =	vst v63  }
0x225: {  	s1 =	sadd.s32 @!p1 s8, s3  }
0x226: {  	s12 =	simm.s32 @!p1 $0x400;
	s11 =	sadd.s32 @!p1 $0x50, s1  }
0x227: {  	[tilespmem:s12], [sflag:$0x1] =	stream.linear.gather @!p1 [hbm4b:s11+s9], $0x50, $0x38;
	[tilespmem:$0x1E800] =	vst v63  }
0x228: {  	_ =	swait.ge [sflag:s19], $0x50  }
0x229: {  	[sflag:s19] =	ssyncset.done $0x0  }
0x22a: {  	[sflag:s19] =	ssyncadd.s32 $0xFFFFFFB0  }
0x22b: {  	_ =	swait.ge [sflag:s19], $0x50  }
0x22c: {  	[sflag:s19] =	ssyncset.done $0x0  }
0x22d: {  	s24 =	simm.s32 $0x200;
	s26 =	simm.s32 $0xA;
	[sflag:s19] =	ssyncadd.s32 $0xFFFFFFB0  }
0x22e: {  	[tilespmem:s22], [sflag:$0x9] =	stream.indirect.gather [hbm4b:s13+s16], $0x80, s24, s16, $0xb8;
	[tilespmem:$0x1E800] =	vst v63  }
0x22f: {  	_ =	swait.ge [sflag:s26], $0x2800  }
0x230: {  	[sflag:s26] =	ssyncset.done $0x0  }
0x231: {  	s12 =	simm.s32 $0x480;
	s24 =	simm.s32 $0x3000;
	[sflag:s26] =	ssyncadd.s32 $0xFFFFD800  }
0x232: {  	[spmem:s2] =	stream.indirect.scatter.add.f32 [tilespmem:s24], [sflag:$0xD], $0x80, s12, s16, $0xb8;
	[tilespmem:$0x1E800] =	vst v63  }
0x233: {  	_ =	swait.ge [sflag:s29], $0x2800  }
0x234: {  	[sflag:s29] =	ssyncset.done $0x0  }
0x235: {  	s11 =	simm.s32 @!p1 $0x80;
	s12 =	sadd.s32 @!p1 $0x5A, s10;
	[sflag:s29] =	ssyncadd.s32 $0xFFFFD800  }
0x236: {  	[tilespmem:s11], [sflag:$0x2] =	stream.linear.gather @!p1 [hbm4b:s12+s9], $0x50, $0x38;
	[tilespmem:$0x1E800] =	vst v63  }
0x237: {  	s13 =	simm.s32 @!p1 $0x480;
	s12 =	sadd.s32 @!p1 $0x5A, s1  }
0x238: {  	[tilespmem:s13], [sflag:$0x2] =	stream.linear.gather @!p1 [hbm4b:s12+s9], $0x50, $0x38;
	[tilespmem:$0x1E800] =	vst v63  }
0x239: {  	_ =	swait.ge [sflag:s17], $0x50  }
0x23a: {  	[sflag:s17] =	ssyncset.done $0x0  }
0x23b: {  	[sflag:s17] =	ssyncadd.s32 $0xFFFFFFB0  }
0x23c: {  	_ =	swait.ge [sflag:s17], $0x50  }
0x23d: {  	s13 =	sld [smem:$0x7FC]  }
0x23e: {  	[sflag:s17] =	ssyncset.done $0x0  }
0x23f: {  	s12 =	simm.s32 $0x280;
	[sflag:s17] =	ssyncadd.s32 $0xFFFFFFB0  }
0x240: {  	[tilespmem:s24], [sflag:$0xA] =	stream.indirect.gather [hbm4b:s13+s16], $0x80, s12, s16, $0xb8;
	[tilespmem:$0x1E800] =	vst v63  }
0x241: {  	_ =	swait.ge [sflag:s4], $0x2800  }
0x242: {  	[sflag:s4] =	ssyncset.done $0x0  }
0x243: {  	s13 =	simm.s32 $0x500;
	[sflag:s4] =	ssyncadd.s32 $0xFFFFD800  }
0x244: {  	[spmem:s2] =	stream.indirect.scatter.add.f32 [tilespmem:s28], [sflag:$0xD], $0x80, s13, s16, $0xb8;
	[tilespmem:$0x1E800] =	vst v63  }
0x245: {  	_ =	swait.ge [sflag:s29], $0x2800  }
0x246: {  	[sflag:s29] =	ssyncset.done $0x0  }
0x247: {  	s12 =	sadd.s32 @!p1 $0x64, s10;
	s13 =	simm.s32 @!p1 $0x100;
	[sflag:s29] =	ssyncadd.s32 $0xFFFFD800  }
0x248: {  	[tilespmem:s13], [sflag:$0x3] =	stream.linear.gather @!p1 [hbm4b:s12+s9], $0x50, $0x38;
	[tilespmem:$0x1E800] =	vst v63  }
0x249: {  	s12 =	sadd.s32 @!p1 $0x64, s1;
	s13 =	simm.s32 @!p1 $0x500  }
0x24a: {  	[tilespmem:s13], [sflag:$0x3] =	stream.linear.gather @!p1 [hbm4b:s12+s9], $0x50, $0x38;
	[tilespmem:$0x1E800] =	vst v63  }
0x24b: {  	_ =	swait.ge [sflag:s5], $0x50  }
0x24c: {  	[sflag:s5] =	ssyncset.done $0x0  }
0x24d: {  	[sflag:s5] =	ssyncadd.s32 $0xFFFFFFB0  }
0x24e: {  	_ =	swait.ge [sflag:s5], $0x50  }
0x24f: {  	s24 =	sld [smem:$0x7FC]  }
0x250: {  	[sflag:s5] =	ssyncset.done $0x0  }
0x251: {  	[sflag:s5] =	ssyncadd.s32 $0xFFFFFFB0  }
0x252: {  	[tilespmem:s28], [sflag:$0xB] =	stream.indirect.gather [hbm4b:s24+s16], $0x80, s14, s16, $0xb8;
	[tilespmem:$0x1E800] =	vst v63  }
0x253: {  	_ =	swait.ge [sflag:s6], $0x2800  }
0x254: {  	[sflag:s6] =	ssyncset.done $0x0  }
0x255: {  	s13 =	simm.s32 $0x580;
	[sflag:s6] =	ssyncadd.s32 $0xFFFFD800  }
0x256: {  	[spmem:s2] =	stream.indirect.scatter.add.f32 [tilespmem:s0], [sflag:$0xD], $0x80, s13, s16, $0xb8;
	[tilespmem:$0x1E800] =	vst v63  }
0x257: {  	_ =	swait.ge [sflag:s29], $0x2800  }
0x258: {  	[sflag:s29] =	ssyncset.done $0x0  }
0x259: {  	s12 =	sadd.s32 @!p1 $0x6E, s10;
	s13 =	simm.s32 @!p1 $0x180;
	[sflag:s29] =	ssyncadd.s32 $0xFFFFD800  }
0x25a: {  	[tilespmem:s13], [sflag:$0x4] =	stream.linear.gather @!p1 [hbm4b:s12+s9], $0x50, $0x38;
	[tilespmem:$0x1E800] =	vst v63  }
0x25b: {  	s12 =	sadd.s32 @!p1 $0x6E, s1;
	s13 =	simm.s32 @!p1 $0x580  }
0x25c: {  	[tilespmem:s13], [sflag:$0x4] =	stream.linear.gather @!p1 [hbm4b:s12+s9], $0x50, $0x38;
	[tilespmem:$0x1E800] =	vst v63  }
0x25d: {  	_ =	swait.ge [sflag:s7], $0x50  }
0x25e: {  	[sflag:s7] =	ssyncset.done $0x0  }
0x25f: {  	[sflag:s7] =	ssyncadd.s32 $0xFFFFFFB0  }
0x260: {  	_ =	swait.ge [sflag:s7], $0x50  }
0x261: {  	s14 =	sld [smem:$0x7FC]  }
0x262: {  	[sflag:s7] =	ssyncset.done $0x0  }
0x263: {  	[sflag:s7] =	ssyncadd.s32 $0xFFFFFFB0  }
0x264: {  	[tilespmem:s0], [sflag:$0xC] =	stream.indirect.gather [hbm4b:s14+s16], $0x80, s20, s16, $0xb8;
	[tilespmem:$0x1E800] =	vst v63  }
0x265: {  	_ =	swait.ge [sflag:s15], $0x2800  }
0x266: {  	[sflag:s15] =	ssyncset.done $0x0  }
0x267: {  	s20 =	simm.s32 $0x600;
	[sflag:s15] =	ssyncadd.s32 $0xFFFFD800  }
0x268: {  	[spmem:s2] =	stream.indirect.scatter.add.f32 [tilespmem:s22], [sflag:$0xD], $0x80, s20, s16, $0xb8;
	[tilespmem:$0x1E800] =	vst v63  }
0x269: {  	_ =	swait.ge [sflag:s29], $0x2800  }
0x26a: {  	[sflag:s29] =	ssyncset.done $0x0  }
0x26b: {  	s12 =	simm.s32 @p1 $0xA;
	[sflag:s29] =	ssyncadd.s32 $0xFFFFD800  }
0x26c: {  	_ =	swait.ge @p1 [sflag:s12], $0x2800  }
0x26d: {  	s13 =	simm.s32 @p1 $0x680;
	[sflag:s12] =	ssyncset.done @p1 $0x0  }
0x26e: {  	s14 =	simm.s32 @p1 $0x3000;
	[sflag:s12] =	ssyncadd.s32 @p1 $0xFFFFD800;
	s12 =	simm.s32 @p1 $0x50  }
0x26f: {  	[spmem:s2] =	stream.indirect.scatter.add.f32 @p1 [tilespmem:s14], [sflag:$0xD], $0x80, s13, s12, $0xb8;
	[tilespmem:$0x1E800] =	vst v63  }
0x270: {  	s12 =	simm.s32 @p1 $0xD  }
0x271: {  	_ =	swait.ge @p1 [sflag:s12], $0x2800  }
0x272: {  	[sflag:s12] =	ssyncset.done @p1 $0x0  }
0x273: {  	s13 =	simm.s32 @!p1 $0x200;
	[sflag:s12] =	ssyncadd.s32 @p1 $0xFFFFD800;
	s12 =	sadd.s32 @!p1 $0x78, s10  }
0x274: {  	[tilespmem:s13], [sflag:$0x5] =	stream.linear.gather @!p1 [hbm4b:s12+s9], $0x50, $0x38;
	[tilespmem:$0x1E800] =	vst v63  }
0x275: {  	s12 =	sadd.s32 @!p1 $0x78, s1;
	s13 =	simm.s32 @!p1 $0x600  }
0x276: {  	[tilespmem:s13], [sflag:$0x5] =	stream.linear.gather @!p1 [hbm4b:s12+s9], $0x50, $0x38;
	[tilespmem:$0x1E800] =	vst v63  }
0x277: {  	s12 =	simm.s32 @!p1 $0x1  }
0x278: {  	_ =	swait.ge @!p1 [sflag:s12], $0x50  }
0x279: {  	[sflag:s12] =	ssyncset.done @!p1 $0x0  }
0x27a: {  	[sflag:s12] =	ssyncadd.s32 @!p1 $0xFFFFFFB0  }
0x27b: {  	_ =	swait.ge @!p1 [sflag:s12], $0x50  }
0x27c: {  	s14 =	sld [smem:$0x7FC]  }
0x27d: {  	[sflag:s12] =	ssyncset.done @!p1 $0x0  }
0x27e: {  	s13 =	simm.s32 @!p1 $0x800;
	[sflag:s12] =	ssyncadd.s32 @!p1 $0xFFFFFFB0;
	s12 =	simm.s32 @!p1 $0x50  }
0x27f: {  	[tilespmem:s13], [sflag:$0x9] =	stream.indirect.gather @!p1 [hbm4b:s14+s12], $0x80, s9, s12, $0xb8;
	[tilespmem:$0x1E800] =	vst v63  }
0x280: {  	s13 =	simm.s32 @!p1 $0xA  }
0x281: {  	_ =	swait.ge @!p1 [sflag:s13], $0x2800  }
0x282: {  	s20 =	simm.s32 @!p1 $0xD;
	[sflag:s13] =	ssyncset.done @!p1 $0x0  }
0x283: {  	s14 =	simm.s32 @!p1 $0x3000;
	[sflag:s13] =	ssyncadd.s32 @!p1 $0xFFFFD800;
	s13 =	simm.s32 @!p1 $0x680  }
0x284: {  	[spmem:s2] =	stream.indirect.scatter.add.f32 @!p1 [tilespmem:s14], [sflag:$0xD], $0x80, s13, s12, $0xb8;
	[tilespmem:$0x1E800] =	vst v63  }
0x285: {  	_ =	swait.ge @!p1 [sflag:s20], $0x2800  }
0x286: {  	[sflag:s20] =	ssyncset.done @!p1 $0x0  }
0x287: {  	s10 =	sadd.s32 @!p1 $0x82, s10;
	[sflag:s20] =	ssyncadd.s32 @!p1 $0xFFFFD800;
	s20 =	simm.s32 @!p1 $0x280  }
0x288: {  	[tilespmem:s20], [sflag:$0x6] =	stream.linear.gather @!p1 [hbm4b:s10+s9], $0x50, $0x38;
	[tilespmem:$0x1E800] =	vst v63  }
0x289: {  	s1 =	sadd.s32 @!p1 $0x82, s1  }
0x28a: {  	[tilespmem:s13], [sflag:$0x6] =	stream.linear.gather @!p1 [hbm4b:s1+s9], $0x50, $0x38;
	[tilespmem:$0x1E800] =	vst v63  }
0x28b: {  	s1 =	simm.s32 @!p1 $0x2  }
0x28c: {  	s13 =	sld [smem:$0x7FC];
	_ =	swait.ge @!p1 [sflag:s1], $0x50  }
0x28d: {  	[sflag:s1] =	ssyncset.done @!p1 $0x0  }
0x28e: {  	[sflag:s1] =	ssyncadd.s32 @!p1 $0xFFFFFFB0  }
0x28f: {  	_ =	swait.ge @!p1 [sflag:s1], $0x50  }
0x290: {  	[sflag:s1] =	ssyncset.done @!p1 $0x0  }
0x291: {  	[sflag:s1] =	ssyncadd.s32 @!p1 $0xFFFFFFB0  }
0x292: {  	[tilespmem:s14], [sflag:$0xA] =	stream.indirect.gather @!p1 [hbm4b:s13+s12], $0x80, s11, s12, $0xb8;
	[tilespmem:$0x1E800] =	vst v63  }
0x293: {  	_ =	swait.ge [sflag:s4], $0x2800  }
0x294: {  	[sflag:s4] =	ssyncset.done $0x0  }
.Ltmp7:
0x295: {  	[sflag:s4] =	ssyncadd.s32 $0xFFFFD800;
	(pc) =	sbr.rel @p1 .LBB2_14-.Ltmp7, $4  }
0x296: {  	[spmem:s2] =	stream.indirect.scatter.add.f32 [tilespmem:s28], [sflag:$0xD], $0x80, s18, s16, $0xb8;
	[tilespmem:$0x1E800] =	vst v63  }
0x297: {  	s30 =	simm.s32 $0x300;
	_ =	swait.ge [sflag:s29], $0x2800  }
0x298: {  	s26 =	simm.s32 $0x3000;
	s24 =	simm.s32 $0x800;
	[sflag:s29] =	ssyncset.done $0x0  }
0x299: {  	s22 =	simm.s32 $0x380;
	s12 =	simm.s32 $0x700;
	[sflag:s29] =	ssyncadd.s32 $0xFFFFD800  }
0x29a: {  	s1 =	sadd.s32 s8, s23  }
0x29b: {  	s11 =	simm.s32 $0x0;
	s18 =	sadd.s32 s8, s3;
	s9 =	sadd.s32 $0x8C, s1  }
0x29c: {  	[tilespmem:s30], [sflag:$0x7] =	stream.linear.gather [hbm4b:s9+s11], $0x50, $0x38;
	[tilespmem:$0x1E800] =	vst v63  }
0x29d: {  	s10 =	sadd.s32 $0x8C, s18  }
0x29e: {  	[tilespmem:s12], [sflag:$0x7] =	stream.linear.gather [hbm4b:s10+s11], $0x50, $0x38;
	[tilespmem:$0x1E800] =	vst v63  }
0x29f: {  	_ =	swait.ge [sflag:s21], $0x50  }
0x2a0: {  	[sflag:s21] =	ssyncset.done $0x0  }
0x2a1: {  	[sflag:s21] =	ssyncadd.s32 $0xFFFFFFB0  }
0x2a2: {  	_ =	swait.ge [sflag:s21], $0x50  }
0x2a3: {  	[sflag:s21] =	ssyncset.done $0x0  }
0x2a4: {  	s20 =	simm.s32 $0x100;
	[sflag:s21] =	ssyncadd.s32 $0xFFFFFFB0  }
0x2a5: {  	[tilespmem:s28], [sflag:$0xB] =	stream.indirect.gather [hbm4b:s13+s16], $0x80, s20, s16, $0xb8;
	[tilespmem:$0x1E800] =	vst v63  }
0x2a6: {  	_ =	swait.ge [sflag:s6], $0x2800  }
0x2a7: {  	[sflag:s6] =	ssyncset.done $0x0  }
0x2a8: {  	s24 =	simm.s32 $0x780;
	[sflag:s6] =	ssyncadd.s32 $0xFFFFD800  }
0x2a9: {  	[spmem:s2] =	stream.indirect.scatter.add.f32 [tilespmem:s0], [sflag:$0xD], $0x80, s24, s16, $0xb8;
	[tilespmem:$0x1E800] =	vst v63  }
0x2aa: {  	_ =	swait.ge [sflag:s29], $0x2800  }
0x2ab: {  	[sflag:s29] =	ssyncset.done $0x0  }
0x2ac: {  	s1 =	sadd.s32 $0x96, s1;
	[sflag:s29] =	ssyncadd.s32 $0xFFFFD800  }
0x2ad: {  	[tilespmem:s22], [sflag:$0x8] =	stream.linear.gather [hbm4b:s1+s11], $0x50, $0x38;
	[tilespmem:$0x1E800] =	vst v63  }
0x2ae: {  	s26 =	sadd.s32 $0x96, s18  }
0x2af: {  	[tilespmem:s24], [sflag:$0x8] =	stream.linear.gather [hbm4b:s26+s11], $0x50, $0x38;
	[tilespmem:$0x1E800] =	vst v63  }
0x2b0: {  	_ =	swait.ge [sflag:s31], $0x50  }
0x2b1: {  	[sflag:s31] =	ssyncset.done $0x0  }
.Ltmp8:
0x2b2: {  	[sflag:s31] =	ssyncadd.s32 $0xFFFFFFB0;
	(pc) =	sbr.rel .LBB2_13-.Ltmp8, $4  }
0x2b3: {  	s8 =	sadd.s32 $0x50, s8;
	_ =	swait.ge [sflag:s31], $0x50  }
0x2b4: {  	s14 =	simm.s32 $0x300;
	s18 =	simm.s32 $0x700;
	[sflag:s31] =	ssyncset.done $0x0  }
0x2b5: {  	s30 =	simm.s32 $0x180;
	s20 =	simm.s32 $0x380;
	[sflag:s31] =	ssyncadd.s32 $0xFFFFFFB0  }
0x2b6: {  	[tilespmem:s0], [sflag:$0xC] =	stream.indirect.gather [hbm4b:s13+s16], $0x80, s30, s16, $0xb8;
	[tilespmem:$0x1E800] =	vst v63  }
.LBB2_5:
0x2b7: {  	_ =	swait.ge [sflag:s6], $0x2800  }
0x2b8: {  	[sflag:s6] =	ssyncset.done $0x0  }
0x2b9: {  	s13 =	simm.s32 $0x780;
	[sflag:s6] =	ssyncadd.s32 $0xFFFFD800  }
0x2ba: {  	[spmem:s2] =	stream.indirect.scatter.add.f32 [tilespmem:s0], [sflag:$0xD], $0x80, s13, s16, $0xb8;
	[tilespmem:$0x1E800] =	vst v63  }
0x2bb: {  	_ =	swait.ge [sflag:s29], $0x2800  }
0x2bc: {  	[sflag:s29] =	ssyncset.done $0x0  }
0x2bd: {  	[sflag:s29] =	ssyncadd.s32 $0xFFFFD800  }
0x2be: {  	[bflag:$0x0] =	sbarrier.arrive $0xFFFF  }
0x2bf: {  	s9 =	sld [smem:$0x7FB]  }
0x2c0: {  	s1 =	rddreg [dreg:$0x19]  }
0x2c1: {  	s8 =	rddreg [dreg:$0x1c]  }
0x2c2: {  	[hbm:s1], [sflag:s8] =	dma.local [spmem:s9], $0x2800  }
0x2c3: {  	_ =	swait.ge [sflag:s29], $0x2800  }
0x2c4: {  	[sflag:s29] =	ssyncset.done $0x0  }
0x2c5: {  	[sflag:s29] =	ssyncadd.s32 $0xFFFFD800  }
0x2c6: {  	[bflag:$0x0] =	sbarrier.arrive $0xFFFF  }
0x2c7: {  	s20 =	rddreg [dreg:$0x15]  }
0x2c8: {  	[spmem:s9], [sflag:s8] =	dma.local [hbm:s20], $0x2800  }
0x2c9: {  	_ =	swait.ge [sflag:s29], $0x2800  }
0x2ca: {  	[sflag:s29] =	ssyncset.done $0x0  }
0x2cb: {  	[sflag:s29] =	ssyncadd.s32 $0xFFFFD800  }
0x2cc: {  	[bflag:$0x0] =	sbarrier.arrive $0xFFFF  }
0x2cd: {  	s8 =	simm.s32 $0x0;
	s10 =	rddreg [dreg:$0x6]  }
0x2ce: {  	[tilespmem:s8], [sflag:$0x1] =	stream.linear.gather [hbm4b:s10+s8], $0x50, $0x38;
	[tilespmem:$0x1E800] =	vst v63  }
0x2cf: {  	s12 =	simm.s32 $0x400;
	s11 =	rddreg [dreg:$0x5]  }
0x2d0: {  	[tilespmem:s12], [sflag:$0x1] =	stream.linear.gather [hbm4b:s11+s8], $0x50, $0x38;
	[tilespmem:$0x1E800] =	vst v63  }
0x2d1: {  	s9 =	simm.s32 $0x80;
	s18 =	rddreg [dreg:$0x8]  }
0x2d2: {  	[tilespmem:s9], [sflag:$0x2] =	stream.linear.gather [hbm4b:s18+s8], $0x50, $0x38;
	[tilespmem:$0x1E800] =	vst v63  }
0x2d3: {  	s20 =	rddreg [dreg:$0x7];
	s10 =	simm.s32 $0x480  }
0x2d4: {  	[tilespmem:s10], [sflag:$0x2] =	stream.linear.gather [hbm4b:s20+s8], $0x50, $0x38;
	[tilespmem:$0x1E800] =	vst v63  }
0x2d5: {  	s11 =	rddreg [dreg:$0xa];
	s10 =	simm.s32 $0x100  }
0x2d6: {  	[tilespmem:s10], [sflag:$0x3] =	stream.linear.gather [hbm4b:s11+s8], $0x50, $0x38;
	[tilespmem:$0x1E800] =	vst v63  }
0x2d7: {  	s12 =	rddreg [dreg:$0x9];
	s11 =	simm.s32 $0x500  }
0x2d8: {  	[tilespmem:s11], [sflag:$0x3] =	stream.linear.gather [hbm4b:s12+s8], $0x50, $0x38;
	[tilespmem:$0x1E800] =	vst v63  }
0x2d9: {  	s18 =	rddreg [dreg:$0xc];
	s11 =	simm.s32 $0x180  }
0x2da: {  	[tilespmem:s11], [sflag:$0x4] =	stream.linear.gather [hbm4b:s18+s8], $0x50, $0x38;
	[tilespmem:$0x1E800] =	vst v63  }
0x2db: {  	s20 =	rddreg [dreg:$0xb];
	s12 =	simm.s32 $0x580  }
0x2dc: {  	[tilespmem:s12], [sflag:$0x4] =	stream.linear.gather [hbm4b:s20+s8], $0x50, $0x38;
	[tilespmem:$0x1E800] =	vst v63  }
0x2dd: {  	s18 =	rddreg [dreg:$0xe];
	s20 =	simm.s32 $0x200  }
0x2de: {  	[tilespmem:s20], [sflag:$0x5] =	stream.linear.gather [hbm4b:s18+s8], $0x50, $0x38;
	[tilespmem:$0x1E800] =	vst v63  }
0x2df: {  	s18 =	rddreg [dreg:$0xd];
	s20 =	simm.s32 $0x600  }
0x2e0: {  	[tilespmem:s20], [sflag:$0x5] =	stream.linear.gather [hbm4b:s18+s8], $0x50, $0x38;
	[tilespmem:$0x1E800] =	vst v63  }
0x2e1: {  	s18 =	rddreg [dreg:$0x10];
	s20 =	simm.s32 $0x280  }
0x2e2: {  	[tilespmem:s20], [sflag:$0x6] =	stream.linear.gather [hbm4b:s18+s8], $0x50, $0x38;
	[tilespmem:$0x1E800] =	vst v63  }
0x2e3: {  	s12 =	rddreg [dreg:$0xf];
	s18 =	simm.s32 $0x680  }
0x2e4: {  	[tilespmem:s18], [sflag:$0x6] =	stream.linear.gather [hbm4b:s12+s8], $0x50, $0x38;
	[tilespmem:$0x1E800] =	vst v63  }
0x2e5: {  	s20 =	rddreg [dreg:$0x12]  }
0x2e6: {  	[tilespmem:s30], [sflag:$0x7] =	stream.linear.gather [hbm4b:s20+s8], $0x50, $0x38;
	[tilespmem:$0x1E800] =	vst v63  }
0x2e7: {  	s12 =	rddreg [dreg:$0x11]  }
0x2e8: {  	[tilespmem:s14], [sflag:$0x7] =	stream.linear.gather [hbm4b:s12+s8], $0x50, $0x38;
	[tilespmem:$0x1E800] =	vst v63  }
0x2e9: {  	s18 =	rddreg [dreg:$0x14]  }
0x2ea: {  	[tilespmem:s22], [sflag:$0x8] =	stream.linear.gather [hbm4b:s18+s8], $0x50, $0x38;
	[tilespmem:$0x1E800] =	vst v63  }
0x2eb: {  	s20 =	rddreg [dreg:$0x13];
	s22 =	simm.s32 $0x1  }
0x2ec: {  	[tilespmem:s13], [sflag:$0x8] =	stream.linear.gather [hbm4b:s20+s8], $0x50, $0x38;
	[tilespmem:$0x1E800] =	vst v63  }
0x2ed: {  	_ =	swait.ge [sflag:s22], $0x50  }
0x2ee: {  	[sflag:s22] =	ssyncset.done $0x0  }
0x2ef: {  	[sflag:s22] =	ssyncadd.s32 $0xFFFFFFB0  }
0x2f0: {  	_ =	swait.ge [sflag:s22], $0x50  }
0x2f1: {  	[sflag:s22] =	ssyncset.done $0x0  }
0x2f2: {  	s30 =	simm.s32 $0x2;
	[sflag:s22] =	ssyncadd.s32 $0xFFFFFFB0  }
0x2f3: {  	[tilespmem:s24], [sflag:$0x9] =	stream.indirect.gather [hbm4b:s25+s16], $0x80, s8, s16, $0xb8;
	[tilespmem:$0x1E800] =	vst v63  }
0x2f4: {  	_ =	swait.ge [sflag:s30], $0x50  }
0x2f5: {  	[sflag:s30] =	ssyncset.done $0x0  }
0x2f6: {  	[sflag:s30] =	ssyncadd.s32 $0xFFFFFFB0  }
0x2f7: {  	_ =	swait.ge [sflag:s30], $0x50  }
0x2f8: {  	[sflag:s30] =	ssyncset.done $0x0  }
0x2f9: {  	[sflag:s30] =	ssyncadd.s32 $0xFFFFFFB0  }
0x2fa: {  	[tilespmem:s26], [sflag:$0xA] =	stream.indirect.gather [hbm4b:s25+s16], $0x80, s9, s16, $0xb8;
	[tilespmem:$0x1E800] =	vst v63  }
0x2fb: {  	_ =	swait.ge [sflag:s21], $0x50  }
0x2fc: {  	[sflag:s21] =	ssyncset.done $0x0  }
0x2fd: {  	[sflag:s21] =	ssyncadd.s32 $0xFFFFFFB0  }
0x2fe: {  	_ =	swait.ge [sflag:s21], $0x50  }
0x2ff: {  	[sflag:s21] =	ssyncset.done $0x0  }
0x300: {  	[sflag:s21] =	ssyncadd.s32 $0xFFFFFFB0  }
0x301: {  	[tilespmem:s28], [sflag:$0xB] =	stream.indirect.gather [hbm4b:s25+s16], $0x80, s10, s16, $0xb8;
	[tilespmem:$0x1E800] =	vst v63  }
0x302: {  	_ =	swait.ge [sflag:s31], $0x50  }
0x303: {  	[sflag:s31] =	ssyncset.done $0x0  }
0x304: {  	[sflag:s31] =	ssyncadd.s32 $0xFFFFFFB0  }
0x305: {  	_ =	swait.ge [sflag:s31], $0x50  }
0x306: {  	s14 =	simm.s32 $0x300;
	[sflag:s31] =	ssyncset.done $0x0  }
0x307: {  	s18 =	simm.s32 $0x700;
	s20 =	simm.s32 $0x380;
	[sflag:s31] =	ssyncadd.s32 $0xFFFFFFB0  }
0x308: {  	[tilespmem:s0], [sflag:$0xC] =	stream.indirect.gather [hbm4b:s25+s16], $0x80, s11, s16, $0xb8;
	[tilespmem:$0x1E800] =	vst v63  }
.LBB2_6:
0x309: {  	_ =	swait.ge [sflag:s15], $0x2800  }
0x30a: {  	[sflag:s15] =	ssyncset.done $0x0  }
0x30b: {  	s1 =	simm.s32 $0x400;
	s22 =	simm.s32 $0x800;
	[sflag:s15] =	ssyncadd.s32 $0xFFFFD800  }
0x30c: {  	[spmem:s2] =	stream.indirect.scatter.add.f32 [tilespmem:s22], [sflag:$0xD], $0x80, s1, s16, $0xb8;
	[tilespmem:$0x1E800] =	vst v63  }
0x30d: {  	p1 =	seq.s32 s8, $0x4B0;
	_ =	swait.ge [sflag:s29], $0x2800  }
0x30e: {  	s10 =	sadd.s32 @!p1 s8, s23;
	[sflag:s29] =	ssyncset.done $0x0  }
0x30f: {  	s9 =	simm.s32 @!p1 $0x0;
	s1 =	sadd.s32 @!p1 $0x50, s10;
	[sflag:s29] =	ssyncadd.s32 $0xFFFFD800  }
0x310: {  	[tilespmem:s9], [sflag:$0x1] =	stream.linear.gather @!p1 [hbm4b:s1+s9], $0x50, $0x38;
	[tilespmem:$0x1E800] =	vst v63  }
0x311: {  	s1 =	sadd.s32 @!p1 s8, s3  }
0x312: {  	s12 =	simm.s32 @!p1 $0x400;
	s11 =	sadd.s32 @!p1 $0x50, s1  }
0x313: {  	[tilespmem:s12], [sflag:$0x1] =	stream.linear.gather @!p1 [hbm4b:s11+s9], $0x50, $0x38;
	[tilespmem:$0x1E800] =	vst v63  }
0x314: {  	_ =	swait.ge [sflag:s19], $0x50  }
0x315: {  	[sflag:s19] =	ssyncset.done $0x0  }
0x316: {  	[sflag:s19] =	ssyncadd.s32 $0xFFFFFFB0  }
0x317: {  	_ =	swait.ge [sflag:s19], $0x50  }
0x318: {  	[sflag:s19] =	ssyncset.done $0x0  }
0x319: {  	s24 =	simm.s32 $0x200;
	s26 =	simm.s32 $0xA;
	[sflag:s19] =	ssyncadd.s32 $0xFFFFFFB0  }
0x31a: {  	[tilespmem:s22], [sflag:$0x9] =	stream.indirect.gather [hbm4b:s25+s16], $0x80, s24, s16, $0xb8;
	[tilespmem:$0x1E800] =	vst v63  }
0x31b: {  	_ =	swait.ge [sflag:s26], $0x2800  }
0x31c: {  	[sflag:s26] =	ssyncset.done $0x0  }
0x31d: {  	s12 =	simm.s32 $0x480;
	s24 =	simm.s32 $0x3000;
	[sflag:s26] =	ssyncadd.s32 $0xFFFFD800  }
0x31e: {  	[spmem:s2] =	stream.indirect.scatter.add.f32 [tilespmem:s24], [sflag:$0xD], $0x80, s12, s16, $0xb8;
	[tilespmem:$0x1E800] =	vst v63  }
0x31f: {  	_ =	swait.ge [sflag:s29], $0x2800  }
0x320: {  	[sflag:s29] =	ssyncset.done $0x0  }
0x321: {  	s11 =	simm.s32 @!p1 $0x80;
	s12 =	sadd.s32 @!p1 $0x5A, s10;
	[sflag:s29] =	ssyncadd.s32 $0xFFFFD800  }
0x322: {  	[tilespmem:s11], [sflag:$0x2] =	stream.linear.gather @!p1 [hbm4b:s12+s9], $0x50, $0x38;
	[tilespmem:$0x1E800] =	vst v63  }
0x323: {  	s13 =	simm.s32 @!p1 $0x480;
	s12 =	sadd.s32 @!p1 $0x5A, s1  }
0x324: {  	[tilespmem:s13], [sflag:$0x2] =	stream.linear.gather @!p1 [hbm4b:s12+s9], $0x50, $0x38;
	[tilespmem:$0x1E800] =	vst v63  }
0x325: {  	_ =	swait.ge [sflag:s17], $0x50  }
0x326: {  	[sflag:s17] =	ssyncset.done $0x0  }
0x327: {  	[sflag:s17] =	ssyncadd.s32 $0xFFFFFFB0  }
0x328: {  	_ =	swait.ge [sflag:s17], $0x50  }
0x329: {  	[sflag:s17] =	ssyncset.done $0x0  }
0x32a: {  	s13 =	simm.s32 $0x280;
	[sflag:s17] =	ssyncadd.s32 $0xFFFFFFB0  }
0x32b: {  	[tilespmem:s24], [sflag:$0xA] =	stream.indirect.gather [hbm4b:s25+s16], $0x80, s13, s16, $0xb8;
	[tilespmem:$0x1E800] =	vst v63  }
0x32c: {  	_ =	swait.ge [sflag:s4], $0x2800  }
0x32d: {  	[sflag:s4] =	ssyncset.done $0x0  }
0x32e: {  	s13 =	simm.s32 $0x500;
	[sflag:s4] =	ssyncadd.s32 $0xFFFFD800  }
0x32f: {  	[spmem:s2] =	stream.indirect.scatter.add.f32 [tilespmem:s28], [sflag:$0xD], $0x80, s13, s16, $0xb8;
	[tilespmem:$0x1E800] =	vst v63  }
0x330: {  	_ =	swait.ge [sflag:s29], $0x2800  }
0x331: {  	[sflag:s29] =	ssyncset.done $0x0  }
0x332: {  	s12 =	sadd.s32 @!p1 $0x64, s10;
	s13 =	simm.s32 @!p1 $0x100;
	[sflag:s29] =	ssyncadd.s32 $0xFFFFD800  }
0x333: {  	[tilespmem:s13], [sflag:$0x3] =	stream.linear.gather @!p1 [hbm4b:s12+s9], $0x50, $0x38;
	[tilespmem:$0x1E800] =	vst v63  }
0x334: {  	s12 =	sadd.s32 @!p1 $0x64, s1;
	s13 =	simm.s32 @!p1 $0x500  }
0x335: {  	[tilespmem:s13], [sflag:$0x3] =	stream.linear.gather @!p1 [hbm4b:s12+s9], $0x50, $0x38;
	[tilespmem:$0x1E800] =	vst v63  }
0x336: {  	_ =	swait.ge [sflag:s5], $0x50  }
0x337: {  	[sflag:s5] =	ssyncset.done $0x0  }
0x338: {  	[sflag:s5] =	ssyncadd.s32 $0xFFFFFFB0  }
0x339: {  	_ =	swait.ge [sflag:s5], $0x50  }
0x33a: {  	[sflag:s5] =	ssyncset.done $0x0  }
0x33b: {  	[sflag:s5] =	ssyncadd.s32 $0xFFFFFFB0  }
0x33c: {  	[tilespmem:s28], [sflag:$0xB] =	stream.indirect.gather [hbm4b:s25+s16], $0x80, s14, s16, $0xb8;
	[tilespmem:$0x1E800] =	vst v63  }
0x33d: {  	_ =	swait.ge [sflag:s6], $0x2800  }
0x33e: {  	[sflag:s6] =	ssyncset.done $0x0  }
0x33f: {  	s14 =	simm.s32 $0x580;
	[sflag:s6] =	ssyncadd.s32 $0xFFFFD800  }
0x340: {  	[spmem:s2] =	stream.indirect.scatter.add.f32 [tilespmem:s0], [sflag:$0xD], $0x80, s14, s16, $0xb8;
	[tilespmem:$0x1E800] =	vst v63  }
0x341: {  	_ =	swait.ge [sflag:s29], $0x2800  }
0x342: {  	[sflag:s29] =	ssyncset.done $0x0  }
0x343: {  	s12 =	sadd.s32 @!p1 $0x6E, s10;
	s13 =	simm.s32 @!p1 $0x180;
	[sflag:s29] =	ssyncadd.s32 $0xFFFFD800  }
0x344: {  	[tilespmem:s13], [sflag:$0x4] =	stream.linear.gather @!p1 [hbm4b:s12+s9], $0x50, $0x38;
	[tilespmem:$0x1E800] =	vst v63  }
0x345: {  	s12 =	sadd.s32 @!p1 $0x6E, s1;
	s13 =	simm.s32 @!p1 $0x580  }
0x346: {  	[tilespmem:s13], [sflag:$0x4] =	stream.linear.gather @!p1 [hbm4b:s12+s9], $0x50, $0x38;
	[tilespmem:$0x1E800] =	vst v63  }
0x347: {  	_ =	swait.ge [sflag:s7], $0x50  }
0x348: {  	[sflag:s7] =	ssyncset.done $0x0  }
0x349: {  	[sflag:s7] =	ssyncadd.s32 $0xFFFFFFB0  }
0x34a: {  	_ =	swait.ge [sflag:s7], $0x50  }
0x34b: {  	[sflag:s7] =	ssyncset.done $0x0  }
0x34c: {  	[sflag:s7] =	ssyncadd.s32 $0xFFFFFFB0  }
0x34d: {  	[tilespmem:s0], [sflag:$0xC] =	stream.indirect.gather [hbm4b:s25+s16], $0x80, s20, s16, $0xb8;
	[tilespmem:$0x1E800] =	vst v63  }
0x34e: {  	_ =	swait.ge [sflag:s15], $0x2800  }
0x34f: {  	[sflag:s15] =	ssyncset.done $0x0  }
0x350: {  	s20 =	simm.s32 $0x600;
	[sflag:s15] =	ssyncadd.s32 $0xFFFFD800  }
0x351: {  	[spmem:s2] =	stream.indirect.scatter.add.f32 [tilespmem:s22], [sflag:$0xD], $0x80, s20, s16, $0xb8;
	[tilespmem:$0x1E800] =	vst v63  }
0x352: {  	_ =	swait.ge [sflag:s29], $0x2800  }
0x353: {  	[sflag:s29] =	ssyncset.done $0x0  }
0x354: {  	s12 =	simm.s32 @p1 $0xA;
	[sflag:s29] =	ssyncadd.s32 $0xFFFFD800  }
0x355: {  	_ =	swait.ge @p1 [sflag:s12], $0x2800  }
0x356: {  	s14 =	simm.s32 @p1 $0x3000;
	[sflag:s12] =	ssyncset.done @p1 $0x0  }
0x357: {  	s13 =	simm.s32 @p1 $0x680;
	[sflag:s12] =	ssyncadd.s32 @p1 $0xFFFFD800;
	s12 =	simm.s32 @p1 $0x50  }
0x358: {  	[spmem:s2] =	stream.indirect.scatter.add.f32 @p1 [tilespmem:s14], [sflag:$0xD], $0x80, s13, s12, $0xb8;
	[tilespmem:$0x1E800] =	vst v63  }
0x359: {  	s12 =	simm.s32 @p1 $0xD  }
0x35a: {  	_ =	swait.ge @p1 [sflag:s12], $0x2800  }
0x35b: {  	[sflag:s12] =	ssyncset.done @p1 $0x0  }
0x35c: {  	s13 =	simm.s32 @!p1 $0x200;
	[sflag:s12] =	ssyncadd.s32 @p1 $0xFFFFD800;
	s12 =	sadd.s32 @!p1 $0x78, s10  }
0x35d: {  	[tilespmem:s13], [sflag:$0x5] =	stream.linear.gather @!p1 [hbm4b:s12+s9], $0x50, $0x38;
	[tilespmem:$0x1E800] =	vst v63  }
0x35e: {  	s12 =	sadd.s32 @!p1 $0x78, s1;
	s13 =	simm.s32 @!p1 $0x600  }
0x35f: {  	[tilespmem:s13], [sflag:$0x5] =	stream.linear.gather @!p1 [hbm4b:s12+s9], $0x50, $0x38;
	[tilespmem:$0x1E800] =	vst v63  }
0x360: {  	s12 =	simm.s32 @!p1 $0x1  }
0x361: {  	_ =	swait.ge @!p1 [sflag:s12], $0x50  }
0x362: {  	[sflag:s12] =	ssyncset.done @!p1 $0x0  }
0x363: {  	[sflag:s12] =	ssyncadd.s32 @!p1 $0xFFFFFFB0  }
0x364: {  	_ =	swait.ge @!p1 [sflag:s12], $0x50  }
0x365: {  	[sflag:s12] =	ssyncset.done @!p1 $0x0  }
0x366: {  	s13 =	simm.s32 @!p1 $0x800;
	[sflag:s12] =	ssyncadd.s32 @!p1 $0xFFFFFFB0;
	s12 =	simm.s32 @!p1 $0x50  }
0x367: {  	[tilespmem:s13], [sflag:$0x9] =	stream.indirect.gather @!p1 [hbm4b:s25+s12], $0x80, s9, s12, $0xb8;
	[tilespmem:$0x1E800] =	vst v63  }
0x368: {  	s13 =	simm.s32 @!p1 $0xA  }
0x369: {  	_ =	swait.ge @!p1 [sflag:s13], $0x2800  }
0x36a: {  	s20 =	simm.s32 @!p1 $0xD;
	[sflag:s13] =	ssyncset.done @!p1 $0x0  }
0x36b: {  	s14 =	simm.s32 @!p1 $0x3000;
	[sflag:s13] =	ssyncadd.s32 @!p1 $0xFFFFD800;
	s13 =	simm.s32 @!p1 $0x680  }
0x36c: {  	[spmem:s2] =	stream.indirect.scatter.add.f32 @!p1 [tilespmem:s14], [sflag:$0xD], $0x80, s13, s12, $0xb8;
	[tilespmem:$0x1E800] =	vst v63  }
0x36d: {  	_ =	swait.ge @!p1 [sflag:s20], $0x2800  }
0x36e: {  	[sflag:s20] =	ssyncset.done @!p1 $0x0  }
0x36f: {  	s10 =	sadd.s32 @!p1 $0x82, s10;
	[sflag:s20] =	ssyncadd.s32 @!p1 $0xFFFFD800;
	s20 =	simm.s32 @!p1 $0x280  }
0x370: {  	[tilespmem:s20], [sflag:$0x6] =	stream.linear.gather @!p1 [hbm4b:s10+s9], $0x50, $0x38;
	[tilespmem:$0x1E800] =	vst v63  }
0x371: {  	s1 =	sadd.s32 @!p1 $0x82, s1  }
0x372: {  	[tilespmem:s13], [sflag:$0x6] =	stream.linear.gather @!p1 [hbm4b:s1+s9], $0x50, $0x38;
	[tilespmem:$0x1E800] =	vst v63  }
0x373: {  	s1 =	simm.s32 @!p1 $0x2  }
0x374: {  	_ =	swait.ge @!p1 [sflag:s1], $0x50  }
0x375: {  	[sflag:s1] =	ssyncset.done @!p1 $0x0  }
0x376: {  	[sflag:s1] =	ssyncadd.s32 @!p1 $0xFFFFFFB0  }
0x377: {  	_ =	swait.ge @!p1 [sflag:s1], $0x50  }
0x378: {  	[sflag:s1] =	ssyncset.done @!p1 $0x0  }
0x379: {  	[sflag:s1] =	ssyncadd.s32 @!p1 $0xFFFFFFB0  }
0x37a: {  	[tilespmem:s14], [sflag:$0xA] =	stream.indirect.gather @!p1 [hbm4b:s25+s12], $0x80, s11, s12, $0xb8;
	[tilespmem:$0x1E800] =	vst v63  }
0x37b: {  	_ =	swait.ge [sflag:s4], $0x2800  }
0x37c: {  	[sflag:s4] =	ssyncset.done $0x0  }
.Ltmp9:
0x37d: {  	[sflag:s4] =	ssyncadd.s32 $0xFFFFD800;
	(pc) =	sbr.rel @p1 .LBB2_7-.Ltmp9, $4  }
0x37e: {  	[spmem:s2] =	stream.indirect.scatter.add.f32 [tilespmem:s28], [sflag:$0xD], $0x80, s18, s16, $0xb8;
	[tilespmem:$0x1E800] =	vst v63  }
0x37f: {  	s30 =	simm.s32 $0x300;
	_ =	swait.ge [sflag:s29], $0x2800  }
0x380: {  	s26 =	simm.s32 $0x3000;
	s24 =	simm.s32 $0x800;
	[sflag:s29] =	ssyncset.done $0x0  }
0x381: {  	s22 =	simm.s32 $0x380;
	s12 =	simm.s32 $0x700;
	[sflag:s29] =	ssyncadd.s32 $0xFFFFD800  }
0x382: {  	s1 =	sadd.s32 s8, s23  }
0x383: {  	s11 =	simm.s32 $0x0;
	s18 =	sadd.s32 s8, s3;
	s9 =	sadd.s32 $0x8C, s1  }
0x384: {  	[tilespmem:s30], [sflag:$0x7] =	stream.linear.gather [hbm4b:s9+s11], $0x50, $0x38;
	[tilespmem:$0x1E800] =	vst v63  }
0x385: {  	s10 =	sadd.s32 $0x8C, s18  }
0x386: {  	[tilespmem:s12], [sflag:$0x7] =	stream.linear.gather [hbm4b:s10+s11], $0x50, $0x38;
	[tilespmem:$0x1E800] =	vst v63  }
0x387: {  	_ =	swait.ge [sflag:s21], $0x50  }
0x388: {  	[sflag:s21] =	ssyncset.done $0x0  }
0x389: {  	[sflag:s21] =	ssyncadd.s32 $0xFFFFFFB0  }
0x38a: {  	_ =	swait.ge [sflag:s21], $0x50  }
0x38b: {  	[sflag:s21] =	ssyncset.done $0x0  }
0x38c: {  	s20 =	simm.s32 $0x100;
	[sflag:s21] =	ssyncadd.s32 $0xFFFFFFB0  }
0x38d: {  	[tilespmem:s28], [sflag:$0xB] =	stream.indirect.gather [hbm4b:s25+s16], $0x80, s20, s16, $0xb8;
	[tilespmem:$0x1E800] =	vst v63  }
0x38e: {  	_ =	swait.ge [sflag:s6], $0x2800  }
0x38f: {  	[sflag:s6] =	ssyncset.done $0x0  }
0x390: {  	s24 =	simm.s32 $0x780;
	[sflag:s6] =	ssyncadd.s32 $0xFFFFD800  }
0x391: {  	[spmem:s2] =	stream.indirect.scatter.add.f32 [tilespmem:s0], [sflag:$0xD], $0x80, s24, s16, $0xb8;
	[tilespmem:$0x1E800] =	vst v63  }
0x392: {  	_ =	swait.ge [sflag:s29], $0x2800  }
0x393: {  	[sflag:s29] =	ssyncset.done $0x0  }
0x394: {  	s1 =	sadd.s32 $0x96, s1;
	[sflag:s29] =	ssyncadd.s32 $0xFFFFD800  }
0x395: {  	[tilespmem:s22], [sflag:$0x8] =	stream.linear.gather [hbm4b:s1+s11], $0x50, $0x38;
	[tilespmem:$0x1E800] =	vst v63  }
0x396: {  	s26 =	sadd.s32 $0x96, s18  }
0x397: {  	[tilespmem:s24], [sflag:$0x8] =	stream.linear.gather [hbm4b:s26+s11], $0x50, $0x38;
	[tilespmem:$0x1E800] =	vst v63  }
0x398: {  	_ =	swait.ge [sflag:s31], $0x50  }
0x399: {  	[sflag:s31] =	ssyncset.done $0x0  }
.Ltmp10:
0x39a: {  	[sflag:s31] =	ssyncadd.s32 $0xFFFFFFB0;
	(pc) =	sbr.rel .LBB2_6-.Ltmp10, $4  }
0x39b: {  	s8 =	sadd.s32 $0x50, s8;
	_ =	swait.ge [sflag:s31], $0x50  }
0x39c: {  	s14 =	simm.s32 $0x300;
	s18 =	simm.s32 $0x700;
	[sflag:s31] =	ssyncset.done $0x0  }
0x39d: {  	s30 =	simm.s32 $0x180;
	s20 =	simm.s32 $0x380;
	[sflag:s31] =	ssyncadd.s32 $0xFFFFFFB0  }
0x39e: {  	[tilespmem:s0], [sflag:$0xC] =	stream.indirect.gather [hbm4b:s25+s16], $0x80, s30, s16, $0xb8;
	[tilespmem:$0x1E800] =	vst v63  }
.LBB2_7:
.Ltmp11:
0x39f: {  	(pc) =	sbr.rel .LBB2_15-.Ltmp11, $3  }
0x3a0: {  	_ =	sdelay $0x1  }
0x3a1: {  	s1 =	rddreg [dreg:$0x16];
	s11 =	simm.s32 $0x180;
	s14 =	simm.s32 $0x300  }
0x3a2: {  	s20 =	simm.s32 $0x380;
	s18 =	simm.s32 $0x780;
	s3 =	sld [smem:$0x7FA]  }
.LBB2_16:
0x3a3: {  	_ =	sfence.sel $0x180000  }
0x3a4: {  	[bflag:$0x0] =	sbarrier.arrive $0xFFFF  }
0x3a5: {  	_ =	strace $0x9000004A  }
0x3a6: {  	s0 =	stileid.u32;
	[bflag:$0x2] =	sbarrier.arrive $0xFFFF  }
0x3a7: {  	p0 =	sne.s32 s0, $0x0;
	s0 =	rddreg [dreg:$0x3]  }
0x3a8: {  	s0 =	sadd.s32 @!p0 $0x100000, s0  }
0x3a9: {  	[sflag:s0] =	ssyncadd.tile.s32 @!p0 $0x1;
	_ =	shalt  }
.Lfunc_end2:
_tile_overlayer_lowered:
.L_overlay_start_2:
0x3aa: {  	(tag) =	ssettag $0x2  }
0x3ab: {  	s0 =	rddreg [dreg:$0x0];
	s2 =	stileid.u32  }
0x3ac: {  	s1 =	rddreg [dreg:$0x1];
	p0 =	sne.s32 s2, $0x0  }
0x3ad: {  	s3 =	rddreg [dreg:$0x2];
	[bflag:$0x3] =	sbarrier.arrive $0xFFFF;
	s2 =	simm.s32 @!p0 $0x1C0D  }
0x3ae: {  	[timem:s3], [sflag:s2] =	dma.local @!p0 [hbm:s0], s1  }
0x3af: {  	s0 =	simm.s32 @!p0 $0xD  }
0x3b0: {  	_ =	swait.ge @!p0 [sflag:s0], s1  }
0x3b1: {  	s1 =	ssub.s32 @!p0 $0x0, s1;
	[sflag:s0] =	ssyncset.done @!p0 $0x0  }
0x3b2: {  	[sflag:s0] =	ssyncadd.s32 @!p0 s1  }
0x3b3: {  	[bflag:$0x3] =	sbarrier.arrive $0xFFFF  }
0x3b4: {  	_ =	shalt  }

</sc_bundles>
